<compile_context>
chip_gen: v7x
topology: tpu7x:2x2x1
jax: 0.10.2.dev20260603
libtpu: 0.0.44.dev20260713+nightly
codegen_flags: <defaults>
</compile_context>

<pallas_src>
import functools

import jax
import jax.numpy as jnp
import numpy as np
from jax import lax
from jax.experimental import pallas as pl
from jax.experimental.pallas import tpu as pltpu
from jax.experimental.pallas import tpu_sc as plsc

B, N, D, H, W, C = 1, 6, 40, 32, 88, 64
NX, NY, NZ = 360, 360, 1
NP = B * N * D * H * W
NB = NX * NY
HB = NB // 2
NDUMP = 192
ACCR = HB + NDUMP
DUMP_MOD = 176

NTILES = 16
PT = NP // NTILES
BLK = 1408
NBLK = PT // BLK
NIDX = 128
NCH = BLK // NIDX
LROWS = NP // NIDX

ZPT = ACCR // NTILES
OPT = HB // NTILES

_DXF = np.array([0.3, 0.3, 20.0], dtype=np.float32)
_BXF = np.array([-54.0 + 0.15, -54.0 + 0.15, -10.0 + 10.0], dtype=np.float32)
_OFFF = _BXF - _DXF / np.float32(2.0)
OFF_X, OFF_Y, OFF_Z = (float(v) for v in _OFFF)
DX_X, DX_Y, DX_Z = (float(v) for v in _DXF)


def _bev_pool_sc(xs_a, ys_a, zs_a, feats2):
    mesh = plsc.VectorSubcoreMesh(core_axis_name="c", subcore_axis_name="s")

    @functools.partial(
        pl.kernel,
        mesh=mesh,
        out_type=(jax.ShapeDtypeStruct((4, 2, HB, 16), jnp.float32),
                  jax.ShapeDtypeStruct((2, LROWS, NIDX), jnp.int32)),
        scratch_types=[
            pltpu.VMEM((BLK, 16), jnp.float32),
            pltpu.VMEM((BLK, 16), jnp.float32),
            pltpu.VMEM((NCH, NIDX), jnp.int32),
            pltpu.VMEM((NCH, NIDX), jnp.int32),
            pltpu.VMEM((BLK,), jnp.float32),
            pltpu.VMEM((BLK,), jnp.float32),
            pltpu.VMEM((BLK,), jnp.float32),
            pltpu.VMEM_SHARED((ACCR, 16), jnp.float32),
            pltpu.SemaphoreType.DMA,
            pltpu.SemaphoreType.DMA,
            pltpu.SemaphoreType.DMA,
        ],
        compiler_params=pltpu.CompilerParams(use_tc_tiling_on_sc=False),
    )
    def bev_kernel(xs_hbm, ys_hbm, zs_hbm, feats_hbm, out_hbm, lloc_hbm,
                   fva, fvb, l2a, l2b, xs, ys, zs, acc, sema, semb, semsc):
        core = lax.axis_index("c")
        sub = lax.axis_index("s")
        lane = lax.iota(jnp.int32, 16)
        zero16 = jnp.zeros((16,), jnp.float32)
        tile_base = sub * PT
        lrow_base = sub * (PT // NIDX)
        hb_base = core * HB

        def fv_src(b, k):
            base = tile_base + b * BLK
            return feats_hbm.at[pl.ds(base, BLK), pl.ds(16 * k, 16)]

        def l2_src(b):
            return lloc_hbm.at[core, pl.ds(lrow_base + b * NCH, NCH)]

        def issue_load(b, k, fv, l2, sem):
            pltpu.async_copy(fv_src(b, k), fv, sem)
            pltpu.async_copy(l2_src(b), l2, sem)

        def wait_load(b, k, fv, l2, sem):
            pltpu.make_async_copy(fv_src(b, k), fv, sem).wait()
            pltpu.make_async_copy(l2_src(b), l2, sem).wait()

        def scatter_block(fv, l2):
            hs = [pltpu.async_copy(fv.at[pl.ds(j * NIDX, NIDX)],
                                   acc.at[l2.at[j]], semsc, add=True)
                  for j in range(NCH)]
            for h in hs:
                h.wait()

        for k in range(4):
            plsc.subcore_barrier()

            def zfill(j, _):
                fva[j, :] = zero16
                return 0

            lax.fori_loop(0, BLK, zfill, 0)
            zbase = sub * ZPT
            pltpu.sync_copy(fva, acc.at[pl.ds(zbase, BLK)])
            pltpu.sync_copy(fva, acc.at[pl.ds(zbase + BLK, BLK)])
            pltpu.sync_copy(fva.at[pl.ds(0, ZPT - 2 * BLK)],
                            acc.at[pl.ds(zbase + 2 * BLK, ZPT - 2 * BLK)])
            plsc.subcore_barrier()

            if k == 0:
                def block0(b, _):
                    base = tile_base + b * BLK
                    hfv = pltpu.async_copy(fv_src(b, 0), fva, sema)
                    pltpu.sync_copy(xs_hbm.at[pl.ds(base, BLK)], xs)
                    pltpu.sync_copy(ys_hbm.at[pl.ds(base, BLK)], ys)
                    pltpu.sync_copy(zs_hbm.at[pl.ds(base, BLK)], zs)

                    def cbody(jj, _):
                        for i2 in range(8):
                            off = jj * NIDX + i2 * 16
                            x = xs[pl.ds(off, 16)]
                            y = ys[pl.ds(off, 16)]
                            z = zs[pl.ds(off, 16)]
                            xi = ((x - OFF_X) / DX_X).astype(jnp.int32)
                            yi = ((y - OFF_Y) / DX_Y).astype(jnp.int32)
                            zi = ((z - OFF_Z) / DX_Z).astype(jnp.int32)
                            kept = ((xi >= 0) & (xi < NX)
                                    & (yi >= 0) & (yi < NY)
                                    & (zi >= 0) & (zi < NZ))
                            loc = xi * NY + yi - hb_base
                            inr = kept & (loc >= 0) & (loc < HB)
                            dump = HB + (off % DUMP_MOD) + lane
                            l2a[jj, pl.ds(i2 * 16, 16)] = jnp.where(
                                inr, loc, dump)
                        return 0

                    lax.fori_loop(0, NCH, cbody, 0)
                    pltpu.sync_copy(l2a, l2_src(b))
                    hfv.wait()
                    scatter_block(fva, l2a)
                    return 0

                lax.fori_loop(0, NBLK, block0, 0)
            else:
                issue_load(0, k, fva, l2a, sema)
                issue_load(1, k, fvb, l2b, semb)

                def step(b, fv, l2, sem):
                    wait_load(b, k, fv, l2, sem)
                    scatter_block(fv, l2)

                    @pl.when(b + 2 < NBLK)
                    def _():
                        issue_load(b + 2, k, fv, l2, sem)

                def pair(i, _):
                    step(2 * i, fva, l2a, sema)
                    step(2 * i + 1, fvb, l2b, semb)
                    return 0

                lax.fori_loop(0, NBLK // 2, pair, 0)

            plsc.subcore_barrier()
            orow = sub * OPT
            pltpu.sync_copy(acc.at[pl.ds(orow, OPT)],
                            out_hbm.at[k, core, pl.ds(orow, OPT)])

    return bev_kernel(xs_a, ys_a, zs_a, feats2)


@jax.jit
def kernel(geom, feats):
    g = geom.reshape(NP, 3)
    feats2 = feats.reshape(NP, C)
    pooled, _ = _bev_pool_sc(g[:, 0], g[:, 1], g[:, 2], feats2)
    out = pooled.transpose(0, 3, 1, 2).reshape(1, C * NZ, NX, NY)
    return out

# --- scband reference (transcript-rebuilt; emitter-appended) ---
"""Pipeline reference for scband-view-transform-bevpool-model-70789650972800 (READ-ONLY COPY).

The authoritative reference and input builder live on the scoring server;
editing this copy changes nothing except your own understanding.
"""

import jax, jax.numpy as jnp
import numpy as np

B, N, D, H, W, C = 1, 6, 40, 32, 88, 64
XBOUND = (-54.0, 54.0, 0.3)
YBOUND = (-54.0, 54.0, 0.3)
ZBOUND = (-10.0, 10.0, 20.0)
NX = int(round((XBOUND[1] - XBOUND[0]) / XBOUND[2]))  # 360
NY = int(round((YBOUND[1] - YBOUND[0]) / YBOUND[2]))  # 360
NZ = int(round((ZBOUND[1] - ZBOUND[0]) / ZBOUND[2]))  # 1


def setup_inputs(seed: int = 0) -> dict:
    key = jax.random.key(seed)
    k1, k2 = jax.random.split(key)
    u = jax.random.uniform(k1, (B, N, D, H, W, 3), dtype=jnp.float32)
    low = jnp.array([-60.0, -60.0, -10.0], dtype=jnp.float32)
    high = jnp.array([60.0, 60.0, 10.0], dtype=jnp.float32)
    geom = u * (high - low) + low  # ego-frame xyz coords; some out of grid bounds
    feats = jax.random.normal(k2, (B, N, D, H, W, C), dtype=jnp.float32) * 0.1
    return {"geom": geom, "feats": feats}


def reference(geom, feats):
    # Faithful jax port of LSS/BEVFusion bev_pool: voxelize points, drop
    # out-of-bounds, scatter-add features into the BEV grid, flatten Z into C.
    dx = jnp.array([XBOUND[2], YBOUND[2], ZBOUND[2]], dtype=jnp.float32)
    bx = jnp.array([XBOUND[0] + XBOUND[2] / 2.0,
                    YBOUND[0] + YBOUND[2] / 2.0,
                    ZBOUND[0] + ZBOUND[2] / 2.0], dtype=jnp.float32)
    Np = B * N * D * H * W
    feats_f = feats.reshape(Np, C)
    geom_idx = ((geom.reshape(Np, 3) - (bx - dx / 2.0)) / dx).astype(jnp.int32)
    batch_ix = jnp.repeat(jnp.arange(B, dtype=jnp.int32), N * D * H * W)
    kept = ((geom_idx[:, 0] >= 0) & (geom_idx[:, 0] < NX)
            & (geom_idx[:, 1] >= 0) & (geom_idx[:, 1] < NY)
            & (geom_idx[:, 2] >= 0) & (geom_idx[:, 2] < NZ))
    # linear rank: ((b*NZ + z)*NX + x)*NY + y  (grid layout [B, C, NZ, NX, NY])
    lin = ((batch_ix * NZ + geom_idx[:, 2]) * NX + geom_idx[:, 0]) * NY + geom_idx[:, 1]
    lin = jnp.where(kept, lin, 0)
    feats_m = feats_f * kept[:, None].astype(feats_f.dtype)
    pooled = jax.ops.segment_sum(feats_m, lin, num_segments=B * NZ * NX * NY)
    grid = pooled.reshape(B, NZ, NX, NY, C).transpose(0, 4, 1, 2, 3)  # [B,C,NZ,NX,NY]
    # torch.cat(x.unbind(dim=2), 1)
    out = jnp.concatenate([grid[:, :, z] for z in range(NZ)], axis=1)  # [B, C*NZ, NX, NY]
    return out


if False:  # reference __main__ guard neutralized (emitter)
    inp = setup_inputs()
    o = reference(**inp)
    print(o.shape, o.dtype)

if __name__ == "__main__":
    import jax
    _d = setup_inputs()
    print(jax.jit(kernel)(*tuple(_d.values())))

</pallas_src>

<mosaic_0001>
#map = affine_map<(d0, d1) -> (0)>
#map1 = affine_map<(d0, d1) -> (0, 0)>
#map2 = affine_map<(d0, d1) -> (0, 0, 0, 0)>
#map3 = affine_map<(d0, d1) -> (0, 0, 0)>
module attributes {stable_mosaic.version = 14 : i64} {
  func.func @bev_kernel(%arg0: i32, %arg1: i32, %arg2: memref<675840xf32, #tpu.memory_space<hbm>>, %arg3: memref<675840xf32, #tpu.memory_space<hbm>>, %arg4: memref<675840xf32, #tpu.memory_space<hbm>>, %arg5: memref<675840x64xf32, #tpu.memory_space<hbm>>, %arg6: memref<4x2x64800x16xf32, #tpu.memory_space<hbm>>, %arg7: memref<2x5280x128xi32, #tpu.memory_space<hbm>>, %arg8: memref<1408x16xf32, #tpu.memory_space<vmem>>, %arg9: memref<1408x16xf32, #tpu.memory_space<vmem>>, %arg10: memref<11x128xi32, #tpu.memory_space<vmem>>, %arg11: memref<11x128xi32, #tpu.memory_space<vmem>>, %arg12: memref<1408xf32, #tpu.memory_space<vmem>>, %arg13: memref<1408xf32, #tpu.memory_space<vmem>>, %arg14: memref<1408xf32, #tpu.memory_space<vmem>>, %arg15: memref<64992x16xf32, #tpu.memory_space<vmem_shared>>, %arg16: memref<!tpu.dma_semaphore, #tpu.memory_space<semaphore_mem>>, %arg17: memref<!tpu.dma_semaphore, #tpu.memory_space<semaphore_mem>>, %arg18: memref<!tpu.dma_semaphore, #tpu.memory_space<semaphore_mem>>) attributes {dimension_semantics = [#tpu.dimension_semantics<core_parallel>, #tpu.dimension_semantics<subcore_parallel>], iteration_bounds = array<i64: 2, 16>, scalar_prefetch = 0 : i64, scratch_operands = 11 : i64, tpu.core_type = #tpu.core_type<sc_vector_subcore>, window_params = [{transform_indices = #map}, {transform_indices = #map}, {transform_indices = #map}, {transform_indices = #map1}, {transform_indices = #map2}, {transform_indices = #map3}]} {
    %iota3A = tpu.iota {dimensions = array<i32: 0>} : vector<16xi32>
    %broadcast_in_dim3A = arith.constant 0.000000e+00 : f32
    %broadcast_in_dim3A_0 = vector.broadcast %broadcast_in_dim3A : f32 to vector<16xf32>
    %mul3A = arith.constant 42240 : i32
    %mul3A_1 = arith.muli %arg1, %mul3A : i32
    %mul3A_2 = arith.constant 330 : i32
    %mul3A_3 = arith.muli %arg1, %mul3A_2 : i32
    %mul3A_4 = arith.constant 64800 : i32
    %mul3A_5 = arith.muli %arg0, %mul3A_4 : i32
    %barrier3A = arith.constant 0 : index
    tpu.barrier barrier_id(%barrier3A)
    %scan3A = arith.constant 0 : i32
    %scan3A_6 = arith.constant 0 : i32
    %scan3A_7 = arith.constant 1408 : i32
    %scan3A_8 = arith.addi %scan3A_6, %scan3A_7 : i32
    %scan3A_9 = arith.constant 1 : i32
    %scan3A_10 = scf.for %scan3A_189 = %scan3A_6 to %scan3A_8 step %scan3A_9 iter_args(%scan3A_190 = %scan3A) -> (i32)  : i32 {
      %swap3A = arith.index_cast %scan3A_189 : i32 to index
      %swap3A_191 = arith.constant 0 : index
      %swap3A_192 = tpu.vector_load %arg8[%swap3A, %swap3A_191] {strides = array<i32>} : memref<1408x16xf32, #tpu.memory_space<vmem>>, vector<1x16xf32>,
      %swap3A_193 = vector.shape_cast %swap3A_192 : vector<1x16xf32> to vector<16xf32>
      %swap3A_194 = vector.shape_cast %broadcast_in_dim3A_0 : vector<16xf32> to vector<1x16xf32>
      tpu.vector_store %arg8[%swap3A, %swap3A_191], %swap3A_194 {strides = array<i32>} : memref<1408x16xf32, #tpu.memory_space<vmem>>, vector<1x16xf32>,
      %scan3A_195 = arith.constant 0 : i32
      scf.yield %scan3A_195 : i32
    }
    %scan3A_11 = arith.constant 1408 : i32
    %mul3A_12 = arith.constant 4062 : i32
    %mul3A_13 = arith.muli %arg1, %mul3A_12 : i32
    "tpu.region"() ({
      %run_scoped3A_189 = tpu.sem_alloc : memref<!tpu.dma_semaphore, #tpu.memory_space<semaphore_mem>>
      %dma_start3A_190 = arith.constant 0 : i32
      %dma_start3A_191 = tpu.memref_slice %arg15[%mul3A_13, %dma_start3A_190] : memref<64992x16xf32, #tpu.memory_space<vmem_shared>> -> memref<1408x16xf32, #tpu.memory_space<vmem_shared>>
      %dma_start3A_192 = arith.constant 0 : i32
      %dma_start3A_193 = tpu.memref_slice %arg15[%mul3A_13, %dma_start3A_192] : memref<64992x16xf32, #tpu.memory_space<vmem_shared>> -> memref<1408x16xf32, #tpu.memory_space<vmem_shared>>
      tpu.enqueue_dma source(%arg8 : memref<1408x16xf32, #tpu.memory_space<vmem>>) target(%dma_start3A_193 : memref<1408x16xf32, #tpu.memory_space<vmem_shared>>) target_semaphore(%run_scoped3A_189 : memref<!tpu.dma_semaphore, #tpu.memory_space<semaphore_mem>>)
      %dma_wait3A = arith.constant 0 : i32
      %dma_wait3A_194 = tpu.memref_slice %arg15[%mul3A_13, %dma_wait3A] : memref<64992x16xf32, #tpu.memory_space<vmem_shared>> -> memref<1408x16xf32, #tpu.memory_space<vmem_shared>>
      %dma_wait3A_195 = arith.constant 0 : i32
      %dma_wait3A_196 = tpu.memref_slice %arg15[%mul3A_13, %dma_wait3A_195] : memref<64992x16xf32, #tpu.memory_space<vmem_shared>> -> memref<1408x16xf32, #tpu.memory_space<vmem_shared>>
      tpu.wait_dma2 semaphore(%run_scoped3A_189 : memref<!tpu.dma_semaphore, #tpu.memory_space<semaphore_mem>>) src(%arg8 : memref<1408x16xf32, #tpu.memory_space<vmem>>) dst(%dma_wait3A_196 : memref<1408x16xf32, #tpu.memory_space<vmem_shared>>)
      tpu.yield
    }) : () -> ()
    %add3A = arith.constant 1408 : i32
    %add3A_14 = arith.addi %mul3A_13, %add3A : i32
    "tpu.region"() ({
      %run_scoped3A_189 = tpu.sem_alloc : memref<!tpu.dma_semaphore, #tpu.memory_space<semaphore_mem>>
      %dma_start3A_190 = arith.constant 0 : i32
      %dma_start3A_191 = tpu.memref_slice %arg15[%add3A_14, %dma_start3A_190] : memref<64992x16xf32, #tpu.memory_space<vmem_shared>> -> memref<1408x16xf32, #tpu.memory_space<vmem_shared>>
      %dma_start3A_192 = arith.constant 0 : i32
      %dma_start3A_193 = tpu.memref_slice %arg15[%add3A_14, %dma_start3A_192] : memref<64992x16xf32, #tpu.memory_space<vmem_shared>> -> memref<1408x16xf32, #tpu.memory_space<vmem_shared>>
      tpu.enqueue_dma source(%arg8 : memref<1408x16xf32, #tpu.memory_space<vmem>>) target(%dma_start3A_193 : memref<1408x16xf32, #tpu.memory_space<vmem_shared>>) target_semaphore(%run_scoped3A_189 : memref<!tpu.dma_semaphore, #tpu.memory_space<semaphore_mem>>)
      %dma_wait3A = arith.constant 0 : i32
      %dma_wait3A_194 = tpu.memref_slice %arg15[%add3A_14, %dma_wait3A] : memref<64992x16xf32, #tpu.memory_space<vmem_shared>> -> memref<1408x16xf32, #tpu.memory_space<vmem_shared>>
      %dma_wait3A_195 = arith.constant 0 : i32
      %dma_wait3A_196 = tpu.memref_slice %arg15[%add3A_14, %dma_wait3A_195] : memref<64992x16xf32, #tpu.memory_space<vmem_shared>> -> memref<1408x16xf32, #tpu.memory_space<vmem_shared>>
      tpu.wait_dma2 semaphore(%run_scoped3A_189 : memref<!tpu.dma_semaphore, #tpu.memory_space<semaphore_mem>>) src(%arg8 : memref<1408x16xf32, #tpu.memory_space<vmem>>) dst(%dma_wait3A_196 : memref<1408x16xf32, #tpu.memory_space<vmem_shared>>)
      tpu.yield
    }) : () -> ()
    %add3A_15 = arith.constant 2816 : i32
    %add3A_16 = arith.addi %mul3A_13, %add3A_15 : i32
    "tpu.region"() ({
      %run_scoped3A_189 = tpu.sem_alloc : memref<!tpu.dma_semaphore, #tpu.memory_space<semaphore_mem>>
      %dma_start3A_190 = arith.constant 0 : i32
      %dma_start3A_191 = arith.constant 0 : i32
      %dma_start3A_192 = tpu.memref_slice %arg8[%dma_start3A_190, %dma_start3A_191] : memref<1408x16xf32, #tpu.memory_space<vmem>> -> memref<1246x16xf32, #tpu.memory_space<vmem>>
      %dma_start3A_193 = arith.constant 0 : i32
      %dma_start3A_194 = tpu.memref_slice %arg15[%add3A_16, %dma_start3A_193] : memref<64992x16xf32, #tpu.memory_space<vmem_shared>> -> memref<1246x16xf32, #tpu.memory_space<vmem_shared>>
      %dma_start3A_195 = arith.constant 0 : i32
      %dma_start3A_196 = tpu.memref_slice %arg15[%add3A_16, %dma_start3A_195] : memref<64992x16xf32, #tpu.memory_space<vmem_shared>> -> memref<1246x16xf32, #tpu.memory_space<vmem_shared>>
      %dma_start3A_197 = arith.constant 0 : i32
      %dma_start3A_198 = arith.constant 0 : i32
      %dma_start3A_199 = tpu.memref_slice %arg8[%dma_start3A_197, %dma_start3A_198] : memref<1408x16xf32, #tpu.memory_space<vmem>> -> memref<1246x16xf32, #tpu.memory_space<vmem>>
      tpu.enqueue_dma source(%dma_start3A_199 : memref<1246x16xf32, #tpu.memory_space<vmem>>) target(%dma_start3A_196 : memref<1246x16xf32, #tpu.memory_space<vmem_shared>>) target_semaphore(%run_scoped3A_189 : memref<!tpu.dma_semaphore, #tpu.memory_space<semaphore_mem>>)
      %dma_wait3A = arith.constant 0 : i32
      %dma_wait3A_200 = arith.constant 0 : i32
      %dma_wait3A_201 = tpu.memref_slice %arg8[%dma_wait3A, %dma_wait3A_200] : memref<1408x16xf32, #tpu.memory_space<vmem>> -> memref<1246x16xf32, #tpu.memory_space<vmem>>
      %dma_wait3A_202 = arith.constant 0 : i32
      %dma_wait3A_203 = tpu.memref_slice %arg15[%add3A_16, %dma_wait3A_202] : memref<64992x16xf32, #tpu.memory_space<vmem_shared>> -> memref<1246x16xf32, #tpu.memory_space<vmem_shared>>
      %dma_wait3A_204 = arith.constant 0 : i32
      %dma_wait3A_205 = tpu.memref_slice %arg15[%add3A_16, %dma_wait3A_204] : memref<64992x16xf32, #tpu.memory_space<vmem_shared>> -> memref<1246x16xf32, #tpu.memory_space<vmem_shared>>
      %dma_wait3A_206 = arith.constant 0 : i32
      %dma_wait3A_207 = arith.constant 0 : i32
      %dma_wait3A_208 = tpu.memref_slice %arg8[%dma_wait3A_206, %dma_wait3A_207] : memref<1408x16xf32, #tpu.memory_space<vmem>> -> memref<1246x16xf32, #tpu.memory_space<vmem>>
      tpu.wait_dma2 semaphore(%run_scoped3A_189 : memref<!tpu.dma_semaphore, #tpu.memory_space<semaphore_mem>>) src(%dma_wait3A_208 : memref<1246x16xf32, #tpu.memory_space<vmem>>) dst(%dma_wait3A_205 : memref<1246x16xf32, #tpu.memory_space<vmem_shared>>)
      tpu.yield
    }) : () -> ()
    %barrier3A_17 = arith.constant 0 : index
    tpu.barrier barrier_id(%barrier3A_17)
    %scan3A_18 = arith.constant 0 : i32
    %scan3A_19 = arith.constant 0 : i32
    %scan3A_20 = arith.constant 30 : i32
    %scan3A_21 = arith.addi %scan3A_19, %scan3A_20 : i32
    %scan3A_22 = arith.constant 1 : i32
    %scan3A_23 = scf.for %scan3A_189 = %scan3A_19 to %scan3A_21 step %scan3A_22 iter_args(%scan3A_190 = %scan3A_18) -> (i32)  : i32 {
      %mul3A_191 = arith.constant 1408 : i32
      %mul3A_192 = arith.muli %scan3A_189, %mul3A_191 : i32
      %add3A_193 = arith.addi %mul3A_1, %mul3A_192 : i32
      %mul3A_194 = arith.constant 1408 : i32
      %mul3A_195 = arith.muli %scan3A_189, %mul3A_194 : i32
      %add3A_196 = arith.addi %mul3A_1, %mul3A_195 : i32
      %dma_start3A_197 = arith.constant 0 : i32
      %dma_start3A_198 = tpu.memref_slice %arg5[%add3A_196, %dma_start3A_197] : memref<675840x64xf32, #tpu.memory_space<hbm>> -> memref<1408x16xf32, #tpu.memory_space<hbm>>
      %dma_start3A_199 = arith.constant 0 : i32
      %dma_start3A_200 = tpu.memref_slice %arg5[%add3A_196, %dma_start3A_199] : memref<675840x64xf32, #tpu.memory_space<hbm>> -> memref<1408x16xf32, #tpu.memory_space<hbm>>
      tpu.enqueue_dma source(%dma_start3A_200 : memref<1408x16xf32, #tpu.memory_space<hbm>>) target(%arg8 : memref<1408x16xf32, #tpu.memory_space<vmem>>) target_semaphore(%arg16 : memref<!tpu.dma_semaphore, #tpu.memory_space<semaphore_mem>>)
      "tpu.region"() ({
        %run_scoped3A_435 = tpu.sem_alloc : memref<!tpu.dma_semaphore, #tpu.memory_space<semaphore_mem>>
        %dma_start3A_436 = tpu.memref_slice %arg2[%add3A_193] : memref<675840xf32, #tpu.memory_space<hbm>> -> memref<1408xf32, #tpu.memory_space<hbm>>
        %dma_start3A_437 = tpu.memref_slice %arg2[%add3A_193] : memref<675840xf32, #tpu.memory_space<hbm>> -> memref<1408xf32, #tpu.memory_space<hbm>>
        tpu.enqueue_dma source(%dma_start3A_437 : memref<1408xf32, #tpu.memory_space<hbm>>) target(%arg12 : memref<1408xf32, #tpu.memory_space<vmem>>) target_semaphore(%run_scoped3A_435 : memref<!tpu.dma_semaphore, #tpu.memory_space<semaphore_mem>>)
        %dma_wait3A_438 = tpu.memref_slice %arg2[%add3A_193] : memref<675840xf32, #tpu.memory_space<hbm>> -> memref<1408xf32, #tpu.memory_space<hbm>>
        %dma_wait3A_439 = tpu.memref_slice %arg2[%add3A_193] : memref<675840xf32, #tpu.memory_space<hbm>> -> memref<1408xf32, #tpu.memory_space<hbm>>
        tpu.wait_dma2 semaphore(%run_scoped3A_435 : memref<!tpu.dma_semaphore, #tpu.memory_space<semaphore_mem>>) src(%dma_wait3A_439 : memref<1408xf32, #tpu.memory_space<hbm>>) dst(%arg12 : memref<1408xf32, #tpu.memory_space<vmem>>)
        tpu.yield
      }) : () -> ()
      "tpu.region"() ({
        %run_scoped3A_435 = tpu.sem_alloc : memref<!tpu.dma_semaphore, #tpu.memory_space<semaphore_mem>>
        %dma_start3A_436 = tpu.memref_slice %arg3[%add3A_193] : memref<675840xf32, #tpu.memory_space<hbm>> -> memref<1408xf32, #tpu.memory_space<hbm>>
        %dma_start3A_437 = tpu.memref_slice %arg3[%add3A_193] : memref<675840xf32, #tpu.memory_space<hbm>> -> memref<1408xf32, #tpu.memory_space<hbm>>
        tpu.enqueue_dma source(%dma_start3A_437 : memref<1408xf32, #tpu.memory_space<hbm>>) target(%arg13 : memref<1408xf32, #tpu.memory_space<vmem>>) target_semaphore(%run_scoped3A_435 : memref<!tpu.dma_semaphore, #tpu.memory_space<semaphore_mem>>)
        %dma_wait3A_438 = tpu.memref_slice %arg3[%add3A_193] : memref<675840xf32, #tpu.memory_space<hbm>> -> memref<1408xf32, #tpu.memory_space<hbm>>
        %dma_wait3A_439 = tpu.memref_slice %arg3[%add3A_193] : memref<675840xf32, #tpu.memory_space<hbm>> -> memref<1408xf32, #tpu.memory_space<hbm>>
        tpu.wait_dma2 semaphore(%run_scoped3A_435 : memref<!tpu.dma_semaphore, #tpu.memory_space<semaphore_mem>>) src(%dma_wait3A_439 : memref<1408xf32, #tpu.memory_space<hbm>>) dst(%arg13 : memref<1408xf32, #tpu.memory_space<vmem>>)
        tpu.yield
      }) : () -> ()
      "tpu.region"() ({
        %run_scoped3A_435 = tpu.sem_alloc : memref<!tpu.dma_semaphore, #tpu.memory_space<semaphore_mem>>
        %dma_start3A_436 = tpu.memref_slice %arg4[%add3A_193] : memref<675840xf32, #tpu.memory_space<hbm>> -> memref<1408xf32, #tpu.memory_space<hbm>>
        %dma_start3A_437 = tpu.memref_slice %arg4[%add3A_193] : memref<675840xf32, #tpu.memory_space<hbm>> -> memref<1408xf32, #tpu.memory_space<hbm>>
        tpu.enqueue_dma source(%dma_start3A_437 : memref<1408xf32, #tpu.memory_space<hbm>>) target(%arg14 : memref<1408xf32, #tpu.memory_space<vmem>>) target_semaphore(%run_scoped3A_435 : memref<!tpu.dma_semaphore, #tpu.memory_space<semaphore_mem>>)
        %dma_wait3A_438 = tpu.memref_slice %arg4[%add3A_193] : memref<675840xf32, #tpu.memory_space<hbm>> -> memref<1408xf32, #tpu.memory_space<hbm>>
        %dma_wait3A_439 = tpu.memref_slice %arg4[%add3A_193] : memref<675840xf32, #tpu.memory_space<hbm>> -> memref<1408xf32, #tpu.memory_space<hbm>>
        tpu.wait_dma2 semaphore(%run_scoped3A_435 : memref<!tpu.dma_semaphore, #tpu.memory_space<semaphore_mem>>) src(%dma_wait3A_439 : memref<1408xf32, #tpu.memory_space<hbm>>) dst(%arg14 : memref<1408xf32, #tpu.memory_space<vmem>>)
        tpu.yield
      }) : () -> ()
      %scan3A_201 = arith.constant 0 : i32
      %scan3A_202 = arith.constant 0 : i32
      %scan3A_203 = arith.constant 11 : i32
      %scan3A_204 = arith.addi %scan3A_202, %scan3A_203 : i32
      %scan3A_205 = arith.constant 1 : i32
      %scan3A_206 = scf.for %scan3A_435 = %scan3A_202 to %scan3A_204 step %scan3A_205 iter_args(%scan3A_436 = %scan3A_201) -> (i32)  : i32 {
        %mul3A_437 = arith.constant 128 : i32
        %mul3A_438 = arith.muli %scan3A_435, %mul3A_437 : i32
        %add3A_439 = arith.constant 0 : i32
        %add3A_440 = arith.addi %mul3A_438, %add3A_439 : i32
        %get3A = arith.index_cast %add3A_440 : i32 to index
        %get3A_441 = tpu.vector_load %arg12[%get3A] {strides = array<i32>} : memref<1408xf32, #tpu.memory_space<vmem>>, vector<16xf32>,
        %get3A_442 = vector.shape_cast %get3A_441 : vector<16xf32> to vector<16xf32>
        %get3A_443 = arith.index_cast %add3A_440 : i32 to index
        %get3A_444 = tpu.vector_load %arg13[%get3A_443] {strides = array<i32>} : memref<1408xf32, #tpu.memory_space<vmem>>, vector<16xf32>,
        %get3A_445 = vector.shape_cast %get3A_444 : vector<16xf32> to vector<16xf32>
        %get3A_446 = arith.index_cast %add3A_440 : i32 to index
        %get3A_447 = tpu.vector_load %arg14[%get3A_446] {strides = array<i32>} : memref<1408xf32, #tpu.memory_space<vmem>>, vector<16xf32>,
        %get3A_448 = vector.shape_cast %get3A_447 : vector<16xf32> to vector<16xf32>
        %sub3A = arith.constant -5.400000e+01 : f32
        %sub3A_449 = vector.broadcast %sub3A : f32 to vector<16xf32>
        %sub3A_450 = arith.subf %get3A_442, %sub3A_449 : vector<16xf32>
        %div3A = arith.constant 3.000000e-01 : f32
        %div3A_451 = vector.broadcast %div3A : f32 to vector<16xf32>
        %div3A_452 = arith.divf %sub3A_450, %div3A_451 : vector<16xf32>
        %convert_element_type3A = arith.fptosi %div3A_452 : vector<16xf32> to vector<16xi32>
        %sub3A_453 = arith.constant -5.400000e+01 : f32
        %sub3A_454 = vector.broadcast %sub3A_453 : f32 to vector<16xf32>
        %sub3A_455 = arith.subf %get3A_445, %sub3A_454 : vector<16xf32>
        %div3A_456 = arith.constant 3.000000e-01 : f32
        %div3A_457 = vector.broadcast %div3A_456 : f32 to vector<16xf32>
        %div3A_458 = arith.divf %sub3A_455, %div3A_457 : vector<16xf32>
        %convert_element_type3A_459 = arith.fptosi %div3A_458 : vector<16xf32> to vector<16xi32>
        %sub3A_460 = arith.constant -1.000000e+01 : f32
        %sub3A_461 = vector.broadcast %sub3A_460 : f32 to vector<16xf32>
        %sub3A_462 = arith.subf %get3A_448, %sub3A_461 : vector<16xf32>
        %div3A_463 = arith.constant 2.000000e+01 : f32
        %div3A_464 = vector.broadcast %div3A_463 : f32 to vector<16xf32>
        %div3A_465 = arith.divf %sub3A_462, %div3A_464 : vector<16xf32>
        %convert_element_type3A_466 = arith.fptosi %div3A_465 : vector<16xf32> to vector<16xi32>
        %ge3A = arith.constant 0 : i32
        %ge3A_467 = vector.broadcast %ge3A : i32 to vector<16xi32>
        %ge3A_468 = arith.cmpi sge, %convert_element_type3A, %ge3A_467 : vector<16xi32>
        %lt3A = arith.constant 360 : i32
        %lt3A_469 = vector.broadcast %lt3A : i32 to vector<16xi32>
        %lt3A_470 = arith.cmpi slt, %convert_element_type3A, %lt3A_469 : vector<16xi32>
        %and3A = arith.andi %ge3A_468, %lt3A_470 : vector<16xi1>
        %ge3A_471 = arith.constant 0 : i32
        %ge3A_472 = vector.broadcast %ge3A_471 : i32 to vector<16xi32>
        %ge3A_473 = arith.cmpi sge, %convert_element_type3A_459, %ge3A_472 : vector<16xi32>
        %and3A_474 = arith.andi %and3A, %ge3A_473 : vector<16xi1>
        %lt3A_475 = arith.constant 360 : i32
        %lt3A_476 = vector.broadcast %lt3A_475 : i32 to vector<16xi32>
        %lt3A_477 = arith.cmpi slt, %convert_element_type3A_459, %lt3A_476 : vector<16xi32>
        %and3A_478 = arith.andi %and3A_474, %lt3A_477 : vector<16xi1>
        %ge3A_479 = arith.constant 0 : i32
        %ge3A_480 = vector.broadcast %ge3A_479 : i32 to vector<16xi32>
        %ge3A_481 = arith.cmpi sge, %convert_element_type3A_466, %ge3A_480 : vector<16xi32>
        %and3A_482 = arith.andi %and3A_478, %ge3A_481 : vector<16xi1>
        %lt3A_483 = arith.constant 1 : i32
        %lt3A_484 = vector.broadcast %lt3A_483 : i32 to vector<16xi32>
        %lt3A_485 = arith.cmpi slt, %convert_element_type3A_466, %lt3A_484 : vector<16xi32>
        %and3A_486 = arith.andi %and3A_482, %lt3A_485 : vector<16xi1>
        %mul3A_487 = arith.constant 360 : i32
        %mul3A_488 = vector.broadcast %mul3A_487 : i32 to vector<16xi32>
        %mul3A_489 = arith.muli %convert_element_type3A, %mul3A_488 : vector<16xi32>
        %add3A_490 = arith.addi %mul3A_489, %convert_element_type3A_459 : vector<16xi32>
        %sub3A_491 = vector.broadcast %mul3A_5 : i32 to vector<16xi32>
        %sub3A_492 = arith.subi %add3A_490, %sub3A_491 : vector<16xi32>
        %ge3A_493 = arith.constant 0 : i32
        %ge3A_494 = vector.broadcast %ge3A_493 : i32 to vector<16xi32>
        %ge3A_495 = arith.cmpi sge, %sub3A_492, %ge3A_494 : vector<16xi32>
        %and3A_496 = arith.andi %and3A_486, %ge3A_495 : vector<16xi1>
        %lt3A_497 = arith.constant 64800 : i32
        %lt3A_498 = vector.broadcast %lt3A_497 : i32 to vector<16xi32>
        %lt3A_499 = arith.cmpi slt, %sub3A_492, %lt3A_498 : vector<16xi32>
        %and3A_500 = arith.andi %and3A_496, %lt3A_499 : vector<16xi1>
        %jit3A = arith.constant 176 : i32
        %eq3A = arith.constant 0 : i32
        %eq3A_501 = arith.cmpi eq, %jit3A, %eq3A : i32
        %jit3A_502 = arith.constant 1 : i32
        %select_n3A = arith.select %eq3A_501, %jit3A_502, %jit3A : i32
        %rem3A = arith.remsi %add3A_440, %select_n3A : i32
        %ne3A = arith.constant 0 : i32
        %ne3A_503 = arith.cmpi ne, %rem3A, %ne3A : i32
        %lt3A_504 = arith.constant 0 : i32
        %lt3A_505 = arith.cmpi slt, %rem3A, %lt3A_504 : i32
        %lt3A_506 = arith.constant 0 : i32
        %lt3A_507 = arith.cmpi slt, %select_n3A, %lt3A_506 : i32
        %ne3A_508 = arith.xori %lt3A_505, %lt3A_507 : i1
        %and3A_509 = arith.andi %ne3A_508, %ne3A_503 : i1
        %add3A_510 = arith.addi %rem3A, %select_n3A : i32
        %select_n3A_511 = arith.select %and3A_509, %add3A_510, %rem3A : i32
        %add3A_512 = arith.constant 64800 : i32
        %add3A_513 = arith.addi %add3A_512, %select_n3A_511 : i32
        %add3A_514 = vector.broadcast %add3A_513 : i32 to vector<16xi32>
        %add3A_515 = arith.addi %add3A_514, %iota3A : vector<16xi32>
        %select_n3A_516 = arith.select %and3A_500, %sub3A_492, %add3A_515 : vector<16xi1>, vector<16xi32>
        %swap3A = arith.index_cast %scan3A_435 : i32 to index
        %swap3A_517 = arith.constant 0 : index
        %swap3A_518 = tpu.vector_load %arg10[%swap3A, %swap3A_517] {strides = array<i32>} : memref<11x128xi32, #tpu.memory_space<vmem>>, vector<1x16xi32>,
        %swap3A_519 = vector.shape_cast %swap3A_518 : vector<1x16xi32> to vector<16xi32>
        %swap3A_520 = vector.shape_cast %select_n3A_516 : vector<16xi32> to vector<1x16xi32>
        tpu.vector_store %arg10[%swap3A, %swap3A_517], %swap3A_520 {strides = array<i32>} : memref<11x128xi32, #tpu.memory_space<vmem>>, vector<1x16xi32>,
        %mul3A_521 = arith.constant 128 : i32
        %mul3A_522 = arith.muli %scan3A_435, %mul3A_521 : i32
        %add3A_523 = arith.constant 16 : i32
        %add3A_524 = arith.addi %mul3A_522, %add3A_523 : i32
        %get3A_525 = arith.index_cast %add3A_524 : i32 to index
        %get3A_526 = tpu.vector_load %arg12[%get3A_525] {strides = array<i32>} : memref<1408xf32, #tpu.memory_space<vmem>>, vector<16xf32>,
        %get3A_527 = vector.shape_cast %get3A_526 : vector<16xf32> to vector<16xf32>
        %get3A_528 = arith.index_cast %add3A_524 : i32 to index
        %get3A_529 = tpu.vector_load %arg13[%get3A_528] {strides = array<i32>} : memref<1408xf32, #tpu.memory_space<vmem>>, vector<16xf32>,
        %get3A_530 = vector.shape_cast %get3A_529 : vector<16xf32> to vector<16xf32>
        %get3A_531 = arith.index_cast %add3A_524 : i32 to index
        %get3A_532 = tpu.vector_load %arg14[%get3A_531] {strides = array<i32>} : memref<1408xf32, #tpu.memory_space<vmem>>, vector<16xf32>,
        %get3A_533 = vector.shape_cast %get3A_532 : vector<16xf32> to vector<16xf32>
        %sub3A_534 = arith.constant -5.400000e+01 : f32
        %sub3A_535 = vector.broadcast %sub3A_534 : f32 to vector<16xf32>
        %sub3A_536 = arith.subf %get3A_527, %sub3A_535 : vector<16xf32>
        %div3A_537 = arith.constant 3.000000e-01 : f32
        %div3A_538 = vector.broadcast %div3A_537 : f32 to vector<16xf32>
        %div3A_539 = arith.divf %sub3A_536, %div3A_538 : vector<16xf32>
        %convert_element_type3A_540 = arith.fptosi %div3A_539 : vector<16xf32> to vector<16xi32>
        %sub3A_541 = arith.constant -5.400000e+01 : f32
        %sub3A_542 = vector.broadcast %sub3A_541 : f32 to vector<16xf32>
        %sub3A_543 = arith.subf %get3A_530, %sub3A_542 : vector<16xf32>
        %div3A_544 = arith.constant 3.000000e-01 : f32
        %div3A_545 = vector.broadcast %div3A_544 : f32 to vector<16xf32>
        %div3A_546 = arith.divf %sub3A_543, %div3A_545 : vector<16xf32>
        %convert_element_type3A_547 = arith.fptosi %div3A_546 : vector<16xf32> to vector<16xi32>
        %sub3A_548 = arith.constant -1.000000e+01 : f32
        %sub3A_549 = vector.broadcast %sub3A_548 : f32 to vector<16xf32>
        %sub3A_550 = arith.subf %get3A_533, %sub3A_549 : vector<16xf32>
        %div3A_551 = arith.constant 2.000000e+01 : f32
        %div3A_552 = vector.broadcast %div3A_551 : f32 to vector<16xf32>
        %div3A_553 = arith.divf %sub3A_550, %div3A_552 : vector<16xf32>
        %convert_element_type3A_554 = arith.fptosi %div3A_553 : vector<16xf32> to vector<16xi32>
        %ge3A_555 = arith.constant 0 : i32
        %ge3A_556 = vector.broadcast %ge3A_555 : i32 to vector<16xi32>
        %ge3A_557 = arith.cmpi sge, %convert_element_type3A_540, %ge3A_556 : vector<16xi32>
        %lt3A_558 = arith.constant 360 : i32
        %lt3A_559 = vector.broadcast %lt3A_558 : i32 to vector<16xi32>
        %lt3A_560 = arith.cmpi slt, %convert_element_type3A_540, %lt3A_559 : vector<16xi32>
        %and3A_561 = arith.andi %ge3A_557, %lt3A_560 : vector<16xi1>
        %ge3A_562 = arith.constant 0 : i32
        %ge3A_563 = vector.broadcast %ge3A_562 : i32 to vector<16xi32>
        %ge3A_564 = arith.cmpi sge, %convert_element_type3A_547, %ge3A_563 : vector<16xi32>
        %and3A_565 = arith.andi %and3A_561, %ge3A_564 : vector<16xi1>
        %lt3A_566 = arith.constant 360 : i32
        %lt3A_567 = vector.broadcast %lt3A_566 : i32 to vector<16xi32>
        %lt3A_568 = arith.cmpi slt, %convert_element_type3A_547, %lt3A_567 : vector<16xi32>
        %and3A_569 = arith.andi %and3A_565, %lt3A_568 : vector<16xi1>
        %ge3A_570 = arith.constant 0 : i32
        %ge3A_571 = vector.broadcast %ge3A_570 : i32 to vector<16xi32>
        %ge3A_572 = arith.cmpi sge, %convert_element_type3A_554, %ge3A_571 : vector<16xi32>
        %and3A_573 = arith.andi %and3A_569, %ge3A_572 : vector<16xi1>
        %lt3A_574 = arith.constant 1 : i32
        %lt3A_575 = vector.broadcast %lt3A_574 : i32 to vector<16xi32>
        %lt3A_576 = arith.cmpi slt, %convert_element_type3A_554, %lt3A_575 : vector<16xi32>
        %and3A_577 = arith.andi %and3A_573, %lt3A_576 : vector<16xi1>
        %mul3A_578 = arith.constant 360 : i32
        %mul3A_579 = vector.broadcast %mul3A_578 : i32 to vector<16xi32>
        %mul3A_580 = arith.muli %convert_element_type3A_540, %mul3A_579 : vector<16xi32>
        %add3A_581 = arith.addi %mul3A_580, %convert_element_type3A_547 : vector<16xi32>
        %sub3A_582 = vector.broadcast %mul3A_5 : i32 to vector<16xi32>
        %sub3A_583 = arith.subi %add3A_581, %sub3A_582 : vector<16xi32>
        %ge3A_584 = arith.constant 0 : i32
        %ge3A_585 = vector.broadcast %ge3A_584 : i32 to vector<16xi32>
        %ge3A_586 = arith.cmpi sge, %sub3A_583, %ge3A_585 : vector<16xi32>
        %and3A_587 = arith.andi %and3A_577, %ge3A_586 : vector<16xi1>
        %lt3A_588 = arith.constant 64800 : i32
        %lt3A_589 = vector.broadcast %lt3A_588 : i32 to vector<16xi32>
        %lt3A_590 = arith.cmpi slt, %sub3A_583, %lt3A_589 : vector<16xi32>
        %and3A_591 = arith.andi %and3A_587, %lt3A_590 : vector<16xi1>
        %jit3A_592 = arith.constant 176 : i32
        %eq3A_593 = arith.constant 0 : i32
        %eq3A_594 = arith.cmpi eq, %jit3A_592, %eq3A_593 : i32
        %jit3A_595 = arith.constant 1 : i32
        %select_n3A_596 = arith.select %eq3A_594, %jit3A_595, %jit3A_592 : i32
        %rem3A_597 = arith.remsi %add3A_524, %select_n3A_596 : i32
        %ne3A_598 = arith.constant 0 : i32
        %ne3A_599 = arith.cmpi ne, %rem3A_597, %ne3A_598 : i32
        %lt3A_600 = arith.constant 0 : i32
        %lt3A_601 = arith.cmpi slt, %rem3A_597, %lt3A_600 : i32
        %lt3A_602 = arith.constant 0 : i32
        %lt3A_603 = arith.cmpi slt, %select_n3A_596, %lt3A_602 : i32
        %ne3A_604 = arith.xori %lt3A_601, %lt3A_603 : i1
        %and3A_605 = arith.andi %ne3A_604, %ne3A_599 : i1
        %add3A_606 = arith.addi %rem3A_597, %select_n3A_596 : i32
        %select_n3A_607 = arith.select %and3A_605, %add3A_606, %rem3A_597 : i32
        %add3A_608 = arith.constant 64800 : i32
        %add3A_609 = arith.addi %add3A_608, %select_n3A_607 : i32
        %add3A_610 = vector.broadcast %add3A_609 : i32 to vector<16xi32>
        %add3A_611 = arith.addi %add3A_610, %iota3A : vector<16xi32>
        %select_n3A_612 = arith.select %and3A_591, %sub3A_583, %add3A_611 : vector<16xi1>, vector<16xi32>
        %swap3A_613 = arith.index_cast %scan3A_435 : i32 to index
        %swap3A_614 = arith.constant 16 : index
        %swap3A_615 = tpu.vector_load %arg10[%swap3A_613, %swap3A_614] {strides = array<i32>} : memref<11x128xi32, #tpu.memory_space<vmem>>, vector<1x16xi32>,
        %swap3A_616 = vector.shape_cast %swap3A_615 : vector<1x16xi32> to vector<16xi32>
        %swap3A_617 = vector.shape_cast %select_n3A_612 : vector<16xi32> to vector<1x16xi32>
        tpu.vector_store %arg10[%swap3A_613, %swap3A_614], %swap3A_617 {strides = array<i32>} : memref<11x128xi32, #tpu.memory_space<vmem>>, vector<1x16xi32>,
        %mul3A_618 = arith.constant 128 : i32
        %mul3A_619 = arith.muli %scan3A_435, %mul3A_618 : i32
        %add3A_620 = arith.constant 32 : i32
        %add3A_621 = arith.addi %mul3A_619, %add3A_620 : i32
        %get3A_622 = arith.index_cast %add3A_621 : i32 to index
        %get3A_623 = tpu.vector_load %arg12[%get3A_622] {strides = array<i32>} : memref<1408xf32, #tpu.memory_space<vmem>>, vector<16xf32>,
        %get3A_624 = vector.shape_cast %get3A_623 : vector<16xf32> to vector<16xf32>
        %get3A_625 = arith.index_cast %add3A_621 : i32 to index
        %get3A_626 = tpu.vector_load %arg13[%get3A_625] {strides = array<i32>} : memref<1408xf32, #tpu.memory_space<vmem>>, vector<16xf32>,
        %get3A_627 = vector.shape_cast %get3A_626 : vector<16xf32> to vector<16xf32>
        %get3A_628 = arith.index_cast %add3A_621 : i32 to index
        %get3A_629 = tpu.vector_load %arg14[%get3A_628] {strides = array<i32>} : memref<1408xf32, #tpu.memory_space<vmem>>, vector<16xf32>,
        %get3A_630 = vector.shape_cast %get3A_629 : vector<16xf32> to vector<16xf32>
        %sub3A_631 = arith.constant -5.400000e+01 : f32
        %sub3A_632 = vector.broadcast %sub3A_631 : f32 to vector<16xf32>
        %sub3A_633 = arith.subf %get3A_624, %sub3A_632 : vector<16xf32>
        %div3A_634 = arith.constant 3.000000e-01 : f32
        %div3A_635 = vector.broadcast %div3A_634 : f32 to vector<16xf32>
        %div3A_636 = arith.divf %sub3A_633, %div3A_635 : vector<16xf32>
        %convert_element_type3A_637 = arith.fptosi %div3A_636 : vector<16xf32> to vector<16xi32>
        %sub3A_638 = arith.constant -5.400000e+01 : f32
        %sub3A_639 = vector.broadcast %sub3A_638 : f32 to vector<16xf32>
        %sub3A_640 = arith.subf %get3A_627, %sub3A_639 : vector<16xf32>
        %div3A_641 = arith.constant 3.000000e-01 : f32
        %div3A_642 = vector.broadcast %div3A_641 : f32 to vector<16xf32>
        %div3A_643 = arith.divf %sub3A_640, %div3A_642 : vector<16xf32>
        %convert_element_type3A_644 = arith.fptosi %div3A_643 : vector<16xf32> to vector<16xi32>
        %sub3A_645 = arith.constant -1.000000e+01 : f32
        %sub3A_646 = vector.broadcast %sub3A_645 : f32 to vector<16xf32>
        %sub3A_647 = arith.subf %get3A_630, %sub3A_646 : vector<16xf32>
        %div3A_648 = arith.constant 2.000000e+01 : f32
        %div3A_649 = vector.broadcast %div3A_648 : f32 to vector<16xf32>
        %div3A_650 = arith.divf %sub3A_647, %div3A_649 : vector<16xf32>
        %convert_element_type3A_651 = arith.fptosi %div3A_650 : vector<16xf32> to vector<16xi32>
        %ge3A_652 = arith.constant 0 : i32
        %ge3A_653 = vector.broadcast %ge3A_652 : i32 to vector<16xi32>
        %ge3A_654 = arith.cmpi sge, %convert_element_type3A_637, %ge3A_653 : vector<16xi32>
        %lt3A_655 = arith.constant 360 : i32
        %lt3A_656 = vector.broadcast %lt3A_655 : i32 to vector<16xi32>
        %lt3A_657 = arith.cmpi slt, %convert_element_type3A_637, %lt3A_656 : vector<16xi32>
        %and3A_658 = arith.andi %ge3A_654, %lt3A_657 : vector<16xi1>
        %ge3A_659 = arith.constant 0 : i32
        %ge3A_660 = vector.broadcast %ge3A_659 : i32 to vector<16xi32>
        %ge3A_661 = arith.cmpi sge, %convert_element_type3A_644, %ge3A_660 : vector<16xi32>
        %and3A_662 = arith.andi %and3A_658, %ge3A_661 : vector<16xi1>
        %lt3A_663 = arith.constant 360 : i32
        %lt3A_664 = vector.broadcast %lt3A_663 : i32 to vector<16xi32>
        %lt3A_665 = arith.cmpi slt, %convert_element_type3A_644, %lt3A_664 : vector<16xi32>
        %and3A_666 = arith.andi %and3A_662, %lt3A_665 : vector<16xi1>
        %ge3A_667 = arith.constant 0 : i32
        %ge3A_668 = vector.broadcast %ge3A_667 : i32 to vector<16xi32>
        %ge3A_669 = arith.cmpi sge, %convert_element_type3A_651, %ge3A_668 : vector<16xi32>
        %and3A_670 = arith.andi %and3A_666, %ge3A_669 : vector<16xi1>
        %lt3A_671 = arith.constant 1 : i32
        %lt3A_672 = vector.broadcast %lt3A_671 : i32 to vector<16xi32>
        %lt3A_673 = arith.cmpi slt, %convert_element_type3A_651, %lt3A_672 : vector<16xi32>
        %and3A_674 = arith.andi %and3A_670, %lt3A_673 : vector<16xi1>
        %mul3A_675 = arith.constant 360 : i32
        %mul3A_676 = vector.broadcast %mul3A_675 : i32 to vector<16xi32>
        %mul3A_677 = arith.muli %convert_element_type3A_637, %mul3A_676 : vector<16xi32>
        %add3A_678 = arith.addi %mul3A_677, %convert_element_type3A_644 : vector<16xi32>
        %sub3A_679 = vector.broadcast %mul3A_5 : i32 to vector<16xi32>
        %sub3A_680 = arith.subi %add3A_678, %sub3A_679 : vector<16xi32>
        %ge3A_681 = arith.constant 0 : i32
        %ge3A_682 = vector.broadcast %ge3A_681 : i32 to vector<16xi32>
        %ge3A_683 = arith.cmpi sge, %sub3A_680, %ge3A_682 : vector<16xi32>
        %and3A_684 = arith.andi %and3A_674, %ge3A_683 : vector<16xi1>
        %lt3A_685 = arith.constant 64800 : i32
        %lt3A_686 = vector.broadcast %lt3A_685 : i32 to vector<16xi32>
        %lt3A_687 = arith.cmpi slt, %sub3A_680, %lt3A_686 : vector<16xi32>
        %and3A_688 = arith.andi %and3A_684, %lt3A_687 : vector<16xi1>
        %jit3A_689 = arith.constant 176 : i32
        %eq3A_690 = arith.constant 0 : i32
        %eq3A_691 = arith.cmpi eq, %jit3A_689, %eq3A_690 : i32
        %jit3A_692 = arith.constant 1 : i32
        %select_n3A_693 = arith.select %eq3A_691, %jit3A_692, %jit3A_689 : i32
        %rem3A_694 = arith.remsi %add3A_621, %select_n3A_693 : i32
        %ne3A_695 = arith.constant 0 : i32
        %ne3A_696 = arith.cmpi ne, %rem3A_694, %ne3A_695 : i32
        %lt3A_697 = arith.constant 0 : i32
        %lt3A_698 = arith.cmpi slt, %rem3A_694, %lt3A_697 : i32
        %lt3A_699 = arith.constant 0 : i32
        %lt3A_700 = arith.cmpi slt, %select_n3A_693, %lt3A_699 : i32
        %ne3A_701 = arith.xori %lt3A_698, %lt3A_700 : i1
        %and3A_702 = arith.andi %ne3A_701, %ne3A_696 : i1
        %add3A_703 = arith.addi %rem3A_694, %select_n3A_693 : i32
        %select_n3A_704 = arith.select %and3A_702, %add3A_703, %rem3A_694 : i32
        %add3A_705 = arith.constant 64800 : i32
        %add3A_706 = arith.addi %add3A_705, %select_n3A_704 : i32
        %add3A_707 = vector.broadcast %add3A_706 : i32 to vector<16xi32>
        %add3A_708 = arith.addi %add3A_707, %iota3A : vector<16xi32>
        %select_n3A_709 = arith.select %and3A_688, %sub3A_680, %add3A_708 : vector<16xi1>, vector<16xi32>
        %swap3A_710 = arith.index_cast %scan3A_435 : i32 to index
        %swap3A_711 = arith.constant 32 : index
        %swap3A_712 = tpu.vector_load %arg10[%swap3A_710, %swap3A_711] {strides = array<i32>} : memref<11x128xi32, #tpu.memory_space<vmem>>, vector<1x16xi32>,
        %swap3A_713 = vector.shape_cast %swap3A_712 : vector<1x16xi32> to vector<16xi32>
        %swap3A_714 = vector.shape_cast %select_n3A_709 : vector<16xi32> to vector<1x16xi32>
        tpu.vector_store %arg10[%swap3A_710, %swap3A_711], %swap3A_714 {strides = array<i32>} : memref<11x128xi32, #tpu.memory_space<vmem>>, vector<1x16xi32>,
        %mul3A_715 = arith.constant 128 : i32
        %mul3A_716 = arith.muli %scan3A_435, %mul3A_715 : i32
        %add3A_717 = arith.constant 48 : i32
        %add3A_718 = arith.addi %mul3A_716, %add3A_717 : i32
        %get3A_719 = arith.index_cast %add3A_718 : i32 to index
        %get3A_720 = tpu.vector_load %arg12[%get3A_719] {strides = array<i32>} : memref<1408xf32, #tpu.memory_space<vmem>>, vector<16xf32>,
        %get3A_721 = vector.shape_cast %get3A_720 : vector<16xf32> to vector<16xf32>
        %get3A_722 = arith.index_cast %add3A_718 : i32 to index
        %get3A_723 = tpu.vector_load %arg13[%get3A_722] {strides = array<i32>} : memref<1408xf32, #tpu.memory_space<vmem>>, vector<16xf32>,
        %get3A_724 = vector.shape_cast %get3A_723 : vector<16xf32> to vector<16xf32>
        %get3A_725 = arith.index_cast %add3A_718 : i32 to index
        %get3A_726 = tpu.vector_load %arg14[%get3A_725] {strides = array<i32>} : memref<1408xf32, #tpu.memory_space<vmem>>, vector<16xf32>,
        %get3A_727 = vector.shape_cast %get3A_726 : vector<16xf32> to vector<16xf32>
        %sub3A_728 = arith.constant -5.400000e+01 : f32
        %sub3A_729 = vector.broadcast %sub3A_728 : f32 to vector<16xf32>
        %sub3A_730 = arith.subf %get3A_721, %sub3A_729 : vector<16xf32>
        %div3A_731 = arith.constant 3.000000e-01 : f32
        %div3A_732 = vector.broadcast %div3A_731 : f32 to vector<16xf32>
        %div3A_733 = arith.divf %sub3A_730, %div3A_732 : vector<16xf32>
        %convert_element_type3A_734 = arith.fptosi %div3A_733 : vector<16xf32> to vector<16xi32>
        %sub3A_735 = arith.constant -5.400000e+01 : f32
        %sub3A_736 = vector.broadcast %sub3A_735 : f32 to vector<16xf32>
        %sub3A_737 = arith.subf %get3A_724, %sub3A_736 : vector<16xf32>
        %div3A_738 = arith.constant 3.000000e-01 : f32
        %div3A_739 = vector.broadcast %div3A_738 : f32 to vector<16xf32>
        %div3A_740 = arith.divf %sub3A_737, %div3A_739 : vector<16xf32>
        %convert_element_type3A_741 = arith.fptosi %div3A_740 : vector<16xf32> to vector<16xi32>
        %sub3A_742 = arith.constant -1.000000e+01 : f32
        %sub3A_743 = vector.broadcast %sub3A_742 : f32 to vector<16xf32>
        %sub3A_744 = arith.subf %get3A_727, %sub3A_743 : vector<16xf32>
        %div3A_745 = arith.constant 2.000000e+01 : f32
        %div3A_746 = vector.broadcast %div3A_745 : f32 to vector<16xf32>
        %div3A_747 = arith.divf %sub3A_744, %div3A_746 : vector<16xf32>
        %convert_element_type3A_748 = arith.fptosi %div3A_747 : vector<16xf32> to vector<16xi32>
        %ge3A_749 = arith.constant 0 : i32
        %ge3A_750 = vector.broadcast %ge3A_749 : i32 to vector<16xi32>
        %ge3A_751 = arith.cmpi sge, %convert_element_type3A_734, %ge3A_750 : vector<16xi32>
        %lt3A_752 = arith.constant 360 : i32
        %lt3A_753 = vector.broadcast %lt3A_752 : i32 to vector<16xi32>
        %lt3A_754 = arith.cmpi slt, %convert_element_type3A_734, %lt3A_753 : vector<16xi32>
        %and3A_755 = arith.andi %ge3A_751, %lt3A_754 : vector<16xi1>
        %ge3A_756 = arith.constant 0 : i32
        %ge3A_757 = vector.broadcast %ge3A_756 : i32 to vector<16xi32>
        %ge3A_758 = arith.cmpi sge, %convert_element_type3A_741, %ge3A_757 : vector<16xi32>
        %and3A_759 = arith.andi %and3A_755, %ge3A_758 : vector<16xi1>
        %lt3A_760 = arith.constant 360 : i32
        %lt3A_761 = vector.broadcast %lt3A_760 : i32 to vector<16xi32>
        %lt3A_762 = arith.cmpi slt, %convert_element_type3A_741, %lt3A_761 : vector<16xi32>
        %and3A_763 = arith.andi %and3A_759, %lt3A_762 : vector<16xi1>
        %ge3A_764 = arith.constant 0 : i32
        %ge3A_765 = vector.broadcast %ge3A_764 : i32 to vector<16xi32>
        %ge3A_766 = arith.cmpi sge, %convert_element_type3A_748, %ge3A_765 : vector<16xi32>
        %and3A_767 = arith.andi %and3A_763, %ge3A_766 : vector<16xi1>
        %lt3A_768 = arith.constant 1 : i32
        %lt3A_769 = vector.broadcast %lt3A_768 : i32 to vector<16xi32>
        %lt3A_770 = arith.cmpi slt, %convert_element_type3A_748, %lt3A_769 : vector<16xi32>
        %and3A_771 = arith.andi %and3A_767, %lt3A_770 : vector<16xi1>
        %mul3A_772 = arith.constant 360 : i32
        %mul3A_773 = vector.broadcast %mul3A_772 : i32 to vector<16xi32>
        %mul3A_774 = arith.muli %convert_element_type3A_734, %mul3A_773 : vector<16xi32>
        %add3A_775 = arith.addi %mul3A_774, %convert_element_type3A_741 : vector<16xi32>
        %sub3A_776 = vector.broadcast %mul3A_5 : i32 to vector<16xi32>
        %sub3A_777 = arith.subi %add3A_775, %sub3A_776 : vector<16xi32>
        %ge3A_778 = arith.constant 0 : i32
        %ge3A_779 = vector.broadcast %ge3A_778 : i32 to vector<16xi32>
        %ge3A_780 = arith.cmpi sge, %sub3A_777, %ge3A_779 : vector<16xi32>
        %and3A_781 = arith.andi %and3A_771, %ge3A_780 : vector<16xi1>
        %lt3A_782 = arith.constant 64800 : i32
        %lt3A_783 = vector.broadcast %lt3A_782 : i32 to vector<16xi32>
        %lt3A_784 = arith.cmpi slt, %sub3A_777, %lt3A_783 : vector<16xi32>
        %and3A_785 = arith.andi %and3A_781, %lt3A_784 : vector<16xi1>
        %jit3A_786 = arith.constant 176 : i32
        %eq3A_787 = arith.constant 0 : i32
        %eq3A_788 = arith.cmpi eq, %jit3A_786, %eq3A_787 : i32
        %jit3A_789 = arith.constant 1 : i32
        %select_n3A_790 = arith.select %eq3A_788, %jit3A_789, %jit3A_786 : i32
        %rem3A_791 = arith.remsi %add3A_718, %select_n3A_790 : i32
        %ne3A_792 = arith.constant 0 : i32
        %ne3A_793 = arith.cmpi ne, %rem3A_791, %ne3A_792 : i32
        %lt3A_794 = arith.constant 0 : i32
        %lt3A_795 = arith.cmpi slt, %rem3A_791, %lt3A_794 : i32
        %lt3A_796 = arith.constant 0 : i32
        %lt3A_797 = arith.cmpi slt, %select_n3A_790, %lt3A_796 : i32
        %ne3A_798 = arith.xori %lt3A_795, %lt3A_797 : i1
        %and3A_799 = arith.andi %ne3A_798, %ne3A_793 : i1
        %add3A_800 = arith.addi %rem3A_791, %select_n3A_790 : i32
        %select_n3A_801 = arith.select %and3A_799, %add3A_800, %rem3A_791 : i32
        %add3A_802 = arith.constant 64800 : i32
        %add3A_803 = arith.addi %add3A_802, %select_n3A_801 : i32
        %add3A_804 = vector.broadcast %add3A_803 : i32 to vector<16xi32>
        %add3A_805 = arith.addi %add3A_804, %iota3A : vector<16xi32>
        %select_n3A_806 = arith.select %and3A_785, %sub3A_777, %add3A_805 : vector<16xi1>, vector<16xi32>
        %swap3A_807 = arith.index_cast %scan3A_435 : i32 to index
        %swap3A_808 = arith.constant 48 : index
        %swap3A_809 = tpu.vector_load %arg10[%swap3A_807, %swap3A_808] {strides = array<i32>} : memref<11x128xi32, #tpu.memory_space<vmem>>, vector<1x16xi32>,
        %swap3A_810 = vector.shape_cast %swap3A_809 : vector<1x16xi32> to vector<16xi32>
        %swap3A_811 = vector.shape_cast %select_n3A_806 : vector<16xi32> to vector<1x16xi32>
        tpu.vector_store %arg10[%swap3A_807, %swap3A_808], %swap3A_811 {strides = array<i32>} : memref<11x128xi32, #tpu.memory_space<vmem>>, vector<1x16xi32>,
        %mul3A_812 = arith.constant 128 : i32
        %mul3A_813 = arith.muli %scan3A_435, %mul3A_812 : i32
        %add3A_814 = arith.constant 64 : i32
        %add3A_815 = arith.addi %mul3A_813, %add3A_814 : i32
        %get3A_816 = arith.index_cast %add3A_815 : i32 to index
        %get3A_817 = tpu.vector_load %arg12[%get3A_816] {strides = array<i32>} : memref<1408xf32, #tpu.memory_space<vmem>>, vector<16xf32>,
        %get3A_818 = vector.shape_cast %get3A_817 : vector<16xf32> to vector<16xf32>
        %get3A_819 = arith.index_cast %add3A_815 : i32 to index
        %get3A_820 = tpu.vector_load %arg13[%get3A_819] {strides = array<i32>} : memref<1408xf32, #tpu.memory_space<vmem>>, vector<16xf32>,
        %get3A_821 = vector.shape_cast %get3A_820 : vector<16xf32> to vector<16xf32>
        %get3A_822 = arith.index_cast %add3A_815 : i32 to index
        %get3A_823 = tpu.vector_load %arg14[%get3A_822] {strides = array<i32>} : memref<1408xf32, #tpu.memory_space<vmem>>, vector<16xf32>,
        %get3A_824 = vector.shape_cast %get3A_823 : vector<16xf32> to vector<16xf32>
        %sub3A_825 = arith.constant -5.400000e+01 : f32
        %sub3A_826 = vector.broadcast %sub3A_825 : f32 to vector<16xf32>
        %sub3A_827 = arith.subf %get3A_818, %sub3A_826 : vector<16xf32>
        %div3A_828 = arith.constant 3.000000e-01 : f32
        %div3A_829 = vector.broadcast %div3A_828 : f32 to vector<16xf32>
        %div3A_830 = arith.divf %sub3A_827, %div3A_829 : vector<16xf32>
        %convert_element_type3A_831 = arith.fptosi %div3A_830 : vector<16xf32> to vector<16xi32>
        %sub3A_832 = arith.constant -5.400000e+01 : f32
        %sub3A_833 = vector.broadcast %sub3A_832 : f32 to vector<16xf32>
        %sub3A_834 = arith.subf %get3A_821, %sub3A_833 : vector<16xf32>
        %div3A_835 = arith.constant 3.000000e-01 : f32
        %div3A_836 = vector.broadcast %div3A_835 : f32 to vector<16xf32>
        %div3A_837 = arith.divf %sub3A_834, %div3A_836 : vector<16xf32>
        %convert_element_type3A_838 = arith.fptosi %div3A_837 : vector<16xf32> to vector<16xi32>
        %sub3A_839 = arith.constant -1.000000e+01 : f32
        %sub3A_840 = vector.broadcast %sub3A_839 : f32 to vector<16xf32>
        %sub3A_841 = arith.subf %get3A_824, %sub3A_840 : vector<16xf32>
        %div3A_842 = arith.constant 2.000000e+01 : f32
        %div3A_843 = vector.broadcast %div3A_842 : f32 to vector<16xf32>
        %div3A_844 = arith.divf %sub3A_841, %div3A_843 : vector<16xf32>
        %convert_element_type3A_845 = arith.fptosi %div3A_844 : vector<16xf32> to vector<16xi32>
        %ge3A_846 = arith.constant 0 : i32
        %ge3A_847 = vector.broadcast %ge3A_846 : i32 to vector<16xi32>
        %ge3A_848 = arith.cmpi sge, %convert_element_type3A_831, %ge3A_847 : vector<16xi32>
        %lt3A_849 = arith.constant 360 : i32
        %lt3A_850 = vector.broadcast %lt3A_849 : i32 to vector<16xi32>
        %lt3A_851 = arith.cmpi slt, %convert_element_type3A_831, %lt3A_850 : vector<16xi32>
        %and3A_852 = arith.andi %ge3A_848, %lt3A_851 : vector<16xi1>
        %ge3A_853 = arith.constant 0 : i32
        %ge3A_854 = vector.broadcast %ge3A_853 : i32 to vector<16xi32>
        %ge3A_855 = arith.cmpi sge, %convert_element_type3A_838, %ge3A_854 : vector<16xi32>
        %and3A_856 = arith.andi %and3A_852, %ge3A_855 : vector<16xi1>
        %lt3A_857 = arith.constant 360 : i32
        %lt3A_858 = vector.broadcast %lt3A_857 : i32 to vector<16xi32>
        %lt3A_859 = arith.cmpi slt, %convert_element_type3A_838, %lt3A_858 : vector<16xi32>
        %and3A_860 = arith.andi %and3A_856, %lt3A_859 : vector<16xi1>
        %ge3A_861 = arith.constant 0 : i32
        %ge3A_862 = vector.broadcast %ge3A_861 : i32 to vector<16xi32>
        %ge3A_863 = arith.cmpi sge, %convert_element_type3A_845, %ge3A_862 : vector<16xi32>
        %and3A_864 = arith.andi %and3A_860, %ge3A_863 : vector<16xi1>
        %lt3A_865 = arith.constant 1 : i32
        %lt3A_866 = vector.broadcast %lt3A_865 : i32 to vector<16xi32>
        %lt3A_867 = arith.cmpi slt, %convert_element_type3A_845, %lt3A_866 : vector<16xi32>
        %and3A_868 = arith.andi %and3A_864, %lt3A_867 : vector<16xi1>
        %mul3A_869 = arith.constant 360 : i32
        %mul3A_870 = vector.broadcast %mul3A_869 : i32 to vector<16xi32>
        %mul3A_871 = arith.muli %convert_element_type3A_831, %mul3A_870 : vector<16xi32>
        %add3A_872 = arith.addi %mul3A_871, %convert_element_type3A_838 : vector<16xi32>
        %sub3A_873 = vector.broadcast %mul3A_5 : i32 to vector<16xi32>
        %sub3A_874 = arith.subi %add3A_872, %sub3A_873 : vector<16xi32>
        %ge3A_875 = arith.constant 0 : i32
        %ge3A_876 = vector.broadcast %ge3A_875 : i32 to vector<16xi32>
        %ge3A_877 = arith.cmpi sge, %sub3A_874, %ge3A_876 : vector<16xi32>
        %and3A_878 = arith.andi %and3A_868, %ge3A_877 : vector<16xi1>
        %lt3A_879 = arith.constant 64800 : i32
        %lt3A_880 = vector.broadcast %lt3A_879 : i32 to vector<16xi32>
        %lt3A_881 = arith.cmpi slt, %sub3A_874, %lt3A_880 : vector<16xi32>
        %and3A_882 = arith.andi %and3A_878, %lt3A_881 : vector<16xi1>
        %jit3A_883 = arith.constant 176 : i32
        %eq3A_884 = arith.constant 0 : i32
        %eq3A_885 = arith.cmpi eq, %jit3A_883, %eq3A_884 : i32
        %jit3A_886 = arith.constant 1 : i32
        %select_n3A_887 = arith.select %eq3A_885, %jit3A_886, %jit3A_883 : i32
        %rem3A_888 = arith.remsi %add3A_815, %select_n3A_887 : i32
        %ne3A_889 = arith.constant 0 : i32
        %ne3A_890 = arith.cmpi ne, %rem3A_888, %ne3A_889 : i32
        %lt3A_891 = arith.constant 0 : i32
        %lt3A_892 = arith.cmpi slt, %rem3A_888, %lt3A_891 : i32
        %lt3A_893 = arith.constant 0 : i32
        %lt3A_894 = arith.cmpi slt, %select_n3A_887, %lt3A_893 : i32
        %ne3A_895 = arith.xori %lt3A_892, %lt3A_894 : i1
        %and3A_896 = arith.andi %ne3A_895, %ne3A_890 : i1
        %add3A_897 = arith.addi %rem3A_888, %select_n3A_887 : i32
        %select_n3A_898 = arith.select %and3A_896, %add3A_897, %rem3A_888 : i32
        %add3A_899 = arith.constant 64800 : i32
        %add3A_900 = arith.addi %add3A_899, %select_n3A_898 : i32
        %add3A_901 = vector.broadcast %add3A_900 : i32 to vector<16xi32>
        %add3A_902 = arith.addi %add3A_901, %iota3A : vector<16xi32>
        %select_n3A_903 = arith.select %and3A_882, %sub3A_874, %add3A_902 : vector<16xi1>, vector<16xi32>
        %swap3A_904 = arith.index_cast %scan3A_435 : i32 to index
        %swap3A_905 = arith.constant 64 : index
        %swap3A_906 = tpu.vector_load %arg10[%swap3A_904, %swap3A_905] {strides = array<i32>} : memref<11x128xi32, #tpu.memory_space<vmem>>, vector<1x16xi32>,
        %swap3A_907 = vector.shape_cast %swap3A_906 : vector<1x16xi32> to vector<16xi32>
        %swap3A_908 = vector.shape_cast %select_n3A_903 : vector<16xi32> to vector<1x16xi32>
        tpu.vector_store %arg10[%swap3A_904, %swap3A_905], %swap3A_908 {strides = array<i32>} : memref<11x128xi32, #tpu.memory_space<vmem>>, vector<1x16xi32>,
        %mul3A_909 = arith.constant 128 : i32
        %mul3A_910 = arith.muli %scan3A_435, %mul3A_909 : i32
        %add3A_911 = arith.constant 80 : i32
        %add3A_912 = arith.addi %mul3A_910, %add3A_911 : i32
        %get3A_913 = arith.index_cast %add3A_912 : i32 to index
        %get3A_914 = tpu.vector_load %arg12[%get3A_913] {strides = array<i32>} : memref<1408xf32, #tpu.memory_space<vmem>>, vector<16xf32>,
        %get3A_915 = vector.shape_cast %get3A_914 : vector<16xf32> to vector<16xf32>
        %get3A_916 = arith.index_cast %add3A_912 : i32 to index
        %get3A_917 = tpu.vector_load %arg13[%get3A_916] {strides = array<i32>} : memref<1408xf32, #tpu.memory_space<vmem>>, vector<16xf32>,
        %get3A_918 = vector.shape_cast %get3A_917 : vector<16xf32> to vector<16xf32>
        %get3A_919 = arith.index_cast %add3A_912 : i32 to index
        %get3A_920 = tpu.vector_load %arg14[%get3A_919] {strides = array<i32>} : memref<1408xf32, #tpu.memory_space<vmem>>, vector<16xf32>,
        %get3A_921 = vector.shape_cast %get3A_920 : vector<16xf32> to vector<16xf32>
        %sub3A_922 = arith.constant -5.400000e+01 : f32
        %sub3A_923 = vector.broadcast %sub3A_922 : f32 to vector<16xf32>
        %sub3A_924 = arith.subf %get3A_915, %sub3A_923 : vector<16xf32>
        %div3A_925 = arith.constant 3.000000e-01 : f32
        %div3A_926 = vector.broadcast %div3A_925 : f32 to vector<16xf32>
        %div3A_927 = arith.divf %sub3A_924, %div3A_926 : vector<16xf32>
        %convert_element_type3A_928 = arith.fptosi %div3A_927 : vector<16xf32> to vector<16xi32>
        %sub3A_929 = arith.constant -5.400000e+01 : f32
        %sub3A_930 = vector.broadcast %sub3A_929 : f32 to vector<16xf32>
        %sub3A_931 = arith.subf %get3A_918, %sub3A_930 : vector<16xf32>
        %div3A_932 = arith.constant 3.000000e-01 : f32
        %div3A_933 = vector.broadcast %div3A_932 : f32 to vector<16xf32>
        %div3A_934 = arith.divf %sub3A_931, %div3A_933 : vector<16xf32>
        %convert_element_type3A_935 = arith.fptosi %div3A_934 : vector<16xf32> to vector<16xi32>
        %sub3A_936 = arith.constant -1.000000e+01 : f32
        %sub3A_937 = vector.broadcast %sub3A_936 : f32 to vector<16xf32>
        %sub3A_938 = arith.subf %get3A_921, %sub3A_937 : vector<16xf32>
        %div3A_939 = arith.constant 2.000000e+01 : f32
        %div3A_940 = vector.broadcast %div3A_939 : f32 to vector<16xf32>
        %div3A_941 = arith.divf %sub3A_938, %div3A_940 : vector<16xf32>
        %convert_element_type3A_942 = arith.fptosi %div3A_941 : vector<16xf32> to vector<16xi32>
        %ge3A_943 = arith.constant 0 : i32
        %ge3A_944 = vector.broadcast %ge3A_943 : i32 to vector<16xi32>
        %ge3A_945 = arith.cmpi sge, %convert_element_type3A_928, %ge3A_944 : vector<16xi32>
        %lt3A_946 = arith.constant 360 : i32
        %lt3A_947 = vector.broadcast %lt3A_946 : i32 to vector<16xi32>
        %lt3A_948 = arith.cmpi slt, %convert_element_type3A_928, %lt3A_947 : vector<16xi32>
        %and3A_949 = arith.andi %ge3A_945, %lt3A_948 : vector<16xi1>
        %ge3A_950 = arith.constant 0 : i32
        %ge3A_951 = vector.broadcast %ge3A_950 : i32 to vector<16xi32>
        %ge3A_952 = arith.cmpi sge, %convert_element_type3A_935, %ge3A_951 : vector<16xi32>
        %and3A_953 = arith.andi %and3A_949, %ge3A_952 : vector<16xi1>
        %lt3A_954 = arith.constant 360 : i32
        %lt3A_955 = vector.broadcast %lt3A_954 : i32 to vector<16xi32>
        %lt3A_956 = arith.cmpi slt, %convert_element_type3A_935, %lt3A_955 : vector<16xi32>
        %and3A_957 = arith.andi %and3A_953, %lt3A_956 : vector<16xi1>
        %ge3A_958 = arith.constant 0 : i32
        %ge3A_959 = vector.broadcast %ge3A_958 : i32 to vector<16xi32>
        %ge3A_960 = arith.cmpi sge, %convert_element_type3A_942, %ge3A_959 : vector<16xi32>
        %and3A_961 = arith.andi %and3A_957, %ge3A_960 : vector<16xi1>
        %lt3A_962 = arith.constant 1 : i32
        %lt3A_963 = vector.broadcast %lt3A_962 : i32 to vector<16xi32>
        %lt3A_964 = arith.cmpi slt, %convert_element_type3A_942, %lt3A_963 : vector<16xi32>
        %and3A_965 = arith.andi %and3A_961, %lt3A_964 : vector<16xi1>
        %mul3A_966 = arith.constant 360 : i32
        %mul3A_967 = vector.broadcast %mul3A_966 : i32 to vector<16xi32>
        %mul3A_968 = arith.muli %convert_element_type3A_928, %mul3A_967 : vector<16xi32>
        %add3A_969 = arith.addi %mul3A_968, %convert_element_type3A_935 : vector<16xi32>
        %sub3A_970 = vector.broadcast %mul3A_5 : i32 to vector<16xi32>
        %sub3A_971 = arith.subi %add3A_969, %sub3A_970 : vector<16xi32>
        %ge3A_972 = arith.constant 0 : i32
        %ge3A_973 = vector.broadcast %ge3A_972 : i32 to vector<16xi32>
        %ge3A_974 = arith.cmpi sge, %sub3A_971, %ge3A_973 : vector<16xi32>
        %and3A_975 = arith.andi %and3A_965, %ge3A_974 : vector<16xi1>
        %lt3A_976 = arith.constant 64800 : i32
        %lt3A_977 = vector.broadcast %lt3A_976 : i32 to vector<16xi32>
        %lt3A_978 = arith.cmpi slt, %sub3A_971, %lt3A_977 : vector<16xi32>
        %and3A_979 = arith.andi %and3A_975, %lt3A_978 : vector<16xi1>
        %jit3A_980 = arith.constant 176 : i32
        %eq3A_981 = arith.constant 0 : i32
        %eq3A_982 = arith.cmpi eq, %jit3A_980, %eq3A_981 : i32
        %jit3A_983 = arith.constant 1 : i32
        %select_n3A_984 = arith.select %eq3A_982, %jit3A_983, %jit3A_980 : i32
        %rem3A_985 = arith.remsi %add3A_912, %select_n3A_984 : i32
        %ne3A_986 = arith.constant 0 : i32
        %ne3A_987 = arith.cmpi ne, %rem3A_985, %ne3A_986 : i32
        %lt3A_988 = arith.constant 0 : i32
        %lt3A_989 = arith.cmpi slt, %rem3A_985, %lt3A_988 : i32
        %lt3A_990 = arith.constant 0 : i32
        %lt3A_991 = arith.cmpi slt, %select_n3A_984, %lt3A_990 : i32
        %ne3A_992 = arith.xori %lt3A_989, %lt3A_991 : i1
        %and3A_993 = arith.andi %ne3A_992, %ne3A_987 : i1
        %add3A_994 = arith.addi %rem3A_985, %select_n3A_984 : i32
        %select_n3A_995 = arith.select %and3A_993, %add3A_994, %rem3A_985 : i32
        %add3A_996 = arith.constant 64800 : i32
        %add3A_997 = arith.addi %add3A_996, %select_n3A_995 : i32
        %add3A_998 = vector.broadcast %add3A_997 : i32 to vector<16xi32>
        %add3A_999 = arith.addi %add3A_998, %iota3A : vector<16xi32>
        %select_n3A_1000 = arith.select %and3A_979, %sub3A_971, %add3A_999 : vector<16xi1>, vector<16xi32>
        %swap3A_1001 = arith.index_cast %scan3A_435 : i32 to index
        %swap3A_1002 = arith.constant 80 : index
        %swap3A_1003 = tpu.vector_load %arg10[%swap3A_1001, %swap3A_1002] {strides = array<i32>} : memref<11x128xi32, #tpu.memory_space<vmem>>, vector<1x16xi32>,
        %swap3A_1004 = vector.shape_cast %swap3A_1003 : vector<1x16xi32> to vector<16xi32>
        %swap3A_1005 = vector.shape_cast %select_n3A_1000 : vector<16xi32> to vector<1x16xi32>
        tpu.vector_store %arg10[%swap3A_1001, %swap3A_1002], %swap3A_1005 {strides = array<i32>} : memref<11x128xi32, #tpu.memory_space<vmem>>, vector<1x16xi32>,
        %mul3A_1006 = arith.constant 128 : i32
        %mul3A_1007 = arith.muli %scan3A_435, %mul3A_1006 : i32
        %add3A_1008 = arith.constant 96 : i32
        %add3A_1009 = arith.addi %mul3A_1007, %add3A_1008 : i32
        %get3A_1010 = arith.index_cast %add3A_1009 : i32 to index
        %get3A_1011 = tpu.vector_load %arg12[%get3A_1010] {strides = array<i32>} : memref<1408xf32, #tpu.memory_space<vmem>>, vector<16xf32>,
        %get3A_1012 = vector.shape_cast %get3A_1011 : vector<16xf32> to vector<16xf32>
        %get3A_1013 = arith.index_cast %add3A_1009 : i32 to index
        %get3A_1014 = tpu.vector_load %arg13[%get3A_1013] {strides = array<i32>} : memref<1408xf32, #tpu.memory_space<vmem>>, vector<16xf32>,
        %get3A_1015 = vector.shape_cast %get3A_1014 : vector<16xf32> to vector<16xf32>
        %get3A_1016 = arith.index_cast %add3A_1009 : i32 to index
        %get3A_1017 = tpu.vector_load %arg14[%get3A_1016] {strides = array<i32>} : memref<1408xf32, #tpu.memory_space<vmem>>, vector<16xf32>,
        %get3A_1018 = vector.shape_cast %get3A_1017 : vector<16xf32> to vector<16xf32>
        %sub3A_1019 = arith.constant -5.400000e+01 : f32
        %sub3A_1020 = vector.broadcast %sub3A_1019 : f32 to vector<16xf32>
        %sub3A_1021 = arith.subf %get3A_1012, %sub3A_1020 : vector<16xf32>
        %div3A_1022 = arith.constant 3.000000e-01 : f32
        %div3A_1023 = vector.broadcast %div3A_1022 : f32 to vector<16xf32>
        %div3A_1024 = arith.divf %sub3A_1021, %div3A_1023 : vector<16xf32>
        %convert_element_type3A_1025 = arith.fptosi %div3A_1024 : vector<16xf32> to vector<16xi32>
        %sub3A_1026 = arith.constant -5.400000e+01 : f32
        %sub3A_1027 = vector.broadcast %sub3A_1026 : f32 to vector<16xf32>
        %sub3A_1028 = arith.subf %get3A_1015, %sub3A_1027 : vector<16xf32>
        %div3A_1029 = arith.constant 3.000000e-01 : f32
        %div3A_1030 = vector.broadcast %div3A_1029 : f32 to vector<16xf32>
        %div3A_1031 = arith.divf %sub3A_1028, %div3A_1030 : vector<16xf32>
        %convert_element_type3A_1032 = arith.fptosi %div3A_1031 : vector<16xf32> to vector<16xi32>
        %sub3A_1033 = arith.constant -1.000000e+01 : f32
        %sub3A_1034 = vector.broadcast %sub3A_1033 : f32 to vector<16xf32>
        %sub3A_1035 = arith.subf %get3A_1018, %sub3A_1034 : vector<16xf32>
        %div3A_1036 = arith.constant 2.000000e+01 : f32
        %div3A_1037 = vector.broadcast %div3A_1036 : f32 to vector<16xf32>
        %div3A_1038 = arith.divf %sub3A_1035, %div3A_1037 : vector<16xf32>
        %convert_element_type3A_1039 = arith.fptosi %div3A_1038 : vector<16xf32> to vector<16xi32>
        %ge3A_1040 = arith.constant 0 : i32
        %ge3A_1041 = vector.broadcast %ge3A_1040 : i32 to vector<16xi32>
        %ge3A_1042 = arith.cmpi sge, %convert_element_type3A_1025, %ge3A_1041 : vector<16xi32>
        %lt3A_1043 = arith.constant 360 : i32
        %lt3A_1044 = vector.broadcast %lt3A_1043 : i32 to vector<16xi32>
        %lt3A_1045 = arith.cmpi slt, %convert_element_type3A_1025, %lt3A_1044 : vector<16xi32>
        %and3A_1046 = arith.andi %ge3A_1042, %lt3A_1045 : vector<16xi1>
        %ge3A_1047 = arith.constant 0 : i32
        %ge3A_1048 = vector.broadcast %ge3A_1047 : i32 to vector<16xi32>
        %ge3A_1049 = arith.cmpi sge, %convert_element_type3A_1032, %ge3A_1048 : vector<16xi32>
        %and3A_1050 = arith.andi %and3A_1046, %ge3A_1049 : vector<16xi1>
        %lt3A_1051 = arith.constant 360 : i32
        %lt3A_1052 = vector.broadcast %lt3A_1051 : i32 to vector<16xi32>
        %lt3A_1053 = arith.cmpi slt, %convert_element_type3A_1032, %lt3A_1052 : vector<16xi32>
        %and3A_1054 = arith.andi %and3A_1050, %lt3A_1053 : vector<16xi1>
        %ge3A_1055 = arith.constant 0 : i32
        %ge3A_1056 = vector.broadcast %ge3A_1055 : i32 to vector<16xi32>
        %ge3A_1057 = arith.cmpi sge, %convert_element_type3A_1039, %ge3A_1056 : vector<16xi32>
        %and3A_1058 = arith.andi %and3A_1054, %ge3A_1057 : vector<16xi1>
        %lt3A_1059 = arith.constant 1 : i32
        %lt3A_1060 = vector.broadcast %lt3A_1059 : i32 to vector<16xi32>
        %lt3A_1061 = arith.cmpi slt, %convert_element_type3A_1039, %lt3A_1060 : vector<16xi32>
        %and3A_1062 = arith.andi %and3A_1058, %lt3A_1061 : vector<16xi1>
        %mul3A_1063 = arith.constant 360 : i32
        %mul3A_1064 = vector.broadcast %mul3A_1063 : i32 to vector<16xi32>
        %mul3A_1065 = arith.muli %convert_element_type3A_1025, %mul3A_1064 : vector<16xi32>
        %add3A_1066 = arith.addi %mul3A_1065, %convert_element_type3A_1032 : vector<16xi32>
        %sub3A_1067 = vector.broadcast %mul3A_5 : i32 to vector<16xi32>
        %sub3A_1068 = arith.subi %add3A_1066, %sub3A_1067 : vector<16xi32>
        %ge3A_1069 = arith.constant 0 : i32
        %ge3A_1070 = vector.broadcast %ge3A_1069 : i32 to vector<16xi32>
        %ge3A_1071 = arith.cmpi sge, %sub3A_1068, %ge3A_1070 : vector<16xi32>
        %and3A_1072 = arith.andi %and3A_1062, %ge3A_1071 : vector<16xi1>
        %lt3A_1073 = arith.constant 64800 : i32
        %lt3A_1074 = vector.broadcast %lt3A_1073 : i32 to vector<16xi32>
        %lt3A_1075 = arith.cmpi slt, %sub3A_1068, %lt3A_1074 : vector<16xi32>
        %and3A_1076 = arith.andi %and3A_1072, %lt3A_1075 : vector<16xi1>
        %jit3A_1077 = arith.constant 176 : i32
        %eq3A_1078 = arith.constant 0 : i32
        %eq3A_1079 = arith.cmpi eq, %jit3A_1077, %eq3A_1078 : i32
        %jit3A_1080 = arith.constant 1 : i32
        %select_n3A_1081 = arith.select %eq3A_1079, %jit3A_1080, %jit3A_1077 : i32
        %rem3A_1082 = arith.remsi %add3A_1009, %select_n3A_1081 : i32
        %ne3A_1083 = arith.constant 0 : i32
        %ne3A_1084 = arith.cmpi ne, %rem3A_1082, %ne3A_1083 : i32
        %lt3A_1085 = arith.constant 0 : i32
        %lt3A_1086 = arith.cmpi slt, %rem3A_1082, %lt3A_1085 : i32
        %lt3A_1087 = arith.constant 0 : i32
        %lt3A_1088 = arith.cmpi slt, %select_n3A_1081, %lt3A_1087 : i32
        %ne3A_1089 = arith.xori %lt3A_1086, %lt3A_1088 : i1
        %and3A_1090 = arith.andi %ne3A_1089, %ne3A_1084 : i1
        %add3A_1091 = arith.addi %rem3A_1082, %select_n3A_1081 : i32
        %select_n3A_1092 = arith.select %and3A_1090, %add3A_1091, %rem3A_1082 : i32
        %add3A_1093 = arith.constant 64800 : i32
        %add3A_1094 = arith.addi %add3A_1093, %select_n3A_1092 : i32
        %add3A_1095 = vector.broadcast %add3A_1094 : i32 to vector<16xi32>
        %add3A_1096 = arith.addi %add3A_1095, %iota3A : vector<16xi32>
        %select_n3A_1097 = arith.select %and3A_1076, %sub3A_1068, %add3A_1096 : vector<16xi1>, vector<16xi32>
        %swap3A_1098 = arith.index_cast %scan3A_435 : i32 to index
        %swap3A_1099 = arith.constant 96 : index
        %swap3A_1100 = tpu.vector_load %arg10[%swap3A_1098, %swap3A_1099] {strides = array<i32>} : memref<11x128xi32, #tpu.memory_space<vmem>>, vector<1x16xi32>,
        %swap3A_1101 = vector.shape_cast %swap3A_1100 : vector<1x16xi32> to vector<16xi32>
        %swap3A_1102 = vector.shape_cast %select_n3A_1097 : vector<16xi32> to vector<1x16xi32>
        tpu.vector_store %arg10[%swap3A_1098, %swap3A_1099], %swap3A_1102 {strides = array<i32>} : memref<11x128xi32, #tpu.memory_space<vmem>>, vector<1x16xi32>,
        %mul3A_1103 = arith.constant 128 : i32
        %mul3A_1104 = arith.muli %scan3A_435, %mul3A_1103 : i32
        %add3A_1105 = arith.constant 112 : i32
        %add3A_1106 = arith.addi %mul3A_1104, %add3A_1105 : i32
        %get3A_1107 = arith.index_cast %add3A_1106 : i32 to index
        %get3A_1108 = tpu.vector_load %arg12[%get3A_1107] {strides = array<i32>} : memref<1408xf32, #tpu.memory_space<vmem>>, vector<16xf32>,
        %get3A_1109 = vector.shape_cast %get3A_1108 : vector<16xf32> to vector<16xf32>
        %get3A_1110 = arith.index_cast %add3A_1106 : i32 to index
        %get3A_1111 = tpu.vector_load %arg13[%get3A_1110] {strides = array<i32>} : memref<1408xf32, #tpu.memory_space<vmem>>, vector<16xf32>,
        %get3A_1112 = vector.shape_cast %get3A_1111 : vector<16xf32> to vector<16xf32>
        %get3A_1113 = arith.index_cast %add3A_1106 : i32 to index
        %get3A_1114 = tpu.vector_load %arg14[%get3A_1113] {strides = array<i32>} : memref<1408xf32, #tpu.memory_space<vmem>>, vector<16xf32>,
        %get3A_1115 = vector.shape_cast %get3A_1114 : vector<16xf32> to vector<16xf32>
        %sub3A_1116 = arith.constant -5.400000e+01 : f32
        %sub3A_1117 = vector.broadcast %sub3A_1116 : f32 to vector<16xf32>
        %sub3A_1118 = arith.subf %get3A_1109, %sub3A_1117 : vector<16xf32>
        %div3A_1119 = arith.constant 3.000000e-01 : f32
        %div3A_1120 = vector.broadcast %div3A_1119 : f32 to vector<16xf32>
        %div3A_1121 = arith.divf %sub3A_1118, %div3A_1120 : vector<16xf32>
        %convert_element_type3A_1122 = arith.fptosi %div3A_1121 : vector<16xf32> to vector<16xi32>
        %sub3A_1123 = arith.constant -5.400000e+01 : f32
        %sub3A_1124 = vector.broadcast %sub3A_1123 : f32 to vector<16xf32>
        %sub3A_1125 = arith.subf %get3A_1112, %sub3A_1124 : vector<16xf32>
        %div3A_1126 = arith.constant 3.000000e-01 : f32
        %div3A_1127 = vector.broadcast %div3A_1126 : f32 to vector<16xf32>
        %div3A_1128 = arith.divf %sub3A_1125, %div3A_1127 : vector<16xf32>
        %convert_element_type3A_1129 = arith.fptosi %div3A_1128 : vector<16xf32> to vector<16xi32>
        %sub3A_1130 = arith.constant -1.000000e+01 : f32
        %sub3A_1131 = vector.broadcast %sub3A_1130 : f32 to vector<16xf32>
        %sub3A_1132 = arith.subf %get3A_1115, %sub3A_1131 : vector<16xf32>
        %div3A_1133 = arith.constant 2.000000e+01 : f32
        %div3A_1134 = vector.broadcast %div3A_1133 : f32 to vector<16xf32>
        %div3A_1135 = arith.divf %sub3A_1132, %div3A_1134 : vector<16xf32>
        %convert_element_type3A_1136 = arith.fptosi %div3A_1135 : vector<16xf32> to vector<16xi32>
        %ge3A_1137 = arith.constant 0 : i32
        %ge3A_1138 = vector.broadcast %ge3A_1137 : i32 to vector<16xi32>
        %ge3A_1139 = arith.cmpi sge, %convert_element_type3A_1122, %ge3A_1138 : vector<16xi32>
        %lt3A_1140 = arith.constant 360 : i32
        %lt3A_1141 = vector.broadcast %lt3A_1140 : i32 to vector<16xi32>
        %lt3A_1142 = arith.cmpi slt, %convert_element_type3A_1122, %lt3A_1141 : vector<16xi32>
        %and3A_1143 = arith.andi %ge3A_1139, %lt3A_1142 : vector<16xi1>
        %ge3A_1144 = arith.constant 0 : i32
        %ge3A_1145 = vector.broadcast %ge3A_1144 : i32 to vector<16xi32>
        %ge3A_1146 = arith.cmpi sge, %convert_element_type3A_1129, %ge3A_1145 : vector<16xi32>
        %and3A_1147 = arith.andi %and3A_1143, %ge3A_1146 : vector<16xi1>
        %lt3A_1148 = arith.constant 360 : i32
        %lt3A_1149 = vector.broadcast %lt3A_1148 : i32 to vector<16xi32>
        %lt3A_1150 = arith.cmpi slt, %convert_element_type3A_1129, %lt3A_1149 : vector<16xi32>
        %and3A_1151 = arith.andi %and3A_1147, %lt3A_1150 : vector<16xi1>
        %ge3A_1152 = arith.constant 0 : i32
        %ge3A_1153 = vector.broadcast %ge3A_1152 : i32 to vector<16xi32>
        %ge3A_1154 = arith.cmpi sge, %convert_element_type3A_1136, %ge3A_1153 : vector<16xi32>
        %and3A_1155 = arith.andi %and3A_1151, %ge3A_1154 : vector<16xi1>
        %lt3A_1156 = arith.constant 1 : i32
        %lt3A_1157 = vector.broadcast %lt3A_1156 : i32 to vector<16xi32>
        %lt3A_1158 = arith.cmpi slt, %convert_element_type3A_1136, %lt3A_1157 : vector<16xi32>
        %and3A_1159 = arith.andi %and3A_1155, %lt3A_1158 : vector<16xi1>
        %mul3A_1160 = arith.constant 360 : i32
        %mul3A_1161 = vector.broadcast %mul3A_1160 : i32 to vector<16xi32>
        %mul3A_1162 = arith.muli %convert_element_type3A_1122, %mul3A_1161 : vector<16xi32>
        %add3A_1163 = arith.addi %mul3A_1162, %convert_element_type3A_1129 : vector<16xi32>
        %sub3A_1164 = vector.broadcast %mul3A_5 : i32 to vector<16xi32>
        %sub3A_1165 = arith.subi %add3A_1163, %sub3A_1164 : vector<16xi32>
        %ge3A_1166 = arith.constant 0 : i32
        %ge3A_1167 = vector.broadcast %ge3A_1166 : i32 to vector<16xi32>
        %ge3A_1168 = arith.cmpi sge, %sub3A_1165, %ge3A_1167 : vector<16xi32>
        %and3A_1169 = arith.andi %and3A_1159, %ge3A_1168 : vector<16xi1>
        %lt3A_1170 = arith.constant 64800 : i32
        %lt3A_1171 = vector.broadcast %lt3A_1170 : i32 to vector<16xi32>
        %lt3A_1172 = arith.cmpi slt, %sub3A_1165, %lt3A_1171 : vector<16xi32>
        %and3A_1173 = arith.andi %and3A_1169, %lt3A_1172 : vector<16xi1>
        %jit3A_1174 = arith.constant 176 : i32
        %eq3A_1175 = arith.constant 0 : i32
        %eq3A_1176 = arith.cmpi eq, %jit3A_1174, %eq3A_1175 : i32
        %jit3A_1177 = arith.constant 1 : i32
        %select_n3A_1178 = arith.select %eq3A_1176, %jit3A_1177, %jit3A_1174 : i32
        %rem3A_1179 = arith.remsi %add3A_1106, %select_n3A_1178 : i32
        %ne3A_1180 = arith.constant 0 : i32
        %ne3A_1181 = arith.cmpi ne, %rem3A_1179, %ne3A_1180 : i32
        %lt3A_1182 = arith.constant 0 : i32
        %lt3A_1183 = arith.cmpi slt, %rem3A_1179, %lt3A_1182 : i32
        %lt3A_1184 = arith.constant 0 : i32
        %lt3A_1185 = arith.cmpi slt, %select_n3A_1178, %lt3A_1184 : i32
        %ne3A_1186 = arith.xori %lt3A_1183, %lt3A_1185 : i1
        %and3A_1187 = arith.andi %ne3A_1186, %ne3A_1181 : i1
        %add3A_1188 = arith.addi %rem3A_1179, %select_n3A_1178 : i32
        %select_n3A_1189 = arith.select %and3A_1187, %add3A_1188, %rem3A_1179 : i32
        %add3A_1190 = arith.constant 64800 : i32
        %add3A_1191 = arith.addi %add3A_1190, %select_n3A_1189 : i32
        %add3A_1192 = vector.broadcast %add3A_1191 : i32 to vector<16xi32>
        %add3A_1193 = arith.addi %add3A_1192, %iota3A : vector<16xi32>
        %select_n3A_1194 = arith.select %and3A_1173, %sub3A_1165, %add3A_1193 : vector<16xi1>, vector<16xi32>
        %swap3A_1195 = arith.index_cast %scan3A_435 : i32 to index
        %swap3A_1196 = arith.constant 112 : index
        %swap3A_1197 = tpu.vector_load %arg10[%swap3A_1195, %swap3A_1196] {strides = array<i32>} : memref<11x128xi32, #tpu.memory_space<vmem>>, vector<1x16xi32>,
        %swap3A_1198 = vector.shape_cast %swap3A_1197 : vector<1x16xi32> to vector<16xi32>
        %swap3A_1199 = vector.shape_cast %select_n3A_1194 : vector<16xi32> to vector<1x16xi32>
        tpu.vector_store %arg10[%swap3A_1195, %swap3A_1196], %swap3A_1199 {strides = array<i32>} : memref<11x128xi32, #tpu.memory_space<vmem>>, vector<1x16xi32>,
        %scan3A_1200 = arith.constant 0 : i32
        scf.yield %scan3A_1200 : i32
      }
      %scan3A_207 = arith.constant 11 : i32
      %mul3A_208 = arith.constant 11 : i32
      %mul3A_209 = arith.muli %scan3A_189, %mul3A_208 : i32
      %add3A_210 = arith.addi %mul3A_3, %mul3A_209 : i32
      "tpu.region"() ({
        %run_scoped3A_435 = tpu.sem_alloc : memref<!tpu.dma_semaphore, #tpu.memory_space<semaphore_mem>>
        %dma_start3A_436 = arith.constant 0 : i32
        %dma_start3A_437 = tpu.memref_slice %arg7[%arg0, %add3A_210, %dma_start3A_436] : memref<2x5280x128xi32, #tpu.memory_space<hbm>> -> memref<1x11x128xi32, #tpu.memory_space<hbm>>
        %dma_start3A_438 = tpu.memref_squeeze %dma_start3A_437 : memref<1x11x128xi32, #tpu.memory_space<hbm>> -> memref<11x128xi32, #tpu.memory_space<hbm>>
        %dma_start3A_439 = arith.constant 0 : i32
        %dma_start3A_440 = tpu.memref_slice %arg7[%arg0, %add3A_210, %dma_start3A_439] : memref<2x5280x128xi32, #tpu.memory_space<hbm>> -> memref<1x11x128xi32, #tpu.memory_space<hbm>>
        %dma_start3A_441 = tpu.memref_squeeze %dma_start3A_440 : memref<1x11x128xi32, #tpu.memory_space<hbm>> -> memref<11x128xi32, #tpu.memory_space<hbm>>
        tpu.enqueue_dma source(%arg10 : memref<11x128xi32, #tpu.memory_space<vmem>>) target(%dma_start3A_441 : memref<11x128xi32, #tpu.memory_space<hbm>>) target_semaphore(%run_scoped3A_435 : memref<!tpu.dma_semaphore, #tpu.memory_space<semaphore_mem>>)
        %dma_wait3A_442 = arith.constant 0 : i32
        %dma_wait3A_443 = tpu.memref_slice %arg7[%arg0, %add3A_210, %dma_wait3A_442] : memref<2x5280x128xi32, #tpu.memory_space<hbm>> -> memref<1x11x128xi32, #tpu.memory_space<hbm>>
        %dma_wait3A_444 = tpu.memref_squeeze %dma_wait3A_443 : memref<1x11x128xi32, #tpu.memory_space<hbm>> -> memref<11x128xi32, #tpu.memory_space<hbm>>
        %dma_wait3A_445 = arith.constant 0 : i32
        %dma_wait3A_446 = tpu.memref_slice %arg7[%arg0, %add3A_210, %dma_wait3A_445] : memref<2x5280x128xi32, #tpu.memory_space<hbm>> -> memref<1x11x128xi32, #tpu.memory_space<hbm>>
        %dma_wait3A_447 = tpu.memref_squeeze %dma_wait3A_446 : memref<1x11x128xi32, #tpu.memory_space<hbm>> -> memref<11x128xi32, #tpu.memory_space<hbm>>
        tpu.wait_dma2 semaphore(%run_scoped3A_435 : memref<!tpu.dma_semaphore, #tpu.memory_space<semaphore_mem>>) src(%arg10 : memref<11x128xi32, #tpu.memory_space<vmem>>) dst(%dma_wait3A_447 : memref<11x128xi32, #tpu.memory_space<hbm>>)
        tpu.yield
      }) : () -> ()
      %dma_wait3A = arith.constant 0 : i32
      %dma_wait3A_211 = tpu.memref_slice %arg5[%add3A_196, %dma_wait3A] : memref<675840x64xf32, #tpu.memory_space<hbm>> -> memref<1408x16xf32, #tpu.memory_space<hbm>>
      %dma_wait3A_212 = arith.constant 0 : i32
      %dma_wait3A_213 = tpu.memref_slice %arg5[%add3A_196, %dma_wait3A_212] : memref<675840x64xf32, #tpu.memory_space<hbm>> -> memref<1408x16xf32, #tpu.memory_space<hbm>>
      tpu.wait_dma2 semaphore(%arg16 : memref<!tpu.dma_semaphore, #tpu.memory_space<semaphore_mem>>) src(%dma_wait3A_213 : memref<1408x16xf32, #tpu.memory_space<hbm>>) dst(%arg8 : memref<1408x16xf32, #tpu.memory_space<vmem>>)
      %dma_start3A_214 = arith.constant 0 : i32
      %dma_start3A_215 = arith.constant 0 : i32
      %dma_start3A_216 = arith.constant 0 : i32
      %dma_start3A_217 = tpu.memref_slice %arg8[%dma_start3A_215, %dma_start3A_216] : memref<1408x16xf32, #tpu.memory_space<vmem>> -> memref<128x16xf32, #tpu.memory_space<vmem>>
      %dma_start3A_218 = arith.constant 0 : i32
      %dma_start3A_219 = tpu.memref_slice %arg10[%dma_start3A_214, %dma_start3A_218] : memref<11x128xi32, #tpu.memory_space<vmem>> -> memref<1x128xi32, #tpu.memory_space<vmem>>
      %dma_start3A_220 = tpu.memref_squeeze %dma_start3A_219 : memref<1x128xi32, #tpu.memory_space<vmem>> -> memref<128xi32, #tpu.memory_space<vmem>>
      %dma_start3A_221 = arith.constant 0 : i32
      %dma_start3A_222 = arith.constant 0 : i32
      %dma_start3A_223 = tpu.memref_slice %arg15[%dma_start3A_221, %dma_start3A_222] : memref<64992x16xf32, #tpu.memory_space<vmem_shared>> -> memref<64992x16xf32, #tpu.memory_space<vmem_shared>>
      tpu.enqueue_indirect_dma source(%dma_start3A_217 : memref<128x16xf32, #tpu.memory_space<vmem>>) target(%dma_start3A_223 : memref<64992x16xf32, #tpu.memory_space<vmem_shared>>) offsets(%dma_start3A_220 : memref<128xi32, #tpu.memory_space<vmem>>) semaphore(%arg18 : memref<!tpu.dma_semaphore, #tpu.memory_space<semaphore_mem>>) {add = true}
      %dma_start3A_224 = arith.constant 1 : i32
      %dma_start3A_225 = arith.constant 128 : i32
      %dma_start3A_226 = arith.constant 0 : i32
      %dma_start3A_227 = tpu.memref_slice %arg8[%dma_start3A_225, %dma_start3A_226] : memref<1408x16xf32, #tpu.memory_space<vmem>> -> memref<128x16xf32, #tpu.memory_space<vmem>>
      %dma_start3A_228 = arith.constant 0 : i32
      %dma_start3A_229 = tpu.memref_slice %arg10[%dma_start3A_224, %dma_start3A_228] : memref<11x128xi32, #tpu.memory_space<vmem>> -> memref<1x128xi32, #tpu.memory_space<vmem>>
      %dma_start3A_230 = tpu.memref_squeeze %dma_start3A_229 : memref<1x128xi32, #tpu.memory_space<vmem>> -> memref<128xi32, #tpu.memory_space<vmem>>
      %dma_start3A_231 = arith.constant 0 : i32
      %dma_start3A_232 = arith.constant 0 : i32
      %dma_start3A_233 = tpu.memref_slice %arg15[%dma_start3A_231, %dma_start3A_232] : memref<64992x16xf32, #tpu.memory_space<vmem_shared>> -> memref<64992x16xf32, #tpu.memory_space<vmem_shared>>
      tpu.enqueue_indirect_dma source(%dma_start3A_227 : memref<128x16xf32, #tpu.memory_space<vmem>>) target(%dma_start3A_233 : memref<64992x16xf32, #tpu.memory_space<vmem_shared>>) offsets(%dma_start3A_230 : memref<128xi32, #tpu.memory_space<vmem>>) semaphore(%arg18 : memref<!tpu.dma_semaphore, #tpu.memory_space<semaphore_mem>>) {add = true}
      %dma_start3A_234 = arith.constant 2 : i32
      %dma_start3A_235 = arith.constant 256 : i32
      %dma_start3A_236 = arith.constant 0 : i32
      %dma_start3A_237 = tpu.memref_slice %arg8[%dma_start3A_235, %dma_start3A_236] : memref<1408x16xf32, #tpu.memory_space<vmem>> -> memref<128x16xf32, #tpu.memory_space<vmem>>
      %dma_start3A_238 = arith.constant 0 : i32
      %dma_start3A_239 = tpu.memref_slice %arg10[%dma_start3A_234, %dma_start3A_238] : memref<11x128xi32, #tpu.memory_space<vmem>> -> memref<1x128xi32, #tpu.memory_space<vmem>>
      %dma_start3A_240 = tpu.memref_squeeze %dma_start3A_239 : memref<1x128xi32, #tpu.memory_space<vmem>> -> memref<128xi32, #tpu.memory_space<vmem>>
      %dma_start3A_241 = arith.constant 0 : i32
      %dma_start3A_242 = arith.constant 0 : i32
      %dma_start3A_243 = tpu.memref_slice %arg15[%dma_start3A_241, %dma_start3A_242] : memref<64992x16xf32, #tpu.memory_space<vmem_shared>> -> memref<64992x16xf32, #tpu.memory_space<vmem_shared>>
      tpu.enqueue_indirect_dma source(%dma_start3A_237 : memref<128x16xf32, #tpu.memory_space<vmem>>) target(%dma_start3A_243 : memref<64992x16xf32, #tpu.memory_space<vmem_shared>>) offsets(%dma_start3A_240 : memref<128xi32, #tpu.memory_space<vmem>>) semaphore(%arg18 : memref<!tpu.dma_semaphore, #tpu.memory_space<semaphore_mem>>) {add = true}
      %dma_start3A_244 = arith.constant 3 : i32
      %dma_start3A_245 = arith.constant 384 : i32
      %dma_start3A_246 = arith.constant 0 : i32
      %dma_start3A_247 = tpu.memref_slice %arg8[%dma_start3A_245, %dma_start3A_246] : memref<1408x16xf32, #tpu.memory_space<vmem>> -> memref<128x16xf32, #tpu.memory_space<vmem>>
      %dma_start3A_248 = arith.constant 0 : i32
      %dma_start3A_249 = tpu.memref_slice %arg10[%dma_start3A_244, %dma_start3A_248] : memref<11x128xi32, #tpu.memory_space<vmem>> -> memref<1x128xi32, #tpu.memory_space<vmem>>
      %dma_start3A_250 = tpu.memref_squeeze %dma_start3A_249 : memref<1x128xi32, #tpu.memory_space<vmem>> -> memref<128xi32, #tpu.memory_space<vmem>>
      %dma_start3A_251 = arith.constant 0 : i32
      %dma_start3A_252 = arith.constant 0 : i32
      %dma_start3A_253 = tpu.memref_slice %arg15[%dma_start3A_251, %dma_start3A_252] : memref<64992x16xf32, #tpu.memory_space<vmem_shared>> -> memref<64992x16xf32, #tpu.memory_space<vmem_shared>>
      tpu.enqueue_indirect_dma source(%dma_start3A_247 : memref<128x16xf32, #tpu.memory_space<vmem>>) target(%dma_start3A_253 : memref<64992x16xf32, #tpu.memory_space<vmem_shared>>) offsets(%dma_start3A_250 : memref<128xi32, #tpu.memory_space<vmem>>) semaphore(%arg18 : memref<!tpu.dma_semaphore, #tpu.memory_space<semaphore_mem>>) {add = true}
      %dma_start3A_254 = arith.constant 4 : i32
      %dma_start3A_255 = arith.constant 512 : i32
      %dma_start3A_256 = arith.constant 0 : i32
      %dma_start3A_257 = tpu.memref_slice %arg8[%dma_start3A_255, %dma_start3A_256] : memref<1408x16xf32, #tpu.memory_space<vmem>> -> memref<128x16xf32, #tpu.memory_space<vmem>>
      %dma_start3A_258 = arith.constant 0 : i32
      %dma_start3A_259 = tpu.memref_slice %arg10[%dma_start3A_254, %dma_start3A_258] : memref<11x128xi32, #tpu.memory_space<vmem>> -> memref<1x128xi32, #tpu.memory_space<vmem>>
      %dma_start3A_260 = tpu.memref_squeeze %dma_start3A_259 : memref<1x128xi32, #tpu.memory_space<vmem>> -> memref<128xi32, #tpu.memory_space<vmem>>
      %dma_start3A_261 = arith.constant 0 : i32
      %dma_start3A_262 = arith.constant 0 : i32
      %dma_start3A_263 = tpu.memref_slice %arg15[%dma_start3A_261, %dma_start3A_262] : memref<64992x16xf32, #tpu.memory_space<vmem_shared>> -> memref<64992x16xf32, #tpu.memory_space<vmem_shared>>
      tpu.enqueue_indirect_dma source(%dma_start3A_257 : memref<128x16xf32, #tpu.memory_space<vmem>>) target(%dma_start3A_263 : memref<64992x16xf32, #tpu.memory_space<vmem_shared>>) offsets(%dma_start3A_260 : memref<128xi32, #tpu.memory_space<vmem>>) semaphore(%arg18 : memref<!tpu.dma_semaphore, #tpu.memory_space<semaphore_mem>>) {add = true}
      %dma_start3A_264 = arith.constant 5 : i32
      %dma_start3A_265 = arith.constant 640 : i32
      %dma_start3A_266 = arith.constant 0 : i32
      %dma_start3A_267 = tpu.memref_slice %arg8[%dma_start3A_265, %dma_start3A_266] : memref<1408x16xf32, #tpu.memory_space<vmem>> -> memref<128x16xf32, #tpu.memory_space<vmem>>
      %dma_start3A_268 = arith.constant 0 : i32
      %dma_start3A_269 = tpu.memref_slice %arg10[%dma_start3A_264, %dma_start3A_268] : memref<11x128xi32, #tpu.memory_space<vmem>> -> memref<1x128xi32, #tpu.memory_space<vmem>>
      %dma_start3A_270 = tpu.memref_squeeze %dma_start3A_269 : memref<1x128xi32, #tpu.memory_space<vmem>> -> memref<128xi32, #tpu.memory_space<vmem>>
      %dma_start3A_271 = arith.constant 0 : i32
      %dma_start3A_272 = arith.constant 0 : i32
      %dma_start3A_273 = tpu.memref_slice %arg15[%dma_start3A_271, %dma_start3A_272] : memref<64992x16xf32, #tpu.memory_space<vmem_shared>> -> memref<64992x16xf32, #tpu.memory_space<vmem_shared>>
      tpu.enqueue_indirect_dma source(%dma_start3A_267 : memref<128x16xf32, #tpu.memory_space<vmem>>) target(%dma_start3A_273 : memref<64992x16xf32, #tpu.memory_space<vmem_shared>>) offsets(%dma_start3A_270 : memref<128xi32, #tpu.memory_space<vmem>>) semaphore(%arg18 : memref<!tpu.dma_semaphore, #tpu.memory_space<semaphore_mem>>) {add = true}
      %dma_start3A_274 = arith.constant 6 : i32
      %dma_start3A_275 = arith.constant 768 : i32
      %dma_start3A_276 = arith.constant 0 : i32
      %dma_start3A_277 = tpu.memref_slice %arg8[%dma_start3A_275, %dma_start3A_276] : memref<1408x16xf32, #tpu.memory_space<vmem>> -> memref<128x16xf32, #tpu.memory_space<vmem>>
      %dma_start3A_278 = arith.constant 0 : i32
      %dma_start3A_279 = tpu.memref_slice %arg10[%dma_start3A_274, %dma_start3A_278] : memref<11x128xi32, #tpu.memory_space<vmem>> -> memref<1x128xi32, #tpu.memory_space<vmem>>
      %dma_start3A_280 = tpu.memref_squeeze %dma_start3A_279 : memref<1x128xi32, #tpu.memory_space<vmem>> -> memref<128xi32, #tpu.memory_space<vmem>>
      %dma_start3A_281 = arith.constant 0 : i32
      %dma_start3A_282 = arith.constant 0 : i32
      %dma_start3A_283 = tpu.memref_slice %arg15[%dma_start3A_281, %dma_start3A_282] : memref<64992x16xf32, #tpu.memory_space<vmem_shared>> -> memref<64992x16xf32, #tpu.memory_space<vmem_shared>>
      tpu.enqueue_indirect_dma source(%dma_start3A_277 : memref<128x16xf32, #tpu.memory_space<vmem>>) target(%dma_start3A_283 : memref<64992x16xf32, #tpu.memory_space<vmem_shared>>) offsets(%dma_start3A_280 : memref<128xi32, #tpu.memory_space<vmem>>) semaphore(%arg18 : memref<!tpu.dma_semaphore, #tpu.memory_space<semaphore_mem>>) {add = true}
      %dma_start3A_284 = arith.constant 7 : i32
      %dma_start3A_285 = arith.constant 896 : i32
      %dma_start3A_286 = arith.constant 0 : i32
      %dma_start3A_287 = tpu.memref_slice %arg8[%dma_start3A_285, %dma_start3A_286] : memref<1408x16xf32, #tpu.memory_space<vmem>> -> memref<128x16xf32, #tpu.memory_space<vmem>>
      %dma_start3A_288 = arith.constant 0 : i32
      %dma_start3A_289 = tpu.memref_slice %arg10[%dma_start3A_284, %dma_start3A_288] : memref<11x128xi32, #tpu.memory_space<vmem>> -> memref<1x128xi32, #tpu.memory_space<vmem>>
      %dma_start3A_290 = tpu.memref_squeeze %dma_start3A_289 : memref<1x128xi32, #tpu.memory_space<vmem>> -> memref<128xi32, #tpu.memory_space<vmem>>
      %dma_start3A_291 = arith.constant 0 : i32
      %dma_start3A_292 = arith.constant 0 : i32
      %dma_start3A_293 = tpu.memref_slice %arg15[%dma_start3A_291, %dma_start3A_292] : memref<64992x16xf32, #tpu.memory_space<vmem_shared>> -> memref<64992x16xf32, #tpu.memory_space<vmem_shared>>
      tpu.enqueue_indirect_dma source(%dma_start3A_287 : memref<128x16xf32, #tpu.memory_space<vmem>>) target(%dma_start3A_293 : memref<64992x16xf32, #tpu.memory_space<vmem_shared>>) offsets(%dma_start3A_290 : memref<128xi32, #tpu.memory_space<vmem>>) semaphore(%arg18 : memref<!tpu.dma_semaphore, #tpu.memory_space<semaphore_mem>>) {add = true}
      %dma_start3A_294 = arith.constant 8 : i32
      %dma_start3A_295 = arith.constant 1024 : i32
      %dma_start3A_296 = arith.constant 0 : i32
      %dma_start3A_297 = tpu.memref_slice %arg8[%dma_start3A_295, %dma_start3A_296] : memref<1408x16xf32, #tpu.memory_space<vmem>> -> memref<128x16xf32, #tpu.memory_space<vmem>>
      %dma_start3A_298 = arith.constant 0 : i32
      %dma_start3A_299 = tpu.memref_slice %arg10[%dma_start3A_294, %dma_start3A_298] : memref<11x128xi32, #tpu.memory_space<vmem>> -> memref<1x128xi32, #tpu.memory_space<vmem>>
      %dma_start3A_300 = tpu.memref_squeeze %dma_start3A_299 : memref<1x128xi32, #tpu.memory_space<vmem>> -> memref<128xi32, #tpu.memory_space<vmem>>
      %dma_start3A_301 = arith.constant 0 : i32
      %dma_start3A_302 = arith.constant 0 : i32
      %dma_start3A_303 = tpu.memref_slice %arg15[%dma_start3A_301, %dma_start3A_302] : memref<64992x16xf32, #tpu.memory_space<vmem_shared>> -> memref<64992x16xf32, #tpu.memory_space<vmem_shared>>
      tpu.enqueue_indirect_dma source(%dma_start3A_297 : memref<128x16xf32, #tpu.memory_space<vmem>>) target(%dma_start3A_303 : memref<64992x16xf32, #tpu.memory_space<vmem_shared>>) offsets(%dma_start3A_300 : memref<128xi32, #tpu.memory_space<vmem>>) semaphore(%arg18 : memref<!tpu.dma_semaphore, #tpu.memory_space<semaphore_mem>>) {add = true}
      %dma_start3A_304 = arith.constant 9 : i32
      %dma_start3A_305 = arith.constant 1152 : i32
      %dma_start3A_306 = arith.constant 0 : i32
      %dma_start3A_307 = tpu.memref_slice %arg8[%dma_start3A_305, %dma_start3A_306] : memref<1408x16xf32, #tpu.memory_space<vmem>> -> memref<128x16xf32, #tpu.memory_space<vmem>>
      %dma_start3A_308 = arith.constant 0 : i32
      %dma_start3A_309 = tpu.memref_slice %arg10[%dma_start3A_304, %dma_start3A_308] : memref<11x128xi32, #tpu.memory_space<vmem>> -> memref<1x128xi32, #tpu.memory_space<vmem>>
      %dma_start3A_310 = tpu.memref_squeeze %dma_start3A_309 : memref<1x128xi32, #tpu.memory_space<vmem>> -> memref<128xi32, #tpu.memory_space<vmem>>
      %dma_start3A_311 = arith.constant 0 : i32
      %dma_start3A_312 = arith.constant 0 : i32
      %dma_start3A_313 = tpu.memref_slice %arg15[%dma_start3A_311, %dma_start3A_312] : memref<64992x16xf32, #tpu.memory_space<vmem_shared>> -> memref<64992x16xf32, #tpu.memory_space<vmem_shared>>
      tpu.enqueue_indirect_dma source(%dma_start3A_307 : memref<128x16xf32, #tpu.memory_space<vmem>>) target(%dma_start3A_313 : memref<64992x16xf32, #tpu.memory_space<vmem_shared>>) offsets(%dma_start3A_310 : memref<128xi32, #tpu.memory_space<vmem>>) semaphore(%arg18 : memref<!tpu.dma_semaphore, #tpu.memory_space<semaphore_mem>>) {add = true}
      %dma_start3A_314 = arith.constant 10 : i32
      %dma_start3A_315 = arith.constant 1280 : i32
      %dma_start3A_316 = arith.constant 0 : i32
      %dma_start3A_317 = tpu.memref_slice %arg8[%dma_start3A_315, %dma_start3A_316] : memref<1408x16xf32, #tpu.memory_space<vmem>> -> memref<128x16xf32, #tpu.memory_space<vmem>>
      %dma_start3A_318 = arith.constant 0 : i32
      %dma_start3A_319 = tpu.memref_slice %arg10[%dma_start3A_314, %dma_start3A_318] : memref<11x128xi32, #tpu.memory_space<vmem>> -> memref<1x128xi32, #tpu.memory_space<vmem>>
      %dma_start3A_320 = tpu.memref_squeeze %dma_start3A_319 : memref<1x128xi32, #tpu.memory_space<vmem>> -> memref<128xi32, #tpu.memory_space<vmem>>
      %dma_start3A_321 = arith.constant 0 : i32
      %dma_start3A_322 = arith.constant 0 : i32
      %dma_start3A_323 = tpu.memref_slice %arg15[%dma_start3A_321, %dma_start3A_322] : memref<64992x16xf32, #tpu.memory_space<vmem_shared>> -> memref<64992x16xf32, #tpu.memory_space<vmem_shared>>
      tpu.enqueue_indirect_dma source(%dma_start3A_317 : memref<128x16xf32, #tpu.memory_space<vmem>>) target(%dma_start3A_323 : memref<64992x16xf32, #tpu.memory_space<vmem_shared>>) offsets(%dma_start3A_320 : memref<128xi32, #tpu.memory_space<vmem>>) semaphore(%arg18 : memref<!tpu.dma_semaphore, #tpu.memory_space<semaphore_mem>>) {add = true}
      %dma_wait3A_324 = arith.constant 0 : i32
      %dma_wait3A_325 = arith.constant 0 : i32
      %dma_wait3A_326 = arith.constant 0 : i32
      %dma_wait3A_327 = tpu.memref_slice %arg8[%dma_wait3A_325, %dma_wait3A_326] : memref<1408x16xf32, #tpu.memory_space<vmem>> -> memref<128x16xf32, #tpu.memory_space<vmem>>
      %dma_wait3A_328 = arith.constant 0 : i32
      %dma_wait3A_329 = tpu.memref_slice %arg10[%dma_wait3A_324, %dma_wait3A_328] : memref<11x128xi32, #tpu.memory_space<vmem>> -> memref<1x128xi32, #tpu.memory_space<vmem>>
      %dma_wait3A_330 = tpu.memref_squeeze %dma_wait3A_329 : memref<1x128xi32, #tpu.memory_space<vmem>> -> memref<128xi32, #tpu.memory_space<vmem>>
      %dma_wait3A_331 = arith.constant 0 : i32
      %dma_wait3A_332 = arith.constant 0 : i32
      %dma_wait3A_333 = tpu.memref_slice %arg15[%dma_wait3A_331, %dma_wait3A_332] : memref<64992x16xf32, #tpu.memory_space<vmem_shared>> -> memref<64992x16xf32, #tpu.memory_space<vmem_shared>>
      tpu.wait_indirect_dma semaphore(%arg18 : memref<!tpu.dma_semaphore, #tpu.memory_space<semaphore_mem>>) src(%dma_wait3A_327 : memref<128x16xf32, #tpu.memory_space<vmem>>) dst(%dma_wait3A_333 : memref<64992x16xf32, #tpu.memory_space<vmem_shared>>)
      %dma_wait3A_334 = arith.constant 1 : i32
      %dma_wait3A_335 = arith.constant 128 : i32
      %dma_wait3A_336 = arith.constant 0 : i32
      %dma_wait3A_337 = tpu.memref_slice %arg8[%dma_wait3A_335, %dma_wait3A_336] : memref<1408x16xf32, #tpu.memory_space<vmem>> -> memref<128x16xf32, #tpu.memory_space<vmem>>
      %dma_wait3A_338 = arith.constant 0 : i32
      %dma_wait3A_339 = tpu.memref_slice %arg10[%dma_wait3A_334, %dma_wait3A_338] : memref<11x128xi32, #tpu.memory_space<vmem>> -> memref<1x128xi32, #tpu.memory_space<vmem>>
      %dma_wait3A_340 = tpu.memref_squeeze %dma_wait3A_339 : memref<1x128xi32, #tpu.memory_space<vmem>> -> memref<128xi32, #tpu.memory_space<vmem>>
      %dma_wait3A_341 = arith.constant 0 : i32
      %dma_wait3A_342 = arith.constant 0 : i32
      %dma_wait3A_343 = tpu.memref_slice %arg15[%dma_wait3A_341, %dma_wait3A_342] : memref<64992x16xf32, #tpu.memory_space<vmem_shared>> -> memref<64992x16xf32, #tpu.memory_space<vmem_shared>>
      tpu.wait_indirect_dma semaphore(%arg18 : memref<!tpu.dma_semaphore, #tpu.memory_space<semaphore_mem>>) src(%dma_wait3A_337 : memref<128x16xf32, #tpu.memory_space<vmem>>) dst(%dma_wait3A_343 : memref<64992x16xf32, #tpu.memory_space<vmem_shared>>)
      %dma_wait3A_344 = arith.constant 2 : i32
      %dma_wait3A_345 = arith.constant 256 : i32
      %dma_wait3A_346 = arith.constant 0 : i32
      %dma_wait3A_347 = tpu.memref_slice %arg8[%dma_wait3A_345, %dma_wait3A_346] : memref<1408x16xf32, #tpu.memory_space<vmem>> -> memref<128x16xf32, #tpu.memory_space<vmem>>
      %dma_wait3A_348 = arith.constant 0 : i32
      %dma_wait3A_349 = tpu.memref_slice %arg10[%dma_wait3A_344, %dma_wait3A_348] : memref<11x128xi32, #tpu.memory_space<vmem>> -> memref<1x128xi32, #tpu.memory_space<vmem>>
      %dma_wait3A_350 = tpu.memref_squeeze %dma_wait3A_349 : memref<1x128xi32, #tpu.memory_space<vmem>> -> memref<128xi32, #tpu.memory_space<vmem>>
      %dma_wait3A_351 = arith.constant 0 : i32
      %dma_wait3A_352 = arith.constant 0 : i32
      %dma_wait3A_353 = tpu.memref_slice %arg15[%dma_wait3A_351, %dma_wait3A_352] : memref<64992x16xf32, #tpu.memory_space<vmem_shared>> -> memref<64992x16xf32, #tpu.memory_space<vmem_shared>>
      tpu.wait_indirect_dma semaphore(%arg18 : memref<!tpu.dma_semaphore, #tpu.memory_space<semaphore_mem>>) src(%dma_wait3A_347 : memref<128x16xf32, #tpu.memory_space<vmem>>) dst(%dma_wait3A_353 : memref<64992x16xf32, #tpu.memory_space<vmem_shared>>)
      %dma_wait3A_354 = arith.constant 3 : i32
      %dma_wait3A_355 = arith.constant 384 : i32
      %dma_wait3A_356 = arith.constant 0 : i32
      %dma_wait3A_357 = tpu.memref_slice %arg8[%dma_wait3A_355, %dma_wait3A_356] : memref<1408x16xf32, #tpu.memory_space<vmem>> -> memref<128x16xf32, #tpu.memory_space<vmem>>
      %dma_wait3A_358 = arith.constant 0 : i32
      %dma_wait3A_359 = tpu.memref_slice %arg10[%dma_wait3A_354, %dma_wait3A_358] : memref<11x128xi32, #tpu.memory_space<vmem>> -> memref<1x128xi32, #tpu.memory_space<vmem>>
      %dma_wait3A_360 = tpu.memref_squeeze %dma_wait3A_359 : memref<1x128xi32, #tpu.memory_space<vmem>> -> memref<128xi32, #tpu.memory_space<vmem>>
      %dma_wait3A_361 = arith.constant 0 : i32
      %dma_wait3A_362 = arith.constant 0 : i32
      %dma_wait3A_363 = tpu.memref_slice %arg15[%dma_wait3A_361, %dma_wait3A_362] : memref<64992x16xf32, #tpu.memory_space<vmem_shared>> -> memref<64992x16xf32, #tpu.memory_space<vmem_shared>>
      tpu.wait_indirect_dma semaphore(%arg18 : memref<!tpu.dma_semaphore, #tpu.memory_space<semaphore_mem>>) src(%dma_wait3A_357 : memref<128x16xf32, #tpu.memory_space<vmem>>) dst(%dma_wait3A_363 : memref<64992x16xf32, #tpu.memory_space<vmem_shared>>)
      %dma_wait3A_364 = arith.constant 4 : i32
      %dma_wait3A_365 = arith.constant 512 : i32
      %dma_wait3A_366 = arith.constant 0 : i32
      %dma_wait3A_367 = tpu.memref_slice %arg8[%dma_wait3A_365, %dma_wait3A_366] : memref<1408x16xf32, #tpu.memory_space<vmem>> -> memref<128x16xf32, #tpu.memory_space<vmem>>
      %dma_wait3A_368 = arith.constant 0 : i32
      %dma_wait3A_369 = tpu.memref_slice %arg10[%dma_wait3A_364, %dma_wait3A_368] : memref<11x128xi32, #tpu.memory_space<vmem>> -> memref<1x128xi32, #tpu.memory_space<vmem>>
      %dma_wait3A_370 = tpu.memref_squeeze %dma_wait3A_369 : memref<1x128xi32, #tpu.memory_space<vmem>> -> memref<128xi32, #tpu.memory_space<vmem>>
      %dma_wait3A_371 = arith.constant 0 : i32
      %dma_wait3A_372 = arith.constant 0 : i32
      %dma_wait3A_373 = tpu.memref_slice %arg15[%dma_wait3A_371, %dma_wait3A_372] : memref<64992x16xf32, #tpu.memory_space<vmem_shared>> -> memref<64992x16xf32, #tpu.memory_space<vmem_shared>>
      tpu.wait_indirect_dma semaphore(%arg18 : memref<!tpu.dma_semaphore, #tpu.memory_space<semaphore_mem>>) src(%dma_wait3A_367 : memref<128x16xf32, #tpu.memory_space<vmem>>) dst(%dma_wait3A_373 : memref<64992x16xf32, #tpu.memory_space<vmem_shared>>)
      %dma_wait3A_374 = arith.constant 5 : i32
      %dma_wait3A_375 = arith.constant 640 : i32
      %dma_wait3A_376 = arith.constant 0 : i32
      %dma_wait3A_377 = tpu.memref_slice %arg8[%dma_wait3A_375, %dma_wait3A_376] : memref<1408x16xf32, #tpu.memory_space<vmem>> -> memref<128x16xf32, #tpu.memory_space<vmem>>
      %dma_wait3A_378 = arith.constant 0 : i32
      %dma_wait3A_379 = tpu.memref_slice %arg10[%dma_wait3A_374, %dma_wait3A_378] : memref<11x128xi32, #tpu.memory_space<vmem>> -> memref<1x128xi32, #tpu.memory_space<vmem>>
      %dma_wait3A_380 = tpu.memref_squeeze %dma_wait3A_379 : memref<1x128xi32, #tpu.memory_space<vmem>> -> memref<128xi32, #tpu.memory_space<vmem>>
      %dma_wait3A_381 = arith.constant 0 : i32
      %dma_wait3A_382 = arith.constant 0 : i32
      %dma_wait3A_383 = tpu.memref_slice %arg15[%dma_wait3A_381, %dma_wait3A_382] : memref<64992x16xf32, #tpu.memory_space<vmem_shared>> -> memref<64992x16xf32, #tpu.memory_space<vmem_shared>>
      tpu.wait_indirect_dma semaphore(%arg18 : memref<!tpu.dma_semaphore, #tpu.memory_space<semaphore_mem>>) src(%dma_wait3A_377 : memref<128x16xf32, #tpu.memory_space<vmem>>) dst(%dma_wait3A_383 : memref<64992x16xf32, #tpu.memory_space<vmem_shared>>)
      %dma_wait3A_384 = arith.constant 6 : i32
      %dma_wait3A_385 = arith.constant 768 : i32
      %dma_wait3A_386 = arith.constant 0 : i32
      %dma_wait3A_387 = tpu.memref_slice %arg8[%dma_wait3A_385, %dma_wait3A_386] : memref<1408x16xf32, #tpu.memory_space<vmem>> -> memref<128x16xf32, #tpu.memory_space<vmem>>
      %dma_wait3A_388 = arith.constant 0 : i32
      %dma_wait3A_389 = tpu.memref_slice %arg10[%dma_wait3A_384, %dma_wait3A_388] : memref<11x128xi32, #tpu.memory_space<vmem>> -> memref<1x128xi32, #tpu.memory_space<vmem>>
      %dma_wait3A_390 = tpu.memref_squeeze %dma_wait3A_389 : memref<1x128xi32, #tpu.memory_space<vmem>> -> memref<128xi32, #tpu.memory_space<vmem>>
      %dma_wait3A_391 = arith.constant 0 : i32
      %dma_wait3A_392 = arith.constant 0 : i32
      %dma_wait3A_393 = tpu.memref_slice %arg15[%dma_wait3A_391, %dma_wait3A_392] : memref<64992x16xf32, #tpu.memory_space<vmem_shared>> -> memref<64992x16xf32, #tpu.memory_space<vmem_shared>>
      tpu.wait_indirect_dma semaphore(%arg18 : memref<!tpu.dma_semaphore, #tpu.memory_space<semaphore_mem>>) src(%dma_wait3A_387 : memref<128x16xf32, #tpu.memory_space<vmem>>) dst(%dma_wait3A_393 : memref<64992x16xf32, #tpu.memory_space<vmem_shared>>)
      %dma_wait3A_394 = arith.constant 7 : i32
      %dma_wait3A_395 = arith.constant 896 : i32
      %dma_wait3A_396 = arith.constant 0 : i32
      %dma_wait3A_397 = tpu.memref_slice %arg8[%dma_wait3A_395, %dma_wait3A_396] : memref<1408x16xf32, #tpu.memory_space<vmem>> -> memref<128x16xf32, #tpu.memory_space<vmem>>
      %dma_wait3A_398 = arith.constant 0 : i32
      %dma_wait3A_399 = tpu.memref_slice %arg10[%dma_wait3A_394, %dma_wait3A_398] : memref<11x128xi32, #tpu.memory_space<vmem>> -> memref<1x128xi32, #tpu.memory_space<vmem>>
      %dma_wait3A_400 = tpu.memref_squeeze %dma_wait3A_399 : memref<1x128xi32, #tpu.memory_space<vmem>> -> memref<128xi32, #tpu.memory_space<vmem>>
      %dma_wait3A_401 = arith.constant 0 : i32
      %dma_wait3A_402 = arith.constant 0 : i32
      %dma_wait3A_403 = tpu.memref_slice %arg15[%dma_wait3A_401, %dma_wait3A_402] : memref<64992x16xf32, #tpu.memory_space<vmem_shared>> -> memref<64992x16xf32, #tpu.memory_space<vmem_shared>>
      tpu.wait_indirect_dma semaphore(%arg18 : memref<!tpu.dma_semaphore, #tpu.memory_space<semaphore_mem>>) src(%dma_wait3A_397 : memref<128x16xf32, #tpu.memory_space<vmem>>) dst(%dma_wait3A_403 : memref<64992x16xf32, #tpu.memory_space<vmem_shared>>)
      %dma_wait3A_404 = arith.constant 8 : i32
      %dma_wait3A_405 = arith.constant 1024 : i32
      %dma_wait3A_406 = arith.constant 0 : i32
      %dma_wait3A_407 = tpu.memref_slice %arg8[%dma_wait3A_405, %dma_wait3A_406] : memref<1408x16xf32, #tpu.memory_space<vmem>> -> memref<128x16xf32, #tpu.memory_space<vmem>>
      %dma_wait3A_408 = arith.constant 0 : i32
      %dma_wait3A_409 = tpu.memref_slice %arg10[%dma_wait3A_404, %dma_wait3A_408] : memref<11x128xi32, #tpu.memory_space<vmem>> -> memref<1x128xi32, #tpu.memory_space<vmem>>
      %dma_wait3A_410 = tpu.memref_squeeze %dma_wait3A_409 : memref<1x128xi32, #tpu.memory_space<vmem>> -> memref<128xi32, #tpu.memory_space<vmem>>
      %dma_wait3A_411 = arith.constant 0 : i32
      %dma_wait3A_412 = arith.constant 0 : i32
      %dma_wait3A_413 = tpu.memref_slice %arg15[%dma_wait3A_411, %dma_wait3A_412] : memref<64992x16xf32, #tpu.memory_space<vmem_shared>> -> memref<64992x16xf32, #tpu.memory_space<vmem_shared>>
      tpu.wait_indirect_dma semaphore(%arg18 : memref<!tpu.dma_semaphore, #tpu.memory_space<semaphore_mem>>) src(%dma_wait3A_407 : memref<128x16xf32, #tpu.memory_space<vmem>>) dst(%dma_wait3A_413 : memref<64992x16xf32, #tpu.memory_space<vmem_shared>>)
      %dma_wait3A_414 = arith.constant 9 : i32
      %dma_wait3A_415 = arith.constant 1152 : i32
      %dma_wait3A_416 = arith.constant 0 : i32
      %dma_wait3A_417 = tpu.memref_slice %arg8[%dma_wait3A_415, %dma_wait3A_416] : memref<1408x16xf32, #tpu.memory_space<vmem>> -> memref<128x16xf32, #tpu.memory_space<vmem>>
      %dma_wait3A_418 = arith.constant 0 : i32
      %dma_wait3A_419 = tpu.memref_slice %arg10[%dma_wait3A_414, %dma_wait3A_418] : memref<11x128xi32, #tpu.memory_space<vmem>> -> memref<1x128xi32, #tpu.memory_space<vmem>>
      %dma_wait3A_420 = tpu.memref_squeeze %dma_wait3A_419 : memref<1x128xi32, #tpu.memory_space<vmem>> -> memref<128xi32, #tpu.memory_space<vmem>>
      %dma_wait3A_421 = arith.constant 0 : i32
      %dma_wait3A_422 = arith.constant 0 : i32
      %dma_wait3A_423 = tpu.memref_slice %arg15[%dma_wait3A_421, %dma_wait3A_422] : memref<64992x16xf32, #tpu.memory_space<vmem_shared>> -> memref<64992x16xf32, #tpu.memory_space<vmem_shared>>
      tpu.wait_indirect_dma semaphore(%arg18 : memref<!tpu.dma_semaphore, #tpu.memory_space<semaphore_mem>>) src(%dma_wait3A_417 : memref<128x16xf32, #tpu.memory_space<vmem>>) dst(%dma_wait3A_423 : memref<64992x16xf32, #tpu.memory_space<vmem_shared>>)
      %dma_wait3A_424 = arith.constant 10 : i32
      %dma_wait3A_425 = arith.constant 1280 : i32
      %dma_wait3A_426 = arith.constant 0 : i32
      %dma_wait3A_427 = tpu.memref_slice %arg8[%dma_wait3A_425, %dma_wait3A_426] : memref<1408x16xf32, #tpu.memory_space<vmem>> -> memref<128x16xf32, #tpu.memory_space<vmem>>
      %dma_wait3A_428 = arith.constant 0 : i32
      %dma_wait3A_429 = tpu.memref_slice %arg10[%dma_wait3A_424, %dma_wait3A_428] : memref<11x128xi32, #tpu.memory_space<vmem>> -> memref<1x128xi32, #tpu.memory_space<vmem>>
      %dma_wait3A_430 = tpu.memref_squeeze %dma_wait3A_429 : memref<1x128xi32, #tpu.memory_space<vmem>> -> memref<128xi32, #tpu.memory_space<vmem>>
      %dma_wait3A_431 = arith.constant 0 : i32
      %dma_wait3A_432 = arith.constant 0 : i32
      %dma_wait3A_433 = tpu.memref_slice %arg15[%dma_wait3A_431, %dma_wait3A_432] : memref<64992x16xf32, #tpu.memory_space<vmem_shared>> -> memref<64992x16xf32, #tpu.memory_space<vmem_shared>>
      tpu.wait_indirect_dma semaphore(%arg18 : memref<!tpu.dma_semaphore, #tpu.memory_space<semaphore_mem>>) src(%dma_wait3A_427 : memref<128x16xf32, #tpu.memory_space<vmem>>) dst(%dma_wait3A_433 : memref<64992x16xf32, #tpu.memory_space<vmem_shared>>)
      %scan3A_434 = arith.constant 0 : i32
      scf.yield %scan3A_434 : i32
    }
    %scan3A_24 = arith.constant 30 : i32
    %barrier3A_25 = arith.constant 0 : index
    tpu.barrier barrier_id(%barrier3A_25)
    %mul3A_26 = arith.constant 4050 : i32
    %mul3A_27 = arith.muli %arg1, %mul3A_26 : i32
    %run_scoped3A = arith.constant 0 : i32
    "tpu.region"() ({
      %run_scoped3A_189 = tpu.sem_alloc : memref<!tpu.dma_semaphore, #tpu.memory_space<semaphore_mem>>
      %dma_start3A_190 = arith.constant 0 : i32
      %dma_start3A_191 = tpu.memref_slice %arg6[%run_scoped3A, %arg0, %mul3A_27, %dma_start3A_190] : memref<4x2x64800x16xf32, #tpu.memory_space<hbm>> -> memref<1x1x4050x16xf32, #tpu.memory_space<hbm>>
      %dma_start3A_192 = tpu.memref_squeeze %dma_start3A_191 : memref<1x1x4050x16xf32, #tpu.memory_space<hbm>> -> memref<4050x16xf32, #tpu.memory_space<hbm>>
      %dma_start3A_193 = arith.constant 0 : i32
      %dma_start3A_194 = tpu.memref_slice %arg15[%mul3A_27, %dma_start3A_193] : memref<64992x16xf32, #tpu.memory_space<vmem_shared>> -> memref<4050x16xf32, #tpu.memory_space<vmem_shared>>
      tpu.enqueue_dma source(%dma_start3A_194 : memref<4050x16xf32, #tpu.memory_space<vmem_shared>>) target(%dma_start3A_192 : memref<4050x16xf32, #tpu.memory_space<hbm>>) target_semaphore(%run_scoped3A_189 : memref<!tpu.dma_semaphore, #tpu.memory_space<semaphore_mem>>)
      %dma_wait3A = arith.constant 0 : i32
      %dma_wait3A_195 = tpu.memref_slice %arg6[%run_scoped3A, %arg0, %mul3A_27, %dma_wait3A] : memref<4x2x64800x16xf32, #tpu.memory_space<hbm>> -> memref<1x1x4050x16xf32, #tpu.memory_space<hbm>>
      %dma_wait3A_196 = tpu.memref_squeeze %dma_wait3A_195 : memref<1x1x4050x16xf32, #tpu.memory_space<hbm>> -> memref<4050x16xf32, #tpu.memory_space<hbm>>
      %dma_wait3A_197 = arith.constant 0 : i32
      %dma_wait3A_198 = tpu.memref_slice %arg15[%mul3A_27, %dma_wait3A_197] : memref<64992x16xf32, #tpu.memory_space<vmem_shared>> -> memref<4050x16xf32, #tpu.memory_space<vmem_shared>>
      tpu.wait_dma2 semaphore(%run_scoped3A_189 : memref<!tpu.dma_semaphore, #tpu.memory_space<semaphore_mem>>) src(%dma_wait3A_198 : memref<4050x16xf32, #tpu.memory_space<vmem_shared>>) dst(%dma_wait3A_196 : memref<4050x16xf32, #tpu.memory_space<hbm>>)
      tpu.yield
    }) : () -> ()
    %barrier3A_28 = arith.constant 0 : index
    tpu.barrier barrier_id(%barrier3A_28)
    %scan3A_29 = arith.constant 0 : i32
    %scan3A_30 = arith.constant 0 : i32
    %scan3A_31 = arith.constant 1408 : i32
    %scan3A_32 = arith.addi %scan3A_30, %scan3A_31 : i32
    %scan3A_33 = arith.constant 1 : i32
    %scan3A_34 = scf.for %scan3A_189 = %scan3A_30 to %scan3A_32 step %scan3A_33 iter_args(%scan3A_190 = %scan3A_29) -> (i32)  : i32 {
      %swap3A = arith.index_cast %scan3A_189 : i32 to index
      %swap3A_191 = arith.constant 0 : index
      %swap3A_192 = tpu.vector_load %arg8[%swap3A, %swap3A_191] {strides = array<i32>} : memref<1408x16xf32, #tpu.memory_space<vmem>>, vector<1x16xf32>,
      %swap3A_193 = vector.shape_cast %swap3A_192 : vector<1x16xf32> to vector<16xf32>
      %swap3A_194 = vector.shape_cast %broadcast_in_dim3A_0 : vector<16xf32> to vector<1x16xf32>
      tpu.vector_store %arg8[%swap3A, %swap3A_191], %swap3A_194 {strides = array<i32>} : memref<1408x16xf32, #tpu.memory_space<vmem>>, vector<1x16xf32>,
      %scan3A_195 = arith.constant 0 : i32
      scf.yield %scan3A_195 : i32
    }
    %scan3A_35 = arith.constant 1408 : i32
    %mul3A_36 = arith.constant 4062 : i32
    %mul3A_37 = arith.muli %arg1, %mul3A_36 : i32
    "tpu.region"() ({
      %run_scoped3A_189 = tpu.sem_alloc : memref<!tpu.dma_semaphore, #tpu.memory_space<semaphore_mem>>
      %dma_start3A_190 = arith.constant 0 : i32
      %dma_start3A_191 = tpu.memref_slice %arg15[%mul3A_37, %dma_start3A_190] : memref<64992x16xf32, #tpu.memory_space<vmem_shared>> -> memref<1408x16xf32, #tpu.memory_space<vmem_shared>>
      %dma_start3A_192 = arith.constant 0 : i32
      %dma_start3A_193 = tpu.memref_slice %arg15[%mul3A_37, %dma_start3A_192] : memref<64992x16xf32, #tpu.memory_space<vmem_shared>> -> memref<1408x16xf32, #tpu.memory_space<vmem_shared>>
      tpu.enqueue_dma source(%arg8 : memref<1408x16xf32, #tpu.memory_space<vmem>>) target(%dma_start3A_193 : memref<1408x16xf32, #tpu.memory_space<vmem_shared>>) target_semaphore(%run_scoped3A_189 : memref<!tpu.dma_semaphore, #tpu.memory_space<semaphore_mem>>)
      %dma_wait3A = arith.constant 0 : i32
      %dma_wait3A_194 = tpu.memref_slice %arg15[%mul3A_37, %dma_wait3A] : memref<64992x16xf32, #tpu.memory_space<vmem_shared>> -> memref<1408x16xf32, #tpu.memory_space<vmem_shared>>
      %dma_wait3A_195 = arith.constant 0 : i32
      %dma_wait3A_196 = tpu.memref_slice %arg15[%mul3A_37, %dma_wait3A_195] : memref<64992x16xf32, #tpu.memory_space<vmem_shared>> -> memref<1408x16xf32, #tpu.memory_space<vmem_shared>>
      tpu.wait_dma2 semaphore(%run_scoped3A_189 : memref<!tpu.dma_semaphore, #tpu.memory_space<semaphore_mem>>) src(%arg8 : memref<1408x16xf32, #tpu.memory_space<vmem>>) dst(%dma_wait3A_196 : memref<1408x16xf32, #tpu.memory_space<vmem_shared>>)
      tpu.yield
    }) : () -> ()
    %add3A_38 = arith.constant 1408 : i32
    %add3A_39 = arith.addi %mul3A_37, %add3A_38 : i32
    "tpu.region"() ({
      %run_scoped3A_189 = tpu.sem_alloc : memref<!tpu.dma_semaphore, #tpu.memory_space<semaphore_mem>>
      %dma_start3A_190 = arith.constant 0 : i32
      %dma_start3A_191 = tpu.memref_slice %arg15[%add3A_39, %dma_start3A_190] : memref<64992x16xf32, #tpu.memory_space<vmem_shared>> -> memref<1408x16xf32, #tpu.memory_space<vmem_shared>>
      %dma_start3A_192 = arith.constant 0 : i32
      %dma_start3A_193 = tpu.memref_slice %arg15[%add3A_39, %dma_start3A_192] : memref<64992x16xf32, #tpu.memory_space<vmem_shared>> -> memref<1408x16xf32, #tpu.memory_space<vmem_shared>>
      tpu.enqueue_dma source(%arg8 : memref<1408x16xf32, #tpu.memory_space<vmem>>) target(%dma_start3A_193 : memref<1408x16xf32, #tpu.memory_space<vmem_shared>>) target_semaphore(%run_scoped3A_189 : memref<!tpu.dma_semaphore, #tpu.memory_space<semaphore_mem>>)
      %dma_wait3A = arith.constant 0 : i32
      %dma_wait3A_194 = tpu.memref_slice %arg15[%add3A_39, %dma_wait3A] : memref<64992x16xf32, #tpu.memory_space<vmem_shared>> -> memref<1408x16xf32, #tpu.memory_space<vmem_shared>>
      %dma_wait3A_195 = arith.constant 0 : i32
      %dma_wait3A_196 = tpu.memref_slice %arg15[%add3A_39, %dma_wait3A_195] : memref<64992x16xf32, #tpu.memory_space<vmem_shared>> -> memref<1408x16xf32, #tpu.memory_space<vmem_shared>>
      tpu.wait_dma2 semaphore(%run_scoped3A_189 : memref<!tpu.dma_semaphore, #tpu.memory_space<semaphore_mem>>) src(%arg8 : memref<1408x16xf32, #tpu.memory_space<vmem>>) dst(%dma_wait3A_196 : memref<1408x16xf32, #tpu.memory_space<vmem_shared>>)
      tpu.yield
    }) : () -> ()
    %add3A_40 = arith.constant 2816 : i32
    %add3A_41 = arith.addi %mul3A_37, %add3A_40 : i32
    "tpu.region"() ({
      %run_scoped3A_189 = tpu.sem_alloc : memref<!tpu.dma_semaphore, #tpu.memory_space<semaphore_mem>>
      %dma_start3A_190 = arith.constant 0 : i32
      %dma_start3A_191 = arith.constant 0 : i32
      %dma_start3A_192 = tpu.memref_slice %arg8[%dma_start3A_190, %dma_start3A_191] : memref<1408x16xf32, #tpu.memory_space<vmem>> -> memref<1246x16xf32, #tpu.memory_space<vmem>>
      %dma_start3A_193 = arith.constant 0 : i32
      %dma_start3A_194 = tpu.memref_slice %arg15[%add3A_41, %dma_start3A_193] : memref<64992x16xf32, #tpu.memory_space<vmem_shared>> -> memref<1246x16xf32, #tpu.memory_space<vmem_shared>>
      %dma_start3A_195 = arith.constant 0 : i32
      %dma_start3A_196 = tpu.memref_slice %arg15[%add3A_41, %dma_start3A_195] : memref<64992x16xf32, #tpu.memory_space<vmem_shared>> -> memref<1246x16xf32, #tpu.memory_space<vmem_shared>>
      %dma_start3A_197 = arith.constant 0 : i32
      %dma_start3A_198 = arith.constant 0 : i32
      %dma_start3A_199 = tpu.memref_slice %arg8[%dma_start3A_197, %dma_start3A_198] : memref<1408x16xf32, #tpu.memory_space<vmem>> -> memref<1246x16xf32, #tpu.memory_space<vmem>>
      tpu.enqueue_dma source(%dma_start3A_199 : memref<1246x16xf32, #tpu.memory_space<vmem>>) target(%dma_start3A_196 : memref<1246x16xf32, #tpu.memory_space<vmem_shared>>) target_semaphore(%run_scoped3A_189 : memref<!tpu.dma_semaphore, #tpu.memory_space<semaphore_mem>>)
      %dma_wait3A = arith.constant 0 : i32
      %dma_wait3A_200 = arith.constant 0 : i32
      %dma_wait3A_201 = tpu.memref_slice %arg8[%dma_wait3A, %dma_wait3A_200] : memref<1408x16xf32, #tpu.memory_space<vmem>> -> memref<1246x16xf32, #tpu.memory_space<vmem>>
      %dma_wait3A_202 = arith.constant 0 : i32
      %dma_wait3A_203 = tpu.memref_slice %arg15[%add3A_41, %dma_wait3A_202] : memref<64992x16xf32, #tpu.memory_space<vmem_shared>> -> memref<1246x16xf32, #tpu.memory_space<vmem_shared>>
      %dma_wait3A_204 = arith.constant 0 : i32
      %dma_wait3A_205 = tpu.memref_slice %arg15[%add3A_41, %dma_wait3A_204] : memref<64992x16xf32, #tpu.memory_space<vmem_shared>> -> memref<1246x16xf32, #tpu.memory_space<vmem_shared>>
      %dma_wait3A_206 = arith.constant 0 : i32
      %dma_wait3A_207 = arith.constant 0 : i32
      %dma_wait3A_208 = tpu.memref_slice %arg8[%dma_wait3A_206, %dma_wait3A_207] : memref<1408x16xf32, #tpu.memory_space<vmem>> -> memref<1246x16xf32, #tpu.memory_space<vmem>>
      tpu.wait_dma2 semaphore(%run_scoped3A_189 : memref<!tpu.dma_semaphore, #tpu.memory_space<semaphore_mem>>) src(%dma_wait3A_208 : memref<1246x16xf32, #tpu.memory_space<vmem>>) dst(%dma_wait3A_205 : memref<1246x16xf32, #tpu.memory_space<vmem_shared>>)
      tpu.yield
    }) : () -> ()
    %barrier3A_42 = arith.constant 0 : index
    tpu.barrier barrier_id(%barrier3A_42)
    %add3A_43 = arith.constant 0 : i32
    %add3A_44 = arith.addi %mul3A_1, %add3A_43 : i32
    %dma_start3A = arith.constant 16 : i32
    %dma_start3A_45 = tpu.memref_slice %arg5[%add3A_44, %dma_start3A] : memref<675840x64xf32, #tpu.memory_space<hbm>> -> memref<1408x16xf32, #tpu.memory_space<hbm>>
    %dma_start3A_46 = arith.constant 16 : i32
    %dma_start3A_47 = tpu.memref_slice %arg5[%add3A_44, %dma_start3A_46] : memref<675840x64xf32, #tpu.memory_space<hbm>> -> memref<1408x16xf32, #tpu.memory_space<hbm>>
    tpu.enqueue_dma source(%dma_start3A_47 : memref<1408x16xf32, #tpu.memory_space<hbm>>) target(%arg8 : memref<1408x16xf32, #tpu.memory_space<vmem>>) target_semaphore(%arg16 : memref<!tpu.dma_semaphore, #tpu.memory_space<semaphore_mem>>)
    %add3A_48 = arith.constant 0 : i32
    %add3A_49 = arith.addi %mul3A_3, %add3A_48 : i32
    %dma_start3A_50 = arith.constant 0 : i32
    %dma_start3A_51 = tpu.memref_slice %arg7[%arg0, %add3A_49, %dma_start3A_50] : memref<2x5280x128xi32, #tpu.memory_space<hbm>> -> memref<1x11x128xi32, #tpu.memory_space<hbm>>
    %dma_start3A_52 = tpu.memref_squeeze %dma_start3A_51 : memref<1x11x128xi32, #tpu.memory_space<hbm>> -> memref<11x128xi32, #tpu.memory_space<hbm>>
    %dma_start3A_53 = arith.constant 0 : i32
    %dma_start3A_54 = tpu.memref_slice %arg7[%arg0, %add3A_49, %dma_start3A_53] : memref<2x5280x128xi32, #tpu.memory_space<hbm>> -> memref<1x11x128xi32, #tpu.memory_space<hbm>>
    %dma_start3A_55 = tpu.memref_squeeze %dma_start3A_54 : memref<1x11x128xi32, #tpu.memory_space<hbm>> -> memref<11x128xi32, #tpu.memory_space<hbm>>
    tpu.enqueue_dma source(%dma_start3A_55 : memref<11x128xi32, #tpu.memory_space<hbm>>) target(%arg10 : memref<11x128xi32, #tpu.memory_space<vmem>>) target_semaphore(%arg16 : memref<!tpu.dma_semaphore, #tpu.memory_space<semaphore_mem>>)
    %add3A_56 = arith.constant 1408 : i32
    %add3A_57 = arith.addi %mul3A_1, %add3A_56 : i32
    %dma_start3A_58 = arith.constant 16 : i32
    %dma_start3A_59 = tpu.memref_slice %arg5[%add3A_57, %dma_start3A_58] : memref<675840x64xf32, #tpu.memory_space<hbm>> -> memref<1408x16xf32, #tpu.memory_space<hbm>>
    %dma_start3A_60 = arith.constant 16 : i32
    %dma_start3A_61 = tpu.memref_slice %arg5[%add3A_57, %dma_start3A_60] : memref<675840x64xf32, #tpu.memory_space<hbm>> -> memref<1408x16xf32, #tpu.memory_space<hbm>>
    tpu.enqueue_dma source(%dma_start3A_61 : memref<1408x16xf32, #tpu.memory_space<hbm>>) target(%arg9 : memref<1408x16xf32, #tpu.memory_space<vmem>>) target_semaphore(%arg17 : memref<!tpu.dma_semaphore, #tpu.memory_space<semaphore_mem>>)
    %add3A_62 = arith.constant 11 : i32
    %add3A_63 = arith.addi %mul3A_3, %add3A_62 : i32
    %dma_start3A_64 = arith.constant 0 : i32
    %dma_start3A_65 = tpu.memref_slice %arg7[%arg0, %add3A_63, %dma_start3A_64] : memref<2x5280x128xi32, #tpu.memory_space<hbm>> -> memref<1x11x128xi32, #tpu.memory_space<hbm>>
    %dma_start3A_66 = tpu.memref_squeeze %dma_start3A_65 : memref<1x11x128xi32, #tpu.memory_space<hbm>> -> memref<11x128xi32, #tpu.memory_space<hbm>>
    %dma_start3A_67 = arith.constant 0 : i32
    %dma_start3A_68 = tpu.memref_slice %arg7[%arg0, %add3A_63, %dma_start3A_67] : memref<2x5280x128xi32, #tpu.memory_space<hbm>> -> memref<1x11x128xi32, #tpu.memory_space<hbm>>
    %dma_start3A_69 = tpu.memref_squeeze %dma_start3A_68 : memref<1x11x128xi32, #tpu.memory_space<hbm>> -> memref<11x128xi32, #tpu.memory_space<hbm>>
    tpu.enqueue_dma source(%dma_start3A_69 : memref<11x128xi32, #tpu.memory_space<hbm>>) target(%arg11 : memref<11x128xi32, #tpu.memory_space<vmem>>) target_semaphore(%arg17 : memref<!tpu.dma_semaphore, #tpu.memory_space<semaphore_mem>>)
    %scan3A_70 = arith.constant 0 : i32
    %scan3A_71 = arith.constant 0 : i32
    %scan3A_72 = arith.constant 15 : i32
    %scan3A_73 = arith.addi %scan3A_71, %scan3A_72 : i32
    %scan3A_74 = arith.constant 1 : i32
    %scan3A_75 = scf.for %scan3A_189 = %scan3A_71 to %scan3A_73 step %scan3A_74 iter_args(%scan3A_190 = %scan3A_70) -> (i32)  : i32 {
      %mul3A_191 = arith.constant 2 : i32
      %mul3A_192 = arith.muli %mul3A_191, %scan3A_189 : i32
      %mul3A_193 = arith.constant 1408 : i32
      %mul3A_194 = arith.muli %mul3A_192, %mul3A_193 : i32
      %add3A_195 = arith.addi %mul3A_1, %mul3A_194 : i32
      %dma_wait3A = arith.constant 16 : i32
      %dma_wait3A_196 = tpu.memref_slice %arg5[%add3A_195, %dma_wait3A] : memref<675840x64xf32, #tpu.memory_space<hbm>> -> memref<1408x16xf32, #tpu.memory_space<hbm>>
      %dma_wait3A_197 = arith.constant 16 : i32
      %dma_wait3A_198 = tpu.memref_slice %arg5[%add3A_195, %dma_wait3A_197] : memref<675840x64xf32, #tpu.memory_space<hbm>> -> memref<1408x16xf32, #tpu.memory_space<hbm>>
      tpu.wait_dma2 semaphore(%arg16 : memref<!tpu.dma_semaphore, #tpu.memory_space<semaphore_mem>>) src(%dma_wait3A_198 : memref<1408x16xf32, #tpu.memory_space<hbm>>) dst(%arg8 : memref<1408x16xf32, #tpu.memory_space<vmem>>)
      %mul3A_199 = arith.constant 11 : i32
      %mul3A_200 = arith.muli %mul3A_192, %mul3A_199 : i32
      %add3A_201 = arith.addi %mul3A_3, %mul3A_200 : i32
      %dma_wait3A_202 = arith.constant 0 : i32
      %dma_wait3A_203 = tpu.memref_slice %arg7[%arg0, %add3A_201, %dma_wait3A_202] : memref<2x5280x128xi32, #tpu.memory_space<hbm>> -> memref<1x11x128xi32, #tpu.memory_space<hbm>>
      %dma_wait3A_204 = tpu.memref_squeeze %dma_wait3A_203 : memref<1x11x128xi32, #tpu.memory_space<hbm>> -> memref<11x128xi32, #tpu.memory_space<hbm>>
      %dma_wait3A_205 = arith.constant 0 : i32
      %dma_wait3A_206 = tpu.memref_slice %arg7[%arg0, %add3A_201, %dma_wait3A_205] : memref<2x5280x128xi32, #tpu.memory_space<hbm>> -> memref<1x11x128xi32, #tpu.memory_space<hbm>>
      %dma_wait3A_207 = tpu.memref_squeeze %dma_wait3A_206 : memref<1x11x128xi32, #tpu.memory_space<hbm>> -> memref<11x128xi32, #tpu.memory_space<hbm>>
      tpu.wait_dma2 semaphore(%arg16 : memref<!tpu.dma_semaphore, #tpu.memory_space<semaphore_mem>>) src(%dma_wait3A_207 : memref<11x128xi32, #tpu.memory_space<hbm>>) dst(%arg10 : memref<11x128xi32, #tpu.memory_space<vmem>>)
      %dma_start3A_208 = arith.constant 0 : i32
      %dma_start3A_209 = arith.constant 0 : i32
      %dma_start3A_210 = arith.constant 0 : i32
      %dma_start3A_211 = tpu.memref_slice %arg8[%dma_start3A_209, %dma_start3A_210] : memref<1408x16xf32, #tpu.memory_space<vmem>> -> memref<128x16xf32, #tpu.memory_space<vmem>>
      %dma_start3A_212 = arith.constant 0 : i32
      %dma_start3A_213 = tpu.memref_slice %arg10[%dma_start3A_208, %dma_start3A_212] : memref<11x128xi32, #tpu.memory_space<vmem>> -> memref<1x128xi32, #tpu.memory_space<vmem>>
      %dma_start3A_214 = tpu.memref_squeeze %dma_start3A_213 : memref<1x128xi32, #tpu.memory_space<vmem>> -> memref<128xi32, #tpu.memory_space<vmem>>
      %dma_start3A_215 = arith.constant 0 : i32
      %dma_start3A_216 = arith.constant 0 : i32
      %dma_start3A_217 = tpu.memref_slice %arg15[%dma_start3A_215, %dma_start3A_216] : memref<64992x16xf32, #tpu.memory_space<vmem_shared>> -> memref<64992x16xf32, #tpu.memory_space<vmem_shared>>
      tpu.enqueue_indirect_dma source(%dma_start3A_211 : memref<128x16xf32, #tpu.memory_space<vmem>>) target(%dma_start3A_217 : memref<64992x16xf32, #tpu.memory_space<vmem_shared>>) offsets(%dma_start3A_214 : memref<128xi32, #tpu.memory_space<vmem>>) semaphore(%arg18 : memref<!tpu.dma_semaphore, #tpu.memory_space<semaphore_mem>>) {add = true}
      %dma_start3A_218 = arith.constant 1 : i32
      %dma_start3A_219 = arith.constant 128 : i32
      %dma_start3A_220 = arith.constant 0 : i32
      %dma_start3A_221 = tpu.memref_slice %arg8[%dma_start3A_219, %dma_start3A_220] : memref<1408x16xf32, #tpu.memory_space<vmem>> -> memref<128x16xf32, #tpu.memory_space<vmem>>
      %dma_start3A_222 = arith.constant 0 : i32
      %dma_start3A_223 = tpu.memref_slice %arg10[%dma_start3A_218, %dma_start3A_222] : memref<11x128xi32, #tpu.memory_space<vmem>> -> memref<1x128xi32, #tpu.memory_space<vmem>>
      %dma_start3A_224 = tpu.memref_squeeze %dma_start3A_223 : memref<1x128xi32, #tpu.memory_space<vmem>> -> memref<128xi32, #tpu.memory_space<vmem>>
      %dma_start3A_225 = arith.constant 0 : i32
      %dma_start3A_226 = arith.constant 0 : i32
      %dma_start3A_227 = tpu.memref_slice %arg15[%dma_start3A_225, %dma_start3A_226] : memref<64992x16xf32, #tpu.memory_space<vmem_shared>> -> memref<64992x16xf32, #tpu.memory_space<vmem_shared>>
      tpu.enqueue_indirect_dma source(%dma_start3A_221 : memref<128x16xf32, #tpu.memory_space<vmem>>) target(%dma_start3A_227 : memref<64992x16xf32, #tpu.memory_space<vmem_shared>>) offsets(%dma_start3A_224 : memref<128xi32, #tpu.memory_space<vmem>>) semaphore(%arg18 : memref<!tpu.dma_semaphore, #tpu.memory_space<semaphore_mem>>) {add = true}
      %dma_start3A_228 = arith.constant 2 : i32
      %dma_start3A_229 = arith.constant 256 : i32
      %dma_start3A_230 = arith.constant 0 : i32
      %dma_start3A_231 = tpu.memref_slice %arg8[%dma_start3A_229, %dma_start3A_230] : memref<1408x16xf32, #tpu.memory_space<vmem>> -> memref<128x16xf32, #tpu.memory_space<vmem>>
      %dma_start3A_232 = arith.constant 0 : i32
      %dma_start3A_233 = tpu.memref_slice %arg10[%dma_start3A_228, %dma_start3A_232] : memref<11x128xi32, #tpu.memory_space<vmem>> -> memref<1x128xi32, #tpu.memory_space<vmem>>
      %dma_start3A_234 = tpu.memref_squeeze %dma_start3A_233 : memref<1x128xi32, #tpu.memory_space<vmem>> -> memref<128xi32, #tpu.memory_space<vmem>>
      %dma_start3A_235 = arith.constant 0 : i32
      %dma_start3A_236 = arith.constant 0 : i32
      %dma_start3A_237 = tpu.memref_slice %arg15[%dma_start3A_235, %dma_start3A_236] : memref<64992x16xf32, #tpu.memory_space<vmem_shared>> -> memref<64992x16xf32, #tpu.memory_space<vmem_shared>>
      tpu.enqueue_indirect_dma source(%dma_start3A_231 : memref<128x16xf32, #tpu.memory_space<vmem>>) target(%dma_start3A_237 : memref<64992x16xf32, #tpu.memory_space<vmem_shared>>) offsets(%dma_start3A_234 : memref<128xi32, #tpu.memory_space<vmem>>) semaphore(%arg18 : memref<!tpu.dma_semaphore, #tpu.memory_space<semaphore_mem>>) {add = true}
      %dma_start3A_238 = arith.constant 3 : i32
      %dma_start3A_239 = arith.constant 384 : i32
      %dma_start3A_240 = arith.constant 0 : i32
      %dma_start3A_241 = tpu.memref_slice %arg8[%dma_start3A_239, %dma_start3A_240] : memref<1408x16xf32, #tpu.memory_space<vmem>> -> memref<128x16xf32, #tpu.memory_space<vmem>>
      %dma_start3A_242 = arith.constant 0 : i32
      %dma_start3A_243 = tpu.memref_slice %arg10[%dma_start3A_238, %dma_start3A_242] : memref<11x128xi32, #tpu.memory_space<vmem>> -> memref<1x128xi32, #tpu.memory_space<vmem>>
      %dma_start3A_244 = tpu.memref_squeeze %dma_start3A_243 : memref<1x128xi32, #tpu.memory_space<vmem>> -> memref<128xi32, #tpu.memory_space<vmem>>
      %dma_start3A_245 = arith.constant 0 : i32
      %dma_start3A_246 = arith.constant 0 : i32
      %dma_start3A_247 = tpu.memref_slice %arg15[%dma_start3A_245, %dma_start3A_246] : memref<64992x16xf32, #tpu.memory_space<vmem_shared>> -> memref<64992x16xf32, #tpu.memory_space<vmem_shared>>
      tpu.enqueue_indirect_dma source(%dma_start3A_241 : memref<128x16xf32, #tpu.memory_space<vmem>>) target(%dma_start3A_247 : memref<64992x16xf32, #tpu.memory_space<vmem_shared>>) offsets(%dma_start3A_244 : memref<128xi32, #tpu.memory_space<vmem>>) semaphore(%arg18 : memref<!tpu.dma_semaphore, #tpu.memory_space<semaphore_mem>>) {add = true}
      %dma_start3A_248 = arith.constant 4 : i32
      %dma_start3A_249 = arith.constant 512 : i32
      %dma_start3A_250 = arith.constant 0 : i32
      %dma_start3A_251 = tpu.memref_slice %arg8[%dma_start3A_249, %dma_start3A_250] : memref<1408x16xf32, #tpu.memory_space<vmem>> -> memref<128x16xf32, #tpu.memory_space<vmem>>
      %dma_start3A_252 = arith.constant 0 : i32
      %dma_start3A_253 = tpu.memref_slice %arg10[%dma_start3A_248, %dma_start3A_252] : memref<11x128xi32, #tpu.memory_space<vmem>> -> memref<1x128xi32, #tpu.memory_space<vmem>>
      %dma_start3A_254 = tpu.memref_squeeze %dma_start3A_253 : memref<1x128xi32, #tpu.memory_space<vmem>> -> memref<128xi32, #tpu.memory_space<vmem>>
      %dma_start3A_255 = arith.constant 0 : i32
      %dma_start3A_256 = arith.constant 0 : i32
      %dma_start3A_257 = tpu.memref_slice %arg15[%dma_start3A_255, %dma_start3A_256] : memref<64992x16xf32, #tpu.memory_space<vmem_shared>> -> memref<64992x16xf32, #tpu.memory_space<vmem_shared>>
      tpu.enqueue_indirect_dma source(%dma_start3A_251 : memref<128x16xf32, #tpu.memory_space<vmem>>) target(%dma_start3A_257 : memref<64992x16xf32, #tpu.memory_space<vmem_shared>>) offsets(%dma_start3A_254 : memref<128xi32, #tpu.memory_space<vmem>>) semaphore(%arg18 : memref<!tpu.dma_semaphore, #tpu.memory_space<semaphore_mem>>) {add = true}
      %dma_start3A_258 = arith.constant 5 : i32
      %dma_start3A_259 = arith.constant 640 : i32
      %dma_start3A_260 = arith.constant 0 : i32
      %dma_start3A_261 = tpu.memref_slice %arg8[%dma_start3A_259, %dma_start3A_260] : memref<1408x16xf32, #tpu.memory_space<vmem>> -> memref<128x16xf32, #tpu.memory_space<vmem>>
      %dma_start3A_262 = arith.constant 0 : i32
      %dma_start3A_263 = tpu.memref_slice %arg10[%dma_start3A_258, %dma_start3A_262] : memref<11x128xi32, #tpu.memory_space<vmem>> -> memref<1x128xi32, #tpu.memory_space<vmem>>
      %dma_start3A_264 = tpu.memref_squeeze %dma_start3A_263 : memref<1x128xi32, #tpu.memory_space<vmem>> -> memref<128xi32, #tpu.memory_space<vmem>>
      %dma_start3A_265 = arith.constant 0 : i32
      %dma_start3A_266 = arith.constant 0 : i32
      %dma_start3A_267 = tpu.memref_slice %arg15[%dma_start3A_265, %dma_start3A_266] : memref<64992x16xf32, #tpu.memory_space<vmem_shared>> -> memref<64992x16xf32, #tpu.memory_space<vmem_shared>>
      tpu.enqueue_indirect_dma source(%dma_start3A_261 : memref<128x16xf32, #tpu.memory_space<vmem>>) target(%dma_start3A_267 : memref<64992x16xf32, #tpu.memory_space<vmem_shared>>) offsets(%dma_start3A_264 : memref<128xi32, #tpu.memory_space<vmem>>) semaphore(%arg18 : memref<!tpu.dma_semaphore, #tpu.memory_space<semaphore_mem>>) {add = true}
      %dma_start3A_268 = arith.constant 6 : i32
      %dma_start3A_269 = arith.constant 768 : i32
      %dma_start3A_270 = arith.constant 0 : i32
      %dma_start3A_271 = tpu.memref_slice %arg8[%dma_start3A_269, %dma_start3A_270] : memref<1408x16xf32, #tpu.memory_space<vmem>> -> memref<128x16xf32, #tpu.memory_space<vmem>>
      %dma_start3A_272 = arith.constant 0 : i32
      %dma_start3A_273 = tpu.memref_slice %arg10[%dma_start3A_268, %dma_start3A_272] : memref<11x128xi32, #tpu.memory_space<vmem>> -> memref<1x128xi32, #tpu.memory_space<vmem>>
      %dma_start3A_274 = tpu.memref_squeeze %dma_start3A_273 : memref<1x128xi32, #tpu.memory_space<vmem>> -> memref<128xi32, #tpu.memory_space<vmem>>
      %dma_start3A_275 = arith.constant 0 : i32
      %dma_start3A_276 = arith.constant 0 : i32
      %dma_start3A_277 = tpu.memref_slice %arg15[%dma_start3A_275, %dma_start3A_276] : memref<64992x16xf32, #tpu.memory_space<vmem_shared>> -> memref<64992x16xf32, #tpu.memory_space<vmem_shared>>
      tpu.enqueue_indirect_dma source(%dma_start3A_271 : memref<128x16xf32, #tpu.memory_space<vmem>>) target(%dma_start3A_277 : memref<64992x16xf32, #tpu.memory_space<vmem_shared>>) offsets(%dma_start3A_274 : memref<128xi32, #tpu.memory_space<vmem>>) semaphore(%arg18 : memref<!tpu.dma_semaphore, #tpu.memory_space<semaphore_mem>>) {add = true}
      %dma_start3A_278 = arith.constant 7 : i32
      %dma_start3A_279 = arith.constant 896 : i32
      %dma_start3A_280 = arith.constant 0 : i32
      %dma_start3A_281 = tpu.memref_slice %arg8[%dma_start3A_279, %dma_start3A_280] : memref<1408x16xf32, #tpu.memory_space<vmem>> -> memref<128x16xf32, #tpu.memory_space<vmem>>
      %dma_start3A_282 = arith.constant 0 : i32
      %dma_start3A_283 = tpu.memref_slice %arg10[%dma_start3A_278, %dma_start3A_282] : memref<11x128xi32, #tpu.memory_space<vmem>> -> memref<1x128xi32, #tpu.memory_space<vmem>>
      %dma_start3A_284 = tpu.memref_squeeze %dma_start3A_283 : memref<1x128xi32, #tpu.memory_space<vmem>> -> memref<128xi32, #tpu.memory_space<vmem>>
      %dma_start3A_285 = arith.constant 0 : i32
      %dma_start3A_286 = arith.constant 0 : i32
      %dma_start3A_287 = tpu.memref_slice %arg15[%dma_start3A_285, %dma_start3A_286] : memref<64992x16xf32, #tpu.memory_space<vmem_shared>> -> memref<64992x16xf32, #tpu.memory_space<vmem_shared>>
      tpu.enqueue_indirect_dma source(%dma_start3A_281 : memref<128x16xf32, #tpu.memory_space<vmem>>) target(%dma_start3A_287 : memref<64992x16xf32, #tpu.memory_space<vmem_shared>>) offsets(%dma_start3A_284 : memref<128xi32, #tpu.memory_space<vmem>>) semaphore(%arg18 : memref<!tpu.dma_semaphore, #tpu.memory_space<semaphore_mem>>) {add = true}
      %dma_start3A_288 = arith.constant 8 : i32
      %dma_start3A_289 = arith.constant 1024 : i32
      %dma_start3A_290 = arith.constant 0 : i32
      %dma_start3A_291 = tpu.memref_slice %arg8[%dma_start3A_289, %dma_start3A_290] : memref<1408x16xf32, #tpu.memory_space<vmem>> -> memref<128x16xf32, #tpu.memory_space<vmem>>
      %dma_start3A_292 = arith.constant 0 : i32
      %dma_start3A_293 = tpu.memref_slice %arg10[%dma_start3A_288, %dma_start3A_292] : memref<11x128xi32, #tpu.memory_space<vmem>> -> memref<1x128xi32, #tpu.memory_space<vmem>>
      %dma_start3A_294 = tpu.memref_squeeze %dma_start3A_293 : memref<1x128xi32, #tpu.memory_space<vmem>> -> memref<128xi32, #tpu.memory_space<vmem>>
      %dma_start3A_295 = arith.constant 0 : i32
      %dma_start3A_296 = arith.constant 0 : i32
      %dma_start3A_297 = tpu.memref_slice %arg15[%dma_start3A_295, %dma_start3A_296] : memref<64992x16xf32, #tpu.memory_space<vmem_shared>> -> memref<64992x16xf32, #tpu.memory_space<vmem_shared>>
      tpu.enqueue_indirect_dma source(%dma_start3A_291 : memref<128x16xf32, #tpu.memory_space<vmem>>) target(%dma_start3A_297 : memref<64992x16xf32, #tpu.memory_space<vmem_shared>>) offsets(%dma_start3A_294 : memref<128xi32, #tpu.memory_space<vmem>>) semaphore(%arg18 : memref<!tpu.dma_semaphore, #tpu.memory_space<semaphore_mem>>) {add = true}
      %dma_start3A_298 = arith.constant 9 : i32
      %dma_start3A_299 = arith.constant 1152 : i32
      %dma_start3A_300 = arith.constant 0 : i32
      %dma_start3A_301 = tpu.memref_slice %arg8[%dma_start3A_299, %dma_start3A_300] : memref<1408x16xf32, #tpu.memory_space<vmem>> -> memref<128x16xf32, #tpu.memory_space<vmem>>
      %dma_start3A_302 = arith.constant 0 : i32
      %dma_start3A_303 = tpu.memref_slice %arg10[%dma_start3A_298, %dma_start3A_302] : memref<11x128xi32, #tpu.memory_space<vmem>> -> memref<1x128xi32, #tpu.memory_space<vmem>>
      %dma_start3A_304 = tpu.memref_squeeze %dma_start3A_303 : memref<1x128xi32, #tpu.memory_space<vmem>> -> memref<128xi32, #tpu.memory_space<vmem>>
      %dma_start3A_305 = arith.constant 0 : i32
      %dma_start3A_306 = arith.constant 0 : i32
      %dma_start3A_307 = tpu.memref_slice %arg15[%dma_start3A_305, %dma_start3A_306] : memref<64992x16xf32, #tpu.memory_space<vmem_shared>> -> memref<64992x16xf32, #tpu.memory_space<vmem_shared>>
      tpu.enqueue_indirect_dma source(%dma_start3A_301 : memref<128x16xf32, #tpu.memory_space<vmem>>) target(%dma_start3A_307 : memref<64992x16xf32, #tpu.memory_space<vmem_shared>>) offsets(%dma_start3A_304 : memref<128xi32, #tpu.memory_space<vmem>>) semaphore(%arg18 : memref<!tpu.dma_semaphore, #tpu.memory_space<semaphore_mem>>) {add = true}
      %dma_start3A_308 = arith.constant 10 : i32
      %dma_start3A_309 = arith.constant 1280 : i32
      %dma_start3A_310 = arith.constant 0 : i32
      %dma_start3A_311 = tpu.memref_slice %arg8[%dma_start3A_309, %dma_start3A_310] : memref<1408x16xf32, #tpu.memory_space<vmem>> -> memref<128x16xf32, #tpu.memory_space<vmem>>
      %dma_start3A_312 = arith.constant 0 : i32
      %dma_start3A_313 = tpu.memref_slice %arg10[%dma_start3A_308, %dma_start3A_312] : memref<11x128xi32, #tpu.memory_space<vmem>> -> memref<1x128xi32, #tpu.memory_space<vmem>>
      %dma_start3A_314 = tpu.memref_squeeze %dma_start3A_313 : memref<1x128xi32, #tpu.memory_space<vmem>> -> memref<128xi32, #tpu.memory_space<vmem>>
      %dma_start3A_315 = arith.constant 0 : i32
      %dma_start3A_316 = arith.constant 0 : i32
      %dma_start3A_317 = tpu.memref_slice %arg15[%dma_start3A_315, %dma_start3A_316] : memref<64992x16xf32, #tpu.memory_space<vmem_shared>> -> memref<64992x16xf32, #tpu.memory_space<vmem_shared>>
      tpu.enqueue_indirect_dma source(%dma_start3A_311 : memref<128x16xf32, #tpu.memory_space<vmem>>) target(%dma_start3A_317 : memref<64992x16xf32, #tpu.memory_space<vmem_shared>>) offsets(%dma_start3A_314 : memref<128xi32, #tpu.memory_space<vmem>>) semaphore(%arg18 : memref<!tpu.dma_semaphore, #tpu.memory_space<semaphore_mem>>) {add = true}
      %dma_wait3A_318 = arith.constant 0 : i32
      %dma_wait3A_319 = arith.constant 0 : i32
      %dma_wait3A_320 = arith.constant 0 : i32
      %dma_wait3A_321 = tpu.memref_slice %arg8[%dma_wait3A_319, %dma_wait3A_320] : memref<1408x16xf32, #tpu.memory_space<vmem>> -> memref<128x16xf32, #tpu.memory_space<vmem>>
      %dma_wait3A_322 = arith.constant 0 : i32
      %dma_wait3A_323 = tpu.memref_slice %arg10[%dma_wait3A_318, %dma_wait3A_322] : memref<11x128xi32, #tpu.memory_space<vmem>> -> memref<1x128xi32, #tpu.memory_space<vmem>>
      %dma_wait3A_324 = tpu.memref_squeeze %dma_wait3A_323 : memref<1x128xi32, #tpu.memory_space<vmem>> -> memref<128xi32, #tpu.memory_space<vmem>>
      %dma_wait3A_325 = arith.constant 0 : i32
      %dma_wait3A_326 = arith.constant 0 : i32
      %dma_wait3A_327 = tpu.memref_slice %arg15[%dma_wait3A_325, %dma_wait3A_326] : memref<64992x16xf32, #tpu.memory_space<vmem_shared>> -> memref<64992x16xf32, #tpu.memory_space<vmem_shared>>
      tpu.wait_indirect_dma semaphore(%arg18 : memref<!tpu.dma_semaphore, #tpu.memory_space<semaphore_mem>>) src(%dma_wait3A_321 : memref<128x16xf32, #tpu.memory_space<vmem>>) dst(%dma_wait3A_327 : memref<64992x16xf32, #tpu.memory_space<vmem_shared>>)
      %dma_wait3A_328 = arith.constant 1 : i32
      %dma_wait3A_329 = arith.constant 128 : i32
      %dma_wait3A_330 = arith.constant 0 : i32
      %dma_wait3A_331 = tpu.memref_slice %arg8[%dma_wait3A_329, %dma_wait3A_330] : memref<1408x16xf32, #tpu.memory_space<vmem>> -> memref<128x16xf32, #tpu.memory_space<vmem>>
      %dma_wait3A_332 = arith.constant 0 : i32
      %dma_wait3A_333 = tpu.memref_slice %arg10[%dma_wait3A_328, %dma_wait3A_332] : memref<11x128xi32, #tpu.memory_space<vmem>> -> memref<1x128xi32, #tpu.memory_space<vmem>>
      %dma_wait3A_334 = tpu.memref_squeeze %dma_wait3A_333 : memref<1x128xi32, #tpu.memory_space<vmem>> -> memref<128xi32, #tpu.memory_space<vmem>>
      %dma_wait3A_335 = arith.constant 0 : i32
      %dma_wait3A_336 = arith.constant 0 : i32
      %dma_wait3A_337 = tpu.memref_slice %arg15[%dma_wait3A_335, %dma_wait3A_336] : memref<64992x16xf32, #tpu.memory_space<vmem_shared>> -> memref<64992x16xf32, #tpu.memory_space<vmem_shared>>
      tpu.wait_indirect_dma semaphore(%arg18 : memref<!tpu.dma_semaphore, #tpu.memory_space<semaphore_mem>>) src(%dma_wait3A_331 : memref<128x16xf32, #tpu.memory_space<vmem>>) dst(%dma_wait3A_337 : memref<64992x16xf32, #tpu.memory_space<vmem_shared>>)
      %dma_wait3A_338 = arith.constant 2 : i32
      %dma_wait3A_339 = arith.constant 256 : i32
      %dma_wait3A_340 = arith.constant 0 : i32
      %dma_wait3A_341 = tpu.memref_slice %arg8[%dma_wait3A_339, %dma_wait3A_340] : memref<1408x16xf32, #tpu.memory_space<vmem>> -> memref<128x16xf32, #tpu.memory_space<vmem>>
      %dma_wait3A_342 = arith.constant 0 : i32
      %dma_wait3A_343 = tpu.memref_slice %arg10[%dma_wait3A_338, %dma_wait3A_342] : memref<11x128xi32, #tpu.memory_space<vmem>> -> memref<1x128xi32, #tpu.memory_space<vmem>>
      %dma_wait3A_344 = tpu.memref_squeeze %dma_wait3A_343 : memref<1x128xi32, #tpu.memory_space<vmem>> -> memref<128xi32, #tpu.memory_space<vmem>>
      %dma_wait3A_345 = arith.constant 0 : i32
      %dma_wait3A_346 = arith.constant 0 : i32
      %dma_wait3A_347 = tpu.memref_slice %arg15[%dma_wait3A_345, %dma_wait3A_346] : memref<64992x16xf32, #tpu.memory_space<vmem_shared>> -> memref<64992x16xf32, #tpu.memory_space<vmem_shared>>
      tpu.wait_indirect_dma semaphore(%arg18 : memref<!tpu.dma_semaphore, #tpu.memory_space<semaphore_mem>>) src(%dma_wait3A_341 : memref<128x16xf32, #tpu.memory_space<vmem>>) dst(%dma_wait3A_347 : memref<64992x16xf32, #tpu.memory_space<vmem_shared>>)
      %dma_wait3A_348 = arith.constant 3 : i32
      %dma_wait3A_349 = arith.constant 384 : i32
      %dma_wait3A_350 = arith.constant 0 : i32
      %dma_wait3A_351 = tpu.memref_slice %arg8[%dma_wait3A_349, %dma_wait3A_350] : memref<1408x16xf32, #tpu.memory_space<vmem>> -> memref<128x16xf32, #tpu.memory_space<vmem>>
      %dma_wait3A_352 = arith.constant 0 : i32
      %dma_wait3A_353 = tpu.memref_slice %arg10[%dma_wait3A_348, %dma_wait3A_352] : memref<11x128xi32, #tpu.memory_space<vmem>> -> memref<1x128xi32, #tpu.memory_space<vmem>>
      %dma_wait3A_354 = tpu.memref_squeeze %dma_wait3A_353 : memref<1x128xi32, #tpu.memory_space<vmem>> -> memref<128xi32, #tpu.memory_space<vmem>>
      %dma_wait3A_355 = arith.constant 0 : i32
      %dma_wait3A_356 = arith.constant 0 : i32
      %dma_wait3A_357 = tpu.memref_slice %arg15[%dma_wait3A_355, %dma_wait3A_356] : memref<64992x16xf32, #tpu.memory_space<vmem_shared>> -> memref<64992x16xf32, #tpu.memory_space<vmem_shared>>
      tpu.wait_indirect_dma semaphore(%arg18 : memref<!tpu.dma_semaphore, #tpu.memory_space<semaphore_mem>>) src(%dma_wait3A_351 : memref<128x16xf32, #tpu.memory_space<vmem>>) dst(%dma_wait3A_357 : memref<64992x16xf32, #tpu.memory_space<vmem_shared>>)
      %dma_wait3A_358 = arith.constant 4 : i32
      %dma_wait3A_359 = arith.constant 512 : i32
      %dma_wait3A_360 = arith.constant 0 : i32
      %dma_wait3A_361 = tpu.memref_slice %arg8[%dma_wait3A_359, %dma_wait3A_360] : memref<1408x16xf32, #tpu.memory_space<vmem>> -> memref<128x16xf32, #tpu.memory_space<vmem>>
      %dma_wait3A_362 = arith.constant 0 : i32
      %dma_wait3A_363 = tpu.memref_slice %arg10[%dma_wait3A_358, %dma_wait3A_362] : memref<11x128xi32, #tpu.memory_space<vmem>> -> memref<1x128xi32, #tpu.memory_space<vmem>>
      %dma_wait3A_364 = tpu.memref_squeeze %dma_wait3A_363 : memref<1x128xi32, #tpu.memory_space<vmem>> -> memref<128xi32, #tpu.memory_space<vmem>>
      %dma_wait3A_365 = arith.constant 0 : i32
      %dma_wait3A_366 = arith.constant 0 : i32
      %dma_wait3A_367 = tpu.memref_slice %arg15[%dma_wait3A_365, %dma_wait3A_366] : memref<64992x16xf32, #tpu.memory_space<vmem_shared>> -> memref<64992x16xf32, #tpu.memory_space<vmem_shared>>
      tpu.wait_indirect_dma semaphore(%arg18 : memref<!tpu.dma_semaphore, #tpu.memory_space<semaphore_mem>>) src(%dma_wait3A_361 : memref<128x16xf32, #tpu.memory_space<vmem>>) dst(%dma_wait3A_367 : memref<64992x16xf32, #tpu.memory_space<vmem_shared>>)
      %dma_wait3A_368 = arith.constant 5 : i32
      %dma_wait3A_369 = arith.constant 640 : i32
      %dma_wait3A_370 = arith.constant 0 : i32
      %dma_wait3A_371 = tpu.memref_slice %arg8[%dma_wait3A_369, %dma_wait3A_370] : memref<1408x16xf32, #tpu.memory_space<vmem>> -> memref<128x16xf32, #tpu.memory_space<vmem>>
      %dma_wait3A_372 = arith.constant 0 : i32
      %dma_wait3A_373 = tpu.memref_slice %arg10[%dma_wait3A_368, %dma_wait3A_372] : memref<11x128xi32, #tpu.memory_space<vmem>> -> memref<1x128xi32, #tpu.memory_space<vmem>>
      %dma_wait3A_374 = tpu.memref_squeeze %dma_wait3A_373 : memref<1x128xi32, #tpu.memory_space<vmem>> -> memref<128xi32, #tpu.memory_space<vmem>>
      %dma_wait3A_375 = arith.constant 0 : i32
      %dma_wait3A_376 = arith.constant 0 : i32
      %dma_wait3A_377 = tpu.memref_slice %arg15[%dma_wait3A_375, %dma_wait3A_376] : memref<64992x16xf32, #tpu.memory_space<vmem_shared>> -> memref<64992x16xf32, #tpu.memory_space<vmem_shared>>
      tpu.wait_indirect_dma semaphore(%arg18 : memref<!tpu.dma_semaphore, #tpu.memory_space<semaphore_mem>>) src(%dma_wait3A_371 : memref<128x16xf32, #tpu.memory_space<vmem>>) dst(%dma_wait3A_377 : memref<64992x16xf32, #tpu.memory_space<vmem_shared>>)
      %dma_wait3A_378 = arith.constant 6 : i32
      %dma_wait3A_379 = arith.constant 768 : i32
      %dma_wait3A_380 = arith.constant 0 : i32
      %dma_wait3A_381 = tpu.memref_slice %arg8[%dma_wait3A_379, %dma_wait3A_380] : memref<1408x16xf32, #tpu.memory_space<vmem>> -> memref<128x16xf32, #tpu.memory_space<vmem>>
      %dma_wait3A_382 = arith.constant 0 : i32
      %dma_wait3A_383 = tpu.memref_slice %arg10[%dma_wait3A_378, %dma_wait3A_382] : memref<11x128xi32, #tpu.memory_space<vmem>> -> memref<1x128xi32, #tpu.memory_space<vmem>>
      %dma_wait3A_384 = tpu.memref_squeeze %dma_wait3A_383 : memref<1x128xi32, #tpu.memory_space<vmem>> -> memref<128xi32, #tpu.memory_space<vmem>>
      %dma_wait3A_385 = arith.constant 0 : i32
      %dma_wait3A_386 = arith.constant 0 : i32
      %dma_wait3A_387 = tpu.memref_slice %arg15[%dma_wait3A_385, %dma_wait3A_386] : memref<64992x16xf32, #tpu.memory_space<vmem_shared>> -> memref<64992x16xf32, #tpu.memory_space<vmem_shared>>
      tpu.wait_indirect_dma semaphore(%arg18 : memref<!tpu.dma_semaphore, #tpu.memory_space<semaphore_mem>>) src(%dma_wait3A_381 : memref<128x16xf32, #tpu.memory_space<vmem>>) dst(%dma_wait3A_387 : memref<64992x16xf32, #tpu.memory_space<vmem_shared>>)
      %dma_wait3A_388 = arith.constant 7 : i32
      %dma_wait3A_389 = arith.constant 896 : i32
      %dma_wait3A_390 = arith.constant 0 : i32
      %dma_wait3A_391 = tpu.memref_slice %arg8[%dma_wait3A_389, %dma_wait3A_390] : memref<1408x16xf32, #tpu.memory_space<vmem>> -> memref<128x16xf32, #tpu.memory_space<vmem>>
      %dma_wait3A_392 = arith.constant 0 : i32
      %dma_wait3A_393 = tpu.memref_slice %arg10[%dma_wait3A_388, %dma_wait3A_392] : memref<11x128xi32, #tpu.memory_space<vmem>> -> memref<1x128xi32, #tpu.memory_space<vmem>>
      %dma_wait3A_394 = tpu.memref_squeeze %dma_wait3A_393 : memref<1x128xi32, #tpu.memory_space<vmem>> -> memref<128xi32, #tpu.memory_space<vmem>>
      %dma_wait3A_395 = arith.constant 0 : i32
      %dma_wait3A_396 = arith.constant 0 : i32
      %dma_wait3A_397 = tpu.memref_slice %arg15[%dma_wait3A_395, %dma_wait3A_396] : memref<64992x16xf32, #tpu.memory_space<vmem_shared>> -> memref<64992x16xf32, #tpu.memory_space<vmem_shared>>
      tpu.wait_indirect_dma semaphore(%arg18 : memref<!tpu.dma_semaphore, #tpu.memory_space<semaphore_mem>>) src(%dma_wait3A_391 : memref<128x16xf32, #tpu.memory_space<vmem>>) dst(%dma_wait3A_397 : memref<64992x16xf32, #tpu.memory_space<vmem_shared>>)
      %dma_wait3A_398 = arith.constant 8 : i32
      %dma_wait3A_399 = arith.constant 1024 : i32
      %dma_wait3A_400 = arith.constant 0 : i32
      %dma_wait3A_401 = tpu.memref_slice %arg8[%dma_wait3A_399, %dma_wait3A_400] : memref<1408x16xf32, #tpu.memory_space<vmem>> -> memref<128x16xf32, #tpu.memory_space<vmem>>
      %dma_wait3A_402 = arith.constant 0 : i32
      %dma_wait3A_403 = tpu.memref_slice %arg10[%dma_wait3A_398, %dma_wait3A_402] : memref<11x128xi32, #tpu.memory_space<vmem>> -> memref<1x128xi32, #tpu.memory_space<vmem>>
      %dma_wait3A_404 = tpu.memref_squeeze %dma_wait3A_403 : memref<1x128xi32, #tpu.memory_space<vmem>> -> memref<128xi32, #tpu.memory_space<vmem>>
      %dma_wait3A_405 = arith.constant 0 : i32
      %dma_wait3A_406 = arith.constant 0 : i32
      %dma_wait3A_407 = tpu.memref_slice %arg15[%dma_wait3A_405, %dma_wait3A_406] : memref<64992x16xf32, #tpu.memory_space<vmem_shared>> -> memref<64992x16xf32, #tpu.memory_space<vmem_shared>>
      tpu.wait_indirect_dma semaphore(%arg18 : memref<!tpu.dma_semaphore, #tpu.memory_space<semaphore_mem>>) src(%dma_wait3A_401 : memref<128x16xf32, #tpu.memory_space<vmem>>) dst(%dma_wait3A_407 : memref<64992x16xf32, #tpu.memory_space<vmem_shared>>)
      %dma_wait3A_408 = arith.constant 9 : i32
      %dma_wait3A_409 = arith.constant 1152 : i32
      %dma_wait3A_410 = arith.constant 0 : i32
      %dma_wait3A_411 = tpu.memref_slice %arg8[%dma_wait3A_409, %dma_wait3A_410] : memref<1408x16xf32, #tpu.memory_space<vmem>> -> memref<128x16xf32, #tpu.memory_space<vmem>>
      %dma_wait3A_412 = arith.constant 0 : i32
      %dma_wait3A_413 = tpu.memref_slice %arg10[%dma_wait3A_408, %dma_wait3A_412] : memref<11x128xi32, #tpu.memory_space<vmem>> -> memref<1x128xi32, #tpu.memory_space<vmem>>
      %dma_wait3A_414 = tpu.memref_squeeze %dma_wait3A_413 : memref<1x128xi32, #tpu.memory_space<vmem>> -> memref<128xi32, #tpu.memory_space<vmem>>
      %dma_wait3A_415 = arith.constant 0 : i32
      %dma_wait3A_416 = arith.constant 0 : i32
      %dma_wait3A_417 = tpu.memref_slice %arg15[%dma_wait3A_415, %dma_wait3A_416] : memref<64992x16xf32, #tpu.memory_space<vmem_shared>> -> memref<64992x16xf32, #tpu.memory_space<vmem_shared>>
      tpu.wait_indirect_dma semaphore(%arg18 : memref<!tpu.dma_semaphore, #tpu.memory_space<semaphore_mem>>) src(%dma_wait3A_411 : memref<128x16xf32, #tpu.memory_space<vmem>>) dst(%dma_wait3A_417 : memref<64992x16xf32, #tpu.memory_space<vmem_shared>>)
      %dma_wait3A_418 = arith.constant 10 : i32
      %dma_wait3A_419 = arith.constant 1280 : i32
      %dma_wait3A_420 = arith.constant 0 : i32
      %dma_wait3A_421 = tpu.memref_slice %arg8[%dma_wait3A_419, %dma_wait3A_420] : memref<1408x16xf32, #tpu.memory_space<vmem>> -> memref<128x16xf32, #tpu.memory_space<vmem>>
      %dma_wait3A_422 = arith.constant 0 : i32
      %dma_wait3A_423 = tpu.memref_slice %arg10[%dma_wait3A_418, %dma_wait3A_422] : memref<11x128xi32, #tpu.memory_space<vmem>> -> memref<1x128xi32, #tpu.memory_space<vmem>>
      %dma_wait3A_424 = tpu.memref_squeeze %dma_wait3A_423 : memref<1x128xi32, #tpu.memory_space<vmem>> -> memref<128xi32, #tpu.memory_space<vmem>>
      %dma_wait3A_425 = arith.constant 0 : i32
      %dma_wait3A_426 = arith.constant 0 : i32
      %dma_wait3A_427 = tpu.memref_slice %arg15[%dma_wait3A_425, %dma_wait3A_426] : memref<64992x16xf32, #tpu.memory_space<vmem_shared>> -> memref<64992x16xf32, #tpu.memory_space<vmem_shared>>
      tpu.wait_indirect_dma semaphore(%arg18 : memref<!tpu.dma_semaphore, #tpu.memory_space<semaphore_mem>>) src(%dma_wait3A_421 : memref<128x16xf32, #tpu.memory_space<vmem>>) dst(%dma_wait3A_427 : memref<64992x16xf32, #tpu.memory_space<vmem_shared>>)
      %add3A_428 = arith.constant 2 : i32
      %add3A_429 = arith.addi %mul3A_192, %add3A_428 : i32
      %lt3A = arith.constant 30 : i32
      %lt3A_430 = arith.cmpi slt, %add3A_429, %lt3A : i32
      %convert_element_type3A = arith.extui %lt3A_430 : i1 to i32
      %cond3A = arith.constant 0 : i32
      %cond3A_431 = arith.cmpi ne, %convert_element_type3A, %cond3A : i32
      scf.if %cond3A_431 {
        %add3A_680 = arith.constant 2 : i32
        %add3A_681 = arith.addi %mul3A_192, %add3A_680 : i32
        %mul3A_682 = arith.constant 1408 : i32
        %mul3A_683 = arith.muli %add3A_681, %mul3A_682 : i32
        %add3A_684 = arith.addi %mul3A_1, %mul3A_683 : i32
        %dma_start3A_685 = arith.constant 16 : i32
        %dma_start3A_686 = tpu.memref_slice %arg5[%add3A_684, %dma_start3A_685] : memref<675840x64xf32, #tpu.memory_space<hbm>> -> memref<1408x16xf32, #tpu.memory_space<hbm>>
        %dma_start3A_687 = arith.constant 16 : i32
        %dma_start3A_688 = tpu.memref_slice %arg5[%add3A_684, %dma_start3A_687] : memref<675840x64xf32, #tpu.memory_space<hbm>> -> memref<1408x16xf32, #tpu.memory_space<hbm>>
        tpu.enqueue_dma source(%dma_start3A_688 : memref<1408x16xf32, #tpu.memory_space<hbm>>) target(%arg8 : memref<1408x16xf32, #tpu.memory_space<vmem>>) target_semaphore(%arg16 : memref<!tpu.dma_semaphore, #tpu.memory_space<semaphore_mem>>)
        %mul3A_689 = arith.constant 11 : i32
        %mul3A_690 = arith.muli %add3A_681, %mul3A_689 : i32
        %add3A_691 = arith.addi %mul3A_3, %mul3A_690 : i32
        %dma_start3A_692 = arith.constant 0 : i32
        %dma_start3A_693 = tpu.memref_slice %arg7[%arg0, %add3A_691, %dma_start3A_692] : memref<2x5280x128xi32, #tpu.memory_space<hbm>> -> memref<1x11x128xi32, #tpu.memory_space<hbm>>
        %dma_start3A_694 = tpu.memref_squeeze %dma_start3A_693 : memref<1x11x128xi32, #tpu.memory_space<hbm>> -> memref<11x128xi32, #tpu.memory_space<hbm>>
        %dma_start3A_695 = arith.constant 0 : i32
        %dma_start3A_696 = tpu.memref_slice %arg7[%arg0, %add3A_691, %dma_start3A_695] : memref<2x5280x128xi32, #tpu.memory_space<hbm>> -> memref<1x11x128xi32, #tpu.memory_space<hbm>>
        %dma_start3A_697 = tpu.memref_squeeze %dma_start3A_696 : memref<1x11x128xi32, #tpu.memory_space<hbm>> -> memref<11x128xi32, #tpu.memory_space<hbm>>
        tpu.enqueue_dma source(%dma_start3A_697 : memref<11x128xi32, #tpu.memory_space<hbm>>) target(%arg10 : memref<11x128xi32, #tpu.memory_space<vmem>>) target_semaphore(%arg16 : memref<!tpu.dma_semaphore, #tpu.memory_space<semaphore_mem>>)
      } else {
      }
      %mul3A_432 = arith.constant 2 : i32
      %mul3A_433 = arith.muli %mul3A_432, %scan3A_189 : i32
      %add3A_434 = arith.constant 1 : i32
      %add3A_435 = arith.addi %mul3A_433, %add3A_434 : i32
      %mul3A_436 = arith.constant 1408 : i32
      %mul3A_437 = arith.muli %add3A_435, %mul3A_436 : i32
      %add3A_438 = arith.addi %mul3A_1, %mul3A_437 : i32
      %dma_wait3A_439 = arith.constant 16 : i32
      %dma_wait3A_440 = tpu.memref_slice %arg5[%add3A_438, %dma_wait3A_439] : memref<675840x64xf32, #tpu.memory_space<hbm>> -> memref<1408x16xf32, #tpu.memory_space<hbm>>
      %dma_wait3A_441 = arith.constant 16 : i32
      %dma_wait3A_442 = tpu.memref_slice %arg5[%add3A_438, %dma_wait3A_441] : memref<675840x64xf32, #tpu.memory_space<hbm>> -> memref<1408x16xf32, #tpu.memory_space<hbm>>
      tpu.wait_dma2 semaphore(%arg17 : memref<!tpu.dma_semaphore, #tpu.memory_space<semaphore_mem>>) src(%dma_wait3A_442 : memref<1408x16xf32, #tpu.memory_space<hbm>>) dst(%arg9 : memref<1408x16xf32, #tpu.memory_space<vmem>>)
      %mul3A_443 = arith.constant 11 : i32
      %mul3A_444 = arith.muli %add3A_435, %mul3A_443 : i32
      %add3A_445 = arith.addi %mul3A_3, %mul3A_444 : i32
      %dma_wait3A_446 = arith.constant 0 : i32
      %dma_wait3A_447 = tpu.memref_slice %arg7[%arg0, %add3A_445, %dma_wait3A_446] : memref<2x5280x128xi32, #tpu.memory_space<hbm>> -> memref<1x11x128xi32, #tpu.memory_space<hbm>>
      %dma_wait3A_448 = tpu.memref_squeeze %dma_wait3A_447 : memref<1x11x128xi32, #tpu.memory_space<hbm>> -> memref<11x128xi32, #tpu.memory_space<hbm>>
      %dma_wait3A_449 = arith.constant 0 : i32
      %dma_wait3A_450 = tpu.memref_slice %arg7[%arg0, %add3A_445, %dma_wait3A_449] : memref<2x5280x128xi32, #tpu.memory_space<hbm>> -> memref<1x11x128xi32, #tpu.memory_space<hbm>>
      %dma_wait3A_451 = tpu.memref_squeeze %dma_wait3A_450 : memref<1x11x128xi32, #tpu.memory_space<hbm>> -> memref<11x128xi32, #tpu.memory_space<hbm>>
      tpu.wait_dma2 semaphore(%arg17 : memref<!tpu.dma_semaphore, #tpu.memory_space<semaphore_mem>>) src(%dma_wait3A_451 : memref<11x128xi32, #tpu.memory_space<hbm>>) dst(%arg11 : memref<11x128xi32, #tpu.memory_space<vmem>>)
      %dma_start3A_452 = arith.constant 0 : i32
      %dma_start3A_453 = arith.constant 0 : i32
      %dma_start3A_454 = arith.constant 0 : i32
      %dma_start3A_455 = tpu.memref_slice %arg9[%dma_start3A_453, %dma_start3A_454] : memref<1408x16xf32, #tpu.memory_space<vmem>> -> memref<128x16xf32, #tpu.memory_space<vmem>>
      %dma_start3A_456 = arith.constant 0 : i32
      %dma_start3A_457 = tpu.memref_slice %arg11[%dma_start3A_452, %dma_start3A_456] : memref<11x128xi32, #tpu.memory_space<vmem>> -> memref<1x128xi32, #tpu.memory_space<vmem>>
      %dma_start3A_458 = tpu.memref_squeeze %dma_start3A_457 : memref<1x128xi32, #tpu.memory_space<vmem>> -> memref<128xi32, #tpu.memory_space<vmem>>
      %dma_start3A_459 = arith.constant 0 : i32
      %dma_start3A_460 = arith.constant 0 : i32
      %dma_start3A_461 = tpu.memref_slice %arg15[%dma_start3A_459, %dma_start3A_460] : memref<64992x16xf32, #tpu.memory_space<vmem_shared>> -> memref<64992x16xf32, #tpu.memory_space<vmem_shared>>
      tpu.enqueue_indirect_dma source(%dma_start3A_455 : memref<128x16xf32, #tpu.memory_space<vmem>>) target(%dma_start3A_461 : memref<64992x16xf32, #tpu.memory_space<vmem_shared>>) offsets(%dma_start3A_458 : memref<128xi32, #tpu.memory_space<vmem>>) semaphore(%arg18 : memref<!tpu.dma_semaphore, #tpu.memory_space<semaphore_mem>>) {add = true}
      %dma_start3A_462 = arith.constant 1 : i32
      %dma_start3A_463 = arith.constant 128 : i32
      %dma_start3A_464 = arith.constant 0 : i32
      %dma_start3A_465 = tpu.memref_slice %arg9[%dma_start3A_463, %dma_start3A_464] : memref<1408x16xf32, #tpu.memory_space<vmem>> -> memref<128x16xf32, #tpu.memory_space<vmem>>
      %dma_start3A_466 = arith.constant 0 : i32
      %dma_start3A_467 = tpu.memref_slice %arg11[%dma_start3A_462, %dma_start3A_466] : memref<11x128xi32, #tpu.memory_space<vmem>> -> memref<1x128xi32, #tpu.memory_space<vmem>>
      %dma_start3A_468 = tpu.memref_squeeze %dma_start3A_467 : memref<1x128xi32, #tpu.memory_space<vmem>> -> memref<128xi32, #tpu.memory_space<vmem>>
      %dma_start3A_469 = arith.constant 0 : i32
      %dma_start3A_470 = arith.constant 0 : i32
      %dma_start3A_471 = tpu.memref_slice %arg15[%dma_start3A_469, %dma_start3A_470] : memref<64992x16xf32, #tpu.memory_space<vmem_shared>> -> memref<64992x16xf32, #tpu.memory_space<vmem_shared>>
      tpu.enqueue_indirect_dma source(%dma_start3A_465 : memref<128x16xf32, #tpu.memory_space<vmem>>) target(%dma_start3A_471 : memref<64992x16xf32, #tpu.memory_space<vmem_shared>>) offsets(%dma_start3A_468 : memref<128xi32, #tpu.memory_space<vmem>>) semaphore(%arg18 : memref<!tpu.dma_semaphore, #tpu.memory_space<semaphore_mem>>) {add = true}
      %dma_start3A_472 = arith.constant 2 : i32
      %dma_start3A_473 = arith.constant 256 : i32
      %dma_start3A_474 = arith.constant 0 : i32
      %dma_start3A_475 = tpu.memref_slice %arg9[%dma_start3A_473, %dma_start3A_474] : memref<1408x16xf32, #tpu.memory_space<vmem>> -> memref<128x16xf32, #tpu.memory_space<vmem>>
      %dma_start3A_476 = arith.constant 0 : i32
      %dma_start3A_477 = tpu.memref_slice %arg11[%dma_start3A_472, %dma_start3A_476] : memref<11x128xi32, #tpu.memory_space<vmem>> -> memref<1x128xi32, #tpu.memory_space<vmem>>
      %dma_start3A_478 = tpu.memref_squeeze %dma_start3A_477 : memref<1x128xi32, #tpu.memory_space<vmem>> -> memref<128xi32, #tpu.memory_space<vmem>>
      %dma_start3A_479 = arith.constant 0 : i32
      %dma_start3A_480 = arith.constant 0 : i32
      %dma_start3A_481 = tpu.memref_slice %arg15[%dma_start3A_479, %dma_start3A_480] : memref<64992x16xf32, #tpu.memory_space<vmem_shared>> -> memref<64992x16xf32, #tpu.memory_space<vmem_shared>>
      tpu.enqueue_indirect_dma source(%dma_start3A_475 : memref<128x16xf32, #tpu.memory_space<vmem>>) target(%dma_start3A_481 : memref<64992x16xf32, #tpu.memory_space<vmem_shared>>) offsets(%dma_start3A_478 : memref<128xi32, #tpu.memory_space<vmem>>) semaphore(%arg18 : memref<!tpu.dma_semaphore, #tpu.memory_space<semaphore_mem>>) {add = true}
      %dma_start3A_482 = arith.constant 3 : i32
      %dma_start3A_483 = arith.constant 384 : i32
      %dma_start3A_484 = arith.constant 0 : i32
      %dma_start3A_485 = tpu.memref_slice %arg9[%dma_start3A_483, %dma_start3A_484] : memref<1408x16xf32, #tpu.memory_space<vmem>> -> memref<128x16xf32, #tpu.memory_space<vmem>>
      %dma_start3A_486 = arith.constant 0 : i32
      %dma_start3A_487 = tpu.memref_slice %arg11[%dma_start3A_482, %dma_start3A_486] : memref<11x128xi32, #tpu.memory_space<vmem>> -> memref<1x128xi32, #tpu.memory_space<vmem>>
      %dma_start3A_488 = tpu.memref_squeeze %dma_start3A_487 : memref<1x128xi32, #tpu.memory_space<vmem>> -> memref<128xi32, #tpu.memory_space<vmem>>
      %dma_start3A_489 = arith.constant 0 : i32
      %dma_start3A_490 = arith.constant 0 : i32
      %dma_start3A_491 = tpu.memref_slice %arg15[%dma_start3A_489, %dma_start3A_490] : memref<64992x16xf32, #tpu.memory_space<vmem_shared>> -> memref<64992x16xf32, #tpu.memory_space<vmem_shared>>
      tpu.enqueue_indirect_dma source(%dma_start3A_485 : memref<128x16xf32, #tpu.memory_space<vmem>>) target(%dma_start3A_491 : memref<64992x16xf32, #tpu.memory_space<vmem_shared>>) offsets(%dma_start3A_488 : memref<128xi32, #tpu.memory_space<vmem>>) semaphore(%arg18 : memref<!tpu.dma_semaphore, #tpu.memory_space<semaphore_mem>>) {add = true}
      %dma_start3A_492 = arith.constant 4 : i32
      %dma_start3A_493 = arith.constant 512 : i32
      %dma_start3A_494 = arith.constant 0 : i32
      %dma_start3A_495 = tpu.memref_slice %arg9[%dma_start3A_493, %dma_start3A_494] : memref<1408x16xf32, #tpu.memory_space<vmem>> -> memref<128x16xf32, #tpu.memory_space<vmem>>
      %dma_start3A_496 = arith.constant 0 : i32
      %dma_start3A_497 = tpu.memref_slice %arg11[%dma_start3A_492, %dma_start3A_496] : memref<11x128xi32, #tpu.memory_space<vmem>> -> memref<1x128xi32, #tpu.memory_space<vmem>>
      %dma_start3A_498 = tpu.memref_squeeze %dma_start3A_497 : memref<1x128xi32, #tpu.memory_space<vmem>> -> memref<128xi32, #tpu.memory_space<vmem>>
      %dma_start3A_499 = arith.constant 0 : i32
      %dma_start3A_500 = arith.constant 0 : i32
      %dma_start3A_501 = tpu.memref_slice %arg15[%dma_start3A_499, %dma_start3A_500] : memref<64992x16xf32, #tpu.memory_space<vmem_shared>> -> memref<64992x16xf32, #tpu.memory_space<vmem_shared>>
      tpu.enqueue_indirect_dma source(%dma_start3A_495 : memref<128x16xf32, #tpu.memory_space<vmem>>) target(%dma_start3A_501 : memref<64992x16xf32, #tpu.memory_space<vmem_shared>>) offsets(%dma_start3A_498 : memref<128xi32, #tpu.memory_space<vmem>>) semaphore(%arg18 : memref<!tpu.dma_semaphore, #tpu.memory_space<semaphore_mem>>) {add = true}
      %dma_start3A_502 = arith.constant 5 : i32
      %dma_start3A_503 = arith.constant 640 : i32
      %dma_start3A_504 = arith.constant 0 : i32
      %dma_start3A_505 = tpu.memref_slice %arg9[%dma_start3A_503, %dma_start3A_504] : memref<1408x16xf32, #tpu.memory_space<vmem>> -> memref<128x16xf32, #tpu.memory_space<vmem>>
      %dma_start3A_506 = arith.constant 0 : i32
      %dma_start3A_507 = tpu.memref_slice %arg11[%dma_start3A_502, %dma_start3A_506] : memref<11x128xi32, #tpu.memory_space<vmem>> -> memref<1x128xi32, #tpu.memory_space<vmem>>
      %dma_start3A_508 = tpu.memref_squeeze %dma_start3A_507 : memref<1x128xi32, #tpu.memory_space<vmem>> -> memref<128xi32, #tpu.memory_space<vmem>>
      %dma_start3A_509 = arith.constant 0 : i32
      %dma_start3A_510 = arith.constant 0 : i32
      %dma_start3A_511 = tpu.memref_slice %arg15[%dma_start3A_509, %dma_start3A_510] : memref<64992x16xf32, #tpu.memory_space<vmem_shared>> -> memref<64992x16xf32, #tpu.memory_space<vmem_shared>>
      tpu.enqueue_indirect_dma source(%dma_start3A_505 : memref<128x16xf32, #tpu.memory_space<vmem>>) target(%dma_start3A_511 : memref<64992x16xf32, #tpu.memory_space<vmem_shared>>) offsets(%dma_start3A_508 : memref<128xi32, #tpu.memory_space<vmem>>) semaphore(%arg18 : memref<!tpu.dma_semaphore, #tpu.memory_space<semaphore_mem>>) {add = true}
      %dma_start3A_512 = arith.constant 6 : i32
      %dma_start3A_513 = arith.constant 768 : i32
      %dma_start3A_514 = arith.constant 0 : i32
      %dma_start3A_515 = tpu.memref_slice %arg9[%dma_start3A_513, %dma_start3A_514] : memref<1408x16xf32, #tpu.memory_space<vmem>> -> memref<128x16xf32, #tpu.memory_space<vmem>>
      %dma_start3A_516 = arith.constant 0 : i32
      %dma_start3A_517 = tpu.memref_slice %arg11[%dma_start3A_512, %dma_start3A_516] : memref<11x128xi32, #tpu.memory_space<vmem>> -> memref<1x128xi32, #tpu.memory_space<vmem>>
      %dma_start3A_518 = tpu.memref_squeeze %dma_start3A_517 : memref<1x128xi32, #tpu.memory_space<vmem>> -> memref<128xi32, #tpu.memory_space<vmem>>
      %dma_start3A_519 = arith.constant 0 : i32
      %dma_start3A_520 = arith.constant 0 : i32
      %dma_start3A_521 = tpu.memref_slice %arg15[%dma_start3A_519, %dma_start3A_520] : memref<64992x16xf32, #tpu.memory_space<vmem_shared>> -> memref<64992x16xf32, #tpu.memory_space<vmem_shared>>
      tpu.enqueue_indirect_dma source(%dma_start3A_515 : memref<128x16xf32, #tpu.memory_space<vmem>>) target(%dma_start3A_521 : memref<64992x16xf32, #tpu.memory_space<vmem_shared>>) offsets(%dma_start3A_518 : memref<128xi32, #tpu.memory_space<vmem>>) semaphore(%arg18 : memref<!tpu.dma_semaphore, #tpu.memory_space<semaphore_mem>>) {add = true}
      %dma_start3A_522 = arith.constant 7 : i32
      %dma_start3A_523 = arith.constant 896 : i32
      %dma_start3A_524 = arith.constant 0 : i32
      %dma_start3A_525 = tpu.memref_slice %arg9[%dma_start3A_523, %dma_start3A_524] : memref<1408x16xf32, #tpu.memory_space<vmem>> -> memref<128x16xf32, #tpu.memory_space<vmem>>
      %dma_start3A_526 = arith.constant 0 : i32
      %dma_start3A_527 = tpu.memref_slice %arg11[%dma_start3A_522, %dma_start3A_526] : memref<11x128xi32, #tpu.memory_space<vmem>> -> memref<1x128xi32, #tpu.memory_space<vmem>>
      %dma_start3A_528 = tpu.memref_squeeze %dma_start3A_527 : memref<1x128xi32, #tpu.memory_space<vmem>> -> memref<128xi32, #tpu.memory_space<vmem>>
      %dma_start3A_529 = arith.constant 0 : i32
      %dma_start3A_530 = arith.constant 0 : i32
      %dma_start3A_531 = tpu.memref_slice %arg15[%dma_start3A_529, %dma_start3A_530] : memref<64992x16xf32, #tpu.memory_space<vmem_shared>> -> memref<64992x16xf32, #tpu.memory_space<vmem_shared>>
      tpu.enqueue_indirect_dma source(%dma_start3A_525 : memref<128x16xf32, #tpu.memory_space<vmem>>) target(%dma_start3A_531 : memref<64992x16xf32, #tpu.memory_space<vmem_shared>>) offsets(%dma_start3A_528 : memref<128xi32, #tpu.memory_space<vmem>>) semaphore(%arg18 : memref<!tpu.dma_semaphore, #tpu.memory_space<semaphore_mem>>) {add = true}
      %dma_start3A_532 = arith.constant 8 : i32
      %dma_start3A_533 = arith.constant 1024 : i32
      %dma_start3A_534 = arith.constant 0 : i32
      %dma_start3A_535 = tpu.memref_slice %arg9[%dma_start3A_533, %dma_start3A_534] : memref<1408x16xf32, #tpu.memory_space<vmem>> -> memref<128x16xf32, #tpu.memory_space<vmem>>
      %dma_start3A_536 = arith.constant 0 : i32
      %dma_start3A_537 = tpu.memref_slice %arg11[%dma_start3A_532, %dma_start3A_536] : memref<11x128xi32, #tpu.memory_space<vmem>> -> memref<1x128xi32, #tpu.memory_space<vmem>>
      %dma_start3A_538 = tpu.memref_squeeze %dma_start3A_537 : memref<1x128xi32, #tpu.memory_space<vmem>> -> memref<128xi32, #tpu.memory_space<vmem>>
      %dma_start3A_539 = arith.constant 0 : i32
      %dma_start3A_540 = arith.constant 0 : i32
      %dma_start3A_541 = tpu.memref_slice %arg15[%dma_start3A_539, %dma_start3A_540] : memref<64992x16xf32, #tpu.memory_space<vmem_shared>> -> memref<64992x16xf32, #tpu.memory_space<vmem_shared>>
      tpu.enqueue_indirect_dma source(%dma_start3A_535 : memref<128x16xf32, #tpu.memory_space<vmem>>) target(%dma_start3A_541 : memref<64992x16xf32, #tpu.memory_space<vmem_shared>>) offsets(%dma_start3A_538 : memref<128xi32, #tpu.memory_space<vmem>>) semaphore(%arg18 : memref<!tpu.dma_semaphore, #tpu.memory_space<semaphore_mem>>) {add = true}
      %dma_start3A_542 = arith.constant 9 : i32
      %dma_start3A_543 = arith.constant 1152 : i32
      %dma_start3A_544 = arith.constant 0 : i32
      %dma_start3A_545 = tpu.memref_slice %arg9[%dma_start3A_543, %dma_start3A_544] : memref<1408x16xf32, #tpu.memory_space<vmem>> -> memref<128x16xf32, #tpu.memory_space<vmem>>
      %dma_start3A_546 = arith.constant 0 : i32
      %dma_start3A_547 = tpu.memref_slice %arg11[%dma_start3A_542, %dma_start3A_546] : memref<11x128xi32, #tpu.memory_space<vmem>> -> memref<1x128xi32, #tpu.memory_space<vmem>>
      %dma_start3A_548 = tpu.memref_squeeze %dma_start3A_547 : memref<1x128xi32, #tpu.memory_space<vmem>> -> memref<128xi32, #tpu.memory_space<vmem>>
      %dma_start3A_549 = arith.constant 0 : i32
      %dma_start3A_550 = arith.constant 0 : i32
      %dma_start3A_551 = tpu.memref_slice %arg15[%dma_start3A_549, %dma_start3A_550] : memref<64992x16xf32, #tpu.memory_space<vmem_shared>> -> memref<64992x16xf32, #tpu.memory_space<vmem_shared>>
      tpu.enqueue_indirect_dma source(%dma_start3A_545 : memref<128x16xf32, #tpu.memory_space<vmem>>) target(%dma_start3A_551 : memref<64992x16xf32, #tpu.memory_space<vmem_shared>>) offsets(%dma_start3A_548 : memref<128xi32, #tpu.memory_space<vmem>>) semaphore(%arg18 : memref<!tpu.dma_semaphore, #tpu.memory_space<semaphore_mem>>) {add = true}
      %dma_start3A_552 = arith.constant 10 : i32
      %dma_start3A_553 = arith.constant 1280 : i32
      %dma_start3A_554 = arith.constant 0 : i32
      %dma_start3A_555 = tpu.memref_slice %arg9[%dma_start3A_553, %dma_start3A_554] : memref<1408x16xf32, #tpu.memory_space<vmem>> -> memref<128x16xf32, #tpu.memory_space<vmem>>
      %dma_start3A_556 = arith.constant 0 : i32
      %dma_start3A_557 = tpu.memref_slice %arg11[%dma_start3A_552, %dma_start3A_556] : memref<11x128xi32, #tpu.memory_space<vmem>> -> memref<1x128xi32, #tpu.memory_space<vmem>>
      %dma_start3A_558 = tpu.memref_squeeze %dma_start3A_557 : memref<1x128xi32, #tpu.memory_space<vmem>> -> memref<128xi32, #tpu.memory_space<vmem>>
      %dma_start3A_559 = arith.constant 0 : i32
      %dma_start3A_560 = arith.constant 0 : i32
      %dma_start3A_561 = tpu.memref_slice %arg15[%dma_start3A_559, %dma_start3A_560] : memref<64992x16xf32, #tpu.memory_space<vmem_shared>> -> memref<64992x16xf32, #tpu.memory_space<vmem_shared>>
      tpu.enqueue_indirect_dma source(%dma_start3A_555 : memref<128x16xf32, #tpu.memory_space<vmem>>) target(%dma_start3A_561 : memref<64992x16xf32, #tpu.memory_space<vmem_shared>>) offsets(%dma_start3A_558 : memref<128xi32, #tpu.memory_space<vmem>>) semaphore(%arg18 : memref<!tpu.dma_semaphore, #tpu.memory_space<semaphore_mem>>) {add = true}
      %dma_wait3A_562 = arith.constant 0 : i32
      %dma_wait3A_563 = arith.constant 0 : i32
      %dma_wait3A_564 = arith.constant 0 : i32
      %dma_wait3A_565 = tpu.memref_slice %arg9[%dma_wait3A_563, %dma_wait3A_564] : memref<1408x16xf32, #tpu.memory_space<vmem>> -> memref<128x16xf32, #tpu.memory_space<vmem>>
      %dma_wait3A_566 = arith.constant 0 : i32
      %dma_wait3A_567 = tpu.memref_slice %arg11[%dma_wait3A_562, %dma_wait3A_566] : memref<11x128xi32, #tpu.memory_space<vmem>> -> memref<1x128xi32, #tpu.memory_space<vmem>>
      %dma_wait3A_568 = tpu.memref_squeeze %dma_wait3A_567 : memref<1x128xi32, #tpu.memory_space<vmem>> -> memref<128xi32, #tpu.memory_space<vmem>>
      %dma_wait3A_569 = arith.constant 0 : i32
      %dma_wait3A_570 = arith.constant 0 : i32
      %dma_wait3A_571 = tpu.memref_slice %arg15[%dma_wait3A_569, %dma_wait3A_570] : memref<64992x16xf32, #tpu.memory_space<vmem_shared>> -> memref<64992x16xf32, #tpu.memory_space<vmem_shared>>
      tpu.wait_indirect_dma semaphore(%arg18 : memref<!tpu.dma_semaphore, #tpu.memory_space<semaphore_mem>>) src(%dma_wait3A_565 : memref<128x16xf32, #tpu.memory_space<vmem>>) dst(%dma_wait3A_571 : memref<64992x16xf32, #tpu.memory_space<vmem_shared>>)
      %dma_wait3A_572 = arith.constant 1 : i32
      %dma_wait3A_573 = arith.constant 128 : i32
      %dma_wait3A_574 = arith.constant 0 : i32
      %dma_wait3A_575 = tpu.memref_slice %arg9[%dma_wait3A_573, %dma_wait3A_574] : memref<1408x16xf32, #tpu.memory_space<vmem>> -> memref<128x16xf32, #tpu.memory_space<vmem>>
      %dma_wait3A_576 = arith.constant 0 : i32
      %dma_wait3A_577 = tpu.memref_slice %arg11[%dma_wait3A_572, %dma_wait3A_576] : memref<11x128xi32, #tpu.memory_space<vmem>> -> memref<1x128xi32, #tpu.memory_space<vmem>>
      %dma_wait3A_578 = tpu.memref_squeeze %dma_wait3A_577 : memref<1x128xi32, #tpu.memory_space<vmem>> -> memref<128xi32, #tpu.memory_space<vmem>>
      %dma_wait3A_579 = arith.constant 0 : i32
      %dma_wait3A_580 = arith.constant 0 : i32
      %dma_wait3A_581 = tpu.memref_slice %arg15[%dma_wait3A_579, %dma_wait3A_580] : memref<64992x16xf32, #tpu.memory_space<vmem_shared>> -> memref<64992x16xf32, #tpu.memory_space<vmem_shared>>
      tpu.wait_indirect_dma semaphore(%arg18 : memref<!tpu.dma_semaphore, #tpu.memory_space<semaphore_mem>>) src(%dma_wait3A_575 : memref<128x16xf32, #tpu.memory_space<vmem>>) dst(%dma_wait3A_581 : memref<64992x16xf32, #tpu.memory_space<vmem_shared>>)
      %dma_wait3A_582 = arith.constant 2 : i32
      %dma_wait3A_583 = arith.constant 256 : i32
      %dma_wait3A_584 = arith.constant 0 : i32
      %dma_wait3A_585 = tpu.memref_slice %arg9[%dma_wait3A_583, %dma_wait3A_584] : memref<1408x16xf32, #tpu.memory_space<vmem>> -> memref<128x16xf32, #tpu.memory_space<vmem>>
      %dma_wait3A_586 = arith.constant 0 : i32
      %dma_wait3A_587 = tpu.memref_slice %arg11[%dma_wait3A_582, %dma_wait3A_586] : memref<11x128xi32, #tpu.memory_space<vmem>> -> memref<1x128xi32, #tpu.memory_space<vmem>>
      %dma_wait3A_588 = tpu.memref_squeeze %dma_wait3A_587 : memref<1x128xi32, #tpu.memory_space<vmem>> -> memref<128xi32, #tpu.memory_space<vmem>>
      %dma_wait3A_589 = arith.constant 0 : i32
      %dma_wait3A_590 = arith.constant 0 : i32
      %dma_wait3A_591 = tpu.memref_slice %arg15[%dma_wait3A_589, %dma_wait3A_590] : memref<64992x16xf32, #tpu.memory_space<vmem_shared>> -> memref<64992x16xf32, #tpu.memory_space<vmem_shared>>
      tpu.wait_indirect_dma semaphore(%arg18 : memref<!tpu.dma_semaphore, #tpu.memory_space<semaphore_mem>>) src(%dma_wait3A_585 : memref<128x16xf32, #tpu.memory_space<vmem>>) dst(%dma_wait3A_591 : memref<64992x16xf32, #tpu.memory_space<vmem_shared>>)
      %dma_wait3A_592 = arith.constant 3 : i32
      %dma_wait3A_593 = arith.constant 384 : i32
      %dma_wait3A_594 = arith.constant 0 : i32
      %dma_wait3A_595 = tpu.memref_slice %arg9[%dma_wait3A_593, %dma_wait3A_594] : memref<1408x16xf32, #tpu.memory_space<vmem>> -> memref<128x16xf32, #tpu.memory_space<vmem>>
      %dma_wait3A_596 = arith.constant 0 : i32
      %dma_wait3A_597 = tpu.memref_slice %arg11[%dma_wait3A_592, %dma_wait3A_596] : memref<11x128xi32, #tpu.memory_space<vmem>> -> memref<1x128xi32, #tpu.memory_space<vmem>>
      %dma_wait3A_598 = tpu.memref_squeeze %dma_wait3A_597 : memref<1x128xi32, #tpu.memory_space<vmem>> -> memref<128xi32, #tpu.memory_space<vmem>>
      %dma_wait3A_599 = arith.constant 0 : i32
      %dma_wait3A_600 = arith.constant 0 : i32
      %dma_wait3A_601 = tpu.memref_slice %arg15[%dma_wait3A_599, %dma_wait3A_600] : memref<64992x16xf32, #tpu.memory_space<vmem_shared>> -> memref<64992x16xf32, #tpu.memory_space<vmem_shared>>
      tpu.wait_indirect_dma semaphore(%arg18 : memref<!tpu.dma_semaphore, #tpu.memory_space<semaphore_mem>>) src(%dma_wait3A_595 : memref<128x16xf32, #tpu.memory_space<vmem>>) dst(%dma_wait3A_601 : memref<64992x16xf32, #tpu.memory_space<vmem_shared>>)
      %dma_wait3A_602 = arith.constant 4 : i32
      %dma_wait3A_603 = arith.constant 512 : i32
      %dma_wait3A_604 = arith.constant 0 : i32
      %dma_wait3A_605 = tpu.memref_slice %arg9[%dma_wait3A_603, %dma_wait3A_604] : memref<1408x16xf32, #tpu.memory_space<vmem>> -> memref<128x16xf32, #tpu.memory_space<vmem>>
      %dma_wait3A_606 = arith.constant 0 : i32
      %dma_wait3A_607 = tpu.memref_slice %arg11[%dma_wait3A_602, %dma_wait3A_606] : memref<11x128xi32, #tpu.memory_space<vmem>> -> memref<1x128xi32, #tpu.memory_space<vmem>>
      %dma_wait3A_608 = tpu.memref_squeeze %dma_wait3A_607 : memref<1x128xi32, #tpu.memory_space<vmem>> -> memref<128xi32, #tpu.memory_space<vmem>>
      %dma_wait3A_609 = arith.constant 0 : i32
      %dma_wait3A_610 = arith.constant 0 : i32
      %dma_wait3A_611 = tpu.memref_slice %arg15[%dma_wait3A_609, %dma_wait3A_610] : memref<64992x16xf32, #tpu.memory_space<vmem_shared>> -> memref<64992x16xf32, #tpu.memory_space<vmem_shared>>
      tpu.wait_indirect_dma semaphore(%arg18 : memref<!tpu.dma_semaphore, #tpu.memory_space<semaphore_mem>>) src(%dma_wait3A_605 : memref<128x16xf32, #tpu.memory_space<vmem>>) dst(%dma_wait3A_611 : memref<64992x16xf32, #tpu.memory_space<vmem_shared>>)
      %dma_wait3A_612 = arith.constant 5 : i32
      %dma_wait3A_613 = arith.constant 640 : i32
      %dma_wait3A_614 = arith.constant 0 : i32
      %dma_wait3A_615 = tpu.memref_slice %arg9[%dma_wait3A_613, %dma_wait3A_614] : memref<1408x16xf32, #tpu.memory_space<vmem>> -> memref<128x16xf32, #tpu.memory_space<vmem>>
      %dma_wait3A_616 = arith.constant 0 : i32
      %dma_wait3A_617 = tpu.memref_slice %arg11[%dma_wait3A_612, %dma_wait3A_616] : memref<11x128xi32, #tpu.memory_space<vmem>> -> memref<1x128xi32, #tpu.memory_space<vmem>>
      %dma_wait3A_618 = tpu.memref_squeeze %dma_wait3A_617 : memref<1x128xi32, #tpu.memory_space<vmem>> -> memref<128xi32, #tpu.memory_space<vmem>>
      %dma_wait3A_619 = arith.constant 0 : i32
      %dma_wait3A_620 = arith.constant 0 : i32
      %dma_wait3A_621 = tpu.memref_slice %arg15[%dma_wait3A_619, %dma_wait3A_620] : memref<64992x16xf32, #tpu.memory_space<vmem_shared>> -> memref<64992x16xf32, #tpu.memory_space<vmem_shared>>
      tpu.wait_indirect_dma semaphore(%arg18 : memref<!tpu.dma_semaphore, #tpu.memory_space<semaphore_mem>>) src(%dma_wait3A_615 : memref<128x16xf32, #tpu.memory_space<vmem>>) dst(%dma_wait3A_621 : memref<64992x16xf32, #tpu.memory_space<vmem_shared>>)
      %dma_wait3A_622 = arith.constant 6 : i32
      %dma_wait3A_623 = arith.constant 768 : i32
      %dma_wait3A_624 = arith.constant 0 : i32
      %dma_wait3A_625 = tpu.memref_slice %arg9[%dma_wait3A_623, %dma_wait3A_624] : memref<1408x16xf32, #tpu.memory_space<vmem>> -> memref<128x16xf32, #tpu.memory_space<vmem>>
      %dma_wait3A_626 = arith.constant 0 : i32
      %dma_wait3A_627 = tpu.memref_slice %arg11[%dma_wait3A_622, %dma_wait3A_626] : memref<11x128xi32, #tpu.memory_space<vmem>> -> memref<1x128xi32, #tpu.memory_space<vmem>>
      %dma_wait3A_628 = tpu.memref_squeeze %dma_wait3A_627 : memref<1x128xi32, #tpu.memory_space<vmem>> -> memref<128xi32, #tpu.memory_space<vmem>>
      %dma_wait3A_629 = arith.constant 0 : i32
      %dma_wait3A_630 = arith.constant 0 : i32
      %dma_wait3A_631 = tpu.memref_slice %arg15[%dma_wait3A_629, %dma_wait3A_630] : memref<64992x16xf32, #tpu.memory_space<vmem_shared>> -> memref<64992x16xf32, #tpu.memory_space<vmem_shared>>
      tpu.wait_indirect_dma semaphore(%arg18 : memref<!tpu.dma_semaphore, #tpu.memory_space<semaphore_mem>>) src(%dma_wait3A_625 : memref<128x16xf32, #tpu.memory_space<vmem>>) dst(%dma_wait3A_631 : memref<64992x16xf32, #tpu.memory_space<vmem_shared>>)
      %dma_wait3A_632 = arith.constant 7 : i32
      %dma_wait3A_633 = arith.constant 896 : i32
      %dma_wait3A_634 = arith.constant 0 : i32
      %dma_wait3A_635 = tpu.memref_slice %arg9[%dma_wait3A_633, %dma_wait3A_634] : memref<1408x16xf32, #tpu.memory_space<vmem>> -> memref<128x16xf32, #tpu.memory_space<vmem>>
      %dma_wait3A_636 = arith.constant 0 : i32
      %dma_wait3A_637 = tpu.memref_slice %arg11[%dma_wait3A_632, %dma_wait3A_636] : memref<11x128xi32, #tpu.memory_space<vmem>> -> memref<1x128xi32, #tpu.memory_space<vmem>>
      %dma_wait3A_638 = tpu.memref_squeeze %dma_wait3A_637 : memref<1x128xi32, #tpu.memory_space<vmem>> -> memref<128xi32, #tpu.memory_space<vmem>>
      %dma_wait3A_639 = arith.constant 0 : i32
      %dma_wait3A_640 = arith.constant 0 : i32
      %dma_wait3A_641 = tpu.memref_slice %arg15[%dma_wait3A_639, %dma_wait3A_640] : memref<64992x16xf32, #tpu.memory_space<vmem_shared>> -> memref<64992x16xf32, #tpu.memory_space<vmem_shared>>
      tpu.wait_indirect_dma semaphore(%arg18 : memref<!tpu.dma_semaphore, #tpu.memory_space<semaphore_mem>>) src(%dma_wait3A_635 : memref<128x16xf32, #tpu.memory_space<vmem>>) dst(%dma_wait3A_641 : memref<64992x16xf32, #tpu.memory_space<vmem_shared>>)
      %dma_wait3A_642 = arith.constant 8 : i32
      %dma_wait3A_643 = arith.constant 1024 : i32
      %dma_wait3A_644 = arith.constant 0 : i32
      %dma_wait3A_645 = tpu.memref_slice %arg9[%dma_wait3A_643, %dma_wait3A_644] : memref<1408x16xf32, #tpu.memory_space<vmem>> -> memref<128x16xf32, #tpu.memory_space<vmem>>
      %dma_wait3A_646 = arith.constant 0 : i32
      %dma_wait3A_647 = tpu.memref_slice %arg11[%dma_wait3A_642, %dma_wait3A_646] : memref<11x128xi32, #tpu.memory_space<vmem>> -> memref<1x128xi32, #tpu.memory_space<vmem>>
      %dma_wait3A_648 = tpu.memref_squeeze %dma_wait3A_647 : memref<1x128xi32, #tpu.memory_space<vmem>> -> memref<128xi32, #tpu.memory_space<vmem>>
      %dma_wait3A_649 = arith.constant 0 : i32
      %dma_wait3A_650 = arith.constant 0 : i32
      %dma_wait3A_651 = tpu.memref_slice %arg15[%dma_wait3A_649, %dma_wait3A_650] : memref<64992x16xf32, #tpu.memory_space<vmem_shared>> -> memref<64992x16xf32, #tpu.memory_space<vmem_shared>>
      tpu.wait_indirect_dma semaphore(%arg18 : memref<!tpu.dma_semaphore, #tpu.memory_space<semaphore_mem>>) src(%dma_wait3A_645 : memref<128x16xf32, #tpu.memory_space<vmem>>) dst(%dma_wait3A_651 : memref<64992x16xf32, #tpu.memory_space<vmem_shared>>)
      %dma_wait3A_652 = arith.constant 9 : i32
      %dma_wait3A_653 = arith.constant 1152 : i32
      %dma_wait3A_654 = arith.constant 0 : i32
      %dma_wait3A_655 = tpu.memref_slice %arg9[%dma_wait3A_653, %dma_wait3A_654] : memref<1408x16xf32, #tpu.memory_space<vmem>> -> memref<128x16xf32, #tpu.memory_space<vmem>>
      %dma_wait3A_656 = arith.constant 0 : i32
      %dma_wait3A_657 = tpu.memref_slice %arg11[%dma_wait3A_652, %dma_wait3A_656] : memref<11x128xi32, #tpu.memory_space<vmem>> -> memref<1x128xi32, #tpu.memory_space<vmem>>
      %dma_wait3A_658 = tpu.memref_squeeze %dma_wait3A_657 : memref<1x128xi32, #tpu.memory_space<vmem>> -> memref<128xi32, #tpu.memory_space<vmem>>
      %dma_wait3A_659 = arith.constant 0 : i32
      %dma_wait3A_660 = arith.constant 0 : i32
      %dma_wait3A_661 = tpu.memref_slice %arg15[%dma_wait3A_659, %dma_wait3A_660] : memref<64992x16xf32, #tpu.memory_space<vmem_shared>> -> memref<64992x16xf32, #tpu.memory_space<vmem_shared>>
      tpu.wait_indirect_dma semaphore(%arg18 : memref<!tpu.dma_semaphore, #tpu.memory_space<semaphore_mem>>) src(%dma_wait3A_655 : memref<128x16xf32, #tpu.memory_space<vmem>>) dst(%dma_wait3A_661 : memref<64992x16xf32, #tpu.memory_space<vmem_shared>>)
      %dma_wait3A_662 = arith.constant 10 : i32
      %dma_wait3A_663 = arith.constant 1280 : i32
      %dma_wait3A_664 = arith.constant 0 : i32
      %dma_wait3A_665 = tpu.memref_slice %arg9[%dma_wait3A_663, %dma_wait3A_664] : memref<1408x16xf32, #tpu.memory_space<vmem>> -> memref<128x16xf32, #tpu.memory_space<vmem>>
      %dma_wait3A_666 = arith.constant 0 : i32
      %dma_wait3A_667 = tpu.memref_slice %arg11[%dma_wait3A_662, %dma_wait3A_666] : memref<11x128xi32, #tpu.memory_space<vmem>> -> memref<1x128xi32, #tpu.memory_space<vmem>>
      %dma_wait3A_668 = tpu.memref_squeeze %dma_wait3A_667 : memref<1x128xi32, #tpu.memory_space<vmem>> -> memref<128xi32, #tpu.memory_space<vmem>>
      %dma_wait3A_669 = arith.constant 0 : i32
      %dma_wait3A_670 = arith.constant 0 : i32
      %dma_wait3A_671 = tpu.memref_slice %arg15[%dma_wait3A_669, %dma_wait3A_670] : memref<64992x16xf32, #tpu.memory_space<vmem_shared>> -> memref<64992x16xf32, #tpu.memory_space<vmem_shared>>
      tpu.wait_indirect_dma semaphore(%arg18 : memref<!tpu.dma_semaphore, #tpu.memory_space<semaphore_mem>>) src(%dma_wait3A_665 : memref<128x16xf32, #tpu.memory_space<vmem>>) dst(%dma_wait3A_671 : memref<64992x16xf32, #tpu.memory_space<vmem_shared>>)
      %add3A_672 = arith.constant 2 : i32
      %add3A_673 = arith.addi %add3A_435, %add3A_672 : i32
      %lt3A_674 = arith.constant 30 : i32
      %lt3A_675 = arith.cmpi slt, %add3A_673, %lt3A_674 : i32
      %convert_element_type3A_676 = arith.extui %lt3A_675 : i1 to i32
      %cond3A_677 = arith.constant 0 : i32
      %cond3A_678 = arith.cmpi ne, %convert_element_type3A_676, %cond3A_677 : i32
      scf.if %cond3A_678 {
        %add3A_680 = arith.constant 2 : i32
        %add3A_681 = arith.addi %add3A_435, %add3A_680 : i32
        %mul3A_682 = arith.constant 1408 : i32
        %mul3A_683 = arith.muli %add3A_681, %mul3A_682 : i32
        %add3A_684 = arith.addi %mul3A_1, %mul3A_683 : i32
        %dma_start3A_685 = arith.constant 16 : i32
        %dma_start3A_686 = tpu.memref_slice %arg5[%add3A_684, %dma_start3A_685] : memref<675840x64xf32, #tpu.memory_space<hbm>> -> memref<1408x16xf32, #tpu.memory_space<hbm>>
        %dma_start3A_687 = arith.constant 16 : i32
        %dma_start3A_688 = tpu.memref_slice %arg5[%add3A_684, %dma_start3A_687] : memref<675840x64xf32, #tpu.memory_space<hbm>> -> memref<1408x16xf32, #tpu.memory_space<hbm>>
        tpu.enqueue_dma source(%dma_start3A_688 : memref<1408x16xf32, #tpu.memory_space<hbm>>) target(%arg9 : memref<1408x16xf32, #tpu.memory_space<vmem>>) target_semaphore(%arg17 : memref<!tpu.dma_semaphore, #tpu.memory_space<semaphore_mem>>)
        %mul3A_689 = arith.constant 11 : i32
        %mul3A_690 = arith.muli %add3A_681, %mul3A_689 : i32
        %add3A_691 = arith.addi %mul3A_3, %mul3A_690 : i32
        %dma_start3A_692 = arith.constant 0 : i32
        %dma_start3A_693 = tpu.memref_slice %arg7[%arg0, %add3A_691, %dma_start3A_692] : memref<2x5280x128xi32, #tpu.memory_space<hbm>> -> memref<1x11x128xi32, #tpu.memory_space<hbm>>
        %dma_start3A_694 = tpu.memref_squeeze %dma_start3A_693 : memref<1x11x128xi32, #tpu.memory_space<hbm>> -> memref<11x128xi32, #tpu.memory_space<hbm>>
        %dma_start3A_695 = arith.constant 0 : i32
        %dma_start3A_696 = tpu.memref_slice %arg7[%arg0, %add3A_691, %dma_start3A_695] : memref<2x5280x128xi32, #tpu.memory_space<hbm>> -> memref<1x11x128xi32, #tpu.memory_space<hbm>>
        %dma_start3A_697 = tpu.memref_squeeze %dma_start3A_696 : memref<1x11x128xi32, #tpu.memory_space<hbm>> -> memref<11x128xi32, #tpu.memory_space<hbm>>
        tpu.enqueue_dma source(%dma_start3A_697 : memref<11x128xi32, #tpu.memory_space<hbm>>) target(%arg11 : memref<11x128xi32, #tpu.memory_space<vmem>>) target_semaphore(%arg17 : memref<!tpu.dma_semaphore, #tpu.memory_space<semaphore_mem>>)
      } else {
      }
      %scan3A_679 = arith.constant 0 : i32
      scf.yield %scan3A_679 : i32
    }
    %scan3A_76 = arith.constant 15 : i32
    %barrier3A_77 = arith.constant 0 : index
    tpu.barrier barrier_id(%barrier3A_77)
    %mul3A_78 = arith.constant 4050 : i32
    %mul3A_79 = arith.muli %arg1, %mul3A_78 : i32
    %run_scoped3A_80 = arith.constant 1 : i32
    "tpu.region"() ({
      %run_scoped3A_189 = tpu.sem_alloc : memref<!tpu.dma_semaphore, #tpu.memory_space<semaphore_mem>>
      %dma_start3A_190 = arith.constant 0 : i32
      %dma_start3A_191 = tpu.memref_slice %arg6[%run_scoped3A_80, %arg0, %mul3A_79, %dma_start3A_190] : memref<4x2x64800x16xf32, #tpu.memory_space<hbm>> -> memref<1x1x4050x16xf32, #tpu.memory_space<hbm>>
      %dma_start3A_192 = tpu.memref_squeeze %dma_start3A_191 : memref<1x1x4050x16xf32, #tpu.memory_space<hbm>> -> memref<4050x16xf32, #tpu.memory_space<hbm>>
      %dma_start3A_193 = arith.constant 0 : i32
      %dma_start3A_194 = tpu.memref_slice %arg15[%mul3A_79, %dma_start3A_193] : memref<64992x16xf32, #tpu.memory_space<vmem_shared>> -> memref<4050x16xf32, #tpu.memory_space<vmem_shared>>
      tpu.enqueue_dma source(%dma_start3A_194 : memref<4050x16xf32, #tpu.memory_space<vmem_shared>>) target(%dma_start3A_192 : memref<4050x16xf32, #tpu.memory_space<hbm>>) target_semaphore(%run_scoped3A_189 : memref<!tpu.dma_semaphore, #tpu.memory_space<semaphore_mem>>)
      %dma_wait3A = arith.constant 0 : i32
      %dma_wait3A_195 = tpu.memref_slice %arg6[%run_scoped3A_80, %arg0, %mul3A_79, %dma_wait3A] : memref<4x2x64800x16xf32, #tpu.memory_space<hbm>> -> memref<1x1x4050x16xf32, #tpu.memory_space<hbm>>
      %dma_wait3A_196 = tpu.memref_squeeze %dma_wait3A_195 : memref<1x1x4050x16xf32, #tpu.memory_space<hbm>> -> memref<4050x16xf32, #tpu.memory_space<hbm>>
      %dma_wait3A_197 = arith.constant 0 : i32
      %dma_wait3A_198 = tpu.memref_slice %arg15[%mul3A_79, %dma_wait3A_197] : memref<64992x16xf32, #tpu.memory_space<vmem_shared>> -> memref<4050x16xf32, #tpu.memory_space<vmem_shared>>
      tpu.wait_dma2 semaphore(%run_scoped3A_189 : memref<!tpu.dma_semaphore, #tpu.memory_space<semaphore_mem>>) src(%dma_wait3A_198 : memref<4050x16xf32, #tpu.memory_space<vmem_shared>>) dst(%dma_wait3A_196 : memref<4050x16xf32, #tpu.memory_space<hbm>>)
      tpu.yield
    }) : () -> ()
    %barrier3A_81 = arith.constant 0 : index
    tpu.barrier barrier_id(%barrier3A_81)
    %scan3A_82 = arith.constant 0 : i32
    %scan3A_83 = arith.constant 0 : i32
    %scan3A_84 = arith.constant 1408 : i32
    %scan3A_85 = arith.addi %scan3A_83, %scan3A_84 : i32
    %scan3A_86 = arith.constant 1 : i32
    %scan3A_87 = scf.for %scan3A_189 = %scan3A_83 to %scan3A_85 step %scan3A_86 iter_args(%scan3A_190 = %scan3A_82) -> (i32)  : i32 {
      %swap3A = arith.index_cast %scan3A_189 : i32 to index
      %swap3A_191 = arith.constant 0 : index
      %swap3A_192 = tpu.vector_load %arg8[%swap3A, %swap3A_191] {strides = array<i32>} : memref<1408x16xf32, #tpu.memory_space<vmem>>, vector<1x16xf32>,
      %swap3A_193 = vector.shape_cast %swap3A_192 : vector<1x16xf32> to vector<16xf32>
      %swap3A_194 = vector.shape_cast %broadcast_in_dim3A_0 : vector<16xf32> to vector<1x16xf32>
      tpu.vector_store %arg8[%swap3A, %swap3A_191], %swap3A_194 {strides = array<i32>} : memref<1408x16xf32, #tpu.memory_space<vmem>>, vector<1x16xf32>,
      %scan3A_195 = arith.constant 0 : i32
      scf.yield %scan3A_195 : i32
    }
    %scan3A_88 = arith.constant 1408 : i32
    %mul3A_89 = arith.constant 4062 : i32
    %mul3A_90 = arith.muli %arg1, %mul3A_89 : i32
    "tpu.region"() ({
      %run_scoped3A_189 = tpu.sem_alloc : memref<!tpu.dma_semaphore, #tpu.memory_space<semaphore_mem>>
      %dma_start3A_190 = arith.constant 0 : i32
      %dma_start3A_191 = tpu.memref_slice %arg15[%mul3A_90, %dma_start3A_190] : memref<64992x16xf32, #tpu.memory_space<vmem_shared>> -> memref<1408x16xf32, #tpu.memory_space<vmem_shared>>
      %dma_start3A_192 = arith.constant 0 : i32
      %dma_start3A_193 = tpu.memref_slice %arg15[%mul3A_90, %dma_start3A_192] : memref<64992x16xf32, #tpu.memory_space<vmem_shared>> -> memref<1408x16xf32, #tpu.memory_space<vmem_shared>>
      tpu.enqueue_dma source(%arg8 : memref<1408x16xf32, #tpu.memory_space<vmem>>) target(%dma_start3A_193 : memref<1408x16xf32, #tpu.memory_space<vmem_shared>>) target_semaphore(%run_scoped3A_189 : memref<!tpu.dma_semaphore, #tpu.memory_space<semaphore_mem>>)
      %dma_wait3A = arith.constant 0 : i32
      %dma_wait3A_194 = tpu.memref_slice %arg15[%mul3A_90, %dma_wait3A] : memref<64992x16xf32, #tpu.memory_space<vmem_shared>> -> memref<1408x16xf32, #tpu.memory_space<vmem_shared>>
      %dma_wait3A_195 = arith.constant 0 : i32
      %dma_wait3A_196 = tpu.memref_slice %arg15[%mul3A_90, %dma_wait3A_195] : memref<64992x16xf32, #tpu.memory_space<vmem_shared>> -> memref<1408x16xf32, #tpu.memory_space<vmem_shared>>
      tpu.wait_dma2 semaphore(%run_scoped3A_189 : memref<!tpu.dma_semaphore, #tpu.memory_space<semaphore_mem>>) src(%arg8 : memref<1408x16xf32, #tpu.memory_space<vmem>>) dst(%dma_wait3A_196 : memref<1408x16xf32, #tpu.memory_space<vmem_shared>>)
      tpu.yield
    }) : () -> ()
    %add3A_91 = arith.constant 1408 : i32
    %add3A_92 = arith.addi %mul3A_90, %add3A_91 : i32
    "tpu.region"() ({
      %run_scoped3A_189 = tpu.sem_alloc : memref<!tpu.dma_semaphore, #tpu.memory_space<semaphore_mem>>
      %dma_start3A_190 = arith.constant 0 : i32
      %dma_start3A_191 = tpu.memref_slice %arg15[%add3A_92, %dma_start3A_190] : memref<64992x16xf32, #tpu.memory_space<vmem_shared>> -> memref<1408x16xf32, #tpu.memory_space<vmem_shared>>
      %dma_start3A_192 = arith.constant 0 : i32
      %dma_start3A_193 = tpu.memref_slice %arg15[%add3A_92, %dma_start3A_192] : memref<64992x16xf32, #tpu.memory_space<vmem_shared>> -> memref<1408x16xf32, #tpu.memory_space<vmem_shared>>
      tpu.enqueue_dma source(%arg8 : memref<1408x16xf32, #tpu.memory_space<vmem>>) target(%dma_start3A_193 : memref<1408x16xf32, #tpu.memory_space<vmem_shared>>) target_semaphore(%run_scoped3A_189 : memref<!tpu.dma_semaphore, #tpu.memory_space<semaphore_mem>>)
      %dma_wait3A = arith.constant 0 : i32
      %dma_wait3A_194 = tpu.memref_slice %arg15[%add3A_92, %dma_wait3A] : memref<64992x16xf32, #tpu.memory_space<vmem_shared>> -> memref<1408x16xf32, #tpu.memory_space<vmem_shared>>
      %dma_wait3A_195 = arith.constant 0 : i32
      %dma_wait3A_196 = tpu.memref_slice %arg15[%add3A_92, %dma_wait3A_195] : memref<64992x16xf32, #tpu.memory_space<vmem_shared>> -> memref<1408x16xf32, #tpu.memory_space<vmem_shared>>
      tpu.wait_dma2 semaphore(%run_scoped3A_189 : memref<!tpu.dma_semaphore, #tpu.memory_space<semaphore_mem>>) src(%arg8 : memref<1408x16xf32, #tpu.memory_space<vmem>>) dst(%dma_wait3A_196 : memref<1408x16xf32, #tpu.memory_space<vmem_shared>>)
      tpu.yield
    }) : () -> ()
    %add3A_93 = arith.constant 2816 : i32
    %add3A_94 = arith.addi %mul3A_90, %add3A_93 : i32
    "tpu.region"() ({
      %run_scoped3A_189 = tpu.sem_alloc : memref<!tpu.dma_semaphore, #tpu.memory_space<semaphore_mem>>
      %dma_start3A_190 = arith.constant 0 : i32
      %dma_start3A_191 = arith.constant 0 : i32
      %dma_start3A_192 = tpu.memref_slice %arg8[%dma_start3A_190, %dma_start3A_191] : memref<1408x16xf32, #tpu.memory_space<vmem>> -> memref<1246x16xf32, #tpu.memory_space<vmem>>
      %dma_start3A_193 = arith.constant 0 : i32
      %dma_start3A_194 = tpu.memref_slice %arg15[%add3A_94, %dma_start3A_193] : memref<64992x16xf32, #tpu.memory_space<vmem_shared>> -> memref<1246x16xf32, #tpu.memory_space<vmem_shared>>
      %dma_start3A_195 = arith.constant 0 : i32
      %dma_start3A_196 = tpu.memref_slice %arg15[%add3A_94, %dma_start3A_195] : memref<64992x16xf32, #tpu.memory_space<vmem_shared>> -> memref<1246x16xf32, #tpu.memory_space<vmem_shared>>
      %dma_start3A_197 = arith.constant 0 : i32
      %dma_start3A_198 = arith.constant 0 : i32
      %dma_start3A_199 = tpu.memref_slice %arg8[%dma_start3A_197, %dma_start3A_198] : memref<1408x16xf32, #tpu.memory_space<vmem>> -> memref<1246x16xf32, #tpu.memory_space<vmem>>
      tpu.enqueue_dma source(%dma_start3A_199 : memref<1246x16xf32, #tpu.memory_space<vmem>>) target(%dma_start3A_196 : memref<1246x16xf32, #tpu.memory_space<vmem_shared>>) target_semaphore(%run_scoped3A_189 : memref<!tpu.dma_semaphore, #tpu.memory_space<semaphore_mem>>)
      %dma_wait3A = arith.constant 0 : i32
      %dma_wait3A_200 = arith.constant 0 : i32
      %dma_wait3A_201 = tpu.memref_slice %arg8[%dma_wait3A, %dma_wait3A_200] : memref<1408x16xf32, #tpu.memory_space<vmem>> -> memref<1246x16xf32, #tpu.memory_space<vmem>>
      %dma_wait3A_202 = arith.constant 0 : i32
      %dma_wait3A_203 = tpu.memref_slice %arg15[%add3A_94, %dma_wait3A_202] : memref<64992x16xf32, #tpu.memory_space<vmem_shared>> -> memref<1246x16xf32, #tpu.memory_space<vmem_shared>>
      %dma_wait3A_204 = arith.constant 0 : i32
      %dma_wait3A_205 = tpu.memref_slice %arg15[%add3A_94, %dma_wait3A_204] : memref<64992x16xf32, #tpu.memory_space<vmem_shared>> -> memref<1246x16xf32, #tpu.memory_space<vmem_shared>>
      %dma_wait3A_206 = arith.constant 0 : i32
      %dma_wait3A_207 = arith.constant 0 : i32
      %dma_wait3A_208 = tpu.memref_slice %arg8[%dma_wait3A_206, %dma_wait3A_207] : memref<1408x16xf32, #tpu.memory_space<vmem>> -> memref<1246x16xf32, #tpu.memory_space<vmem>>
      tpu.wait_dma2 semaphore(%run_scoped3A_189 : memref<!tpu.dma_semaphore, #tpu.memory_space<semaphore_mem>>) src(%dma_wait3A_208 : memref<1246x16xf32, #tpu.memory_space<vmem>>) dst(%dma_wait3A_205 : memref<1246x16xf32, #tpu.memory_space<vmem_shared>>)
      tpu.yield
    }) : () -> ()
    %barrier3A_95 = arith.constant 0 : index
    tpu.barrier barrier_id(%barrier3A_95)
    %add3A_96 = arith.constant 0 : i32
    %add3A_97 = arith.addi %mul3A_1, %add3A_96 : i32
    %dma_start3A_98 = arith.constant 32 : i32
    %dma_start3A_99 = tpu.memref_slice %arg5[%add3A_97, %dma_start3A_98] : memref<675840x64xf32, #tpu.memory_space<hbm>> -> memref<1408x16xf32, #tpu.memory_space<hbm>>
    %dma_start3A_100 = arith.constant 32 : i32
    %dma_start3A_101 = tpu.memref_slice %arg5[%add3A_97, %dma_start3A_100] : memref<675840x64xf32, #tpu.memory_space<hbm>> -> memref<1408x16xf32, #tpu.memory_space<hbm>>
    tpu.enqueue_dma source(%dma_start3A_101 : memref<1408x16xf32, #tpu.memory_space<hbm>>) target(%arg8 : memref<1408x16xf32, #tpu.memory_space<vmem>>) target_semaphore(%arg16 : memref<!tpu.dma_semaphore, #tpu.memory_space<semaphore_mem>>)
    %add3A_102 = arith.constant 0 : i32
    %add3A_103 = arith.addi %mul3A_3, %add3A_102 : i32
    %dma_start3A_104 = arith.constant 0 : i32
    %dma_start3A_105 = tpu.memref_slice %arg7[%arg0, %add3A_103, %dma_start3A_104] : memref<2x5280x128xi32, #tpu.memory_space<hbm>> -> memref<1x11x128xi32, #tpu.memory_space<hbm>>
    %dma_start3A_106 = tpu.memref_squeeze %dma_start3A_105 : memref<1x11x128xi32, #tpu.memory_space<hbm>> -> memref<11x128xi32, #tpu.memory_space<hbm>>
    %dma_start3A_107 = arith.constant 0 : i32
    %dma_start3A_108 = tpu.memref_slice %arg7[%arg0, %add3A_103, %dma_start3A_107] : memref<2x5280x128xi32, #tpu.memory_space<hbm>> -> memref<1x11x128xi32, #tpu.memory_space<hbm>>
    %dma_start3A_109 = tpu.memref_squeeze %dma_start3A_108 : memref<1x11x128xi32, #tpu.memory_space<hbm>> -> memref<11x128xi32, #tpu.memory_space<hbm>>
    tpu.enqueue_dma source(%dma_start3A_109 : memref<11x128xi32, #tpu.memory_space<hbm>>) target(%arg10 : memref<11x128xi32, #tpu.memory_space<vmem>>) target_semaphore(%arg16 : memref<!tpu.dma_semaphore, #tpu.memory_space<semaphore_mem>>)
    %add3A_110 = arith.constant 1408 : i32
    %add3A_111 = arith.addi %mul3A_1, %add3A_110 : i32
    %dma_start3A_112 = arith.constant 32 : i32
    %dma_start3A_113 = tpu.memref_slice %arg5[%add3A_111, %dma_start3A_112] : memref<675840x64xf32, #tpu.memory_space<hbm>> -> memref<1408x16xf32, #tpu.memory_space<hbm>>
    %dma_start3A_114 = arith.constant 32 : i32
    %dma_start3A_115 = tpu.memref_slice %arg5[%add3A_111, %dma_start3A_114] : memref<675840x64xf32, #tpu.memory_space<hbm>> -> memref<1408x16xf32, #tpu.memory_space<hbm>>
    tpu.enqueue_dma source(%dma_start3A_115 : memref<1408x16xf32, #tpu.memory_space<hbm>>) target(%arg9 : memref<1408x16xf32, #tpu.memory_space<vmem>>) target_semaphore(%arg17 : memref<!tpu.dma_semaphore, #tpu.memory_space<semaphore_mem>>)
    %add3A_116 = arith.constant 11 : i32
    %add3A_117 = arith.addi %mul3A_3, %add3A_116 : i32
    %dma_start3A_118 = arith.constant 0 : i32
    %dma_start3A_119 = tpu.memref_slice %arg7[%arg0, %add3A_117, %dma_start3A_118] : memref<2x5280x128xi32, #tpu.memory_space<hbm>> -> memref<1x11x128xi32, #tpu.memory_space<hbm>>
    %dma_start3A_120 = tpu.memref_squeeze %dma_start3A_119 : memref<1x11x128xi32, #tpu.memory_space<hbm>> -> memref<11x128xi32, #tpu.memory_space<hbm>>
    %dma_start3A_121 = arith.constant 0 : i32
    %dma_start3A_122 = tpu.memref_slice %arg7[%arg0, %add3A_117, %dma_start3A_121] : memref<2x5280x128xi32, #tpu.memory_space<hbm>> -> memref<1x11x128xi32, #tpu.memory_space<hbm>>
    %dma_start3A_123 = tpu.memref_squeeze %dma_start3A_122 : memref<1x11x128xi32, #tpu.memory_space<hbm>> -> memref<11x128xi32, #tpu.memory_space<hbm>>
    tpu.enqueue_dma source(%dma_start3A_123 : memref<11x128xi32, #tpu.memory_space<hbm>>) target(%arg11 : memref<11x128xi32, #tpu.memory_space<vmem>>) target_semaphore(%arg17 : memref<!tpu.dma_semaphore, #tpu.memory_space<semaphore_mem>>)
    %scan3A_124 = arith.constant 0 : i32
    %scan3A_125 = arith.constant 0 : i32
    %scan3A_126 = arith.constant 15 : i32
    %scan3A_127 = arith.addi %scan3A_125, %scan3A_126 : i32
    %scan3A_128 = arith.constant 1 : i32
    %scan3A_129 = scf.for %scan3A_189 = %scan3A_125 to %scan3A_127 step %scan3A_128 iter_args(%scan3A_190 = %scan3A_124) -> (i32)  : i32 {
      %mul3A_191 = arith.constant 2 : i32
      %mul3A_192 = arith.muli %mul3A_191, %scan3A_189 : i32
      %mul3A_193 = arith.constant 1408 : i32
      %mul3A_194 = arith.muli %mul3A_192, %mul3A_193 : i32
      %add3A_195 = arith.addi %mul3A_1, %mul3A_194 : i32
      %dma_wait3A = arith.constant 32 : i32
      %dma_wait3A_196 = tpu.memref_slice %arg5[%add3A_195, %dma_wait3A] : memref<675840x64xf32, #tpu.memory_space<hbm>> -> memref<1408x16xf32, #tpu.memory_space<hbm>>
      %dma_wait3A_197 = arith.constant 32 : i32
      %dma_wait3A_198 = tpu.memref_slice %arg5[%add3A_195, %dma_wait3A_197] : memref<675840x64xf32, #tpu.memory_space<hbm>> -> memref<1408x16xf32, #tpu.memory_space<hbm>>
      tpu.wait_dma2 semaphore(%arg16 : memref<!tpu.dma_semaphore, #tpu.memory_space<semaphore_mem>>) src(%dma_wait3A_198 : memref<1408x16xf32, #tpu.memory_space<hbm>>) dst(%arg8 : memref<1408x16xf32, #tpu.memory_space<vmem>>)
      %mul3A_199 = arith.constant 11 : i32
      %mul3A_200 = arith.muli %mul3A_192, %mul3A_199 : i32
      %add3A_201 = arith.addi %mul3A_3, %mul3A_200 : i32
      %dma_wait3A_202 = arith.constant 0 : i32
      %dma_wait3A_203 = tpu.memref_slice %arg7[%arg0, %add3A_201, %dma_wait3A_202] : memref<2x5280x128xi32, #tpu.memory_space<hbm>> -> memref<1x11x128xi32, #tpu.memory_space<hbm>>
      %dma_wait3A_204 = tpu.memref_squeeze %dma_wait3A_203 : memref<1x11x128xi32, #tpu.memory_space<hbm>> -> memref<11x128xi32, #tpu.memory_space<hbm>>
      %dma_wait3A_205 = arith.constant 0 : i32
      %dma_wait3A_206 = tpu.memref_slice %arg7[%arg0, %add3A_201, %dma_wait3A_205] : memref<2x5280x128xi32, #tpu.memory_space<hbm>> -> memref<1x11x128xi32, #tpu.memory_space<hbm>>
      %dma_wait3A_207 = tpu.memref_squeeze %dma_wait3A_206 : memref<1x11x128xi32, #tpu.memory_space<hbm>> -> memref<11x128xi32, #tpu.memory_space<hbm>>
      tpu.wait_dma2 semaphore(%arg16 : memref<!tpu.dma_semaphore, #tpu.memory_space<semaphore_mem>>) src(%dma_wait3A_207 : memref<11x128xi32, #tpu.memory_space<hbm>>) dst(%arg10 : memref<11x128xi32, #tpu.memory_space<vmem>>)
      %dma_start3A_208 = arith.constant 0 : i32
      %dma_start3A_209 = arith.constant 0 : i32
      %dma_start3A_210 = arith.constant 0 : i32
      %dma_start3A_211 = tpu.memref_slice %arg8[%dma_start3A_209, %dma_start3A_210] : memref<1408x16xf32, #tpu.memory_space<vmem>> -> memref<128x16xf32, #tpu.memory_space<vmem>>
      %dma_start3A_212 = arith.constant 0 : i32
      %dma_start3A_213 = tpu.memref_slice %arg10[%dma_start3A_208, %dma_start3A_212] : memref<11x128xi32, #tpu.memory_space<vmem>> -> memref<1x128xi32, #tpu.memory_space<vmem>>
      %dma_start3A_214 = tpu.memref_squeeze %dma_start3A_213 : memref<1x128xi32, #tpu.memory_space<vmem>> -> memref<128xi32, #tpu.memory_space<vmem>>
      %dma_start3A_215 = arith.constant 0 : i32
      %dma_start3A_216 = arith.constant 0 : i32
      %dma_start3A_217 = tpu.memref_slice %arg15[%dma_start3A_215, %dma_start3A_216] : memref<64992x16xf32, #tpu.memory_space<vmem_shared>> -> memref<64992x16xf32, #tpu.memory_space<vmem_shared>>
      tpu.enqueue_indirect_dma source(%dma_start3A_211 : memref<128x16xf32, #tpu.memory_space<vmem>>) target(%dma_start3A_217 : memref<64992x16xf32, #tpu.memory_space<vmem_shared>>) offsets(%dma_start3A_214 : memref<128xi32, #tpu.memory_space<vmem>>) semaphore(%arg18 : memref<!tpu.dma_semaphore, #tpu.memory_space<semaphore_mem>>) {add = true}
      %dma_start3A_218 = arith.constant 1 : i32
      %dma_start3A_219 = arith.constant 128 : i32
      %dma_start3A_220 = arith.constant 0 : i32
      %dma_start3A_221 = tpu.memref_slice %arg8[%dma_start3A_219, %dma_start3A_220] : memref<1408x16xf32, #tpu.memory_space<vmem>> -> memref<128x16xf32, #tpu.memory_space<vmem>>
      %dma_start3A_222 = arith.constant 0 : i32
      %dma_start3A_223 = tpu.memref_slice %arg10[%dma_start3A_218, %dma_start3A_222] : memref<11x128xi32, #tpu.memory_space<vmem>> -> memref<1x128xi32, #tpu.memory_space<vmem>>
      %dma_start3A_224 = tpu.memref_squeeze %dma_start3A_223 : memref<1x128xi32, #tpu.memory_space<vmem>> -> memref<128xi32, #tpu.memory_space<vmem>>
      %dma_start3A_225 = arith.constant 0 : i32
      %dma_start3A_226 = arith.constant 0 : i32
      %dma_start3A_227 = tpu.memref_slice %arg15[%dma_start3A_225, %dma_start3A_226] : memref<64992x16xf32, #tpu.memory_space<vmem_shared>> -> memref<64992x16xf32, #tpu.memory_space<vmem_shared>>
      tpu.enqueue_indirect_dma source(%dma_start3A_221 : memref<128x16xf32, #tpu.memory_space<vmem>>) target(%dma_start3A_227 : memref<64992x16xf32, #tpu.memory_space<vmem_shared>>) offsets(%dma_start3A_224 : memref<128xi32, #tpu.memory_space<vmem>>) semaphore(%arg18 : memref<!tpu.dma_semaphore, #tpu.memory_space<semaphore_mem>>) {add = true}
      %dma_start3A_228 = arith.constant 2 : i32
      %dma_start3A_229 = arith.constant 256 : i32
      %dma_start3A_230 = arith.constant 0 : i32
      %dma_start3A_231 = tpu.memref_slice %arg8[%dma_start3A_229, %dma_start3A_230] : memref<1408x16xf32, #tpu.memory_space<vmem>> -> memref<128x16xf32, #tpu.memory_space<vmem>>
      %dma_start3A_232 = arith.constant 0 : i32
      %dma_start3A_233 = tpu.memref_slice %arg10[%dma_start3A_228, %dma_start3A_232] : memref<11x128xi32, #tpu.memory_space<vmem>> -> memref<1x128xi32, #tpu.memory_space<vmem>>
      %dma_start3A_234 = tpu.memref_squeeze %dma_start3A_233 : memref<1x128xi32, #tpu.memory_space<vmem>> -> memref<128xi32, #tpu.memory_space<vmem>>
      %dma_start3A_235 = arith.constant 0 : i32
      %dma_start3A_236 = arith.constant 0 : i32
      %dma_start3A_237 = tpu.memref_slice %arg15[%dma_start3A_235, %dma_start3A_236] : memref<64992x16xf32, #tpu.memory_space<vmem_shared>> -> memref<64992x16xf32, #tpu.memory_space<vmem_shared>>
      tpu.enqueue_indirect_dma source(%dma_start3A_231 : memref<128x16xf32, #tpu.memory_space<vmem>>) target(%dma_start3A_237 : memref<64992x16xf32, #tpu.memory_space<vmem_shared>>) offsets(%dma_start3A_234 : memref<128xi32, #tpu.memory_space<vmem>>) semaphore(%arg18 : memref<!tpu.dma_semaphore, #tpu.memory_space<semaphore_mem>>) {add = true}
      %dma_start3A_238 = arith.constant 3 : i32
      %dma_start3A_239 = arith.constant 384 : i32
      %dma_start3A_240 = arith.constant 0 : i32
      %dma_start3A_241 = tpu.memref_slice %arg8[%dma_start3A_239, %dma_start3A_240] : memref<1408x16xf32, #tpu.memory_space<vmem>> -> memref<128x16xf32, #tpu.memory_space<vmem>>
      %dma_start3A_242 = arith.constant 0 : i32
      %dma_start3A_243 = tpu.memref_slice %arg10[%dma_start3A_238, %dma_start3A_242] : memref<11x128xi32, #tpu.memory_space<vmem>> -> memref<1x128xi32, #tpu.memory_space<vmem>>
      %dma_start3A_244 = tpu.memref_squeeze %dma_start3A_243 : memref<1x128xi32, #tpu.memory_space<vmem>> -> memref<128xi32, #tpu.memory_space<vmem>>
      %dma_start3A_245 = arith.constant 0 : i32
      %dma_start3A_246 = arith.constant 0 : i32
      %dma_start3A_247 = tpu.memref_slice %arg15[%dma_start3A_245, %dma_start3A_246] : memref<64992x16xf32, #tpu.memory_space<vmem_shared>> -> memref<64992x16xf32, #tpu.memory_space<vmem_shared>>
      tpu.enqueue_indirect_dma source(%dma_start3A_241 : memref<128x16xf32, #tpu.memory_space<vmem>>) target(%dma_start3A_247 : memref<64992x16xf32, #tpu.memory_space<vmem_shared>>) offsets(%dma_start3A_244 : memref<128xi32, #tpu.memory_space<vmem>>) semaphore(%arg18 : memref<!tpu.dma_semaphore, #tpu.memory_space<semaphore_mem>>) {add = true}
      %dma_start3A_248 = arith.constant 4 : i32
      %dma_start3A_249 = arith.constant 512 : i32
      %dma_start3A_250 = arith.constant 0 : i32
      %dma_start3A_251 = tpu.memref_slice %arg8[%dma_start3A_249, %dma_start3A_250] : memref<1408x16xf32, #tpu.memory_space<vmem>> -> memref<128x16xf32, #tpu.memory_space<vmem>>
      %dma_start3A_252 = arith.constant 0 : i32
      %dma_start3A_253 = tpu.memref_slice %arg10[%dma_start3A_248, %dma_start3A_252] : memref<11x128xi32, #tpu.memory_space<vmem>> -> memref<1x128xi32, #tpu.memory_space<vmem>>
      %dma_start3A_254 = tpu.memref_squeeze %dma_start3A_253 : memref<1x128xi32, #tpu.memory_space<vmem>> -> memref<128xi32, #tpu.memory_space<vmem>>
      %dma_start3A_255 = arith.constant 0 : i32
      %dma_start3A_256 = arith.constant 0 : i32
      %dma_start3A_257 = tpu.memref_slice %arg15[%dma_start3A_255, %dma_start3A_256] : memref<64992x16xf32, #tpu.memory_space<vmem_shared>> -> memref<64992x16xf32, #tpu.memory_space<vmem_shared>>
      tpu.enqueue_indirect_dma source(%dma_start3A_251 : memref<128x16xf32, #tpu.memory_space<vmem>>) target(%dma_start3A_257 : memref<64992x16xf32, #tpu.memory_space<vmem_shared>>) offsets(%dma_start3A_254 : memref<128xi32, #tpu.memory_space<vmem>>) semaphore(%arg18 : memref<!tpu.dma_semaphore, #tpu.memory_space<semaphore_mem>>) {add = true}
      %dma_start3A_258 = arith.constant 5 : i32
      %dma_start3A_259 = arith.constant 640 : i32
      %dma_start3A_260 = arith.constant 0 : i32
      %dma_start3A_261 = tpu.memref_slice %arg8[%dma_start3A_259, %dma_start3A_260] : memref<1408x16xf32, #tpu.memory_space<vmem>> -> memref<128x16xf32, #tpu.memory_space<vmem>>
      %dma_start3A_262 = arith.constant 0 : i32
      %dma_start3A_263 = tpu.memref_slice %arg10[%dma_start3A_258, %dma_start3A_262] : memref<11x128xi32, #tpu.memory_space<vmem>> -> memref<1x128xi32, #tpu.memory_space<vmem>>
      %dma_start3A_264 = tpu.memref_squeeze %dma_start3A_263 : memref<1x128xi32, #tpu.memory_space<vmem>> -> memref<128xi32, #tpu.memory_space<vmem>>
      %dma_start3A_265 = arith.constant 0 : i32
      %dma_start3A_266 = arith.constant 0 : i32
      %dma_start3A_267 = tpu.memref_slice %arg15[%dma_start3A_265, %dma_start3A_266] : memref<64992x16xf32, #tpu.memory_space<vmem_shared>> -> memref<64992x16xf32, #tpu.memory_space<vmem_shared>>
      tpu.enqueue_indirect_dma source(%dma_start3A_261 : memref<128x16xf32, #tpu.memory_space<vmem>>) target(%dma_start3A_267 : memref<64992x16xf32, #tpu.memory_space<vmem_shared>>) offsets(%dma_start3A_264 : memref<128xi32, #tpu.memory_space<vmem>>) semaphore(%arg18 : memref<!tpu.dma_semaphore, #tpu.memory_space<semaphore_mem>>) {add = true}
      %dma_start3A_268 = arith.constant 6 : i32
      %dma_start3A_269 = arith.constant 768 : i32
      %dma_start3A_270 = arith.constant 0 : i32
      %dma_start3A_271 = tpu.memref_slice %arg8[%dma_start3A_269, %dma_start3A_270] : memref<1408x16xf32, #tpu.memory_space<vmem>> -> memref<128x16xf32, #tpu.memory_space<vmem>>
      %dma_start3A_272 = arith.constant 0 : i32
      %dma_start3A_273 = tpu.memref_slice %arg10[%dma_start3A_268, %dma_start3A_272] : memref<11x128xi32, #tpu.memory_space<vmem>> -> memref<1x128xi32, #tpu.memory_space<vmem>>
      %dma_start3A_274 = tpu.memref_squeeze %dma_start3A_273 : memref<1x128xi32, #tpu.memory_space<vmem>> -> memref<128xi32, #tpu.memory_space<vmem>>
      %dma_start3A_275 = arith.constant 0 : i32
      %dma_start3A_276 = arith.constant 0 : i32
      %dma_start3A_277 = tpu.memref_slice %arg15[%dma_start3A_275, %dma_start3A_276] : memref<64992x16xf32, #tpu.memory_space<vmem_shared>> -> memref<64992x16xf32, #tpu.memory_space<vmem_shared>>
      tpu.enqueue_indirect_dma source(%dma_start3A_271 : memref<128x16xf32, #tpu.memory_space<vmem>>) target(%dma_start3A_277 : memref<64992x16xf32, #tpu.memory_space<vmem_shared>>) offsets(%dma_start3A_274 : memref<128xi32, #tpu.memory_space<vmem>>) semaphore(%arg18 : memref<!tpu.dma_semaphore, #tpu.memory_space<semaphore_mem>>) {add = true}
      %dma_start3A_278 = arith.constant 7 : i32
      %dma_start3A_279 = arith.constant 896 : i32
      %dma_start3A_280 = arith.constant 0 : i32
      %dma_start3A_281 = tpu.memref_slice %arg8[%dma_start3A_279, %dma_start3A_280] : memref<1408x16xf32, #tpu.memory_space<vmem>> -> memref<128x16xf32, #tpu.memory_space<vmem>>
      %dma_start3A_282 = arith.constant 0 : i32
      %dma_start3A_283 = tpu.memref_slice %arg10[%dma_start3A_278, %dma_start3A_282] : memref<11x128xi32, #tpu.memory_space<vmem>> -> memref<1x128xi32, #tpu.memory_space<vmem>>
      %dma_start3A_284 = tpu.memref_squeeze %dma_start3A_283 : memref<1x128xi32, #tpu.memory_space<vmem>> -> memref<128xi32, #tpu.memory_space<vmem>>
      %dma_start3A_285 = arith.constant 0 : i32
      %dma_start3A_286 = arith.constant 0 : i32
      %dma_start3A_287 = tpu.memref_slice %arg15[%dma_start3A_285, %dma_start3A_286] : memref<64992x16xf32, #tpu.memory_space<vmem_shared>> -> memref<64992x16xf32, #tpu.memory_space<vmem_shared>>
      tpu.enqueue_indirect_dma source(%dma_start3A_281 : memref<128x16xf32, #tpu.memory_space<vmem>>) target(%dma_start3A_287 : memref<64992x16xf32, #tpu.memory_space<vmem_shared>>) offsets(%dma_start3A_284 : memref<128xi32, #tpu.memory_space<vmem>>) semaphore(%arg18 : memref<!tpu.dma_semaphore, #tpu.memory_space<semaphore_mem>>) {add = true}
      %dma_start3A_288 = arith.constant 8 : i32
      %dma_start3A_289 = arith.constant 1024 : i32
      %dma_start3A_290 = arith.constant 0 : i32
      %dma_start3A_291 = tpu.memref_slice %arg8[%dma_start3A_289, %dma_start3A_290] : memref<1408x16xf32, #tpu.memory_space<vmem>> -> memref<128x16xf32, #tpu.memory_space<vmem>>
      %dma_start3A_292 = arith.constant 0 : i32
      %dma_start3A_293 = tpu.memref_slice %arg10[%dma_start3A_288, %dma_start3A_292] : memref<11x128xi32, #tpu.memory_space<vmem>> -> memref<1x128xi32, #tpu.memory_space<vmem>>
      %dma_start3A_294 = tpu.memref_squeeze %dma_start3A_293 : memref<1x128xi32, #tpu.memory_space<vmem>> -> memref<128xi32, #tpu.memory_space<vmem>>
      %dma_start3A_295 = arith.constant 0 : i32
      %dma_start3A_296 = arith.constant 0 : i32
      %dma_start3A_297 = tpu.memref_slice %arg15[%dma_start3A_295, %dma_start3A_296] : memref<64992x16xf32, #tpu.memory_space<vmem_shared>> -> memref<64992x16xf32, #tpu.memory_space<vmem_shared>>
      tpu.enqueue_indirect_dma source(%dma_start3A_291 : memref<128x16xf32, #tpu.memory_space<vmem>>) target(%dma_start3A_297 : memref<64992x16xf32, #tpu.memory_space<vmem_shared>>) offsets(%dma_start3A_294 : memref<128xi32, #tpu.memory_space<vmem>>) semaphore(%arg18 : memref<!tpu.dma_semaphore, #tpu.memory_space<semaphore_mem>>) {add = true}
      %dma_start3A_298 = arith.constant 9 : i32
      %dma_start3A_299 = arith.constant 1152 : i32
      %dma_start3A_300 = arith.constant 0 : i32
      %dma_start3A_301 = tpu.memref_slice %arg8[%dma_start3A_299, %dma_start3A_300] : memref<1408x16xf32, #tpu.memory_space<vmem>> -> memref<128x16xf32, #tpu.memory_space<vmem>>
      %dma_start3A_302 = arith.constant 0 : i32
      %dma_start3A_303 = tpu.memref_slice %arg10[%dma_start3A_298, %dma_start3A_302] : memref<11x128xi32, #tpu.memory_space<vmem>> -> memref<1x128xi32, #tpu.memory_space<vmem>>
      %dma_start3A_304 = tpu.memref_squeeze %dma_start3A_303 : memref<1x128xi32, #tpu.memory_space<vmem>> -> memref<128xi32, #tpu.memory_space<vmem>>
      %dma_start3A_305 = arith.constant 0 : i32
      %dma_start3A_306 = arith.constant 0 : i32
      %dma_start3A_307 = tpu.memref_slice %arg15[%dma_start3A_305, %dma_start3A_306] : memref<64992x16xf32, #tpu.memory_space<vmem_shared>> -> memref<64992x16xf32, #tpu.memory_space<vmem_shared>>
      tpu.enqueue_indirect_dma source(%dma_start3A_301 : memref<128x16xf32, #tpu.memory_space<vmem>>) target(%dma_start3A_307 : memref<64992x16xf32, #tpu.memory_space<vmem_shared>>) offsets(%dma_start3A_304 : memref<128xi32, #tpu.memory_space<vmem>>) semaphore(%arg18 : memref<!tpu.dma_semaphore, #tpu.memory_space<semaphore_mem>>) {add = true}
      %dma_start3A_308 = arith.constant 10 : i32
      %dma_start3A_309 = arith.constant 1280 : i32
      %dma_start3A_310 = arith.constant 0 : i32
      %dma_start3A_311 = tpu.memref_slice %arg8[%dma_start3A_309, %dma_start3A_310] : memref<1408x16xf32, #tpu.memory_space<vmem>> -> memref<128x16xf32, #tpu.memory_space<vmem>>
      %dma_start3A_312 = arith.constant 0 : i32
      %dma_start3A_313 = tpu.memref_slice %arg10[%dma_start3A_308, %dma_start3A_312] : memref<11x128xi32, #tpu.memory_space<vmem>> -> memref<1x128xi32, #tpu.memory_space<vmem>>
      %dma_start3A_314 = tpu.memref_squeeze %dma_start3A_313 : memref<1x128xi32, #tpu.memory_space<vmem>> -> memref<128xi32, #tpu.memory_space<vmem>>
      %dma_start3A_315 = arith.constant 0 : i32
      %dma_start3A_316 = arith.constant 0 : i32
      %dma_start3A_317 = tpu.memref_slice %arg15[%dma_start3A_315, %dma_start3A_316] : memref<64992x16xf32, #tpu.memory_space<vmem_shared>> -> memref<64992x16xf32, #tpu.memory_space<vmem_shared>>
      tpu.enqueue_indirect_dma source(%dma_start3A_311 : memref<128x16xf32, #tpu.memory_space<vmem>>) target(%dma_start3A_317 : memref<64992x16xf32, #tpu.memory_space<vmem_shared>>) offsets(%dma_start3A_314 : memref<128xi32, #tpu.memory_space<vmem>>) semaphore(%arg18 : memref<!tpu.dma_semaphore, #tpu.memory_space<semaphore_mem>>) {add = true}
      %dma_wait3A_318 = arith.constant 0 : i32
      %dma_wait3A_319 = arith.constant 0 : i32
      %dma_wait3A_320 = arith.constant 0 : i32
      %dma_wait3A_321 = tpu.memref_slice %arg8[%dma_wait3A_319, %dma_wait3A_320] : memref<1408x16xf32, #tpu.memory_space<vmem>> -> memref<128x16xf32, #tpu.memory_space<vmem>>
      %dma_wait3A_322 = arith.constant 0 : i32
      %dma_wait3A_323 = tpu.memref_slice %arg10[%dma_wait3A_318, %dma_wait3A_322] : memref<11x128xi32, #tpu.memory_space<vmem>> -> memref<1x128xi32, #tpu.memory_space<vmem>>
      %dma_wait3A_324 = tpu.memref_squeeze %dma_wait3A_323 : memref<1x128xi32, #tpu.memory_space<vmem>> -> memref<128xi32, #tpu.memory_space<vmem>>
      %dma_wait3A_325 = arith.constant 0 : i32
      %dma_wait3A_326 = arith.constant 0 : i32
      %dma_wait3A_327 = tpu.memref_slice %arg15[%dma_wait3A_325, %dma_wait3A_326] : memref<64992x16xf32, #tpu.memory_space<vmem_shared>> -> memref<64992x16xf32, #tpu.memory_space<vmem_shared>>
      tpu.wait_indirect_dma semaphore(%arg18 : memref<!tpu.dma_semaphore, #tpu.memory_space<semaphore_mem>>) src(%dma_wait3A_321 : memref<128x16xf32, #tpu.memory_space<vmem>>) dst(%dma_wait3A_327 : memref<64992x16xf32, #tpu.memory_space<vmem_shared>>)
      %dma_wait3A_328 = arith.constant 1 : i32
      %dma_wait3A_329 = arith.constant 128 : i32
      %dma_wait3A_330 = arith.constant 0 : i32
      %dma_wait3A_331 = tpu.memref_slice %arg8[%dma_wait3A_329, %dma_wait3A_330] : memref<1408x16xf32, #tpu.memory_space<vmem>> -> memref<128x16xf32, #tpu.memory_space<vmem>>
      %dma_wait3A_332 = arith.constant 0 : i32
      %dma_wait3A_333 = tpu.memref_slice %arg10[%dma_wait3A_328, %dma_wait3A_332] : memref<11x128xi32, #tpu.memory_space<vmem>> -> memref<1x128xi32, #tpu.memory_space<vmem>>
      %dma_wait3A_334 = tpu.memref_squeeze %dma_wait3A_333 : memref<1x128xi32, #tpu.memory_space<vmem>> -> memref<128xi32, #tpu.memory_space<vmem>>
      %dma_wait3A_335 = arith.constant 0 : i32
      %dma_wait3A_336 = arith.constant 0 : i32
      %dma_wait3A_337 = tpu.memref_slice %arg15[%dma_wait3A_335, %dma_wait3A_336] : memref<64992x16xf32, #tpu.memory_space<vmem_shared>> -> memref<64992x16xf32, #tpu.memory_space<vmem_shared>>
      tpu.wait_indirect_dma semaphore(%arg18 : memref<!tpu.dma_semaphore, #tpu.memory_space<semaphore_mem>>) src(%dma_wait3A_331 : memref<128x16xf32, #tpu.memory_space<vmem>>) dst(%dma_wait3A_337 : memref<64992x16xf32, #tpu.memory_space<vmem_shared>>)
      %dma_wait3A_338 = arith.constant 2 : i32
      %dma_wait3A_339 = arith.constant 256 : i32
      %dma_wait3A_340 = arith.constant 0 : i32
      %dma_wait3A_341 = tpu.memref_slice %arg8[%dma_wait3A_339, %dma_wait3A_340] : memref<1408x16xf32, #tpu.memory_space<vmem>> -> memref<128x16xf32, #tpu.memory_space<vmem>>
      %dma_wait3A_342 = arith.constant 0 : i32
      %dma_wait3A_343 = tpu.memref_slice %arg10[%dma_wait3A_338, %dma_wait3A_342] : memref<11x128xi32, #tpu.memory_space<vmem>> -> memref<1x128xi32, #tpu.memory_space<vmem>>
      %dma_wait3A_344 = tpu.memref_squeeze %dma_wait3A_343 : memref<1x128xi32, #tpu.memory_space<vmem>> -> memref<128xi32, #tpu.memory_space<vmem>>
      %dma_wait3A_345 = arith.constant 0 : i32
      %dma_wait3A_346 = arith.constant 0 : i32
      %dma_wait3A_347 = tpu.memref_slice %arg15[%dma_wait3A_345, %dma_wait3A_346] : memref<64992x16xf32, #tpu.memory_space<vmem_shared>> -> memref<64992x16xf32, #tpu.memory_space<vmem_shared>>
      tpu.wait_indirect_dma semaphore(%arg18 : memref<!tpu.dma_semaphore, #tpu.memory_space<semaphore_mem>>) src(%dma_wait3A_341 : memref<128x16xf32, #tpu.memory_space<vmem>>) dst(%dma_wait3A_347 : memref<64992x16xf32, #tpu.memory_space<vmem_shared>>)
      %dma_wait3A_348 = arith.constant 3 : i32
      %dma_wait3A_349 = arith.constant 384 : i32
      %dma_wait3A_350 = arith.constant 0 : i32
      %dma_wait3A_351 = tpu.memref_slice %arg8[%dma_wait3A_349, %dma_wait3A_350] : memref<1408x16xf32, #tpu.memory_space<vmem>> -> memref<128x16xf32, #tpu.memory_space<vmem>>
      %dma_wait3A_352 = arith.constant 0 : i32
      %dma_wait3A_353 = tpu.memref_slice %arg10[%dma_wait3A_348, %dma_wait3A_352] : memref<11x128xi32, #tpu.memory_space<vmem>> -> memref<1x128xi32, #tpu.memory_space<vmem>>
      %dma_wait3A_354 = tpu.memref_squeeze %dma_wait3A_353 : memref<1x128xi32, #tpu.memory_space<vmem>> -> memref<128xi32, #tpu.memory_space<vmem>>
      %dma_wait3A_355 = arith.constant 0 : i32
      %dma_wait3A_356 = arith.constant 0 : i32
      %dma_wait3A_357 = tpu.memref_slice %arg15[%dma_wait3A_355, %dma_wait3A_356] : memref<64992x16xf32, #tpu.memory_space<vmem_shared>> -> memref<64992x16xf32, #tpu.memory_space<vmem_shared>>
      tpu.wait_indirect_dma semaphore(%arg18 : memref<!tpu.dma_semaphore, #tpu.memory_space<semaphore_mem>>) src(%dma_wait3A_351 : memref<128x16xf32, #tpu.memory_space<vmem>>) dst(%dma_wait3A_357 : memref<64992x16xf32, #tpu.memory_space<vmem_shared>>)
      %dma_wait3A_358 = arith.constant 4 : i32
      %dma_wait3A_359 = arith.constant 512 : i32
      %dma_wait3A_360 = arith.constant 0 : i32
      %dma_wait3A_361 = tpu.memref_slice %arg8[%dma_wait3A_359, %dma_wait3A_360] : memref<1408x16xf32, #tpu.memory_space<vmem>> -> memref<128x16xf32, #tpu.memory_space<vmem>>
      %dma_wait3A_362 = arith.constant 0 : i32
      %dma_wait3A_363 = tpu.memref_slice %arg10[%dma_wait3A_358, %dma_wait3A_362] : memref<11x128xi32, #tpu.memory_space<vmem>> -> memref<1x128xi32, #tpu.memory_space<vmem>>
      %dma_wait3A_364 = tpu.memref_squeeze %dma_wait3A_363 : memref<1x128xi32, #tpu.memory_space<vmem>> -> memref<128xi32, #tpu.memory_space<vmem>>
      %dma_wait3A_365 = arith.constant 0 : i32
      %dma_wait3A_366 = arith.constant 0 : i32
      %dma_wait3A_367 = tpu.memref_slice %arg15[%dma_wait3A_365, %dma_wait3A_366] : memref<64992x16xf32, #tpu.memory_space<vmem_shared>> -> memref<64992x16xf32, #tpu.memory_space<vmem_shared>>
      tpu.wait_indirect_dma semaphore(%arg18 : memref<!tpu.dma_semaphore, #tpu.memory_space<semaphore_mem>>) src(%dma_wait3A_361 : memref<128x16xf32, #tpu.memory_space<vmem>>) dst(%dma_wait3A_367 : memref<64992x16xf32, #tpu.memory_space<vmem_shared>>)
      %dma_wait3A_368 = arith.constant 5 : i32
      %dma_wait3A_369 = arith.constant 640 : i32
      %dma_wait3A_370 = arith.constant 0 : i32
      %dma_wait3A_371 = tpu.memref_slice %arg8[%dma_wait3A_369, %dma_wait3A_370] : memref<1408x16xf32, #tpu.memory_space<vmem>> -> memref<128x16xf32, #tpu.memory_space<vmem>>
      %dma_wait3A_372 = arith.constant 0 : i32
      %dma_wait3A_373 = tpu.memref_slice %arg10[%dma_wait3A_368, %dma_wait3A_372] : memref<11x128xi32, #tpu.memory_space<vmem>> -> memref<1x128xi32, #tpu.memory_space<vmem>>
      %dma_wait3A_374 = tpu.memref_squeeze %dma_wait3A_373 : memref<1x128xi32, #tpu.memory_space<vmem>> -> memref<128xi32, #tpu.memory_space<vmem>>
      %dma_wait3A_375 = arith.constant 0 : i32
      %dma_wait3A_376 = arith.constant 0 : i32
      %dma_wait3A_377 = tpu.memref_slice %arg15[%dma_wait3A_375, %dma_wait3A_376] : memref<64992x16xf32, #tpu.memory_space<vmem_shared>> -> memref<64992x16xf32, #tpu.memory_space<vmem_shared>>
      tpu.wait_indirect_dma semaphore(%arg18 : memref<!tpu.dma_semaphore, #tpu.memory_space<semaphore_mem>>) src(%dma_wait3A_371 : memref<128x16xf32, #tpu.memory_space<vmem>>) dst(%dma_wait3A_377 : memref<64992x16xf32, #tpu.memory_space<vmem_shared>>)
      %dma_wait3A_378 = arith.constant 6 : i32
      %dma_wait3A_379 = arith.constant 768 : i32
      %dma_wait3A_380 = arith.constant 0 : i32
      %dma_wait3A_381 = tpu.memref_slice %arg8[%dma_wait3A_379, %dma_wait3A_380] : memref<1408x16xf32, #tpu.memory_space<vmem>> -> memref<128x16xf32, #tpu.memory_space<vmem>>
      %dma_wait3A_382 = arith.constant 0 : i32
      %dma_wait3A_383 = tpu.memref_slice %arg10[%dma_wait3A_378, %dma_wait3A_382] : memref<11x128xi32, #tpu.memory_space<vmem>> -> memref<1x128xi32, #tpu.memory_space<vmem>>
      %dma_wait3A_384 = tpu.memref_squeeze %dma_wait3A_383 : memref<1x128xi32, #tpu.memory_space<vmem>> -> memref<128xi32, #tpu.memory_space<vmem>>
      %dma_wait3A_385 = arith.constant 0 : i32
      %dma_wait3A_386 = arith.constant 0 : i32
      %dma_wait3A_387 = tpu.memref_slice %arg15[%dma_wait3A_385, %dma_wait3A_386] : memref<64992x16xf32, #tpu.memory_space<vmem_shared>> -> memref<64992x16xf32, #tpu.memory_space<vmem_shared>>
      tpu.wait_indirect_dma semaphore(%arg18 : memref<!tpu.dma_semaphore, #tpu.memory_space<semaphore_mem>>) src(%dma_wait3A_381 : memref<128x16xf32, #tpu.memory_space<vmem>>) dst(%dma_wait3A_387 : memref<64992x16xf32, #tpu.memory_space<vmem_shared>>)
      %dma_wait3A_388 = arith.constant 7 : i32
      %dma_wait3A_389 = arith.constant 896 : i32
      %dma_wait3A_390 = arith.constant 0 : i32
      %dma_wait3A_391 = tpu.memref_slice %arg8[%dma_wait3A_389, %dma_wait3A_390] : memref<1408x16xf32, #tpu.memory_space<vmem>> -> memref<128x16xf32, #tpu.memory_space<vmem>>
      %dma_wait3A_392 = arith.constant 0 : i32
      %dma_wait3A_393 = tpu.memref_slice %arg10[%dma_wait3A_388, %dma_wait3A_392] : memref<11x128xi32, #tpu.memory_space<vmem>> -> memref<1x128xi32, #tpu.memory_space<vmem>>
      %dma_wait3A_394 = tpu.memref_squeeze %dma_wait3A_393 : memref<1x128xi32, #tpu.memory_space<vmem>> -> memref<128xi32, #tpu.memory_space<vmem>>
      %dma_wait3A_395 = arith.constant 0 : i32
      %dma_wait3A_396 = arith.constant 0 : i32
      %dma_wait3A_397 = tpu.memref_slice %arg15[%dma_wait3A_395, %dma_wait3A_396] : memref<64992x16xf32, #tpu.memory_space<vmem_shared>> -> memref<64992x16xf32, #tpu.memory_space<vmem_shared>>
      tpu.wait_indirect_dma semaphore(%arg18 : memref<!tpu.dma_semaphore, #tpu.memory_space<semaphore_mem>>) src(%dma_wait3A_391 : memref<128x16xf32, #tpu.memory_space<vmem>>) dst(%dma_wait3A_397 : memref<64992x16xf32, #tpu.memory_space<vmem_shared>>)
      %dma_wait3A_398 = arith.constant 8 : i32
      %dma_wait3A_399 = arith.constant 1024 : i32
      %dma_wait3A_400 = arith.constant 0 : i32
      %dma_wait3A_401 = tpu.memref_slice %arg8[%dma_wait3A_399, %dma_wait3A_400] : memref<1408x16xf32, #tpu.memory_space<vmem>> -> memref<128x16xf32, #tpu.memory_space<vmem>>
      %dma_wait3A_402 = arith.constant 0 : i32
      %dma_wait3A_403 = tpu.memref_slice %arg10[%dma_wait3A_398, %dma_wait3A_402] : memref<11x128xi32, #tpu.memory_space<vmem>> -> memref<1x128xi32, #tpu.memory_space<vmem>>
      %dma_wait3A_404 = tpu.memref_squeeze %dma_wait3A_403 : memref<1x128xi32, #tpu.memory_space<vmem>> -> memref<128xi32, #tpu.memory_space<vmem>>
      %dma_wait3A_405 = arith.constant 0 : i32
      %dma_wait3A_406 = arith.constant 0 : i32
      %dma_wait3A_407 = tpu.memref_slice %arg15[%dma_wait3A_405, %dma_wait3A_406] : memref<64992x16xf32, #tpu.memory_space<vmem_shared>> -> memref<64992x16xf32, #tpu.memory_space<vmem_shared>>
      tpu.wait_indirect_dma semaphore(%arg18 : memref<!tpu.dma_semaphore, #tpu.memory_space<semaphore_mem>>) src(%dma_wait3A_401 : memref<128x16xf32, #tpu.memory_space<vmem>>) dst(%dma_wait3A_407 : memref<64992x16xf32, #tpu.memory_space<vmem_shared>>)
      %dma_wait3A_408 = arith.constant 9 : i32
      %dma_wait3A_409 = arith.constant 1152 : i32
      %dma_wait3A_410 = arith.constant 0 : i32
      %dma_wait3A_411 = tpu.memref_slice %arg8[%dma_wait3A_409, %dma_wait3A_410] : memref<1408x16xf32, #tpu.memory_space<vmem>> -> memref<128x16xf32, #tpu.memory_space<vmem>>
      %dma_wait3A_412 = arith.constant 0 : i32
      %dma_wait3A_413 = tpu.memref_slice %arg10[%dma_wait3A_408, %dma_wait3A_412] : memref<11x128xi32, #tpu.memory_space<vmem>> -> memref<1x128xi32, #tpu.memory_space<vmem>>
      %dma_wait3A_414 = tpu.memref_squeeze %dma_wait3A_413 : memref<1x128xi32, #tpu.memory_space<vmem>> -> memref<128xi32, #tpu.memory_space<vmem>>
      %dma_wait3A_415 = arith.constant 0 : i32
      %dma_wait3A_416 = arith.constant 0 : i32
      %dma_wait3A_417 = tpu.memref_slice %arg15[%dma_wait3A_415, %dma_wait3A_416] : memref<64992x16xf32, #tpu.memory_space<vmem_shared>> -> memref<64992x16xf32, #tpu.memory_space<vmem_shared>>
      tpu.wait_indirect_dma semaphore(%arg18 : memref<!tpu.dma_semaphore, #tpu.memory_space<semaphore_mem>>) src(%dma_wait3A_411 : memref<128x16xf32, #tpu.memory_space<vmem>>) dst(%dma_wait3A_417 : memref<64992x16xf32, #tpu.memory_space<vmem_shared>>)
      %dma_wait3A_418 = arith.constant 10 : i32
      %dma_wait3A_419 = arith.constant 1280 : i32
      %dma_wait3A_420 = arith.constant 0 : i32
      %dma_wait3A_421 = tpu.memref_slice %arg8[%dma_wait3A_419, %dma_wait3A_420] : memref<1408x16xf32, #tpu.memory_space<vmem>> -> memref<128x16xf32, #tpu.memory_space<vmem>>
      %dma_wait3A_422 = arith.constant 0 : i32
      %dma_wait3A_423 = tpu.memref_slice %arg10[%dma_wait3A_418, %dma_wait3A_422] : memref<11x128xi32, #tpu.memory_space<vmem>> -> memref<1x128xi32, #tpu.memory_space<vmem>>
      %dma_wait3A_424 = tpu.memref_squeeze %dma_wait3A_423 : memref<1x128xi32, #tpu.memory_space<vmem>> -> memref<128xi32, #tpu.memory_space<vmem>>
      %dma_wait3A_425 = arith.constant 0 : i32
      %dma_wait3A_426 = arith.constant 0 : i32
      %dma_wait3A_427 = tpu.memref_slice %arg15[%dma_wait3A_425, %dma_wait3A_426] : memref<64992x16xf32, #tpu.memory_space<vmem_shared>> -> memref<64992x16xf32, #tpu.memory_space<vmem_shared>>
      tpu.wait_indirect_dma semaphore(%arg18 : memref<!tpu.dma_semaphore, #tpu.memory_space<semaphore_mem>>) src(%dma_wait3A_421 : memref<128x16xf32, #tpu.memory_space<vmem>>) dst(%dma_wait3A_427 : memref<64992x16xf32, #tpu.memory_space<vmem_shared>>)
      %add3A_428 = arith.constant 2 : i32
      %add3A_429 = arith.addi %mul3A_192, %add3A_428 : i32
      %lt3A = arith.constant 30 : i32
      %lt3A_430 = arith.cmpi slt, %add3A_429, %lt3A : i32
      %convert_element_type3A = arith.extui %lt3A_430 : i1 to i32
      %cond3A = arith.constant 0 : i32
      %cond3A_431 = arith.cmpi ne, %convert_element_type3A, %cond3A : i32
      scf.if %cond3A_431 {
        %add3A_680 = arith.constant 2 : i32
        %add3A_681 = arith.addi %mul3A_192, %add3A_680 : i32
        %mul3A_682 = arith.constant 1408 : i32
        %mul3A_683 = arith.muli %add3A_681, %mul3A_682 : i32
        %add3A_684 = arith.addi %mul3A_1, %mul3A_683 : i32
        %dma_start3A_685 = arith.constant 32 : i32
        %dma_start3A_686 = tpu.memref_slice %arg5[%add3A_684, %dma_start3A_685] : memref<675840x64xf32, #tpu.memory_space<hbm>> -> memref<1408x16xf32, #tpu.memory_space<hbm>>
        %dma_start3A_687 = arith.constant 32 : i32
        %dma_start3A_688 = tpu.memref_slice %arg5[%add3A_684, %dma_start3A_687] : memref<675840x64xf32, #tpu.memory_space<hbm>> -> memref<1408x16xf32, #tpu.memory_space<hbm>>
        tpu.enqueue_dma source(%dma_start3A_688 : memref<1408x16xf32, #tpu.memory_space<hbm>>) target(%arg8 : memref<1408x16xf32, #tpu.memory_space<vmem>>) target_semaphore(%arg16 : memref<!tpu.dma_semaphore, #tpu.memory_space<semaphore_mem>>)
        %mul3A_689 = arith.constant 11 : i32
        %mul3A_690 = arith.muli %add3A_681, %mul3A_689 : i32
        %add3A_691 = arith.addi %mul3A_3, %mul3A_690 : i32
        %dma_start3A_692 = arith.constant 0 : i32
        %dma_start3A_693 = tpu.memref_slice %arg7[%arg0, %add3A_691, %dma_start3A_692] : memref<2x5280x128xi32, #tpu.memory_space<hbm>> -> memref<1x11x128xi32, #tpu.memory_space<hbm>>
        %dma_start3A_694 = tpu.memref_squeeze %dma_start3A_693 : memref<1x11x128xi32, #tpu.memory_space<hbm>> -> memref<11x128xi32, #tpu.memory_space<hbm>>
        %dma_start3A_695 = arith.constant 0 : i32
        %dma_start3A_696 = tpu.memref_slice %arg7[%arg0, %add3A_691, %dma_start3A_695] : memref<2x5280x128xi32, #tpu.memory_space<hbm>> -> memref<1x11x128xi32, #tpu.memory_space<hbm>>
        %dma_start3A_697 = tpu.memref_squeeze %dma_start3A_696 : memref<1x11x128xi32, #tpu.memory_space<hbm>> -> memref<11x128xi32, #tpu.memory_space<hbm>>
        tpu.enqueue_dma source(%dma_start3A_697 : memref<11x128xi32, #tpu.memory_space<hbm>>) target(%arg10 : memref<11x128xi32, #tpu.memory_space<vmem>>) target_semaphore(%arg16 : memref<!tpu.dma_semaphore, #tpu.memory_space<semaphore_mem>>)
      } else {
      }
      %mul3A_432 = arith.constant 2 : i32
      %mul3A_433 = arith.muli %mul3A_432, %scan3A_189 : i32
      %add3A_434 = arith.constant 1 : i32
      %add3A_435 = arith.addi %mul3A_433, %add3A_434 : i32
      %mul3A_436 = arith.constant 1408 : i32
      %mul3A_437 = arith.muli %add3A_435, %mul3A_436 : i32
      %add3A_438 = arith.addi %mul3A_1, %mul3A_437 : i32
      %dma_wait3A_439 = arith.constant 32 : i32
      %dma_wait3A_440 = tpu.memref_slice %arg5[%add3A_438, %dma_wait3A_439] : memref<675840x64xf32, #tpu.memory_space<hbm>> -> memref<1408x16xf32, #tpu.memory_space<hbm>>
      %dma_wait3A_441 = arith.constant 32 : i32
      %dma_wait3A_442 = tpu.memref_slice %arg5[%add3A_438, %dma_wait3A_441] : memref<675840x64xf32, #tpu.memory_space<hbm>> -> memref<1408x16xf32, #tpu.memory_space<hbm>>
      tpu.wait_dma2 semaphore(%arg17 : memref<!tpu.dma_semaphore, #tpu.memory_space<semaphore_mem>>) src(%dma_wait3A_442 : memref<1408x16xf32, #tpu.memory_space<hbm>>) dst(%arg9 : memref<1408x16xf32, #tpu.memory_space<vmem>>)
      %mul3A_443 = arith.constant 11 : i32
      %mul3A_444 = arith.muli %add3A_435, %mul3A_443 : i32
      %add3A_445 = arith.addi %mul3A_3, %mul3A_444 : i32
      %dma_wait3A_446 = arith.constant 0 : i32
      %dma_wait3A_447 = tpu.memref_slice %arg7[%arg0, %add3A_445, %dma_wait3A_446] : memref<2x5280x128xi32, #tpu.memory_space<hbm>> -> memref<1x11x128xi32, #tpu.memory_space<hbm>>
      %dma_wait3A_448 = tpu.memref_squeeze %dma_wait3A_447 : memref<1x11x128xi32, #tpu.memory_space<hbm>> -> memref<11x128xi32, #tpu.memory_space<hbm>>
      %dma_wait3A_449 = arith.constant 0 : i32
      %dma_wait3A_450 = tpu.memref_slice %arg7[%arg0, %add3A_445, %dma_wait3A_449] : memref<2x5280x128xi32, #tpu.memory_space<hbm>> -> memref<1x11x128xi32, #tpu.memory_space<hbm>>
      %dma_wait3A_451 = tpu.memref_squeeze %dma_wait3A_450 : memref<1x11x128xi32, #tpu.memory_space<hbm>> -> memref<11x128xi32, #tpu.memory_space<hbm>>
      tpu.wait_dma2 semaphore(%arg17 : memref<!tpu.dma_semaphore, #tpu.memory_space<semaphore_mem>>) src(%dma_wait3A_451 : memref<11x128xi32, #tpu.memory_space<hbm>>) dst(%arg11 : memref<11x128xi32, #tpu.memory_space<vmem>>)
      %dma_start3A_452 = arith.constant 0 : i32
      %dma_start3A_453 = arith.constant 0 : i32
      %dma_start3A_454 = arith.constant 0 : i32
      %dma_start3A_455 = tpu.memref_slice %arg9[%dma_start3A_453, %dma_start3A_454] : memref<1408x16xf32, #tpu.memory_space<vmem>> -> memref<128x16xf32, #tpu.memory_space<vmem>>
      %dma_start3A_456 = arith.constant 0 : i32
      %dma_start3A_457 = tpu.memref_slice %arg11[%dma_start3A_452, %dma_start3A_456] : memref<11x128xi32, #tpu.memory_space<vmem>> -> memref<1x128xi32, #tpu.memory_space<vmem>>
      %dma_start3A_458 = tpu.memref_squeeze %dma_start3A_457 : memref<1x128xi32, #tpu.memory_space<vmem>> -> memref<128xi32, #tpu.memory_space<vmem>>
      %dma_start3A_459 = arith.constant 0 : i32
      %dma_start3A_460 = arith.constant 0 : i32
      %dma_start3A_461 = tpu.memref_slice %arg15[%dma_start3A_459, %dma_start3A_460] : memref<64992x16xf32, #tpu.memory_space<vmem_shared>> -> memref<64992x16xf32, #tpu.memory_space<vmem_shared>>
      tpu.enqueue_indirect_dma source(%dma_start3A_455 : memref<128x16xf32, #tpu.memory_space<vmem>>) target(%dma_start3A_461 : memref<64992x16xf32, #tpu.memory_space<vmem_shared>>) offsets(%dma_start3A_458 : memref<128xi32, #tpu.memory_space<vmem>>) semaphore(%arg18 : memref<!tpu.dma_semaphore, #tpu.memory_space<semaphore_mem>>) {add = true}
      %dma_start3A_462 = arith.constant 1 : i32
      %dma_start3A_463 = arith.constant 128 : i32
      %dma_start3A_464 = arith.constant 0 : i32
      %dma_start3A_465 = tpu.memref_slice %arg9[%dma_start3A_463, %dma_start3A_464] : memref<1408x16xf32, #tpu.memory_space<vmem>> -> memref<128x16xf32, #tpu.memory_space<vmem>>
      %dma_start3A_466 = arith.constant 0 : i32
      %dma_start3A_467 = tpu.memref_slice %arg11[%dma_start3A_462, %dma_start3A_466] : memref<11x128xi32, #tpu.memory_space<vmem>> -> memref<1x128xi32, #tpu.memory_space<vmem>>
      %dma_start3A_468 = tpu.memref_squeeze %dma_start3A_467 : memref<1x128xi32, #tpu.memory_space<vmem>> -> memref<128xi32, #tpu.memory_space<vmem>>
      %dma_start3A_469 = arith.constant 0 : i32
      %dma_start3A_470 = arith.constant 0 : i32
      %dma_start3A_471 = tpu.memref_slice %arg15[%dma_start3A_469, %dma_start3A_470] : memref<64992x16xf32, #tpu.memory_space<vmem_shared>> -> memref<64992x16xf32, #tpu.memory_space<vmem_shared>>
      tpu.enqueue_indirect_dma source(%dma_start3A_465 : memref<128x16xf32, #tpu.memory_space<vmem>>) target(%dma_start3A_471 : memref<64992x16xf32, #tpu.memory_space<vmem_shared>>) offsets(%dma_start3A_468 : memref<128xi32, #tpu.memory_space<vmem>>) semaphore(%arg18 : memref<!tpu.dma_semaphore, #tpu.memory_space<semaphore_mem>>) {add = true}
      %dma_start3A_472 = arith.constant 2 : i32
      %dma_start3A_473 = arith.constant 256 : i32
      %dma_start3A_474 = arith.constant 0 : i32
      %dma_start3A_475 = tpu.memref_slice %arg9[%dma_start3A_473, %dma_start3A_474] : memref<1408x16xf32, #tpu.memory_space<vmem>> -> memref<128x16xf32, #tpu.memory_space<vmem>>
      %dma_start3A_476 = arith.constant 0 : i32
      %dma_start3A_477 = tpu.memref_slice %arg11[%dma_start3A_472, %dma_start3A_476] : memref<11x128xi32, #tpu.memory_space<vmem>> -> memref<1x128xi32, #tpu.memory_space<vmem>>
      %dma_start3A_478 = tpu.memref_squeeze %dma_start3A_477 : memref<1x128xi32, #tpu.memory_space<vmem>> -> memref<128xi32, #tpu.memory_space<vmem>>
      %dma_start3A_479 = arith.constant 0 : i32
      %dma_start3A_480 = arith.constant 0 : i32
      %dma_start3A_481 = tpu.memref_slice %arg15[%dma_start3A_479, %dma_start3A_480] : memref<64992x16xf32, #tpu.memory_space<vmem_shared>> -> memref<64992x16xf32, #tpu.memory_space<vmem_shared>>
      tpu.enqueue_indirect_dma source(%dma_start3A_475 : memref<128x16xf32, #tpu.memory_space<vmem>>) target(%dma_start3A_481 : memref<64992x16xf32, #tpu.memory_space<vmem_shared>>) offsets(%dma_start3A_478 : memref<128xi32, #tpu.memory_space<vmem>>) semaphore(%arg18 : memref<!tpu.dma_semaphore, #tpu.memory_space<semaphore_mem>>) {add = true}
      %dma_start3A_482 = arith.constant 3 : i32
      %dma_start3A_483 = arith.constant 384 : i32
      %dma_start3A_484 = arith.constant 0 : i32
      %dma_start3A_485 = tpu.memref_slice %arg9[%dma_start3A_483, %dma_start3A_484] : memref<1408x16xf32, #tpu.memory_space<vmem>> -> memref<128x16xf32, #tpu.memory_space<vmem>>
      %dma_start3A_486 = arith.constant 0 : i32
      %dma_start3A_487 = tpu.memref_slice %arg11[%dma_start3A_482, %dma_start3A_486] : memref<11x128xi32, #tpu.memory_space<vmem>> -> memref<1x128xi32, #tpu.memory_space<vmem>>
      %dma_start3A_488 = tpu.memref_squeeze %dma_start3A_487 : memref<1x128xi32, #tpu.memory_space<vmem>> -> memref<128xi32, #tpu.memory_space<vmem>>
      %dma_start3A_489 = arith.constant 0 : i32
      %dma_start3A_490 = arith.constant 0 : i32
      %dma_start3A_491 = tpu.memref_slice %arg15[%dma_start3A_489, %dma_start3A_490] : memref<64992x16xf32, #tpu.memory_space<vmem_shared>> -> memref<64992x16xf32, #tpu.memory_space<vmem_shared>>
      tpu.enqueue_indirect_dma source(%dma_start3A_485 : memref<128x16xf32, #tpu.memory_space<vmem>>) target(%dma_start3A_491 : memref<64992x16xf32, #tpu.memory_space<vmem_shared>>) offsets(%dma_start3A_488 : memref<128xi32, #tpu.memory_space<vmem>>) semaphore(%arg18 : memref<!tpu.dma_semaphore, #tpu.memory_space<semaphore_mem>>) {add = true}
      %dma_start3A_492 = arith.constant 4 : i32
      %dma_start3A_493 = arith.constant 512 : i32
      %dma_start3A_494 = arith.constant 0 : i32
      %dma_start3A_495 = tpu.memref_slice %arg9[%dma_start3A_493, %dma_start3A_494] : memref<1408x16xf32, #tpu.memory_space<vmem>> -> memref<128x16xf32, #tpu.memory_space<vmem>>
      %dma_start3A_496 = arith.constant 0 : i32
      %dma_start3A_497 = tpu.memref_slice %arg11[%dma_start3A_492, %dma_start3A_496] : memref<11x128xi32, #tpu.memory_space<vmem>> -> memref<1x128xi32, #tpu.memory_space<vmem>>
      %dma_start3A_498 = tpu.memref_squeeze %dma_start3A_497 : memref<1x128xi32, #tpu.memory_space<vmem>> -> memref<128xi32, #tpu.memory_space<vmem>>
      %dma_start3A_499 = arith.constant 0 : i32
      %dma_start3A_500 = arith.constant 0 : i32
      %dma_start3A_501 = tpu.memref_slice %arg15[%dma_start3A_499, %dma_start3A_500] : memref<64992x16xf32, #tpu.memory_space<vmem_shared>> -> memref<64992x16xf32, #tpu.memory_space<vmem_shared>>
      tpu.enqueue_indirect_dma source(%dma_start3A_495 : memref<128x16xf32, #tpu.memory_space<vmem>>) target(%dma_start3A_501 : memref<64992x16xf32, #tpu.memory_space<vmem_shared>>) offsets(%dma_start3A_498 : memref<128xi32, #tpu.memory_space<vmem>>) semaphore(%arg18 : memref<!tpu.dma_semaphore, #tpu.memory_space<semaphore_mem>>) {add = true}
      %dma_start3A_502 = arith.constant 5 : i32
      %dma_start3A_503 = arith.constant 640 : i32
      %dma_start3A_504 = arith.constant 0 : i32
      %dma_start3A_505 = tpu.memref_slice %arg9[%dma_start3A_503, %dma_start3A_504] : memref<1408x16xf32, #tpu.memory_space<vmem>> -> memref<128x16xf32, #tpu.memory_space<vmem>>
      %dma_start3A_506 = arith.constant 0 : i32
      %dma_start3A_507 = tpu.memref_slice %arg11[%dma_start3A_502, %dma_start3A_506] : memref<11x128xi32, #tpu.memory_space<vmem>> -> memref<1x128xi32, #tpu.memory_space<vmem>>
      %dma_start3A_508 = tpu.memref_squeeze %dma_start3A_507 : memref<1x128xi32, #tpu.memory_space<vmem>> -> memref<128xi32, #tpu.memory_space<vmem>>
      %dma_start3A_509 = arith.constant 0 : i32
      %dma_start3A_510 = arith.constant 0 : i32
      %dma_start3A_511 = tpu.memref_slice %arg15[%dma_start3A_509, %dma_start3A_510] : memref<64992x16xf32, #tpu.memory_space<vmem_shared>> -> memref<64992x16xf32, #tpu.memory_space<vmem_shared>>
      tpu.enqueue_indirect_dma source(%dma_start3A_505 : memref<128x16xf32, #tpu.memory_space<vmem>>) target(%dma_start3A_511 : memref<64992x16xf32, #tpu.memory_space<vmem_shared>>) offsets(%dma_start3A_508 : memref<128xi32, #tpu.memory_space<vmem>>) semaphore(%arg18 : memref<!tpu.dma_semaphore, #tpu.memory_space<semaphore_mem>>) {add = true}
      %dma_start3A_512 = arith.constant 6 : i32
      %dma_start3A_513 = arith.constant 768 : i32
      %dma_start3A_514 = arith.constant 0 : i32
      %dma_start3A_515 = tpu.memref_slice %arg9[%dma_start3A_513, %dma_start3A_514] : memref<1408x16xf32, #tpu.memory_space<vmem>> -> memref<128x16xf32, #tpu.memory_space<vmem>>
      %dma_start3A_516 = arith.constant 0 : i32
      %dma_start3A_517 = tpu.memref_slice %arg11[%dma_start3A_512, %dma_start3A_516] : memref<11x128xi32, #tpu.memory_space<vmem>> -> memref<1x128xi32, #tpu.memory_space<vmem>>
      %dma_start3A_518 = tpu.memref_squeeze %dma_start3A_517 : memref<1x128xi32, #tpu.memory_space<vmem>> -> memref<128xi32, #tpu.memory_space<vmem>>
      %dma_start3A_519 = arith.constant 0 : i32
      %dma_start3A_520 = arith.constant 0 : i32
      %dma_start3A_521 = tpu.memref_slice %arg15[%dma_start3A_519, %dma_start3A_520] : memref<64992x16xf32, #tpu.memory_space<vmem_shared>> -> memref<64992x16xf32, #tpu.memory_space<vmem_shared>>
      tpu.enqueue_indirect_dma source(%dma_start3A_515 : memref<128x16xf32, #tpu.memory_space<vmem>>) target(%dma_start3A_521 : memref<64992x16xf32, #tpu.memory_space<vmem_shared>>) offsets(%dma_start3A_518 : memref<128xi32, #tpu.memory_space<vmem>>) semaphore(%arg18 : memref<!tpu.dma_semaphore, #tpu.memory_space<semaphore_mem>>) {add = true}
      %dma_start3A_522 = arith.constant 7 : i32
      %dma_start3A_523 = arith.constant 896 : i32
      %dma_start3A_524 = arith.constant 0 : i32
      %dma_start3A_525 = tpu.memref_slice %arg9[%dma_start3A_523, %dma_start3A_524] : memref<1408x16xf32, #tpu.memory_space<vmem>> -> memref<128x16xf32, #tpu.memory_space<vmem>>
      %dma_start3A_526 = arith.constant 0 : i32
      %dma_start3A_527 = tpu.memref_slice %arg11[%dma_start3A_522, %dma_start3A_526] : memref<11x128xi32, #tpu.memory_space<vmem>> -> memref<1x128xi32, #tpu.memory_space<vmem>>
      %dma_start3A_528 = tpu.memref_squeeze %dma_start3A_527 : memref<1x128xi32, #tpu.memory_space<vmem>> -> memref<128xi32, #tpu.memory_space<vmem>>
      %dma_start3A_529 = arith.constant 0 : i32
      %dma_start3A_530 = arith.constant 0 : i32
      %dma_start3A_531 = tpu.memref_slice %arg15[%dma_start3A_529, %dma_start3A_530] : memref<64992x16xf32, #tpu.memory_space<vmem_shared>> -> memref<64992x16xf32, #tpu.memory_space<vmem_shared>>
      tpu.enqueue_indirect_dma source(%dma_start3A_525 : memref<128x16xf32, #tpu.memory_space<vmem>>) target(%dma_start3A_531 : memref<64992x16xf32, #tpu.memory_space<vmem_shared>>) offsets(%dma_start3A_528 : memref<128xi32, #tpu.memory_space<vmem>>) semaphore(%arg18 : memref<!tpu.dma_semaphore, #tpu.memory_space<semaphore_mem>>) {add = true}
      %dma_start3A_532 = arith.constant 8 : i32
      %dma_start3A_533 = arith.constant 1024 : i32
      %dma_start3A_534 = arith.constant 0 : i32
      %dma_start3A_535 = tpu.memref_slice %arg9[%dma_start3A_533, %dma_start3A_534] : memref<1408x16xf32, #tpu.memory_space<vmem>> -> memref<128x16xf32, #tpu.memory_space<vmem>>
      %dma_start3A_536 = arith.constant 0 : i32
      %dma_start3A_537 = tpu.memref_slice %arg11[%dma_start3A_532, %dma_start3A_536] : memref<11x128xi32, #tpu.memory_space<vmem>> -> memref<1x128xi32, #tpu.memory_space<vmem>>
      %dma_start3A_538 = tpu.memref_squeeze %dma_start3A_537 : memref<1x128xi32, #tpu.memory_space<vmem>> -> memref<128xi32, #tpu.memory_space<vmem>>
      %dma_start3A_539 = arith.constant 0 : i32
      %dma_start3A_540 = arith.constant 0 : i32
      %dma_start3A_541 = tpu.memref_slice %arg15[%dma_start3A_539, %dma_start3A_540] : memref<64992x16xf32, #tpu.memory_space<vmem_shared>> -> memref<64992x16xf32, #tpu.memory_space<vmem_shared>>
      tpu.enqueue_indirect_dma source(%dma_start3A_535 : memref<128x16xf32, #tpu.memory_space<vmem>>) target(%dma_start3A_541 : memref<64992x16xf32, #tpu.memory_space<vmem_shared>>) offsets(%dma_start3A_538 : memref<128xi32, #tpu.memory_space<vmem>>) semaphore(%arg18 : memref<!tpu.dma_semaphore, #tpu.memory_space<semaphore_mem>>) {add = true}
      %dma_start3A_542 = arith.constant 9 : i32
      %dma_start3A_543 = arith.constant 1152 : i32
      %dma_start3A_544 = arith.constant 0 : i32
      %dma_start3A_545 = tpu.memref_slice %arg9[%dma_start3A_543, %dma_start3A_544] : memref<1408x16xf32, #tpu.memory_space<vmem>> -> memref<128x16xf32, #tpu.memory_space<vmem>>
      %dma_start3A_546 = arith.constant 0 : i32
      %dma_start3A_547 = tpu.memref_slice %arg11[%dma_start3A_542, %dma_start3A_546] : memref<11x128xi32, #tpu.memory_space<vmem>> -> memref<1x128xi32, #tpu.memory_space<vmem>>
      %dma_start3A_548 = tpu.memref_squeeze %dma_start3A_547 : memref<1x128xi32, #tpu.memory_space<vmem>> -> memref<128xi32, #tpu.memory_space<vmem>>
      %dma_start3A_549 = arith.constant 0 : i32
      %dma_start3A_550 = arith.constant 0 : i32
      %dma_start3A_551 = tpu.memref_slice %arg15[%dma_start3A_549, %dma_start3A_550] : memref<64992x16xf32, #tpu.memory_space<vmem_shared>> -> memref<64992x16xf32, #tpu.memory_space<vmem_shared>>
      tpu.enqueue_indirect_dma source(%dma_start3A_545 : memref<128x16xf32, #tpu.memory_space<vmem>>) target(%dma_start3A_551 : memref<64992x16xf32, #tpu.memory_space<vmem_shared>>) offsets(%dma_start3A_548 : memref<128xi32, #tpu.memory_space<vmem>>) semaphore(%arg18 : memref<!tpu.dma_semaphore, #tpu.memory_space<semaphore_mem>>) {add = true}
      %dma_start3A_552 = arith.constant 10 : i32
      %dma_start3A_553 = arith.constant 1280 : i32
      %dma_start3A_554 = arith.constant 0 : i32
      %dma_start3A_555 = tpu.memref_slice %arg9[%dma_start3A_553, %dma_start3A_554] : memref<1408x16xf32, #tpu.memory_space<vmem>> -> memref<128x16xf32, #tpu.memory_space<vmem>>
      %dma_start3A_556 = arith.constant 0 : i32
      %dma_start3A_557 = tpu.memref_slice %arg11[%dma_start3A_552, %dma_start3A_556] : memref<11x128xi32, #tpu.memory_space<vmem>> -> memref<1x128xi32, #tpu.memory_space<vmem>>
      %dma_start3A_558 = tpu.memref_squeeze %dma_start3A_557 : memref<1x128xi32, #tpu.memory_space<vmem>> -> memref<128xi32, #tpu.memory_space<vmem>>
      %dma_start3A_559 = arith.constant 0 : i32
      %dma_start3A_560 = arith.constant 0 : i32
      %dma_start3A_561 = tpu.memref_slice %arg15[%dma_start3A_559, %dma_start3A_560] : memref<64992x16xf32, #tpu.memory_space<vmem_shared>> -> memref<64992x16xf32, #tpu.memory_space<vmem_shared>>
      tpu.enqueue_indirect_dma source(%dma_start3A_555 : memref<128x16xf32, #tpu.memory_space<vmem>>) target(%dma_start3A_561 : memref<64992x16xf32, #tpu.memory_space<vmem_shared>>) offsets(%dma_start3A_558 : memref<128xi32, #tpu.memory_space<vmem>>) semaphore(%arg18 : memref<!tpu.dma_semaphore, #tpu.memory_space<semaphore_mem>>) {add = true}
      %dma_wait3A_562 = arith.constant 0 : i32
      %dma_wait3A_563 = arith.constant 0 : i32
      %dma_wait3A_564 = arith.constant 0 : i32
      %dma_wait3A_565 = tpu.memref_slice %arg9[%dma_wait3A_563, %dma_wait3A_564] : memref<1408x16xf32, #tpu.memory_space<vmem>> -> memref<128x16xf32, #tpu.memory_space<vmem>>
      %dma_wait3A_566 = arith.constant 0 : i32
      %dma_wait3A_567 = tpu.memref_slice %arg11[%dma_wait3A_562, %dma_wait3A_566] : memref<11x128xi32, #tpu.memory_space<vmem>> -> memref<1x128xi32, #tpu.memory_space<vmem>>
      %dma_wait3A_568 = tpu.memref_squeeze %dma_wait3A_567 : memref<1x128xi32, #tpu.memory_space<vmem>> -> memref<128xi32, #tpu.memory_space<vmem>>
      %dma_wait3A_569 = arith.constant 0 : i32
      %dma_wait3A_570 = arith.constant 0 : i32
      %dma_wait3A_571 = tpu.memref_slice %arg15[%dma_wait3A_569, %dma_wait3A_570] : memref<64992x16xf32, #tpu.memory_space<vmem_shared>> -> memref<64992x16xf32, #tpu.memory_space<vmem_shared>>
      tpu.wait_indirect_dma semaphore(%arg18 : memref<!tpu.dma_semaphore, #tpu.memory_space<semaphore_mem>>) src(%dma_wait3A_565 : memref<128x16xf32, #tpu.memory_space<vmem>>) dst(%dma_wait3A_571 : memref<64992x16xf32, #tpu.memory_space<vmem_shared>>)
      %dma_wait3A_572 = arith.constant 1 : i32
      %dma_wait3A_573 = arith.constant 128 : i32
      %dma_wait3A_574 = arith.constant 0 : i32
      %dma_wait3A_575 = tpu.memref_slice %arg9[%dma_wait3A_573, %dma_wait3A_574] : memref<1408x16xf32, #tpu.memory_space<vmem>> -> memref<128x16xf32, #tpu.memory_space<vmem>>
      %dma_wait3A_576 = arith.constant 0 : i32
      %dma_wait3A_577 = tpu.memref_slice %arg11[%dma_wait3A_572, %dma_wait3A_576] : memref<11x128xi32, #tpu.memory_space<vmem>> -> memref<1x128xi32, #tpu.memory_space<vmem>>
      %dma_wait3A_578 = tpu.memref_squeeze %dma_wait3A_577 : memref<1x128xi32, #tpu.memory_space<vmem>> -> memref<128xi32, #tpu.memory_space<vmem>>
      %dma_wait3A_579 = arith.constant 0 : i32
      %dma_wait3A_580 = arith.constant 0 : i32
      %dma_wait3A_581 = tpu.memref_slice %arg15[%dma_wait3A_579, %dma_wait3A_580] : memref<64992x16xf32, #tpu.memory_space<vmem_shared>> -> memref<64992x16xf32, #tpu.memory_space<vmem_shared>>
      tpu.wait_indirect_dma semaphore(%arg18 : memref<!tpu.dma_semaphore, #tpu.memory_space<semaphore_mem>>) src(%dma_wait3A_575 : memref<128x16xf32, #tpu.memory_space<vmem>>) dst(%dma_wait3A_581 : memref<64992x16xf32, #tpu.memory_space<vmem_shared>>)
      %dma_wait3A_582 = arith.constant 2 : i32
      %dma_wait3A_583 = arith.constant 256 : i32
      %dma_wait3A_584 = arith.constant 0 : i32
      %dma_wait3A_585 = tpu.memref_slice %arg9[%dma_wait3A_583, %dma_wait3A_584] : memref<1408x16xf32, #tpu.memory_space<vmem>> -> memref<128x16xf32, #tpu.memory_space<vmem>>
      %dma_wait3A_586 = arith.constant 0 : i32
      %dma_wait3A_587 = tpu.memref_slice %arg11[%dma_wait3A_582, %dma_wait3A_586] : memref<11x128xi32, #tpu.memory_space<vmem>> -> memref<1x128xi32, #tpu.memory_space<vmem>>
      %dma_wait3A_588 = tpu.memref_squeeze %dma_wait3A_587 : memref<1x128xi32, #tpu.memory_space<vmem>> -> memref<128xi32, #tpu.memory_space<vmem>>
      %dma_wait3A_589 = arith.constant 0 : i32
      %dma_wait3A_590 = arith.constant 0 : i32
      %dma_wait3A_591 = tpu.memref_slice %arg15[%dma_wait3A_589, %dma_wait3A_590] : memref<64992x16xf32, #tpu.memory_space<vmem_shared>> -> memref<64992x16xf32, #tpu.memory_space<vmem_shared>>
      tpu.wait_indirect_dma semaphore(%arg18 : memref<!tpu.dma_semaphore, #tpu.memory_space<semaphore_mem>>) src(%dma_wait3A_585 : memref<128x16xf32, #tpu.memory_space<vmem>>) dst(%dma_wait3A_591 : memref<64992x16xf32, #tpu.memory_space<vmem_shared>>)
      %dma_wait3A_592 = arith.constant 3 : i32
      %dma_wait3A_593 = arith.constant 384 : i32
      %dma_wait3A_594 = arith.constant 0 : i32
      %dma_wait3A_595 = tpu.memref_slice %arg9[%dma_wait3A_593, %dma_wait3A_594] : memref<1408x16xf32, #tpu.memory_space<vmem>> -> memref<128x16xf32, #tpu.memory_space<vmem>>
      %dma_wait3A_596 = arith.constant 0 : i32
      %dma_wait3A_597 = tpu.memref_slice %arg11[%dma_wait3A_592, %dma_wait3A_596] : memref<11x128xi32, #tpu.memory_space<vmem>> -> memref<1x128xi32, #tpu.memory_space<vmem>>
      %dma_wait3A_598 = tpu.memref_squeeze %dma_wait3A_597 : memref<1x128xi32, #tpu.memory_space<vmem>> -> memref<128xi32, #tpu.memory_space<vmem>>
      %dma_wait3A_599 = arith.constant 0 : i32
      %dma_wait3A_600 = arith.constant 0 : i32
      %dma_wait3A_601 = tpu.memref_slice %arg15[%dma_wait3A_599, %dma_wait3A_600] : memref<64992x16xf32, #tpu.memory_space<vmem_shared>> -> memref<64992x16xf32, #tpu.memory_space<vmem_shared>>
      tpu.wait_indirect_dma semaphore(%arg18 : memref<!tpu.dma_semaphore, #tpu.memory_space<semaphore_mem>>) src(%dma_wait3A_595 : memref<128x16xf32, #tpu.memory_space<vmem>>) dst(%dma_wait3A_601 : memref<64992x16xf32, #tpu.memory_space<vmem_shared>>)
      %dma_wait3A_602 = arith.constant 4 : i32
      %dma_wait3A_603 = arith.constant 512 : i32
      %dma_wait3A_604 = arith.constant 0 : i32
      %dma_wait3A_605 = tpu.memref_slice %arg9[%dma_wait3A_603, %dma_wait3A_604] : memref<1408x16xf32, #tpu.memory_space<vmem>> -> memref<128x16xf32, #tpu.memory_space<vmem>>
      %dma_wait3A_606 = arith.constant 0 : i32
      %dma_wait3A_607 = tpu.memref_slice %arg11[%dma_wait3A_602, %dma_wait3A_606] : memref<11x128xi32, #tpu.memory_space<vmem>> -> memref<1x128xi32, #tpu.memory_space<vmem>>
      %dma_wait3A_608 = tpu.memref_squeeze %dma_wait3A_607 : memref<1x128xi32, #tpu.memory_space<vmem>> -> memref<128xi32, #tpu.memory_space<vmem>>
      %dma_wait3A_609 = arith.constant 0 : i32
      %dma_wait3A_610 = arith.constant 0 : i32
      %dma_wait3A_611 = tpu.memref_slice %arg15[%dma_wait3A_609, %dma_wait3A_610] : memref<64992x16xf32, #tpu.memory_space<vmem_shared>> -> memref<64992x16xf32, #tpu.memory_space<vmem_shared>>
      tpu.wait_indirect_dma semaphore(%arg18 : memref<!tpu.dma_semaphore, #tpu.memory_space<semaphore_mem>>) src(%dma_wait3A_605 : memref<128x16xf32, #tpu.memory_space<vmem>>) dst(%dma_wait3A_611 : memref<64992x16xf32, #tpu.memory_space<vmem_shared>>)
      %dma_wait3A_612 = arith.constant 5 : i32
      %dma_wait3A_613 = arith.constant 640 : i32
      %dma_wait3A_614 = arith.constant 0 : i32
      %dma_wait3A_615 = tpu.memref_slice %arg9[%dma_wait3A_613, %dma_wait3A_614] : memref<1408x16xf32, #tpu.memory_space<vmem>> -> memref<128x16xf32, #tpu.memory_space<vmem>>
      %dma_wait3A_616 = arith.constant 0 : i32
      %dma_wait3A_617 = tpu.memref_slice %arg11[%dma_wait3A_612, %dma_wait3A_616] : memref<11x128xi32, #tpu.memory_space<vmem>> -> memref<1x128xi32, #tpu.memory_space<vmem>>
      %dma_wait3A_618 = tpu.memref_squeeze %dma_wait3A_617 : memref<1x128xi32, #tpu.memory_space<vmem>> -> memref<128xi32, #tpu.memory_space<vmem>>
      %dma_wait3A_619 = arith.constant 0 : i32
      %dma_wait3A_620 = arith.constant 0 : i32
      %dma_wait3A_621 = tpu.memref_slice %arg15[%dma_wait3A_619, %dma_wait3A_620] : memref<64992x16xf32, #tpu.memory_space<vmem_shared>> -> memref<64992x16xf32, #tpu.memory_space<vmem_shared>>
      tpu.wait_indirect_dma semaphore(%arg18 : memref<!tpu.dma_semaphore, #tpu.memory_space<semaphore_mem>>) src(%dma_wait3A_615 : memref<128x16xf32, #tpu.memory_space<vmem>>) dst(%dma_wait3A_621 : memref<64992x16xf32, #tpu.memory_space<vmem_shared>>)
      %dma_wait3A_622 = arith.constant 6 : i32
      %dma_wait3A_623 = arith.constant 768 : i32
      %dma_wait3A_624 = arith.constant 0 : i32
      %dma_wait3A_625 = tpu.memref_slice %arg9[%dma_wait3A_623, %dma_wait3A_624] : memref<1408x16xf32, #tpu.memory_space<vmem>> -> memref<128x16xf32, #tpu.memory_space<vmem>>
      %dma_wait3A_626 = arith.constant 0 : i32
      %dma_wait3A_627 = tpu.memref_slice %arg11[%dma_wait3A_622, %dma_wait3A_626] : memref<11x128xi32, #tpu.memory_space<vmem>> -> memref<1x128xi32, #tpu.memory_space<vmem>>
      %dma_wait3A_628 = tpu.memref_squeeze %dma_wait3A_627 : memref<1x128xi32, #tpu.memory_space<vmem>> -> memref<128xi32, #tpu.memory_space<vmem>>
      %dma_wait3A_629 = arith.constant 0 : i32
      %dma_wait3A_630 = arith.constant 0 : i32
      %dma_wait3A_631 = tpu.memref_slice %arg15[%dma_wait3A_629, %dma_wait3A_630] : memref<64992x16xf32, #tpu.memory_space<vmem_shared>> -> memref<64992x16xf32, #tpu.memory_space<vmem_shared>>
      tpu.wait_indirect_dma semaphore(%arg18 : memref<!tpu.dma_semaphore, #tpu.memory_space<semaphore_mem>>) src(%dma_wait3A_625 : memref<128x16xf32, #tpu.memory_space<vmem>>) dst(%dma_wait3A_631 : memref<64992x16xf32, #tpu.memory_space<vmem_shared>>)
      %dma_wait3A_632 = arith.constant 7 : i32
      %dma_wait3A_633 = arith.constant 896 : i32
      %dma_wait3A_634 = arith.constant 0 : i32
      %dma_wait3A_635 = tpu.memref_slice %arg9[%dma_wait3A_633, %dma_wait3A_634] : memref<1408x16xf32, #tpu.memory_space<vmem>> -> memref<128x16xf32, #tpu.memory_space<vmem>>
      %dma_wait3A_636 = arith.constant 0 : i32
      %dma_wait3A_637 = tpu.memref_slice %arg11[%dma_wait3A_632, %dma_wait3A_636] : memref<11x128xi32, #tpu.memory_space<vmem>> -> memref<1x128xi32, #tpu.memory_space<vmem>>
      %dma_wait3A_638 = tpu.memref_squeeze %dma_wait3A_637 : memref<1x128xi32, #tpu.memory_space<vmem>> -> memref<128xi32, #tpu.memory_space<vmem>>
      %dma_wait3A_639 = arith.constant 0 : i32
      %dma_wait3A_640 = arith.constant 0 : i32
      %dma_wait3A_641 = tpu.memref_slice %arg15[%dma_wait3A_639, %dma_wait3A_640] : memref<64992x16xf32, #tpu.memory_space<vmem_shared>> -> memref<64992x16xf32, #tpu.memory_space<vmem_shared>>
      tpu.wait_indirect_dma semaphore(%arg18 : memref<!tpu.dma_semaphore, #tpu.memory_space<semaphore_mem>>) src(%dma_wait3A_635 : memref<128x16xf32, #tpu.memory_space<vmem>>) dst(%dma_wait3A_641 : memref<64992x16xf32, #tpu.memory_space<vmem_shared>>)
      %dma_wait3A_642 = arith.constant 8 : i32
      %dma_wait3A_643 = arith.constant 1024 : i32
      %dma_wait3A_644 = arith.constant 0 : i32
      %dma_wait3A_645 = tpu.memref_slice %arg9[%dma_wait3A_643, %dma_wait3A_644] : memref<1408x16xf32, #tpu.memory_space<vmem>> -> memref<128x16xf32, #tpu.memory_space<vmem>>
      %dma_wait3A_646 = arith.constant 0 : i32
      %dma_wait3A_647 = tpu.memref_slice %arg11[%dma_wait3A_642, %dma_wait3A_646] : memref<11x128xi32, #tpu.memory_space<vmem>> -> memref<1x128xi32, #tpu.memory_space<vmem>>
      %dma_wait3A_648 = tpu.memref_squeeze %dma_wait3A_647 : memref<1x128xi32, #tpu.memory_space<vmem>> -> memref<128xi32, #tpu.memory_space<vmem>>
      %dma_wait3A_649 = arith.constant 0 : i32
      %dma_wait3A_650 = arith.constant 0 : i32
      %dma_wait3A_651 = tpu.memref_slice %arg15[%dma_wait3A_649, %dma_wait3A_650] : memref<64992x16xf32, #tpu.memory_space<vmem_shared>> -> memref<64992x16xf32, #tpu.memory_space<vmem_shared>>
      tpu.wait_indirect_dma semaphore(%arg18 : memref<!tpu.dma_semaphore, #tpu.memory_space<semaphore_mem>>) src(%dma_wait3A_645 : memref<128x16xf32, #tpu.memory_space<vmem>>) dst(%dma_wait3A_651 : memref<64992x16xf32, #tpu.memory_space<vmem_shared>>)
      %dma_wait3A_652 = arith.constant 9 : i32
      %dma_wait3A_653 = arith.constant 1152 : i32
      %dma_wait3A_654 = arith.constant 0 : i32
      %dma_wait3A_655 = tpu.memref_slice %arg9[%dma_wait3A_653, %dma_wait3A_654] : memref<1408x16xf32, #tpu.memory_space<vmem>> -> memref<128x16xf32, #tpu.memory_space<vmem>>
      %dma_wait3A_656 = arith.constant 0 : i32
      %dma_wait3A_657 = tpu.memref_slice %arg11[%dma_wait3A_652, %dma_wait3A_656] : memref<11x128xi32, #tpu.memory_space<vmem>> -> memref<1x128xi32, #tpu.memory_space<vmem>>
      %dma_wait3A_658 = tpu.memref_squeeze %dma_wait3A_657 : memref<1x128xi32, #tpu.memory_space<vmem>> -> memref<128xi32, #tpu.memory_space<vmem>>
      %dma_wait3A_659 = arith.constant 0 : i32
      %dma_wait3A_660 = arith.constant 0 : i32
      %dma_wait3A_661 = tpu.memref_slice %arg15[%dma_wait3A_659, %dma_wait3A_660] : memref<64992x16xf32, #tpu.memory_space<vmem_shared>> -> memref<64992x16xf32, #tpu.memory_space<vmem_shared>>
      tpu.wait_indirect_dma semaphore(%arg18 : memref<!tpu.dma_semaphore, #tpu.memory_space<semaphore_mem>>) src(%dma_wait3A_655 : memref<128x16xf32, #tpu.memory_space<vmem>>) dst(%dma_wait3A_661 : memref<64992x16xf32, #tpu.memory_space<vmem_shared>>)
      %dma_wait3A_662 = arith.constant 10 : i32
      %dma_wait3A_663 = arith.constant 1280 : i32
      %dma_wait3A_664 = arith.constant 0 : i32
      %dma_wait3A_665 = tpu.memref_slice %arg9[%dma_wait3A_663, %dma_wait3A_664] : memref<1408x16xf32, #tpu.memory_space<vmem>> -> memref<128x16xf32, #tpu.memory_space<vmem>>
      %dma_wait3A_666 = arith.constant 0 : i32
      %dma_wait3A_667 = tpu.memref_slice %arg11[%dma_wait3A_662, %dma_wait3A_666] : memref<11x128xi32, #tpu.memory_space<vmem>> -> memref<1x128xi32, #tpu.memory_space<vmem>>
      %dma_wait3A_668 = tpu.memref_squeeze %dma_wait3A_667 : memref<1x128xi32, #tpu.memory_space<vmem>> -> memref<128xi32, #tpu.memory_space<vmem>>
      %dma_wait3A_669 = arith.constant 0 : i32
      %dma_wait3A_670 = arith.constant 0 : i32
      %dma_wait3A_671 = tpu.memref_slice %arg15[%dma_wait3A_669, %dma_wait3A_670] : memref<64992x16xf32, #tpu.memory_space<vmem_shared>> -> memref<64992x16xf32, #tpu.memory_space<vmem_shared>>
      tpu.wait_indirect_dma semaphore(%arg18 : memref<!tpu.dma_semaphore, #tpu.memory_space<semaphore_mem>>) src(%dma_wait3A_665 : memref<128x16xf32, #tpu.memory_space<vmem>>) dst(%dma_wait3A_671 : memref<64992x16xf32, #tpu.memory_space<vmem_shared>>)
      %add3A_672 = arith.constant 2 : i32
      %add3A_673 = arith.addi %add3A_435, %add3A_672 : i32
      %lt3A_674 = arith.constant 30 : i32
      %lt3A_675 = arith.cmpi slt, %add3A_673, %lt3A_674 : i32
      %convert_element_type3A_676 = arith.extui %lt3A_675 : i1 to i32
      %cond3A_677 = arith.constant 0 : i32
      %cond3A_678 = arith.cmpi ne, %convert_element_type3A_676, %cond3A_677 : i32
      scf.if %cond3A_678 {
        %add3A_680 = arith.constant 2 : i32
        %add3A_681 = arith.addi %add3A_435, %add3A_680 : i32
        %mul3A_682 = arith.constant 1408 : i32
        %mul3A_683 = arith.muli %add3A_681, %mul3A_682 : i32
        %add3A_684 = arith.addi %mul3A_1, %mul3A_683 : i32
        %dma_start3A_685 = arith.constant 32 : i32
        %dma_start3A_686 = tpu.memref_slice %arg5[%add3A_684, %dma_start3A_685] : memref<675840x64xf32, #tpu.memory_space<hbm>> -> memref<1408x16xf32, #tpu.memory_space<hbm>>
        %dma_start3A_687 = arith.constant 32 : i32
        %dma_start3A_688 = tpu.memref_slice %arg5[%add3A_684, %dma_start3A_687] : memref<675840x64xf32, #tpu.memory_space<hbm>> -> memref<1408x16xf32, #tpu.memory_space<hbm>>
        tpu.enqueue_dma source(%dma_start3A_688 : memref<1408x16xf32, #tpu.memory_space<hbm>>) target(%arg9 : memref<1408x16xf32, #tpu.memory_space<vmem>>) target_semaphore(%arg17 : memref<!tpu.dma_semaphore, #tpu.memory_space<semaphore_mem>>)
        %mul3A_689 = arith.constant 11 : i32
        %mul3A_690 = arith.muli %add3A_681, %mul3A_689 : i32
        %add3A_691 = arith.addi %mul3A_3, %mul3A_690 : i32
        %dma_start3A_692 = arith.constant 0 : i32
        %dma_start3A_693 = tpu.memref_slice %arg7[%arg0, %add3A_691, %dma_start3A_692] : memref<2x5280x128xi32, #tpu.memory_space<hbm>> -> memref<1x11x128xi32, #tpu.memory_space<hbm>>
        %dma_start3A_694 = tpu.memref_squeeze %dma_start3A_693 : memref<1x11x128xi32, #tpu.memory_space<hbm>> -> memref<11x128xi32, #tpu.memory_space<hbm>>
        %dma_start3A_695 = arith.constant 0 : i32
        %dma_start3A_696 = tpu.memref_slice %arg7[%arg0, %add3A_691, %dma_start3A_695] : memref<2x5280x128xi32, #tpu.memory_space<hbm>> -> memref<1x11x128xi32, #tpu.memory_space<hbm>>
        %dma_start3A_697 = tpu.memref_squeeze %dma_start3A_696 : memref<1x11x128xi32, #tpu.memory_space<hbm>> -> memref<11x128xi32, #tpu.memory_space<hbm>>
        tpu.enqueue_dma source(%dma_start3A_697 : memref<11x128xi32, #tpu.memory_space<hbm>>) target(%arg11 : memref<11x128xi32, #tpu.memory_space<vmem>>) target_semaphore(%arg17 : memref<!tpu.dma_semaphore, #tpu.memory_space<semaphore_mem>>)
      } else {
      }
      %scan3A_679 = arith.constant 0 : i32
      scf.yield %scan3A_679 : i32
    }
    %scan3A_130 = arith.constant 15 : i32
    %barrier3A_131 = arith.constant 0 : index
    tpu.barrier barrier_id(%barrier3A_131)
    %mul3A_132 = arith.constant 4050 : i32
    %mul3A_133 = arith.muli %arg1, %mul3A_132 : i32
    %run_scoped3A_134 = arith.constant 2 : i32
    "tpu.region"() ({
      %run_scoped3A_189 = tpu.sem_alloc : memref<!tpu.dma_semaphore, #tpu.memory_space<semaphore_mem>>
      %dma_start3A_190 = arith.constant 0 : i32
      %dma_start3A_191 = tpu.memref_slice %arg6[%run_scoped3A_134, %arg0, %mul3A_133, %dma_start3A_190] : memref<4x2x64800x16xf32, #tpu.memory_space<hbm>> -> memref<1x1x4050x16xf32, #tpu.memory_space<hbm>>
      %dma_start3A_192 = tpu.memref_squeeze %dma_start3A_191 : memref<1x1x4050x16xf32, #tpu.memory_space<hbm>> -> memref<4050x16xf32, #tpu.memory_space<hbm>>
      %dma_start3A_193 = arith.constant 0 : i32
      %dma_start3A_194 = tpu.memref_slice %arg15[%mul3A_133, %dma_start3A_193] : memref<64992x16xf32, #tpu.memory_space<vmem_shared>> -> memref<4050x16xf32, #tpu.memory_space<vmem_shared>>
      tpu.enqueue_dma source(%dma_start3A_194 : memref<4050x16xf32, #tpu.memory_space<vmem_shared>>) target(%dma_start3A_192 : memref<4050x16xf32, #tpu.memory_space<hbm>>) target_semaphore(%run_scoped3A_189 : memref<!tpu.dma_semaphore, #tpu.memory_space<semaphore_mem>>)
      %dma_wait3A = arith.constant 0 : i32
      %dma_wait3A_195 = tpu.memref_slice %arg6[%run_scoped3A_134, %arg0, %mul3A_133, %dma_wait3A] : memref<4x2x64800x16xf32, #tpu.memory_space<hbm>> -> memref<1x1x4050x16xf32, #tpu.memory_space<hbm>>
      %dma_wait3A_196 = tpu.memref_squeeze %dma_wait3A_195 : memref<1x1x4050x16xf32, #tpu.memory_space<hbm>> -> memref<4050x16xf32, #tpu.memory_space<hbm>>
      %dma_wait3A_197 = arith.constant 0 : i32
      %dma_wait3A_198 = tpu.memref_slice %arg15[%mul3A_133, %dma_wait3A_197] : memref<64992x16xf32, #tpu.memory_space<vmem_shared>> -> memref<4050x16xf32, #tpu.memory_space<vmem_shared>>
      tpu.wait_dma2 semaphore(%run_scoped3A_189 : memref<!tpu.dma_semaphore, #tpu.memory_space<semaphore_mem>>) src(%dma_wait3A_198 : memref<4050x16xf32, #tpu.memory_space<vmem_shared>>) dst(%dma_wait3A_196 : memref<4050x16xf32, #tpu.memory_space<hbm>>)
      tpu.yield
    }) : () -> ()
    %barrier3A_135 = arith.constant 0 : index
    tpu.barrier barrier_id(%barrier3A_135)
    %scan3A_136 = arith.constant 0 : i32
    %scan3A_137 = arith.constant 0 : i32
    %scan3A_138 = arith.constant 1408 : i32
    %scan3A_139 = arith.addi %scan3A_137, %scan3A_138 : i32
    %scan3A_140 = arith.constant 1 : i32
    %scan3A_141 = scf.for %scan3A_189 = %scan3A_137 to %scan3A_139 step %scan3A_140 iter_args(%scan3A_190 = %scan3A_136) -> (i32)  : i32 {
      %swap3A = arith.index_cast %scan3A_189 : i32 to index
      %swap3A_191 = arith.constant 0 : index
      %swap3A_192 = tpu.vector_load %arg8[%swap3A, %swap3A_191] {strides = array<i32>} : memref<1408x16xf32, #tpu.memory_space<vmem>>, vector<1x16xf32>,
      %swap3A_193 = vector.shape_cast %swap3A_192 : vector<1x16xf32> to vector<16xf32>
      %swap3A_194 = vector.shape_cast %broadcast_in_dim3A_0 : vector<16xf32> to vector<1x16xf32>
      tpu.vector_store %arg8[%swap3A, %swap3A_191], %swap3A_194 {strides = array<i32>} : memref<1408x16xf32, #tpu.memory_space<vmem>>, vector<1x16xf32>,
      %scan3A_195 = arith.constant 0 : i32
      scf.yield %scan3A_195 : i32
    }
    %scan3A_142 = arith.constant 1408 : i32
    %mul3A_143 = arith.constant 4062 : i32
    %mul3A_144 = arith.muli %arg1, %mul3A_143 : i32
    "tpu.region"() ({
      %run_scoped3A_189 = tpu.sem_alloc : memref<!tpu.dma_semaphore, #tpu.memory_space<semaphore_mem>>
      %dma_start3A_190 = arith.constant 0 : i32
      %dma_start3A_191 = tpu.memref_slice %arg15[%mul3A_144, %dma_start3A_190] : memref<64992x16xf32, #tpu.memory_space<vmem_shared>> -> memref<1408x16xf32, #tpu.memory_space<vmem_shared>>
      %dma_start3A_192 = arith.constant 0 : i32
      %dma_start3A_193 = tpu.memref_slice %arg15[%mul3A_144, %dma_start3A_192] : memref<64992x16xf32, #tpu.memory_space<vmem_shared>> -> memref<1408x16xf32, #tpu.memory_space<vmem_shared>>
      tpu.enqueue_dma source(%arg8 : memref<1408x16xf32, #tpu.memory_space<vmem>>) target(%dma_start3A_193 : memref<1408x16xf32, #tpu.memory_space<vmem_shared>>) target_semaphore(%run_scoped3A_189 : memref<!tpu.dma_semaphore, #tpu.memory_space<semaphore_mem>>)
      %dma_wait3A = arith.constant 0 : i32
      %dma_wait3A_194 = tpu.memref_slice %arg15[%mul3A_144, %dma_wait3A] : memref<64992x16xf32, #tpu.memory_space<vmem_shared>> -> memref<1408x16xf32, #tpu.memory_space<vmem_shared>>
      %dma_wait3A_195 = arith.constant 0 : i32
      %dma_wait3A_196 = tpu.memref_slice %arg15[%mul3A_144, %dma_wait3A_195] : memref<64992x16xf32, #tpu.memory_space<vmem_shared>> -> memref<1408x16xf32, #tpu.memory_space<vmem_shared>>
      tpu.wait_dma2 semaphore(%run_scoped3A_189 : memref<!tpu.dma_semaphore, #tpu.memory_space<semaphore_mem>>) src(%arg8 : memref<1408x16xf32, #tpu.memory_space<vmem>>) dst(%dma_wait3A_196 : memref<1408x16xf32, #tpu.memory_space<vmem_shared>>)
      tpu.yield
    }) : () -> ()
    %add3A_145 = arith.constant 1408 : i32
    %add3A_146 = arith.addi %mul3A_144, %add3A_145 : i32
    "tpu.region"() ({
      %run_scoped3A_189 = tpu.sem_alloc : memref<!tpu.dma_semaphore, #tpu.memory_space<semaphore_mem>>
      %dma_start3A_190 = arith.constant 0 : i32
      %dma_start3A_191 = tpu.memref_slice %arg15[%add3A_146, %dma_start3A_190] : memref<64992x16xf32, #tpu.memory_space<vmem_shared>> -> memref<1408x16xf32, #tpu.memory_space<vmem_shared>>
      %dma_start3A_192 = arith.constant 0 : i32
      %dma_start3A_193 = tpu.memref_slice %arg15[%add3A_146, %dma_start3A_192] : memref<64992x16xf32, #tpu.memory_space<vmem_shared>> -> memref<1408x16xf32, #tpu.memory_space<vmem_shared>>
      tpu.enqueue_dma source(%arg8 : memref<1408x16xf32, #tpu.memory_space<vmem>>) target(%dma_start3A_193 : memref<1408x16xf32, #tpu.memory_space<vmem_shared>>) target_semaphore(%run_scoped3A_189 : memref<!tpu.dma_semaphore, #tpu.memory_space<semaphore_mem>>)
      %dma_wait3A = arith.constant 0 : i32
      %dma_wait3A_194 = tpu.memref_slice %arg15[%add3A_146, %dma_wait3A] : memref<64992x16xf32, #tpu.memory_space<vmem_shared>> -> memref<1408x16xf32, #tpu.memory_space<vmem_shared>>
      %dma_wait3A_195 = arith.constant 0 : i32
      %dma_wait3A_196 = tpu.memref_slice %arg15[%add3A_146, %dma_wait3A_195] : memref<64992x16xf32, #tpu.memory_space<vmem_shared>> -> memref<1408x16xf32, #tpu.memory_space<vmem_shared>>
      tpu.wait_dma2 semaphore(%run_scoped3A_189 : memref<!tpu.dma_semaphore, #tpu.memory_space<semaphore_mem>>) src(%arg8 : memref<1408x16xf32, #tpu.memory_space<vmem>>) dst(%dma_wait3A_196 : memref<1408x16xf32, #tpu.memory_space<vmem_shared>>)
      tpu.yield
    }) : () -> ()
    %add3A_147 = arith.constant 2816 : i32
    %add3A_148 = arith.addi %mul3A_144, %add3A_147 : i32
    "tpu.region"() ({
      %run_scoped3A_189 = tpu.sem_alloc : memref<!tpu.dma_semaphore, #tpu.memory_space<semaphore_mem>>
      %dma_start3A_190 = arith.constant 0 : i32
      %dma_start3A_191 = arith.constant 0 : i32
      %dma_start3A_192 = tpu.memref_slice %arg8[%dma_start3A_190, %dma_start3A_191] : memref<1408x16xf32, #tpu.memory_space<vmem>> -> memref<1246x16xf32, #tpu.memory_space<vmem>>
      %dma_start3A_193 = arith.constant 0 : i32
      %dma_start3A_194 = tpu.memref_slice %arg15[%add3A_148, %dma_start3A_193] : memref<64992x16xf32, #tpu.memory_space<vmem_shared>> -> memref<1246x16xf32, #tpu.memory_space<vmem_shared>>
      %dma_start3A_195 = arith.constant 0 : i32
      %dma_start3A_196 = tpu.memref_slice %arg15[%add3A_148, %dma_start3A_195] : memref<64992x16xf32, #tpu.memory_space<vmem_shared>> -> memref<1246x16xf32, #tpu.memory_space<vmem_shared>>
      %dma_start3A_197 = arith.constant 0 : i32
      %dma_start3A_198 = arith.constant 0 : i32
      %dma_start3A_199 = tpu.memref_slice %arg8[%dma_start3A_197, %dma_start3A_198] : memref<1408x16xf32, #tpu.memory_space<vmem>> -> memref<1246x16xf32, #tpu.memory_space<vmem>>
      tpu.enqueue_dma source(%dma_start3A_199 : memref<1246x16xf32, #tpu.memory_space<vmem>>) target(%dma_start3A_196 : memref<1246x16xf32, #tpu.memory_space<vmem_shared>>) target_semaphore(%run_scoped3A_189 : memref<!tpu.dma_semaphore, #tpu.memory_space<semaphore_mem>>)
      %dma_wait3A = arith.constant 0 : i32
      %dma_wait3A_200 = arith.constant 0 : i32
      %dma_wait3A_201 = tpu.memref_slice %arg8[%dma_wait3A, %dma_wait3A_200] : memref<1408x16xf32, #tpu.memory_space<vmem>> -> memref<1246x16xf32, #tpu.memory_space<vmem>>
      %dma_wait3A_202 = arith.constant 0 : i32
      %dma_wait3A_203 = tpu.memref_slice %arg15[%add3A_148, %dma_wait3A_202] : memref<64992x16xf32, #tpu.memory_space<vmem_shared>> -> memref<1246x16xf32, #tpu.memory_space<vmem_shared>>
      %dma_wait3A_204 = arith.constant 0 : i32
      %dma_wait3A_205 = tpu.memref_slice %arg15[%add3A_148, %dma_wait3A_204] : memref<64992x16xf32, #tpu.memory_space<vmem_shared>> -> memref<1246x16xf32, #tpu.memory_space<vmem_shared>>
      %dma_wait3A_206 = arith.constant 0 : i32
      %dma_wait3A_207 = arith.constant 0 : i32
      %dma_wait3A_208 = tpu.memref_slice %arg8[%dma_wait3A_206, %dma_wait3A_207] : memref<1408x16xf32, #tpu.memory_space<vmem>> -> memref<1246x16xf32, #tpu.memory_space<vmem>>
      tpu.wait_dma2 semaphore(%run_scoped3A_189 : memref<!tpu.dma_semaphore, #tpu.memory_space<semaphore_mem>>) src(%dma_wait3A_208 : memref<1246x16xf32, #tpu.memory_space<vmem>>) dst(%dma_wait3A_205 : memref<1246x16xf32, #tpu.memory_space<vmem_shared>>)
      tpu.yield
    }) : () -> ()
    %barrier3A_149 = arith.constant 0 : index
    tpu.barrier barrier_id(%barrier3A_149)
    %add3A_150 = arith.constant 0 : i32
    %add3A_151 = arith.addi %mul3A_1, %add3A_150 : i32
    %dma_start3A_152 = arith.constant 48 : i32
    %dma_start3A_153 = tpu.memref_slice %arg5[%add3A_151, %dma_start3A_152] : memref<675840x64xf32, #tpu.memory_space<hbm>> -> memref<1408x16xf32, #tpu.memory_space<hbm>>
    %dma_start3A_154 = arith.constant 48 : i32
    %dma_start3A_155 = tpu.memref_slice %arg5[%add3A_151, %dma_start3A_154] : memref<675840x64xf32, #tpu.memory_space<hbm>> -> memref<1408x16xf32, #tpu.memory_space<hbm>>
    tpu.enqueue_dma source(%dma_start3A_155 : memref<1408x16xf32, #tpu.memory_space<hbm>>) target(%arg8 : memref<1408x16xf32, #tpu.memory_space<vmem>>) target_semaphore(%arg16 : memref<!tpu.dma_semaphore, #tpu.memory_space<semaphore_mem>>)
    %add3A_156 = arith.constant 0 : i32
    %add3A_157 = arith.addi %mul3A_3, %add3A_156 : i32
    %dma_start3A_158 = arith.constant 0 : i32
    %dma_start3A_159 = tpu.memref_slice %arg7[%arg0, %add3A_157, %dma_start3A_158] : memref<2x5280x128xi32, #tpu.memory_space<hbm>> -> memref<1x11x128xi32, #tpu.memory_space<hbm>>
    %dma_start3A_160 = tpu.memref_squeeze %dma_start3A_159 : memref<1x11x128xi32, #tpu.memory_space<hbm>> -> memref<11x128xi32, #tpu.memory_space<hbm>>
    %dma_start3A_161 = arith.constant 0 : i32
    %dma_start3A_162 = tpu.memref_slice %arg7[%arg0, %add3A_157, %dma_start3A_161] : memref<2x5280x128xi32, #tpu.memory_space<hbm>> -> memref<1x11x128xi32, #tpu.memory_space<hbm>>
    %dma_start3A_163 = tpu.memref_squeeze %dma_start3A_162 : memref<1x11x128xi32, #tpu.memory_space<hbm>> -> memref<11x128xi32, #tpu.memory_space<hbm>>
    tpu.enqueue_dma source(%dma_start3A_163 : memref<11x128xi32, #tpu.memory_space<hbm>>) target(%arg10 : memref<11x128xi32, #tpu.memory_space<vmem>>) target_semaphore(%arg16 : memref<!tpu.dma_semaphore, #tpu.memory_space<semaphore_mem>>)
    %add3A_164 = arith.constant 1408 : i32
    %add3A_165 = arith.addi %mul3A_1, %add3A_164 : i32
    %dma_start3A_166 = arith.constant 48 : i32
    %dma_start3A_167 = tpu.memref_slice %arg5[%add3A_165, %dma_start3A_166] : memref<675840x64xf32, #tpu.memory_space<hbm>> -> memref<1408x16xf32, #tpu.memory_space<hbm>>
    %dma_start3A_168 = arith.constant 48 : i32
    %dma_start3A_169 = tpu.memref_slice %arg5[%add3A_165, %dma_start3A_168] : memref<675840x64xf32, #tpu.memory_space<hbm>> -> memref<1408x16xf32, #tpu.memory_space<hbm>>
    tpu.enqueue_dma source(%dma_start3A_169 : memref<1408x16xf32, #tpu.memory_space<hbm>>) target(%arg9 : memref<1408x16xf32, #tpu.memory_space<vmem>>) target_semaphore(%arg17 : memref<!tpu.dma_semaphore, #tpu.memory_space<semaphore_mem>>)
    %add3A_170 = arith.constant 11 : i32
    %add3A_171 = arith.addi %mul3A_3, %add3A_170 : i32
    %dma_start3A_172 = arith.constant 0 : i32
    %dma_start3A_173 = tpu.memref_slice %arg7[%arg0, %add3A_171, %dma_start3A_172] : memref<2x5280x128xi32, #tpu.memory_space<hbm>> -> memref<1x11x128xi32, #tpu.memory_space<hbm>>
    %dma_start3A_174 = tpu.memref_squeeze %dma_start3A_173 : memref<1x11x128xi32, #tpu.memory_space<hbm>> -> memref<11x128xi32, #tpu.memory_space<hbm>>
    %dma_start3A_175 = arith.constant 0 : i32
    %dma_start3A_176 = tpu.memref_slice %arg7[%arg0, %add3A_171, %dma_start3A_175] : memref<2x5280x128xi32, #tpu.memory_space<hbm>> -> memref<1x11x128xi32, #tpu.memory_space<hbm>>
    %dma_start3A_177 = tpu.memref_squeeze %dma_start3A_176 : memref<1x11x128xi32, #tpu.memory_space<hbm>> -> memref<11x128xi32, #tpu.memory_space<hbm>>
    tpu.enqueue_dma source(%dma_start3A_177 : memref<11x128xi32, #tpu.memory_space<hbm>>) target(%arg11 : memref<11x128xi32, #tpu.memory_space<vmem>>) target_semaphore(%arg17 : memref<!tpu.dma_semaphore, #tpu.memory_space<semaphore_mem>>)
    %scan3A_178 = arith.constant 0 : i32
    %scan3A_179 = arith.constant 0 : i32
    %scan3A_180 = arith.constant 15 : i32
    %scan3A_181 = arith.addi %scan3A_179, %scan3A_180 : i32
    %scan3A_182 = arith.constant 1 : i32
    %scan3A_183 = scf.for %scan3A_189 = %scan3A_179 to %scan3A_181 step %scan3A_182 iter_args(%scan3A_190 = %scan3A_178) -> (i32)  : i32 {
      %mul3A_191 = arith.constant 2 : i32
      %mul3A_192 = arith.muli %mul3A_191, %scan3A_189 : i32
      %mul3A_193 = arith.constant 1408 : i32
      %mul3A_194 = arith.muli %mul3A_192, %mul3A_193 : i32
      %add3A_195 = arith.addi %mul3A_1, %mul3A_194 : i32
      %dma_wait3A = arith.constant 48 : i32
      %dma_wait3A_196 = tpu.memref_slice %arg5[%add3A_195, %dma_wait3A] : memref<675840x64xf32, #tpu.memory_space<hbm>> -> memref<1408x16xf32, #tpu.memory_space<hbm>>
      %dma_wait3A_197 = arith.constant 48 : i32
      %dma_wait3A_198 = tpu.memref_slice %arg5[%add3A_195, %dma_wait3A_197] : memref<675840x64xf32, #tpu.memory_space<hbm>> -> memref<1408x16xf32, #tpu.memory_space<hbm>>
      tpu.wait_dma2 semaphore(%arg16 : memref<!tpu.dma_semaphore, #tpu.memory_space<semaphore_mem>>) src(%dma_wait3A_198 : memref<1408x16xf32, #tpu.memory_space<hbm>>) dst(%arg8 : memref<1408x16xf32, #tpu.memory_space<vmem>>)
      %mul3A_199 = arith.constant 11 : i32
      %mul3A_200 = arith.muli %mul3A_192, %mul3A_199 : i32
      %add3A_201 = arith.addi %mul3A_3, %mul3A_200 : i32
      %dma_wait3A_202 = arith.constant 0 : i32
      %dma_wait3A_203 = tpu.memref_slice %arg7[%arg0, %add3A_201, %dma_wait3A_202] : memref<2x5280x128xi32, #tpu.memory_space<hbm>> -> memref<1x11x128xi32, #tpu.memory_space<hbm>>
      %dma_wait3A_204 = tpu.memref_squeeze %dma_wait3A_203 : memref<1x11x128xi32, #tpu.memory_space<hbm>> -> memref<11x128xi32, #tpu.memory_space<hbm>>
      %dma_wait3A_205 = arith.constant 0 : i32
      %dma_wait3A_206 = tpu.memref_slice %arg7[%arg0, %add3A_201, %dma_wait3A_205] : memref<2x5280x128xi32, #tpu.memory_space<hbm>> -> memref<1x11x128xi32, #tpu.memory_space<hbm>>
      %dma_wait3A_207 = tpu.memref_squeeze %dma_wait3A_206 : memref<1x11x128xi32, #tpu.memory_space<hbm>> -> memref<11x128xi32, #tpu.memory_space<hbm>>
      tpu.wait_dma2 semaphore(%arg16 : memref<!tpu.dma_semaphore, #tpu.memory_space<semaphore_mem>>) src(%dma_wait3A_207 : memref<11x128xi32, #tpu.memory_space<hbm>>) dst(%arg10 : memref<11x128xi32, #tpu.memory_space<vmem>>)
      %dma_start3A_208 = arith.constant 0 : i32
      %dma_start3A_209 = arith.constant 0 : i32
      %dma_start3A_210 = arith.constant 0 : i32
      %dma_start3A_211 = tpu.memref_slice %arg8[%dma_start3A_209, %dma_start3A_210] : memref<1408x16xf32, #tpu.memory_space<vmem>> -> memref<128x16xf32, #tpu.memory_space<vmem>>
      %dma_start3A_212 = arith.constant 0 : i32
      %dma_start3A_213 = tpu.memref_slice %arg10[%dma_start3A_208, %dma_start3A_212] : memref<11x128xi32, #tpu.memory_space<vmem>> -> memref<1x128xi32, #tpu.memory_space<vmem>>
      %dma_start3A_214 = tpu.memref_squeeze %dma_start3A_213 : memref<1x128xi32, #tpu.memory_space<vmem>> -> memref<128xi32, #tpu.memory_space<vmem>>
      %dma_start3A_215 = arith.constant 0 : i32
      %dma_start3A_216 = arith.constant 0 : i32
      %dma_start3A_217 = tpu.memref_slice %arg15[%dma_start3A_215, %dma_start3A_216] : memref<64992x16xf32, #tpu.memory_space<vmem_shared>> -> memref<64992x16xf32, #tpu.memory_space<vmem_shared>>
      tpu.enqueue_indirect_dma source(%dma_start3A_211 : memref<128x16xf32, #tpu.memory_space<vmem>>) target(%dma_start3A_217 : memref<64992x16xf32, #tpu.memory_space<vmem_shared>>) offsets(%dma_start3A_214 : memref<128xi32, #tpu.memory_space<vmem>>) semaphore(%arg18 : memref<!tpu.dma_semaphore, #tpu.memory_space<semaphore_mem>>) {add = true}
      %dma_start3A_218 = arith.constant 1 : i32
      %dma_start3A_219 = arith.constant 128 : i32
      %dma_start3A_220 = arith.constant 0 : i32
      %dma_start3A_221 = tpu.memref_slice %arg8[%dma_start3A_219, %dma_start3A_220] : memref<1408x16xf32, #tpu.memory_space<vmem>> -> memref<128x16xf32, #tpu.memory_space<vmem>>
      %dma_start3A_222 = arith.constant 0 : i32
      %dma_start3A_223 = tpu.memref_slice %arg10[%dma_start3A_218, %dma_start3A_222] : memref<11x128xi32, #tpu.memory_space<vmem>> -> memref<1x128xi32, #tpu.memory_space<vmem>>
      %dma_start3A_224 = tpu.memref_squeeze %dma_start3A_223 : memref<1x128xi32, #tpu.memory_space<vmem>> -> memref<128xi32, #tpu.memory_space<vmem>>
      %dma_start3A_225 = arith.constant 0 : i32
      %dma_start3A_226 = arith.constant 0 : i32
      %dma_start3A_227 = tpu.memref_slice %arg15[%dma_start3A_225, %dma_start3A_226] : memref<64992x16xf32, #tpu.memory_space<vmem_shared>> -> memref<64992x16xf32, #tpu.memory_space<vmem_shared>>
      tpu.enqueue_indirect_dma source(%dma_start3A_221 : memref<128x16xf32, #tpu.memory_space<vmem>>) target(%dma_start3A_227 : memref<64992x16xf32, #tpu.memory_space<vmem_shared>>) offsets(%dma_start3A_224 : memref<128xi32, #tpu.memory_space<vmem>>) semaphore(%arg18 : memref<!tpu.dma_semaphore, #tpu.memory_space<semaphore_mem>>) {add = true}
      %dma_start3A_228 = arith.constant 2 : i32
      %dma_start3A_229 = arith.constant 256 : i32
      %dma_start3A_230 = arith.constant 0 : i32
      %dma_start3A_231 = tpu.memref_slice %arg8[%dma_start3A_229, %dma_start3A_230] : memref<1408x16xf32, #tpu.memory_space<vmem>> -> memref<128x16xf32, #tpu.memory_space<vmem>>
      %dma_start3A_232 = arith.constant 0 : i32
      %dma_start3A_233 = tpu.memref_slice %arg10[%dma_start3A_228, %dma_start3A_232] : memref<11x128xi32, #tpu.memory_space<vmem>> -> memref<1x128xi32, #tpu.memory_space<vmem>>
      %dma_start3A_234 = tpu.memref_squeeze %dma_start3A_233 : memref<1x128xi32, #tpu.memory_space<vmem>> -> memref<128xi32, #tpu.memory_space<vmem>>
      %dma_start3A_235 = arith.constant 0 : i32
      %dma_start3A_236 = arith.constant 0 : i32
      %dma_start3A_237 = tpu.memref_slice %arg15[%dma_start3A_235, %dma_start3A_236] : memref<64992x16xf32, #tpu.memory_space<vmem_shared>> -> memref<64992x16xf32, #tpu.memory_space<vmem_shared>>
      tpu.enqueue_indirect_dma source(%dma_start3A_231 : memref<128x16xf32, #tpu.memory_space<vmem>>) target(%dma_start3A_237 : memref<64992x16xf32, #tpu.memory_space<vmem_shared>>) offsets(%dma_start3A_234 : memref<128xi32, #tpu.memory_space<vmem>>) semaphore(%arg18 : memref<!tpu.dma_semaphore, #tpu.memory_space<semaphore_mem>>) {add = true}
      %dma_start3A_238 = arith.constant 3 : i32
      %dma_start3A_239 = arith.constant 384 : i32
      %dma_start3A_240 = arith.constant 0 : i32
      %dma_start3A_241 = tpu.memref_slice %arg8[%dma_start3A_239, %dma_start3A_240] : memref<1408x16xf32, #tpu.memory_space<vmem>> -> memref<128x16xf32, #tpu.memory_space<vmem>>
      %dma_start3A_242 = arith.constant 0 : i32
      %dma_start3A_243 = tpu.memref_slice %arg10[%dma_start3A_238, %dma_start3A_242] : memref<11x128xi32, #tpu.memory_space<vmem>> -> memref<1x128xi32, #tpu.memory_space<vmem>>
      %dma_start3A_244 = tpu.memref_squeeze %dma_start3A_243 : memref<1x128xi32, #tpu.memory_space<vmem>> -> memref<128xi32, #tpu.memory_space<vmem>>
      %dma_start3A_245 = arith.constant 0 : i32
      %dma_start3A_246 = arith.constant 0 : i32
      %dma_start3A_247 = tpu.memref_slice %arg15[%dma_start3A_245, %dma_start3A_246] : memref<64992x16xf32, #tpu.memory_space<vmem_shared>> -> memref<64992x16xf32, #tpu.memory_space<vmem_shared>>
      tpu.enqueue_indirect_dma source(%dma_start3A_241 : memref<128x16xf32, #tpu.memory_space<vmem>>) target(%dma_start3A_247 : memref<64992x16xf32, #tpu.memory_space<vmem_shared>>) offsets(%dma_start3A_244 : memref<128xi32, #tpu.memory_space<vmem>>) semaphore(%arg18 : memref<!tpu.dma_semaphore, #tpu.memory_space<semaphore_mem>>) {add = true}
      %dma_start3A_248 = arith.constant 4 : i32
      %dma_start3A_249 = arith.constant 512 : i32
      %dma_start3A_250 = arith.constant 0 : i32
      %dma_start3A_251 = tpu.memref_slice %arg8[%dma_start3A_249, %dma_start3A_250] : memref<1408x16xf32, #tpu.memory_space<vmem>> -> memref<128x16xf32, #tpu.memory_space<vmem>>
      %dma_start3A_252 = arith.constant 0 : i32
      %dma_start3A_253 = tpu.memref_slice %arg10[%dma_start3A_248, %dma_start3A_252] : memref<11x128xi32, #tpu.memory_space<vmem>> -> memref<1x128xi32, #tpu.memory_space<vmem>>
      %dma_start3A_254 = tpu.memref_squeeze %dma_start3A_253 : memref<1x128xi32, #tpu.memory_space<vmem>> -> memref<128xi32, #tpu.memory_space<vmem>>
      %dma_start3A_255 = arith.constant 0 : i32
      %dma_start3A_256 = arith.constant 0 : i32
      %dma_start3A_257 = tpu.memref_slice %arg15[%dma_start3A_255, %dma_start3A_256] : memref<64992x16xf32, #tpu.memory_space<vmem_shared>> -> memref<64992x16xf32, #tpu.memory_space<vmem_shared>>
      tpu.enqueue_indirect_dma source(%dma_start3A_251 : memref<128x16xf32, #tpu.memory_space<vmem>>) target(%dma_start3A_257 : memref<64992x16xf32, #tpu.memory_space<vmem_shared>>) offsets(%dma_start3A_254 : memref<128xi32, #tpu.memory_space<vmem>>) semaphore(%arg18 : memref<!tpu.dma_semaphore, #tpu.memory_space<semaphore_mem>>) {add = true}
      %dma_start3A_258 = arith.constant 5 : i32
      %dma_start3A_259 = arith.constant 640 : i32
      %dma_start3A_260 = arith.constant 0 : i32
      %dma_start3A_261 = tpu.memref_slice %arg8[%dma_start3A_259, %dma_start3A_260] : memref<1408x16xf32, #tpu.memory_space<vmem>> -> memref<128x16xf32, #tpu.memory_space<vmem>>
      %dma_start3A_262 = arith.constant 0 : i32
      %dma_start3A_263 = tpu.memref_slice %arg10[%dma_start3A_258, %dma_start3A_262] : memref<11x128xi32, #tpu.memory_space<vmem>> -> memref<1x128xi32, #tpu.memory_space<vmem>>
      %dma_start3A_264 = tpu.memref_squeeze %dma_start3A_263 : memref<1x128xi32, #tpu.memory_space<vmem>> -> memref<128xi32, #tpu.memory_space<vmem>>
      %dma_start3A_265 = arith.constant 0 : i32
      %dma_start3A_266 = arith.constant 0 : i32
      %dma_start3A_267 = tpu.memref_slice %arg15[%dma_start3A_265, %dma_start3A_266] : memref<64992x16xf32, #tpu.memory_space<vmem_shared>> -> memref<64992x16xf32, #tpu.memory_space<vmem_shared>>
      tpu.enqueue_indirect_dma source(%dma_start3A_261 : memref<128x16xf32, #tpu.memory_space<vmem>>) target(%dma_start3A_267 : memref<64992x16xf32, #tpu.memory_space<vmem_shared>>) offsets(%dma_start3A_264 : memref<128xi32, #tpu.memory_space<vmem>>) semaphore(%arg18 : memref<!tpu.dma_semaphore, #tpu.memory_space<semaphore_mem>>) {add = true}
      %dma_start3A_268 = arith.constant 6 : i32
      %dma_start3A_269 = arith.constant 768 : i32
      %dma_start3A_270 = arith.constant 0 : i32
      %dma_start3A_271 = tpu.memref_slice %arg8[%dma_start3A_269, %dma_start3A_270] : memref<1408x16xf32, #tpu.memory_space<vmem>> -> memref<128x16xf32, #tpu.memory_space<vmem>>
      %dma_start3A_272 = arith.constant 0 : i32
      %dma_start3A_273 = tpu.memref_slice %arg10[%dma_start3A_268, %dma_start3A_272] : memref<11x128xi32, #tpu.memory_space<vmem>> -> memref<1x128xi32, #tpu.memory_space<vmem>>
      %dma_start3A_274 = tpu.memref_squeeze %dma_start3A_273 : memref<1x128xi32, #tpu.memory_space<vmem>> -> memref<128xi32, #tpu.memory_space<vmem>>
      %dma_start3A_275 = arith.constant 0 : i32
      %dma_start3A_276 = arith.constant 0 : i32
      %dma_start3A_277 = tpu.memref_slice %arg15[%dma_start3A_275, %dma_start3A_276] : memref<64992x16xf32, #tpu.memory_space<vmem_shared>> -> memref<64992x16xf32, #tpu.memory_space<vmem_shared>>
      tpu.enqueue_indirect_dma source(%dma_start3A_271 : memref<128x16xf32, #tpu.memory_space<vmem>>) target(%dma_start3A_277 : memref<64992x16xf32, #tpu.memory_space<vmem_shared>>) offsets(%dma_start3A_274 : memref<128xi32, #tpu.memory_space<vmem>>) semaphore(%arg18 : memref<!tpu.dma_semaphore, #tpu.memory_space<semaphore_mem>>) {add = true}
      %dma_start3A_278 = arith.constant 7 : i32
      %dma_start3A_279 = arith.constant 896 : i32
      %dma_start3A_280 = arith.constant 0 : i32
      %dma_start3A_281 = tpu.memref_slice %arg8[%dma_start3A_279, %dma_start3A_280] : memref<1408x16xf32, #tpu.memory_space<vmem>> -> memref<128x16xf32, #tpu.memory_space<vmem>>
      %dma_start3A_282 = arith.constant 0 : i32
      %dma_start3A_283 = tpu.memref_slice %arg10[%dma_start3A_278, %dma_start3A_282] : memref<11x128xi32, #tpu.memory_space<vmem>> -> memref<1x128xi32, #tpu.memory_space<vmem>>
      %dma_start3A_284 = tpu.memref_squeeze %dma_start3A_283 : memref<1x128xi32, #tpu.memory_space<vmem>> -> memref<128xi32, #tpu.memory_space<vmem>>
      %dma_start3A_285 = arith.constant 0 : i32
      %dma_start3A_286 = arith.constant 0 : i32
      %dma_start3A_287 = tpu.memref_slice %arg15[%dma_start3A_285, %dma_start3A_286] : memref<64992x16xf32, #tpu.memory_space<vmem_shared>> -> memref<64992x16xf32, #tpu.memory_space<vmem_shared>>
      tpu.enqueue_indirect_dma source(%dma_start3A_281 : memref<128x16xf32, #tpu.memory_space<vmem>>) target(%dma_start3A_287 : memref<64992x16xf32, #tpu.memory_space<vmem_shared>>) offsets(%dma_start3A_284 : memref<128xi32, #tpu.memory_space<vmem>>) semaphore(%arg18 : memref<!tpu.dma_semaphore, #tpu.memory_space<semaphore_mem>>) {add = true}
      %dma_start3A_288 = arith.constant 8 : i32
      %dma_start3A_289 = arith.constant 1024 : i32
      %dma_start3A_290 = arith.constant 0 : i32
      %dma_start3A_291 = tpu.memref_slice %arg8[%dma_start3A_289, %dma_start3A_290] : memref<1408x16xf32, #tpu.memory_space<vmem>> -> memref<128x16xf32, #tpu.memory_space<vmem>>
      %dma_start3A_292 = arith.constant 0 : i32
      %dma_start3A_293 = tpu.memref_slice %arg10[%dma_start3A_288, %dma_start3A_292] : memref<11x128xi32, #tpu.memory_space<vmem>> -> memref<1x128xi32, #tpu.memory_space<vmem>>
      %dma_start3A_294 = tpu.memref_squeeze %dma_start3A_293 : memref<1x128xi32, #tpu.memory_space<vmem>> -> memref<128xi32, #tpu.memory_space<vmem>>
      %dma_start3A_295 = arith.constant 0 : i32
      %dma_start3A_296 = arith.constant 0 : i32
      %dma_start3A_297 = tpu.memref_slice %arg15[%dma_start3A_295, %dma_start3A_296] : memref<64992x16xf32, #tpu.memory_space<vmem_shared>> -> memref<64992x16xf32, #tpu.memory_space<vmem_shared>>
      tpu.enqueue_indirect_dma source(%dma_start3A_291 : memref<128x16xf32, #tpu.memory_space<vmem>>) target(%dma_start3A_297 : memref<64992x16xf32, #tpu.memory_space<vmem_shared>>) offsets(%dma_start3A_294 : memref<128xi32, #tpu.memory_space<vmem>>) semaphore(%arg18 : memref<!tpu.dma_semaphore, #tpu.memory_space<semaphore_mem>>) {add = true}
      %dma_start3A_298 = arith.constant 9 : i32
      %dma_start3A_299 = arith.constant 1152 : i32
      %dma_start3A_300 = arith.constant 0 : i32
      %dma_start3A_301 = tpu.memref_slice %arg8[%dma_start3A_299, %dma_start3A_300] : memref<1408x16xf32, #tpu.memory_space<vmem>> -> memref<128x16xf32, #tpu.memory_space<vmem>>
      %dma_start3A_302 = arith.constant 0 : i32
      %dma_start3A_303 = tpu.memref_slice %arg10[%dma_start3A_298, %dma_start3A_302] : memref<11x128xi32, #tpu.memory_space<vmem>> -> memref<1x128xi32, #tpu.memory_space<vmem>>
      %dma_start3A_304 = tpu.memref_squeeze %dma_start3A_303 : memref<1x128xi32, #tpu.memory_space<vmem>> -> memref<128xi32, #tpu.memory_space<vmem>>
      %dma_start3A_305 = arith.constant 0 : i32
      %dma_start3A_306 = arith.constant 0 : i32
      %dma_start3A_307 = tpu.memref_slice %arg15[%dma_start3A_305, %dma_start3A_306] : memref<64992x16xf32, #tpu.memory_space<vmem_shared>> -> memref<64992x16xf32, #tpu.memory_space<vmem_shared>>
      tpu.enqueue_indirect_dma source(%dma_start3A_301 : memref<128x16xf32, #tpu.memory_space<vmem>>) target(%dma_start3A_307 : memref<64992x16xf32, #tpu.memory_space<vmem_shared>>) offsets(%dma_start3A_304 : memref<128xi32, #tpu.memory_space<vmem>>) semaphore(%arg18 : memref<!tpu.dma_semaphore, #tpu.memory_space<semaphore_mem>>) {add = true}
      %dma_start3A_308 = arith.constant 10 : i32
      %dma_start3A_309 = arith.constant 1280 : i32
      %dma_start3A_310 = arith.constant 0 : i32
      %dma_start3A_311 = tpu.memref_slice %arg8[%dma_start3A_309, %dma_start3A_310] : memref<1408x16xf32, #tpu.memory_space<vmem>> -> memref<128x16xf32, #tpu.memory_space<vmem>>
      %dma_start3A_312 = arith.constant 0 : i32
      %dma_start3A_313 = tpu.memref_slice %arg10[%dma_start3A_308, %dma_start3A_312] : memref<11x128xi32, #tpu.memory_space<vmem>> -> memref<1x128xi32, #tpu.memory_space<vmem>>
      %dma_start3A_314 = tpu.memref_squeeze %dma_start3A_313 : memref<1x128xi32, #tpu.memory_space<vmem>> -> memref<128xi32, #tpu.memory_space<vmem>>
      %dma_start3A_315 = arith.constant 0 : i32
      %dma_start3A_316 = arith.constant 0 : i32
      %dma_start3A_317 = tpu.memref_slice %arg15[%dma_start3A_315, %dma_start3A_316] : memref<64992x16xf32, #tpu.memory_space<vmem_shared>> -> memref<64992x16xf32, #tpu.memory_space<vmem_shared>>
      tpu.enqueue_indirect_dma source(%dma_start3A_311 : memref<128x16xf32, #tpu.memory_space<vmem>>) target(%dma_start3A_317 : memref<64992x16xf32, #tpu.memory_space<vmem_shared>>) offsets(%dma_start3A_314 : memref<128xi32, #tpu.memory_space<vmem>>) semaphore(%arg18 : memref<!tpu.dma_semaphore, #tpu.memory_space<semaphore_mem>>) {add = true}
      %dma_wait3A_318 = arith.constant 0 : i32
      %dma_wait3A_319 = arith.constant 0 : i32
      %dma_wait3A_320 = arith.constant 0 : i32
      %dma_wait3A_321 = tpu.memref_slice %arg8[%dma_wait3A_319, %dma_wait3A_320] : memref<1408x16xf32, #tpu.memory_space<vmem>> -> memref<128x16xf32, #tpu.memory_space<vmem>>
      %dma_wait3A_322 = arith.constant 0 : i32
      %dma_wait3A_323 = tpu.memref_slice %arg10[%dma_wait3A_318, %dma_wait3A_322] : memref<11x128xi32, #tpu.memory_space<vmem>> -> memref<1x128xi32, #tpu.memory_space<vmem>>
      %dma_wait3A_324 = tpu.memref_squeeze %dma_wait3A_323 : memref<1x128xi32, #tpu.memory_space<vmem>> -> memref<128xi32, #tpu.memory_space<vmem>>
      %dma_wait3A_325 = arith.constant 0 : i32
      %dma_wait3A_326 = arith.constant 0 : i32
      %dma_wait3A_327 = tpu.memref_slice %arg15[%dma_wait3A_325, %dma_wait3A_326] : memref<64992x16xf32, #tpu.memory_space<vmem_shared>> -> memref<64992x16xf32, #tpu.memory_space<vmem_shared>>
      tpu.wait_indirect_dma semaphore(%arg18 : memref<!tpu.dma_semaphore, #tpu.memory_space<semaphore_mem>>) src(%dma_wait3A_321 : memref<128x16xf32, #tpu.memory_space<vmem>>) dst(%dma_wait3A_327 : memref<64992x16xf32, #tpu.memory_space<vmem_shared>>)
      %dma_wait3A_328 = arith.constant 1 : i32
      %dma_wait3A_329 = arith.constant 128 : i32
      %dma_wait3A_330 = arith.constant 0 : i32
      %dma_wait3A_331 = tpu.memref_slice %arg8[%dma_wait3A_329, %dma_wait3A_330] : memref<1408x16xf32, #tpu.memory_space<vmem>> -> memref<128x16xf32, #tpu.memory_space<vmem>>
      %dma_wait3A_332 = arith.constant 0 : i32
      %dma_wait3A_333 = tpu.memref_slice %arg10[%dma_wait3A_328, %dma_wait3A_332] : memref<11x128xi32, #tpu.memory_space<vmem>> -> memref<1x128xi32, #tpu.memory_space<vmem>>
      %dma_wait3A_334 = tpu.memref_squeeze %dma_wait3A_333 : memref<1x128xi32, #tpu.memory_space<vmem>> -> memref<128xi32, #tpu.memory_space<vmem>>
      %dma_wait3A_335 = arith.constant 0 : i32
      %dma_wait3A_336 = arith.constant 0 : i32
      %dma_wait3A_337 = tpu.memref_slice %arg15[%dma_wait3A_335, %dma_wait3A_336] : memref<64992x16xf32, #tpu.memory_space<vmem_shared>> -> memref<64992x16xf32, #tpu.memory_space<vmem_shared>>
      tpu.wait_indirect_dma semaphore(%arg18 : memref<!tpu.dma_semaphore, #tpu.memory_space<semaphore_mem>>) src(%dma_wait3A_331 : memref<128x16xf32, #tpu.memory_space<vmem>>) dst(%dma_wait3A_337 : memref<64992x16xf32, #tpu.memory_space<vmem_shared>>)
      %dma_wait3A_338 = arith.constant 2 : i32
      %dma_wait3A_339 = arith.constant 256 : i32
      %dma_wait3A_340 = arith.constant 0 : i32
      %dma_wait3A_341 = tpu.memref_slice %arg8[%dma_wait3A_339, %dma_wait3A_340] : memref<1408x16xf32, #tpu.memory_space<vmem>> -> memref<128x16xf32, #tpu.memory_space<vmem>>
      %dma_wait3A_342 = arith.constant 0 : i32
      %dma_wait3A_343 = tpu.memref_slice %arg10[%dma_wait3A_338, %dma_wait3A_342] : memref<11x128xi32, #tpu.memory_space<vmem>> -> memref<1x128xi32, #tpu.memory_space<vmem>>
      %dma_wait3A_344 = tpu.memref_squeeze %dma_wait3A_343 : memref<1x128xi32, #tpu.memory_space<vmem>> -> memref<128xi32, #tpu.memory_space<vmem>>
      %dma_wait3A_345 = arith.constant 0 : i32
      %dma_wait3A_346 = arith.constant 0 : i32
      %dma_wait3A_347 = tpu.memref_slice %arg15[%dma_wait3A_345, %dma_wait3A_346] : memref<64992x16xf32, #tpu.memory_space<vmem_shared>> -> memref<64992x16xf32, #tpu.memory_space<vmem_shared>>
      tpu.wait_indirect_dma semaphore(%arg18 : memref<!tpu.dma_semaphore, #tpu.memory_space<semaphore_mem>>) src(%dma_wait3A_341 : memref<128x16xf32, #tpu.memory_space<vmem>>) dst(%dma_wait3A_347 : memref<64992x16xf32, #tpu.memory_space<vmem_shared>>)
      %dma_wait3A_348 = arith.constant 3 : i32
      %dma_wait3A_349 = arith.constant 384 : i32
      %dma_wait3A_350 = arith.constant 0 : i32
      %dma_wait3A_351 = tpu.memref_slice %arg8[%dma_wait3A_349, %dma_wait3A_350] : memref<1408x16xf32, #tpu.memory_space<vmem>> -> memref<128x16xf32, #tpu.memory_space<vmem>>
      %dma_wait3A_352 = arith.constant 0 : i32
      %dma_wait3A_353 = tpu.memref_slice %arg10[%dma_wait3A_348, %dma_wait3A_352] : memref<11x128xi32, #tpu.memory_space<vmem>> -> memref<1x128xi32, #tpu.memory_space<vmem>>
      %dma_wait3A_354 = tpu.memref_squeeze %dma_wait3A_353 : memref<1x128xi32, #tpu.memory_space<vmem>> -> memref<128xi32, #tpu.memory_space<vmem>>
      %dma_wait3A_355 = arith.constant 0 : i32
      %dma_wait3A_356 = arith.constant 0 : i32
      %dma_wait3A_357 = tpu.memref_slice %arg15[%dma_wait3A_355, %dma_wait3A_356] : memref<64992x16xf32, #tpu.memory_space<vmem_shared>> -> memref<64992x16xf32, #tpu.memory_space<vmem_shared>>
      tpu.wait_indirect_dma semaphore(%arg18 : memref<!tpu.dma_semaphore, #tpu.memory_space<semaphore_mem>>) src(%dma_wait3A_351 : memref<128x16xf32, #tpu.memory_space<vmem>>) dst(%dma_wait3A_357 : memref<64992x16xf32, #tpu.memory_space<vmem_shared>>)
      %dma_wait3A_358 = arith.constant 4 : i32
      %dma_wait3A_359 = arith.constant 512 : i32
      %dma_wait3A_360 = arith.constant 0 : i32
      %dma_wait3A_361 = tpu.memref_slice %arg8[%dma_wait3A_359, %dma_wait3A_360] : memref<1408x16xf32, #tpu.memory_space<vmem>> -> memref<128x16xf32, #tpu.memory_space<vmem>>
      %dma_wait3A_362 = arith.constant 0 : i32
      %dma_wait3A_363 = tpu.memref_slice %arg10[%dma_wait3A_358, %dma_wait3A_362] : memref<11x128xi32, #tpu.memory_space<vmem>> -> memref<1x128xi32, #tpu.memory_space<vmem>>
      %dma_wait3A_364 = tpu.memref_squeeze %dma_wait3A_363 : memref<1x128xi32, #tpu.memory_space<vmem>> -> memref<128xi32, #tpu.memory_space<vmem>>
      %dma_wait3A_365 = arith.constant 0 : i32
      %dma_wait3A_366 = arith.constant 0 : i32
      %dma_wait3A_367 = tpu.memref_slice %arg15[%dma_wait3A_365, %dma_wait3A_366] : memref<64992x16xf32, #tpu.memory_space<vmem_shared>> -> memref<64992x16xf32, #tpu.memory_space<vmem_shared>>
      tpu.wait_indirect_dma semaphore(%arg18 : memref<!tpu.dma_semaphore, #tpu.memory_space<semaphore_mem>>) src(%dma_wait3A_361 : memref<128x16xf32, #tpu.memory_space<vmem>>) dst(%dma_wait3A_367 : memref<64992x16xf32, #tpu.memory_space<vmem_shared>>)
      %dma_wait3A_368 = arith.constant 5 : i32
      %dma_wait3A_369 = arith.constant 640 : i32
      %dma_wait3A_370 = arith.constant 0 : i32
      %dma_wait3A_371 = tpu.memref_slice %arg8[%dma_wait3A_369, %dma_wait3A_370] : memref<1408x16xf32, #tpu.memory_space<vmem>> -> memref<128x16xf32, #tpu.memory_space<vmem>>
      %dma_wait3A_372 = arith.constant 0 : i32
      %dma_wait3A_373 = tpu.memref_slice %arg10[%dma_wait3A_368, %dma_wait3A_372] : memref<11x128xi32, #tpu.memory_space<vmem>> -> memref<1x128xi32, #tpu.memory_space<vmem>>
      %dma_wait3A_374 = tpu.memref_squeeze %dma_wait3A_373 : memref<1x128xi32, #tpu.memory_space<vmem>> -> memref<128xi32, #tpu.memory_space<vmem>>
      %dma_wait3A_375 = arith.constant 0 : i32
      %dma_wait3A_376 = arith.constant 0 : i32
      %dma_wait3A_377 = tpu.memref_slice %arg15[%dma_wait3A_375, %dma_wait3A_376] : memref<64992x16xf32, #tpu.memory_space<vmem_shared>> -> memref<64992x16xf32, #tpu.memory_space<vmem_shared>>
      tpu.wait_indirect_dma semaphore(%arg18 : memref<!tpu.dma_semaphore, #tpu.memory_space<semaphore_mem>>) src(%dma_wait3A_371 : memref<128x16xf32, #tpu.memory_space<vmem>>) dst(%dma_wait3A_377 : memref<64992x16xf32, #tpu.memory_space<vmem_shared>>)
      %dma_wait3A_378 = arith.constant 6 : i32
      %dma_wait3A_379 = arith.constant 768 : i32
      %dma_wait3A_380 = arith.constant 0 : i32
      %dma_wait3A_381 = tpu.memref_slice %arg8[%dma_wait3A_379, %dma_wait3A_380] : memref<1408x16xf32, #tpu.memory_space<vmem>> -> memref<128x16xf32, #tpu.memory_space<vmem>>
      %dma_wait3A_382 = arith.constant 0 : i32
      %dma_wait3A_383 = tpu.memref_slice %arg10[%dma_wait3A_378, %dma_wait3A_382] : memref<11x128xi32, #tpu.memory_space<vmem>> -> memref<1x128xi32, #tpu.memory_space<vmem>>
      %dma_wait3A_384 = tpu.memref_squeeze %dma_wait3A_383 : memref<1x128xi32, #tpu.memory_space<vmem>> -> memref<128xi32, #tpu.memory_space<vmem>>
      %dma_wait3A_385 = arith.constant 0 : i32
      %dma_wait3A_386 = arith.constant 0 : i32
      %dma_wait3A_387 = tpu.memref_slice %arg15[%dma_wait3A_385, %dma_wait3A_386] : memref<64992x16xf32, #tpu.memory_space<vmem_shared>> -> memref<64992x16xf32, #tpu.memory_space<vmem_shared>>
      tpu.wait_indirect_dma semaphore(%arg18 : memref<!tpu.dma_semaphore, #tpu.memory_space<semaphore_mem>>) src(%dma_wait3A_381 : memref<128x16xf32, #tpu.memory_space<vmem>>) dst(%dma_wait3A_387 : memref<64992x16xf32, #tpu.memory_space<vmem_shared>>)
      %dma_wait3A_388 = arith.constant 7 : i32
      %dma_wait3A_389 = arith.constant 896 : i32
      %dma_wait3A_390 = arith.constant 0 : i32
      %dma_wait3A_391 = tpu.memref_slice %arg8[%dma_wait3A_389, %dma_wait3A_390] : memref<1408x16xf32, #tpu.memory_space<vmem>> -> memref<128x16xf32, #tpu.memory_space<vmem>>
      %dma_wait3A_392 = arith.constant 0 : i32
      %dma_wait3A_393 = tpu.memref_slice %arg10[%dma_wait3A_388, %dma_wait3A_392] : memref<11x128xi32, #tpu.memory_space<vmem>> -> memref<1x128xi32, #tpu.memory_space<vmem>>
      %dma_wait3A_394 = tpu.memref_squeeze %dma_wait3A_393 : memref<1x128xi32, #tpu.memory_space<vmem>> -> memref<128xi32, #tpu.memory_space<vmem>>
      %dma_wait3A_395 = arith.constant 0 : i32
      %dma_wait3A_396 = arith.constant 0 : i32
      %dma_wait3A_397 = tpu.memref_slice %arg15[%dma_wait3A_395, %dma_wait3A_396] : memref<64992x16xf32, #tpu.memory_space<vmem_shared>> -> memref<64992x16xf32, #tpu.memory_space<vmem_shared>>
      tpu.wait_indirect_dma semaphore(%arg18 : memref<!tpu.dma_semaphore, #tpu.memory_space<semaphore_mem>>) src(%dma_wait3A_391 : memref<128x16xf32, #tpu.memory_space<vmem>>) dst(%dma_wait3A_397 : memref<64992x16xf32, #tpu.memory_space<vmem_shared>>)
      %dma_wait3A_398 = arith.constant 8 : i32
      %dma_wait3A_399 = arith.constant 1024 : i32
      %dma_wait3A_400 = arith.constant 0 : i32
      %dma_wait3A_401 = tpu.memref_slice %arg8[%dma_wait3A_399, %dma_wait3A_400] : memref<1408x16xf32, #tpu.memory_space<vmem>> -> memref<128x16xf32, #tpu.memory_space<vmem>>
      %dma_wait3A_402 = arith.constant 0 : i32
      %dma_wait3A_403 = tpu.memref_slice %arg10[%dma_wait3A_398, %dma_wait3A_402] : memref<11x128xi32, #tpu.memory_space<vmem>> -> memref<1x128xi32, #tpu.memory_space<vmem>>
      %dma_wait3A_404 = tpu.memref_squeeze %dma_wait3A_403 : memref<1x128xi32, #tpu.memory_space<vmem>> -> memref<128xi32, #tpu.memory_space<vmem>>
      %dma_wait3A_405 = arith.constant 0 : i32
      %dma_wait3A_406 = arith.constant 0 : i32
      %dma_wait3A_407 = tpu.memref_slice %arg15[%dma_wait3A_405, %dma_wait3A_406] : memref<64992x16xf32, #tpu.memory_space<vmem_shared>> -> memref<64992x16xf32, #tpu.memory_space<vmem_shared>>
      tpu.wait_indirect_dma semaphore(%arg18 : memref<!tpu.dma_semaphore, #tpu.memory_space<semaphore_mem>>) src(%dma_wait3A_401 : memref<128x16xf32, #tpu.memory_space<vmem>>) dst(%dma_wait3A_407 : memref<64992x16xf32, #tpu.memory_space<vmem_shared>>)
      %dma_wait3A_408 = arith.constant 9 : i32
      %dma_wait3A_409 = arith.constant 1152 : i32
      %dma_wait3A_410 = arith.constant 0 : i32
      %dma_wait3A_411 = tpu.memref_slice %arg8[%dma_wait3A_409, %dma_wait3A_410] : memref<1408x16xf32, #tpu.memory_space<vmem>> -> memref<128x16xf32, #tpu.memory_space<vmem>>
      %dma_wait3A_412 = arith.constant 0 : i32
      %dma_wait3A_413 = tpu.memref_slice %arg10[%dma_wait3A_408, %dma_wait3A_412] : memref<11x128xi32, #tpu.memory_space<vmem>> -> memref<1x128xi32, #tpu.memory_space<vmem>>
      %dma_wait3A_414 = tpu.memref_squeeze %dma_wait3A_413 : memref<1x128xi32, #tpu.memory_space<vmem>> -> memref<128xi32, #tpu.memory_space<vmem>>
      %dma_wait3A_415 = arith.constant 0 : i32
      %dma_wait3A_416 = arith.constant 0 : i32
      %dma_wait3A_417 = tpu.memref_slice %arg15[%dma_wait3A_415, %dma_wait3A_416] : memref<64992x16xf32, #tpu.memory_space<vmem_shared>> -> memref<64992x16xf32, #tpu.memory_space<vmem_shared>>
      tpu.wait_indirect_dma semaphore(%arg18 : memref<!tpu.dma_semaphore, #tpu.memory_space<semaphore_mem>>) src(%dma_wait3A_411 : memref<128x16xf32, #tpu.memory_space<vmem>>) dst(%dma_wait3A_417 : memref<64992x16xf32, #tpu.memory_space<vmem_shared>>)
      %dma_wait3A_418 = arith.constant 10 : i32
      %dma_wait3A_419 = arith.constant 1280 : i32
      %dma_wait3A_420 = arith.constant 0 : i32
      %dma_wait3A_421 = tpu.memref_slice %arg8[%dma_wait3A_419, %dma_wait3A_420] : memref<1408x16xf32, #tpu.memory_space<vmem>> -> memref<128x16xf32, #tpu.memory_space<vmem>>
      %dma_wait3A_422 = arith.constant 0 : i32
      %dma_wait3A_423 = tpu.memref_slice %arg10[%dma_wait3A_418, %dma_wait3A_422] : memref<11x128xi32, #tpu.memory_space<vmem>> -> memref<1x128xi32, #tpu.memory_space<vmem>>
      %dma_wait3A_424 = tpu.memref_squeeze %dma_wait3A_423 : memref<1x128xi32, #tpu.memory_space<vmem>> -> memref<128xi32, #tpu.memory_space<vmem>>
      %dma_wait3A_425 = arith.constant 0 : i32
      %dma_wait3A_426 = arith.constant 0 : i32
      %dma_wait3A_427 = tpu.memref_slice %arg15[%dma_wait3A_425, %dma_wait3A_426] : memref<64992x16xf32, #tpu.memory_space<vmem_shared>> -> memref<64992x16xf32, #tpu.memory_space<vmem_shared>>
      tpu.wait_indirect_dma semaphore(%arg18 : memref<!tpu.dma_semaphore, #tpu.memory_space<semaphore_mem>>) src(%dma_wait3A_421 : memref<128x16xf32, #tpu.memory_space<vmem>>) dst(%dma_wait3A_427 : memref<64992x16xf32, #tpu.memory_space<vmem_shared>>)
      %add3A_428 = arith.constant 2 : i32
      %add3A_429 = arith.addi %mul3A_192, %add3A_428 : i32
      %lt3A = arith.constant 30 : i32
      %lt3A_430 = arith.cmpi slt, %add3A_429, %lt3A : i32
      %convert_element_type3A = arith.extui %lt3A_430 : i1 to i32
      %cond3A = arith.constant 0 : i32
      %cond3A_431 = arith.cmpi ne, %convert_element_type3A, %cond3A : i32
      scf.if %cond3A_431 {
        %add3A_680 = arith.constant 2 : i32
        %add3A_681 = arith.addi %mul3A_192, %add3A_680 : i32
        %mul3A_682 = arith.constant 1408 : i32
        %mul3A_683 = arith.muli %add3A_681, %mul3A_682 : i32
        %add3A_684 = arith.addi %mul3A_1, %mul3A_683 : i32
        %dma_start3A_685 = arith.constant 48 : i32
        %dma_start3A_686 = tpu.memref_slice %arg5[%add3A_684, %dma_start3A_685] : memref<675840x64xf32, #tpu.memory_space<hbm>> -> memref<1408x16xf32, #tpu.memory_space<hbm>>
        %dma_start3A_687 = arith.constant 48 : i32
        %dma_start3A_688 = tpu.memref_slice %arg5[%add3A_684, %dma_start3A_687] : memref<675840x64xf32, #tpu.memory_space<hbm>> -> memref<1408x16xf32, #tpu.memory_space<hbm>>
        tpu.enqueue_dma source(%dma_start3A_688 : memref<1408x16xf32, #tpu.memory_space<hbm>>) target(%arg8 : memref<1408x16xf32, #tpu.memory_space<vmem>>) target_semaphore(%arg16 : memref<!tpu.dma_semaphore, #tpu.memory_space<semaphore_mem>>)
        %mul3A_689 = arith.constant 11 : i32
        %mul3A_690 = arith.muli %add3A_681, %mul3A_689 : i32
        %add3A_691 = arith.addi %mul3A_3, %mul3A_690 : i32
        %dma_start3A_692 = arith.constant 0 : i32
        %dma_start3A_693 = tpu.memref_slice %arg7[%arg0, %add3A_691, %dma_start3A_692] : memref<2x5280x128xi32, #tpu.memory_space<hbm>> -> memref<1x11x128xi32, #tpu.memory_space<hbm>>
        %dma_start3A_694 = tpu.memref_squeeze %dma_start3A_693 : memref<1x11x128xi32, #tpu.memory_space<hbm>> -> memref<11x128xi32, #tpu.memory_space<hbm>>
        %dma_start3A_695 = arith.constant 0 : i32
        %dma_start3A_696 = tpu.memref_slice %arg7[%arg0, %add3A_691, %dma_start3A_695] : memref<2x5280x128xi32, #tpu.memory_space<hbm>> -> memref<1x11x128xi32, #tpu.memory_space<hbm>>
        %dma_start3A_697 = tpu.memref_squeeze %dma_start3A_696 : memref<1x11x128xi32, #tpu.memory_space<hbm>> -> memref<11x128xi32, #tpu.memory_space<hbm>>
        tpu.enqueue_dma source(%dma_start3A_697 : memref<11x128xi32, #tpu.memory_space<hbm>>) target(%arg10 : memref<11x128xi32, #tpu.memory_space<vmem>>) target_semaphore(%arg16 : memref<!tpu.dma_semaphore, #tpu.memory_space<semaphore_mem>>)
      } else {
      }
      %mul3A_432 = arith.constant 2 : i32
      %mul3A_433 = arith.muli %mul3A_432, %scan3A_189 : i32
      %add3A_434 = arith.constant 1 : i32
      %add3A_435 = arith.addi %mul3A_433, %add3A_434 : i32
      %mul3A_436 = arith.constant 1408 : i32
      %mul3A_437 = arith.muli %add3A_435, %mul3A_436 : i32
      %add3A_438 = arith.addi %mul3A_1, %mul3A_437 : i32
      %dma_wait3A_439 = arith.constant 48 : i32
      %dma_wait3A_440 = tpu.memref_slice %arg5[%add3A_438, %dma_wait3A_439] : memref<675840x64xf32, #tpu.memory_space<hbm>> -> memref<1408x16xf32, #tpu.memory_space<hbm>>
      %dma_wait3A_441 = arith.constant 48 : i32
      %dma_wait3A_442 = tpu.memref_slice %arg5[%add3A_438, %dma_wait3A_441] : memref<675840x64xf32, #tpu.memory_space<hbm>> -> memref<1408x16xf32, #tpu.memory_space<hbm>>
      tpu.wait_dma2 semaphore(%arg17 : memref<!tpu.dma_semaphore, #tpu.memory_space<semaphore_mem>>) src(%dma_wait3A_442 : memref<1408x16xf32, #tpu.memory_space<hbm>>) dst(%arg9 : memref<1408x16xf32, #tpu.memory_space<vmem>>)
      %mul3A_443 = arith.constant 11 : i32
      %mul3A_444 = arith.muli %add3A_435, %mul3A_443 : i32
      %add3A_445 = arith.addi %mul3A_3, %mul3A_444 : i32
      %dma_wait3A_446 = arith.constant 0 : i32
      %dma_wait3A_447 = tpu.memref_slice %arg7[%arg0, %add3A_445, %dma_wait3A_446] : memref<2x5280x128xi32, #tpu.memory_space<hbm>> -> memref<1x11x128xi32, #tpu.memory_space<hbm>>
      %dma_wait3A_448 = tpu.memref_squeeze %dma_wait3A_447 : memref<1x11x128xi32, #tpu.memory_space<hbm>> -> memref<11x128xi32, #tpu.memory_space<hbm>>
      %dma_wait3A_449 = arith.constant 0 : i32
      %dma_wait3A_450 = tpu.memref_slice %arg7[%arg0, %add3A_445, %dma_wait3A_449] : memref<2x5280x128xi32, #tpu.memory_space<hbm>> -> memref<1x11x128xi32, #tpu.memory_space<hbm>>
      %dma_wait3A_451 = tpu.memref_squeeze %dma_wait3A_450 : memref<1x11x128xi32, #tpu.memory_space<hbm>> -> memref<11x128xi32, #tpu.memory_space<hbm>>
      tpu.wait_dma2 semaphore(%arg17 : memref<!tpu.dma_semaphore, #tpu.memory_space<semaphore_mem>>) src(%dma_wait3A_451 : memref<11x128xi32, #tpu.memory_space<hbm>>) dst(%arg11 : memref<11x128xi32, #tpu.memory_space<vmem>>)
      %dma_start3A_452 = arith.constant 0 : i32
      %dma_start3A_453 = arith.constant 0 : i32
      %dma_start3A_454 = arith.constant 0 : i32
      %dma_start3A_455 = tpu.memref_slice %arg9[%dma_start3A_453, %dma_start3A_454] : memref<1408x16xf32, #tpu.memory_space<vmem>> -> memref<128x16xf32, #tpu.memory_space<vmem>>
      %dma_start3A_456 = arith.constant 0 : i32
      %dma_start3A_457 = tpu.memref_slice %arg11[%dma_start3A_452, %dma_start3A_456] : memref<11x128xi32, #tpu.memory_space<vmem>> -> memref<1x128xi32, #tpu.memory_space<vmem>>
      %dma_start3A_458 = tpu.memref_squeeze %dma_start3A_457 : memref<1x128xi32, #tpu.memory_space<vmem>> -> memref<128xi32, #tpu.memory_space<vmem>>
      %dma_start3A_459 = arith.constant 0 : i32
      %dma_start3A_460 = arith.constant 0 : i32
      %dma_start3A_461 = tpu.memref_slice %arg15[%dma_start3A_459, %dma_start3A_460] : memref<64992x16xf32, #tpu.memory_space<vmem_shared>> -> memref<64992x16xf32, #tpu.memory_space<vmem_shared>>
      tpu.enqueue_indirect_dma source(%dma_start3A_455 : memref<128x16xf32, #tpu.memory_space<vmem>>) target(%dma_start3A_461 : memref<64992x16xf32, #tpu.memory_space<vmem_shared>>) offsets(%dma_start3A_458 : memref<128xi32, #tpu.memory_space<vmem>>) semaphore(%arg18 : memref<!tpu.dma_semaphore, #tpu.memory_space<semaphore_mem>>) {add = true}
      %dma_start3A_462 = arith.constant 1 : i32
      %dma_start3A_463 = arith.constant 128 : i32
      %dma_start3A_464 = arith.constant 0 : i32
      %dma_start3A_465 = tpu.memref_slice %arg9[%dma_start3A_463, %dma_start3A_464] : memref<1408x16xf32, #tpu.memory_space<vmem>> -> memref<128x16xf32, #tpu.memory_space<vmem>>
      %dma_start3A_466 = arith.constant 0 : i32
      %dma_start3A_467 = tpu.memref_slice %arg11[%dma_start3A_462, %dma_start3A_466] : memref<11x128xi32, #tpu.memory_space<vmem>> -> memref<1x128xi32, #tpu.memory_space<vmem>>
      %dma_start3A_468 = tpu.memref_squeeze %dma_start3A_467 : memref<1x128xi32, #tpu.memory_space<vmem>> -> memref<128xi32, #tpu.memory_space<vmem>>
      %dma_start3A_469 = arith.constant 0 : i32
      %dma_start3A_470 = arith.constant 0 : i32
      %dma_start3A_471 = tpu.memref_slice %arg15[%dma_start3A_469, %dma_start3A_470] : memref<64992x16xf32, #tpu.memory_space<vmem_shared>> -> memref<64992x16xf32, #tpu.memory_space<vmem_shared>>
      tpu.enqueue_indirect_dma source(%dma_start3A_465 : memref<128x16xf32, #tpu.memory_space<vmem>>) target(%dma_start3A_471 : memref<64992x16xf32, #tpu.memory_space<vmem_shared>>) offsets(%dma_start3A_468 : memref<128xi32, #tpu.memory_space<vmem>>) semaphore(%arg18 : memref<!tpu.dma_semaphore, #tpu.memory_space<semaphore_mem>>) {add = true}
      %dma_start3A_472 = arith.constant 2 : i32
      %dma_start3A_473 = arith.constant 256 : i32
      %dma_start3A_474 = arith.constant 0 : i32
      %dma_start3A_475 = tpu.memref_slice %arg9[%dma_start3A_473, %dma_start3A_474] : memref<1408x16xf32, #tpu.memory_space<vmem>> -> memref<128x16xf32, #tpu.memory_space<vmem>>
      %dma_start3A_476 = arith.constant 0 : i32
      %dma_start3A_477 = tpu.memref_slice %arg11[%dma_start3A_472, %dma_start3A_476] : memref<11x128xi32, #tpu.memory_space<vmem>> -> memref<1x128xi32, #tpu.memory_space<vmem>>
      %dma_start3A_478 = tpu.memref_squeeze %dma_start3A_477 : memref<1x128xi32, #tpu.memory_space<vmem>> -> memref<128xi32, #tpu.memory_space<vmem>>
      %dma_start3A_479 = arith.constant 0 : i32
      %dma_start3A_480 = arith.constant 0 : i32
      %dma_start3A_481 = tpu.memref_slice %arg15[%dma_start3A_479, %dma_start3A_480] : memref<64992x16xf32, #tpu.memory_space<vmem_shared>> -> memref<64992x16xf32, #tpu.memory_space<vmem_shared>>
      tpu.enqueue_indirect_dma source(%dma_start3A_475 : memref<128x16xf32, #tpu.memory_space<vmem>>) target(%dma_start3A_481 : memref<64992x16xf32, #tpu.memory_space<vmem_shared>>) offsets(%dma_start3A_478 : memref<128xi32, #tpu.memory_space<vmem>>) semaphore(%arg18 : memref<!tpu.dma_semaphore, #tpu.memory_space<semaphore_mem>>) {add = true}
      %dma_start3A_482 = arith.constant 3 : i32
      %dma_start3A_483 = arith.constant 384 : i32
      %dma_start3A_484 = arith.constant 0 : i32
      %dma_start3A_485 = tpu.memref_slice %arg9[%dma_start3A_483, %dma_start3A_484] : memref<1408x16xf32, #tpu.memory_space<vmem>> -> memref<128x16xf32, #tpu.memory_space<vmem>>
      %dma_start3A_486 = arith.constant 0 : i32
      %dma_start3A_487 = tpu.memref_slice %arg11[%dma_start3A_482, %dma_start3A_486] : memref<11x128xi32, #tpu.memory_space<vmem>> -> memref<1x128xi32, #tpu.memory_space<vmem>>
      %dma_start3A_488 = tpu.memref_squeeze %dma_start3A_487 : memref<1x128xi32, #tpu.memory_space<vmem>> -> memref<128xi32, #tpu.memory_space<vmem>>
      %dma_start3A_489 = arith.constant 0 : i32
      %dma_start3A_490 = arith.constant 0 : i32
      %dma_start3A_491 = tpu.memref_slice %arg15[%dma_start3A_489, %dma_start3A_490] : memref<64992x16xf32, #tpu.memory_space<vmem_shared>> -> memref<64992x16xf32, #tpu.memory_space<vmem_shared>>
      tpu.enqueue_indirect_dma source(%dma_start3A_485 : memref<128x16xf32, #tpu.memory_space<vmem>>) target(%dma_start3A_491 : memref<64992x16xf32, #tpu.memory_space<vmem_shared>>) offsets(%dma_start3A_488 : memref<128xi32, #tpu.memory_space<vmem>>) semaphore(%arg18 : memref<!tpu.dma_semaphore, #tpu.memory_space<semaphore_mem>>) {add = true}
      %dma_start3A_492 = arith.constant 4 : i32
      %dma_start3A_493 = arith.constant 512 : i32
      %dma_start3A_494 = arith.constant 0 : i32
      %dma_start3A_495 = tpu.memref_slice %arg9[%dma_start3A_493, %dma_start3A_494] : memref<1408x16xf32, #tpu.memory_space<vmem>> -> memref<128x16xf32, #tpu.memory_space<vmem>>
      %dma_start3A_496 = arith.constant 0 : i32
      %dma_start3A_497 = tpu.memref_slice %arg11[%dma_start3A_492, %dma_start3A_496] : memref<11x128xi32, #tpu.memory_space<vmem>> -> memref<1x128xi32, #tpu.memory_space<vmem>>
      %dma_start3A_498 = tpu.memref_squeeze %dma_start3A_497 : memref<1x128xi32, #tpu.memory_space<vmem>> -> memref<128xi32, #tpu.memory_space<vmem>>
      %dma_start3A_499 = arith.constant 0 : i32
      %dma_start3A_500 = arith.constant 0 : i32
      %dma_start3A_501 = tpu.memref_slice %arg15[%dma_start3A_499, %dma_start3A_500] : memref<64992x16xf32, #tpu.memory_space<vmem_shared>> -> memref<64992x16xf32, #tpu.memory_space<vmem_shared>>
      tpu.enqueue_indirect_dma source(%dma_start3A_495 : memref<128x16xf32, #tpu.memory_space<vmem>>) target(%dma_start3A_501 : memref<64992x16xf32, #tpu.memory_space<vmem_shared>>) offsets(%dma_start3A_498 : memref<128xi32, #tpu.memory_space<vmem>>) semaphore(%arg18 : memref<!tpu.dma_semaphore, #tpu.memory_space<semaphore_mem>>) {add = true}
      %dma_start3A_502 = arith.constant 5 : i32
      %dma_start3A_503 = arith.constant 640 : i32
      %dma_start3A_504 = arith.constant 0 : i32
      %dma_start3A_505 = tpu.memref_slice %arg9[%dma_start3A_503, %dma_start3A_504] : memref<1408x16xf32, #tpu.memory_space<vmem>> -> memref<128x16xf32, #tpu.memory_space<vmem>>
      %dma_start3A_506 = arith.constant 0 : i32
      %dma_start3A_507 = tpu.memref_slice %arg11[%dma_start3A_502, %dma_start3A_506] : memref<11x128xi32, #tpu.memory_space<vmem>> -> memref<1x128xi32, #tpu.memory_space<vmem>>
      %dma_start3A_508 = tpu.memref_squeeze %dma_start3A_507 : memref<1x128xi32, #tpu.memory_space<vmem>> -> memref<128xi32, #tpu.memory_space<vmem>>
      %dma_start3A_509 = arith.constant 0 : i32
      %dma_start3A_510 = arith.constant 0 : i32
      %dma_start3A_511 = tpu.memref_slice %arg15[%dma_start3A_509, %dma_start3A_510] : memref<64992x16xf32, #tpu.memory_space<vmem_shared>> -> memref<64992x16xf32, #tpu.memory_space<vmem_shared>>
      tpu.enqueue_indirect_dma source(%dma_start3A_505 : memref<128x16xf32, #tpu.memory_space<vmem>>) target(%dma_start3A_511 : memref<64992x16xf32, #tpu.memory_space<vmem_shared>>) offsets(%dma_start3A_508 : memref<128xi32, #tpu.memory_space<vmem>>) semaphore(%arg18 : memref<!tpu.dma_semaphore, #tpu.memory_space<semaphore_mem>>) {add = true}
      %dma_start3A_512 = arith.constant 6 : i32
      %dma_start3A_513 = arith.constant 768 : i32
      %dma_start3A_514 = arith.constant 0 : i32
      %dma_start3A_515 = tpu.memref_slice %arg9[%dma_start3A_513, %dma_start3A_514] : memref<1408x16xf32, #tpu.memory_space<vmem>> -> memref<128x16xf32, #tpu.memory_space<vmem>>
      %dma_start3A_516 = arith.constant 0 : i32
      %dma_start3A_517 = tpu.memref_slice %arg11[%dma_start3A_512, %dma_start3A_516] : memref<11x128xi32, #tpu.memory_space<vmem>> -> memref<1x128xi32, #tpu.memory_space<vmem>>
      %dma_start3A_518 = tpu.memref_squeeze %dma_start3A_517 : memref<1x128xi32, #tpu.memory_space<vmem>> -> memref<128xi32, #tpu.memory_space<vmem>>
      %dma_start3A_519 = arith.constant 0 : i32
      %dma_start3A_520 = arith.constant 0 : i32
      %dma_start3A_521 = tpu.memref_slice %arg15[%dma_start3A_519, %dma_start3A_520] : memref<64992x16xf32, #tpu.memory_space<vmem_shared>> -> memref<64992x16xf32, #tpu.memory_space<vmem_shared>>
      tpu.enqueue_indirect_dma source(%dma_start3A_515 : memref<128x16xf32, #tpu.memory_space<vmem>>) target(%dma_start3A_521 : memref<64992x16xf32, #tpu.memory_space<vmem_shared>>) offsets(%dma_start3A_518 : memref<128xi32, #tpu.memory_space<vmem>>) semaphore(%arg18 : memref<!tpu.dma_semaphore, #tpu.memory_space<semaphore_mem>>) {add = true}
      %dma_start3A_522 = arith.constant 7 : i32
      %dma_start3A_523 = arith.constant 896 : i32
      %dma_start3A_524 = arith.constant 0 : i32
      %dma_start3A_525 = tpu.memref_slice %arg9[%dma_start3A_523, %dma_start3A_524] : memref<1408x16xf32, #tpu.memory_space<vmem>> -> memref<128x16xf32, #tpu.memory_space<vmem>>
      %dma_start3A_526 = arith.constant 0 : i32
      %dma_start3A_527 = tpu.memref_slice %arg11[%dma_start3A_522, %dma_start3A_526] : memref<11x128xi32, #tpu.memory_space<vmem>> -> memref<1x128xi32, #tpu.memory_space<vmem>>
      %dma_start3A_528 = tpu.memref_squeeze %dma_start3A_527 : memref<1x128xi32, #tpu.memory_space<vmem>> -> memref<128xi32, #tpu.memory_space<vmem>>
      %dma_start3A_529 = arith.constant 0 : i32
      %dma_start3A_530 = arith.constant 0 : i32
      %dma_start3A_531 = tpu.memref_slice %arg15[%dma_start3A_529, %dma_start3A_530] : memref<64992x16xf32, #tpu.memory_space<vmem_shared>> -> memref<64992x16xf32, #tpu.memory_space<vmem_shared>>
      tpu.enqueue_indirect_dma source(%dma_start3A_525 : memref<128x16xf32, #tpu.memory_space<vmem>>) target(%dma_start3A_531 : memref<64992x16xf32, #tpu.memory_space<vmem_shared>>) offsets(%dma_start3A_528 : memref<128xi32, #tpu.memory_space<vmem>>) semaphore(%arg18 : memref<!tpu.dma_semaphore, #tpu.memory_space<semaphore_mem>>) {add = true}
      %dma_start3A_532 = arith.constant 8 : i32
      %dma_start3A_533 = arith.constant 1024 : i32
      %dma_start3A_534 = arith.constant 0 : i32
      %dma_start3A_535 = tpu.memref_slice %arg9[%dma_start3A_533, %dma_start3A_534] : memref<1408x16xf32, #tpu.memory_space<vmem>> -> memref<128x16xf32, #tpu.memory_space<vmem>>
      %dma_start3A_536 = arith.constant 0 : i32
      %dma_start3A_537 = tpu.memref_slice %arg11[%dma_start3A_532, %dma_start3A_536] : memref<11x128xi32, #tpu.memory_space<vmem>> -> memref<1x128xi32, #tpu.memory_space<vmem>>
      %dma_start3A_538 = tpu.memref_squeeze %dma_start3A_537 : memref<1x128xi32, #tpu.memory_space<vmem>> -> memref<128xi32, #tpu.memory_space<vmem>>
      %dma_start3A_539 = arith.constant 0 : i32
      %dma_start3A_540 = arith.constant 0 : i32
      %dma_start3A_541 = tpu.memref_slice %arg15[%dma_start3A_539, %dma_start3A_540] : memref<64992x16xf32, #tpu.memory_space<vmem_shared>> -> memref<64992x16xf32, #tpu.memory_space<vmem_shared>>
      tpu.enqueue_indirect_dma source(%dma_start3A_535 : memref<128x16xf32, #tpu.memory_space<vmem>>) target(%dma_start3A_541 : memref<64992x16xf32, #tpu.memory_space<vmem_shared>>) offsets(%dma_start3A_538 : memref<128xi32, #tpu.memory_space<vmem>>) semaphore(%arg18 : memref<!tpu.dma_semaphore, #tpu.memory_space<semaphore_mem>>) {add = true}
      %dma_start3A_542 = arith.constant 9 : i32
      %dma_start3A_543 = arith.constant 1152 : i32
      %dma_start3A_544 = arith.constant 0 : i32
      %dma_start3A_545 = tpu.memref_slice %arg9[%dma_start3A_543, %dma_start3A_544] : memref<1408x16xf32, #tpu.memory_space<vmem>> -> memref<128x16xf32, #tpu.memory_space<vmem>>
      %dma_start3A_546 = arith.constant 0 : i32
      %dma_start3A_547 = tpu.memref_slice %arg11[%dma_start3A_542, %dma_start3A_546] : memref<11x128xi32, #tpu.memory_space<vmem>> -> memref<1x128xi32, #tpu.memory_space<vmem>>
      %dma_start3A_548 = tpu.memref_squeeze %dma_start3A_547 : memref<1x128xi32, #tpu.memory_space<vmem>> -> memref<128xi32, #tpu.memory_space<vmem>>
      %dma_start3A_549 = arith.constant 0 : i32
      %dma_start3A_550 = arith.constant 0 : i32
      %dma_start3A_551 = tpu.memref_slice %arg15[%dma_start3A_549, %dma_start3A_550] : memref<64992x16xf32, #tpu.memory_space<vmem_shared>> -> memref<64992x16xf32, #tpu.memory_space<vmem_shared>>
      tpu.enqueue_indirect_dma source(%dma_start3A_545 : memref<128x16xf32, #tpu.memory_space<vmem>>) target(%dma_start3A_551 : memref<64992x16xf32, #tpu.memory_space<vmem_shared>>) offsets(%dma_start3A_548 : memref<128xi32, #tpu.memory_space<vmem>>) semaphore(%arg18 : memref<!tpu.dma_semaphore, #tpu.memory_space<semaphore_mem>>) {add = true}
      %dma_start3A_552 = arith.constant 10 : i32
      %dma_start3A_553 = arith.constant 1280 : i32
      %dma_start3A_554 = arith.constant 0 : i32
      %dma_start3A_555 = tpu.memref_slice %arg9[%dma_start3A_553, %dma_start3A_554] : memref<1408x16xf32, #tpu.memory_space<vmem>> -> memref<128x16xf32, #tpu.memory_space<vmem>>
      %dma_start3A_556 = arith.constant 0 : i32
      %dma_start3A_557 = tpu.memref_slice %arg11[%dma_start3A_552, %dma_start3A_556] : memref<11x128xi32, #tpu.memory_space<vmem>> -> memref<1x128xi32, #tpu.memory_space<vmem>>
      %dma_start3A_558 = tpu.memref_squeeze %dma_start3A_557 : memref<1x128xi32, #tpu.memory_space<vmem>> -> memref<128xi32, #tpu.memory_space<vmem>>
      %dma_start3A_559 = arith.constant 0 : i32
      %dma_start3A_560 = arith.constant 0 : i32
      %dma_start3A_561 = tpu.memref_slice %arg15[%dma_start3A_559, %dma_start3A_560] : memref<64992x16xf32, #tpu.memory_space<vmem_shared>> -> memref<64992x16xf32, #tpu.memory_space<vmem_shared>>
      tpu.enqueue_indirect_dma source(%dma_start3A_555 : memref<128x16xf32, #tpu.memory_space<vmem>>) target(%dma_start3A_561 : memref<64992x16xf32, #tpu.memory_space<vmem_shared>>) offsets(%dma_start3A_558 : memref<128xi32, #tpu.memory_space<vmem>>) semaphore(%arg18 : memref<!tpu.dma_semaphore, #tpu.memory_space<semaphore_mem>>) {add = true}
      %dma_wait3A_562 = arith.constant 0 : i32
      %dma_wait3A_563 = arith.constant 0 : i32
      %dma_wait3A_564 = arith.constant 0 : i32
      %dma_wait3A_565 = tpu.memref_slice %arg9[%dma_wait3A_563, %dma_wait3A_564] : memref<1408x16xf32, #tpu.memory_space<vmem>> -> memref<128x16xf32, #tpu.memory_space<vmem>>
      %dma_wait3A_566 = arith.constant 0 : i32
      %dma_wait3A_567 = tpu.memref_slice %arg11[%dma_wait3A_562, %dma_wait3A_566] : memref<11x128xi32, #tpu.memory_space<vmem>> -> memref<1x128xi32, #tpu.memory_space<vmem>>
      %dma_wait3A_568 = tpu.memref_squeeze %dma_wait3A_567 : memref<1x128xi32, #tpu.memory_space<vmem>> -> memref<128xi32, #tpu.memory_space<vmem>>
      %dma_wait3A_569 = arith.constant 0 : i32
      %dma_wait3A_570 = arith.constant 0 : i32
      %dma_wait3A_571 = tpu.memref_slice %arg15[%dma_wait3A_569, %dma_wait3A_570] : memref<64992x16xf32, #tpu.memory_space<vmem_shared>> -> memref<64992x16xf32, #tpu.memory_space<vmem_shared>>
      tpu.wait_indirect_dma semaphore(%arg18 : memref<!tpu.dma_semaphore, #tpu.memory_space<semaphore_mem>>) src(%dma_wait3A_565 : memref<128x16xf32, #tpu.memory_space<vmem>>) dst(%dma_wait3A_571 : memref<64992x16xf32, #tpu.memory_space<vmem_shared>>)
      %dma_wait3A_572 = arith.constant 1 : i32
      %dma_wait3A_573 = arith.constant 128 : i32
      %dma_wait3A_574 = arith.constant 0 : i32
      %dma_wait3A_575 = tpu.memref_slice %arg9[%dma_wait3A_573, %dma_wait3A_574] : memref<1408x16xf32, #tpu.memory_space<vmem>> -> memref<128x16xf32, #tpu.memory_space<vmem>>
      %dma_wait3A_576 = arith.constant 0 : i32
      %dma_wait3A_577 = tpu.memref_slice %arg11[%dma_wait3A_572, %dma_wait3A_576] : memref<11x128xi32, #tpu.memory_space<vmem>> -> memref<1x128xi32, #tpu.memory_space<vmem>>
      %dma_wait3A_578 = tpu.memref_squeeze %dma_wait3A_577 : memref<1x128xi32, #tpu.memory_space<vmem>> -> memref<128xi32, #tpu.memory_space<vmem>>
      %dma_wait3A_579 = arith.constant 0 : i32
      %dma_wait3A_580 = arith.constant 0 : i32
      %dma_wait3A_581 = tpu.memref_slice %arg15[%dma_wait3A_579, %dma_wait3A_580] : memref<64992x16xf32, #tpu.memory_space<vmem_shared>> -> memref<64992x16xf32, #tpu.memory_space<vmem_shared>>
      tpu.wait_indirect_dma semaphore(%arg18 : memref<!tpu.dma_semaphore, #tpu.memory_space<semaphore_mem>>) src(%dma_wait3A_575 : memref<128x16xf32, #tpu.memory_space<vmem>>) dst(%dma_wait3A_581 : memref<64992x16xf32, #tpu.memory_space<vmem_shared>>)
      %dma_wait3A_582 = arith.constant 2 : i32
      %dma_wait3A_583 = arith.constant 256 : i32
      %dma_wait3A_584 = arith.constant 0 : i32
      %dma_wait3A_585 = tpu.memref_slice %arg9[%dma_wait3A_583, %dma_wait3A_584] : memref<1408x16xf32, #tpu.memory_space<vmem>> -> memref<128x16xf32, #tpu.memory_space<vmem>>
      %dma_wait3A_586 = arith.constant 0 : i32
      %dma_wait3A_587 = tpu.memref_slice %arg11[%dma_wait3A_582, %dma_wait3A_586] : memref<11x128xi32, #tpu.memory_space<vmem>> -> memref<1x128xi32, #tpu.memory_space<vmem>>
      %dma_wait3A_588 = tpu.memref_squeeze %dma_wait3A_587 : memref<1x128xi32, #tpu.memory_space<vmem>> -> memref<128xi32, #tpu.memory_space<vmem>>
      %dma_wait3A_589 = arith.constant 0 : i32
      %dma_wait3A_590 = arith.constant 0 : i32
      %dma_wait3A_591 = tpu.memref_slice %arg15[%dma_wait3A_589, %dma_wait3A_590] : memref<64992x16xf32, #tpu.memory_space<vmem_shared>> -> memref<64992x16xf32, #tpu.memory_space<vmem_shared>>
      tpu.wait_indirect_dma semaphore(%arg18 : memref<!tpu.dma_semaphore, #tpu.memory_space<semaphore_mem>>) src(%dma_wait3A_585 : memref<128x16xf32, #tpu.memory_space<vmem>>) dst(%dma_wait3A_591 : memref<64992x16xf32, #tpu.memory_space<vmem_shared>>)
      %dma_wait3A_592 = arith.constant 3 : i32
      %dma_wait3A_593 = arith.constant 384 : i32
      %dma_wait3A_594 = arith.constant 0 : i32
      %dma_wait3A_595 = tpu.memref_slice %arg9[%dma_wait3A_593, %dma_wait3A_594] : memref<1408x16xf32, #tpu.memory_space<vmem>> -> memref<128x16xf32, #tpu.memory_space<vmem>>
      %dma_wait3A_596 = arith.constant 0 : i32
      %dma_wait3A_597 = tpu.memref_slice %arg11[%dma_wait3A_592, %dma_wait3A_596] : memref<11x128xi32, #tpu.memory_space<vmem>> -> memref<1x128xi32, #tpu.memory_space<vmem>>
      %dma_wait3A_598 = tpu.memref_squeeze %dma_wait3A_597 : memref<1x128xi32, #tpu.memory_space<vmem>> -> memref<128xi32, #tpu.memory_space<vmem>>
      %dma_wait3A_599 = arith.constant 0 : i32
      %dma_wait3A_600 = arith.constant 0 : i32
      %dma_wait3A_601 = tpu.memref_slice %arg15[%dma_wait3A_599, %dma_wait3A_600] : memref<64992x16xf32, #tpu.memory_space<vmem_shared>> -> memref<64992x16xf32, #tpu.memory_space<vmem_shared>>
      tpu.wait_indirect_dma semaphore(%arg18 : memref<!tpu.dma_semaphore, #tpu.memory_space<semaphore_mem>>) src(%dma_wait3A_595 : memref<128x16xf32, #tpu.memory_space<vmem>>) dst(%dma_wait3A_601 : memref<64992x16xf32, #tpu.memory_space<vmem_shared>>)
      %dma_wait3A_602 = arith.constant 4 : i32
      %dma_wait3A_603 = arith.constant 512 : i32
      %dma_wait3A_604 = arith.constant 0 : i32
      %dma_wait3A_605 = tpu.memref_slice %arg9[%dma_wait3A_603, %dma_wait3A_604] : memref<1408x16xf32, #tpu.memory_space<vmem>> -> memref<128x16xf32, #tpu.memory_space<vmem>>
      %dma_wait3A_606 = arith.constant 0 : i32
      %dma_wait3A_607 = tpu.memref_slice %arg11[%dma_wait3A_602, %dma_wait3A_606] : memref<11x128xi32, #tpu.memory_space<vmem>> -> memref<1x128xi32, #tpu.memory_space<vmem>>
      %dma_wait3A_608 = tpu.memref_squeeze %dma_wait3A_607 : memref<1x128xi32, #tpu.memory_space<vmem>> -> memref<128xi32, #tpu.memory_space<vmem>>
      %dma_wait3A_609 = arith.constant 0 : i32
      %dma_wait3A_610 = arith.constant 0 : i32
      %dma_wait3A_611 = tpu.memref_slice %arg15[%dma_wait3A_609, %dma_wait3A_610] : memref<64992x16xf32, #tpu.memory_space<vmem_shared>> -> memref<64992x16xf32, #tpu.memory_space<vmem_shared>>
      tpu.wait_indirect_dma semaphore(%arg18 : memref<!tpu.dma_semaphore, #tpu.memory_space<semaphore_mem>>) src(%dma_wait3A_605 : memref<128x16xf32, #tpu.memory_space<vmem>>) dst(%dma_wait3A_611 : memref<64992x16xf32, #tpu.memory_space<vmem_shared>>)
      %dma_wait3A_612 = arith.constant 5 : i32
      %dma_wait3A_613 = arith.constant 640 : i32
      %dma_wait3A_614 = arith.constant 0 : i32
      %dma_wait3A_615 = tpu.memref_slice %arg9[%dma_wait3A_613, %dma_wait3A_614] : memref<1408x16xf32, #tpu.memory_space<vmem>> -> memref<128x16xf32, #tpu.memory_space<vmem>>
      %dma_wait3A_616 = arith.constant 0 : i32
      %dma_wait3A_617 = tpu.memref_slice %arg11[%dma_wait3A_612, %dma_wait3A_616] : memref<11x128xi32, #tpu.memory_space<vmem>> -> memref<1x128xi32, #tpu.memory_space<vmem>>
      %dma_wait3A_618 = tpu.memref_squeeze %dma_wait3A_617 : memref<1x128xi32, #tpu.memory_space<vmem>> -> memref<128xi32, #tpu.memory_space<vmem>>
      %dma_wait3A_619 = arith.constant 0 : i32
      %dma_wait3A_620 = arith.constant 0 : i32
      %dma_wait3A_621 = tpu.memref_slice %arg15[%dma_wait3A_619, %dma_wait3A_620] : memref<64992x16xf32, #tpu.memory_space<vmem_shared>> -> memref<64992x16xf32, #tpu.memory_space<vmem_shared>>
      tpu.wait_indirect_dma semaphore(%arg18 : memref<!tpu.dma_semaphore, #tpu.memory_space<semaphore_mem>>) src(%dma_wait3A_615 : memref<128x16xf32, #tpu.memory_space<vmem>>) dst(%dma_wait3A_621 : memref<64992x16xf32, #tpu.memory_space<vmem_shared>>)
      %dma_wait3A_622 = arith.constant 6 : i32
      %dma_wait3A_623 = arith.constant 768 : i32
      %dma_wait3A_624 = arith.constant 0 : i32
      %dma_wait3A_625 = tpu.memref_slice %arg9[%dma_wait3A_623, %dma_wait3A_624] : memref<1408x16xf32, #tpu.memory_space<vmem>> -> memref<128x16xf32, #tpu.memory_space<vmem>>
      %dma_wait3A_626 = arith.constant 0 : i32
      %dma_wait3A_627 = tpu.memref_slice %arg11[%dma_wait3A_622, %dma_wait3A_626] : memref<11x128xi32, #tpu.memory_space<vmem>> -> memref<1x128xi32, #tpu.memory_space<vmem>>
      %dma_wait3A_628 = tpu.memref_squeeze %dma_wait3A_627 : memref<1x128xi32, #tpu.memory_space<vmem>> -> memref<128xi32, #tpu.memory_space<vmem>>
      %dma_wait3A_629 = arith.constant 0 : i32
      %dma_wait3A_630 = arith.constant 0 : i32
      %dma_wait3A_631 = tpu.memref_slice %arg15[%dma_wait3A_629, %dma_wait3A_630] : memref<64992x16xf32, #tpu.memory_space<vmem_shared>> -> memref<64992x16xf32, #tpu.memory_space<vmem_shared>>
      tpu.wait_indirect_dma semaphore(%arg18 : memref<!tpu.dma_semaphore, #tpu.memory_space<semaphore_mem>>) src(%dma_wait3A_625 : memref<128x16xf32, #tpu.memory_space<vmem>>) dst(%dma_wait3A_631 : memref<64992x16xf32, #tpu.memory_space<vmem_shared>>)
      %dma_wait3A_632 = arith.constant 7 : i32
      %dma_wait3A_633 = arith.constant 896 : i32
      %dma_wait3A_634 = arith.constant 0 : i32
      %dma_wait3A_635 = tpu.memref_slice %arg9[%dma_wait3A_633, %dma_wait3A_634] : memref<1408x16xf32, #tpu.memory_space<vmem>> -> memref<128x16xf32, #tpu.memory_space<vmem>>
      %dma_wait3A_636 = arith.constant 0 : i32
      %dma_wait3A_637 = tpu.memref_slice %arg11[%dma_wait3A_632, %dma_wait3A_636] : memref<11x128xi32, #tpu.memory_space<vmem>> -> memref<1x128xi32, #tpu.memory_space<vmem>>
      %dma_wait3A_638 = tpu.memref_squeeze %dma_wait3A_637 : memref<1x128xi32, #tpu.memory_space<vmem>> -> memref<128xi32, #tpu.memory_space<vmem>>
      %dma_wait3A_639 = arith.constant 0 : i32
      %dma_wait3A_640 = arith.constant 0 : i32
      %dma_wait3A_641 = tpu.memref_slice %arg15[%dma_wait3A_639, %dma_wait3A_640] : memref<64992x16xf32, #tpu.memory_space<vmem_shared>> -> memref<64992x16xf32, #tpu.memory_space<vmem_shared>>
      tpu.wait_indirect_dma semaphore(%arg18 : memref<!tpu.dma_semaphore, #tpu.memory_space<semaphore_mem>>) src(%dma_wait3A_635 : memref<128x16xf32, #tpu.memory_space<vmem>>) dst(%dma_wait3A_641 : memref<64992x16xf32, #tpu.memory_space<vmem_shared>>)
      %dma_wait3A_642 = arith.constant 8 : i32
      %dma_wait3A_643 = arith.constant 1024 : i32
      %dma_wait3A_644 = arith.constant 0 : i32
      %dma_wait3A_645 = tpu.memref_slice %arg9[%dma_wait3A_643, %dma_wait3A_644] : memref<1408x16xf32, #tpu.memory_space<vmem>> -> memref<128x16xf32, #tpu.memory_space<vmem>>
      %dma_wait3A_646 = arith.constant 0 : i32
      %dma_wait3A_647 = tpu.memref_slice %arg11[%dma_wait3A_642, %dma_wait3A_646] : memref<11x128xi32, #tpu.memory_space<vmem>> -> memref<1x128xi32, #tpu.memory_space<vmem>>
      %dma_wait3A_648 = tpu.memref_squeeze %dma_wait3A_647 : memref<1x128xi32, #tpu.memory_space<vmem>> -> memref<128xi32, #tpu.memory_space<vmem>>
      %dma_wait3A_649 = arith.constant 0 : i32
      %dma_wait3A_650 = arith.constant 0 : i32
      %dma_wait3A_651 = tpu.memref_slice %arg15[%dma_wait3A_649, %dma_wait3A_650] : memref<64992x16xf32, #tpu.memory_space<vmem_shared>> -> memref<64992x16xf32, #tpu.memory_space<vmem_shared>>
      tpu.wait_indirect_dma semaphore(%arg18 : memref<!tpu.dma_semaphore, #tpu.memory_space<semaphore_mem>>) src(%dma_wait3A_645 : memref<128x16xf32, #tpu.memory_space<vmem>>) dst(%dma_wait3A_651 : memref<64992x16xf32, #tpu.memory_space<vmem_shared>>)
      %dma_wait3A_652 = arith.constant 9 : i32
      %dma_wait3A_653 = arith.constant 1152 : i32
      %dma_wait3A_654 = arith.constant 0 : i32
      %dma_wait3A_655 = tpu.memref_slice %arg9[%dma_wait3A_653, %dma_wait3A_654] : memref<1408x16xf32, #tpu.memory_space<vmem>> -> memref<128x16xf32, #tpu.memory_space<vmem>>
      %dma_wait3A_656 = arith.constant 0 : i32
      %dma_wait3A_657 = tpu.memref_slice %arg11[%dma_wait3A_652, %dma_wait3A_656] : memref<11x128xi32, #tpu.memory_space<vmem>> -> memref<1x128xi32, #tpu.memory_space<vmem>>
      %dma_wait3A_658 = tpu.memref_squeeze %dma_wait3A_657 : memref<1x128xi32, #tpu.memory_space<vmem>> -> memref<128xi32, #tpu.memory_space<vmem>>
      %dma_wait3A_659 = arith.constant 0 : i32
      %dma_wait3A_660 = arith.constant 0 : i32
      %dma_wait3A_661 = tpu.memref_slice %arg15[%dma_wait3A_659, %dma_wait3A_660] : memref<64992x16xf32, #tpu.memory_space<vmem_shared>> -> memref<64992x16xf32, #tpu.memory_space<vmem_shared>>
      tpu.wait_indirect_dma semaphore(%arg18 : memref<!tpu.dma_semaphore, #tpu.memory_space<semaphore_mem>>) src(%dma_wait3A_655 : memref<128x16xf32, #tpu.memory_space<vmem>>) dst(%dma_wait3A_661 : memref<64992x16xf32, #tpu.memory_space<vmem_shared>>)
      %dma_wait3A_662 = arith.constant 10 : i32
      %dma_wait3A_663 = arith.constant 1280 : i32
      %dma_wait3A_664 = arith.constant 0 : i32
      %dma_wait3A_665 = tpu.memref_slice %arg9[%dma_wait3A_663, %dma_wait3A_664] : memref<1408x16xf32, #tpu.memory_space<vmem>> -> memref<128x16xf32, #tpu.memory_space<vmem>>
      %dma_wait3A_666 = arith.constant 0 : i32
      %dma_wait3A_667 = tpu.memref_slice %arg11[%dma_wait3A_662, %dma_wait3A_666] : memref<11x128xi32, #tpu.memory_space<vmem>> -> memref<1x128xi32, #tpu.memory_space<vmem>>
      %dma_wait3A_668 = tpu.memref_squeeze %dma_wait3A_667 : memref<1x128xi32, #tpu.memory_space<vmem>> -> memref<128xi32, #tpu.memory_space<vmem>>
      %dma_wait3A_669 = arith.constant 0 : i32
      %dma_wait3A_670 = arith.constant 0 : i32
      %dma_wait3A_671 = tpu.memref_slice %arg15[%dma_wait3A_669, %dma_wait3A_670] : memref<64992x16xf32, #tpu.memory_space<vmem_shared>> -> memref<64992x16xf32, #tpu.memory_space<vmem_shared>>
      tpu.wait_indirect_dma semaphore(%arg18 : memref<!tpu.dma_semaphore, #tpu.memory_space<semaphore_mem>>) src(%dma_wait3A_665 : memref<128x16xf32, #tpu.memory_space<vmem>>) dst(%dma_wait3A_671 : memref<64992x16xf32, #tpu.memory_space<vmem_shared>>)
      %add3A_672 = arith.constant 2 : i32
      %add3A_673 = arith.addi %add3A_435, %add3A_672 : i32
      %lt3A_674 = arith.constant 30 : i32
      %lt3A_675 = arith.cmpi slt, %add3A_673, %lt3A_674 : i32
      %convert_element_type3A_676 = arith.extui %lt3A_675 : i1 to i32
      %cond3A_677 = arith.constant 0 : i32
      %cond3A_678 = arith.cmpi ne, %convert_element_type3A_676, %cond3A_677 : i32
      scf.if %cond3A_678 {
        %add3A_680 = arith.constant 2 : i32
        %add3A_681 = arith.addi %add3A_435, %add3A_680 : i32
        %mul3A_682 = arith.constant 1408 : i32
        %mul3A_683 = arith.muli %add3A_681, %mul3A_682 : i32
        %add3A_684 = arith.addi %mul3A_1, %mul3A_683 : i32
        %dma_start3A_685 = arith.constant 48 : i32
        %dma_start3A_686 = tpu.memref_slice %arg5[%add3A_684, %dma_start3A_685] : memref<675840x64xf32, #tpu.memory_space<hbm>> -> memref<1408x16xf32, #tpu.memory_space<hbm>>
        %dma_start3A_687 = arith.constant 48 : i32
        %dma_start3A_688 = tpu.memref_slice %arg5[%add3A_684, %dma_start3A_687] : memref<675840x64xf32, #tpu.memory_space<hbm>> -> memref<1408x16xf32, #tpu.memory_space<hbm>>
        tpu.enqueue_dma source(%dma_start3A_688 : memref<1408x16xf32, #tpu.memory_space<hbm>>) target(%arg9 : memref<1408x16xf32, #tpu.memory_space<vmem>>) target_semaphore(%arg17 : memref<!tpu.dma_semaphore, #tpu.memory_space<semaphore_mem>>)
        %mul3A_689 = arith.constant 11 : i32
        %mul3A_690 = arith.muli %add3A_681, %mul3A_689 : i32
        %add3A_691 = arith.addi %mul3A_3, %mul3A_690 : i32
        %dma_start3A_692 = arith.constant 0 : i32
        %dma_start3A_693 = tpu.memref_slice %arg7[%arg0, %add3A_691, %dma_start3A_692] : memref<2x5280x128xi32, #tpu.memory_space<hbm>> -> memref<1x11x128xi32, #tpu.memory_space<hbm>>
        %dma_start3A_694 = tpu.memref_squeeze %dma_start3A_693 : memref<1x11x128xi32, #tpu.memory_space<hbm>> -> memref<11x128xi32, #tpu.memory_space<hbm>>
        %dma_start3A_695 = arith.constant 0 : i32
        %dma_start3A_696 = tpu.memref_slice %arg7[%arg0, %add3A_691, %dma_start3A_695] : memref<2x5280x128xi32, #tpu.memory_space<hbm>> -> memref<1x11x128xi32, #tpu.memory_space<hbm>>
        %dma_start3A_697 = tpu.memref_squeeze %dma_start3A_696 : memref<1x11x128xi32, #tpu.memory_space<hbm>> -> memref<11x128xi32, #tpu.memory_space<hbm>>
        tpu.enqueue_dma source(%dma_start3A_697 : memref<11x128xi32, #tpu.memory_space<hbm>>) target(%arg11 : memref<11x128xi32, #tpu.memory_space<vmem>>) target_semaphore(%arg17 : memref<!tpu.dma_semaphore, #tpu.memory_space<semaphore_mem>>)
      } else {
      }
      %scan3A_679 = arith.constant 0 : i32
      scf.yield %scan3A_679 : i32
    }
    %scan3A_184 = arith.constant 15 : i32
    %barrier3A_185 = arith.constant 0 : index
    tpu.barrier barrier_id(%barrier3A_185)
    %mul3A_186 = arith.constant 4050 : i32
    %mul3A_187 = arith.muli %arg1, %mul3A_186 : i32
    %run_scoped3A_188 = arith.constant 3 : i32
    "tpu.region"() ({
      %run_scoped3A_189 = tpu.sem_alloc : memref<!tpu.dma_semaphore, #tpu.memory_space<semaphore_mem>>
      %dma_start3A_190 = arith.constant 0 : i32
      %dma_start3A_191 = tpu.memref_slice %arg6[%run_scoped3A_188, %arg0, %mul3A_187, %dma_start3A_190] : memref<4x2x64800x16xf32, #tpu.memory_space<hbm>> -> memref<1x1x4050x16xf32, #tpu.memory_space<hbm>>
      %dma_start3A_192 = tpu.memref_squeeze %dma_start3A_191 : memref<1x1x4050x16xf32, #tpu.memory_space<hbm>> -> memref<4050x16xf32, #tpu.memory_space<hbm>>
      %dma_start3A_193 = arith.constant 0 : i32
      %dma_start3A_194 = tpu.memref_slice %arg15[%mul3A_187, %dma_start3A_193] : memref<64992x16xf32, #tpu.memory_space<vmem_shared>> -> memref<4050x16xf32, #tpu.memory_space<vmem_shared>>
      tpu.enqueue_dma source(%dma_start3A_194 : memref<4050x16xf32, #tpu.memory_space<vmem_shared>>) target(%dma_start3A_192 : memref<4050x16xf32, #tpu.memory_space<hbm>>) target_semaphore(%run_scoped3A_189 : memref<!tpu.dma_semaphore, #tpu.memory_space<semaphore_mem>>)
      %dma_wait3A = arith.constant 0 : i32
      %dma_wait3A_195 = tpu.memref_slice %arg6[%run_scoped3A_188, %arg0, %mul3A_187, %dma_wait3A] : memref<4x2x64800x16xf32, #tpu.memory_space<hbm>> -> memref<1x1x4050x16xf32, #tpu.memory_space<hbm>>
      %dma_wait3A_196 = tpu.memref_squeeze %dma_wait3A_195 : memref<1x1x4050x16xf32, #tpu.memory_space<hbm>> -> memref<4050x16xf32, #tpu.memory_space<hbm>>
      %dma_wait3A_197 = arith.constant 0 : i32
      %dma_wait3A_198 = tpu.memref_slice %arg15[%mul3A_187, %dma_wait3A_197] : memref<64992x16xf32, #tpu.memory_space<vmem_shared>> -> memref<4050x16xf32, #tpu.memory_space<vmem_shared>>
      tpu.wait_dma2 semaphore(%run_scoped3A_189 : memref<!tpu.dma_semaphore, #tpu.memory_space<semaphore_mem>>) src(%dma_wait3A_198 : memref<4050x16xf32, #tpu.memory_space<vmem_shared>>) dst(%dma_wait3A_196 : memref<4050x16xf32, #tpu.memory_space<hbm>>)
      tpu.yield
    }) : () -> ()
    return
  }
}

</mosaic_0001>

<sc_bundles>
// kernel: kernel.3.cloned.1.call-start
scs
__scs_entry_jumppad:
0x0: {  	(pc) =	sbr.rel $0x88, $3  }
0x1: {  	(tag) =	ssettag $0x0;
	lr =	simm.s32 $0x1  }
0x2: {  	[smem:$0x3F9F] =	sst lr;
	_ =	strace $0xD0000000  }
0x3: {  	_ = 	snop  }
0x4: {  	_ = 	snop  }
0x5: {  	_ = 	snop  }
0x6: {  	_ = 	snop  }
0x7: {  	_ = 	snop  }
__scs_overlays_trampoline_lowered:
0x8: {  	[smem:$0x3FAE] =	sst s0  }
0x9: {  	[smem:$0x3FAF] =	sst s1  }
0xa: {  	[smem:$0x3FB0] =	sst s2  }
0xb: {  	[smem:$0x3FB1] =	sst s3  }
0xc: {  	[smem:$0x3FB2] =	sst s4  }
0xd: {  	[smem:$0x3FB3] =	sst s5  }
0xe: {  	[smem:$0x3FB4] =	sst s6  }
0xf: {  	[smem:$0x3FB5] =	sst s7  }
0x10: {  	[smem:$0x3FB6] =	sst s8  }
0x11: {  	[smem:$0x3FB7] =	sst s9;
	s0 =	simm.s32 @!p0 $0x0  }
0x12: {  	s1 =	sld [smem:$0x3F9D];
	s0 =	simm.s32 @p0 $0x1  }
0x13: {  	[smem:$0x3FB8] =	sst s0;
	s0 =	simm.s32 @!p1 $0x0  }
0x14: {  	s2 =	sld [smem:$0x3F9C];
	s0 =	simm.s32 @p1 $0x1  }
0x15: {  	[smem:$0x3FB9] =	sst s0;
	s0 =	simm.s32 @!p2 $0x0  }
0x16: {  	s3 =	sld [smem:$0x3FDB];
	s0 =	simm.s32 @p2 $0x1  }
0x17: {  	s4 =	simm.s32 $0x1BF5;
	[smem:$0x3FBB] =	sst s0  }
0x18: {  	s0 =	sld [smem:$0x3F9E];
	_ =	swait.ge [sflag:s4], $0x0  }
0x19: {  	s7 =	sld [smem:$0x3F9F]  }
0x1a: {  	s8 =	sadd.s32 $0xFFFFE003, lr  }
0x1b: {  	s9 =	sadd.s32 $0xFFFFFEF7, lr;
	s5 =	simm.s32 $0xFFFFFFFF;
	p2 =	slt.u32 s8, $0xFFFFF086  }
0x1c: {  	p1 =	slt.u32 s9, $0xF7A;
	s5 =	simm.s32 @!p2 $0x0  }
0x1d: {  	s5 =	simm.s32 @p1 $0x1;
	p0 =	seq.s32 s7, s2  }
0x1e: {  	s7 =	smul.u32 @!p0 $0xF7A, s2;
	p2 =	seq.s32 @!p0 s5, $0x0  }
0x1f: {  	s9 =	smul.u32 $0xF7A, s1;
	s8 =	simm.s32 @!p0 $0x1BF5;
	p2 =	por !p2, p0  }
0x20: {  	[sflag:s8] =	ssyncset.s32 @!p0 $0xFFFFF086;
	s6 =	sadd.s32 @!p0 s3, s7;
	s7 =	simm.s32 @!p0 $0x108  }
0x21: {  	s3 =	sadd.s32 s3, s9;
	s6 =	sadd.s32 @!p0 $0x88, s6;
	s7 =	simm.s32 @p2 $0x1082  }
0x22: {  	[simem:s7], [sflag:s8] =	dma.local @!p0 [hbm:s6], $0xF7A  }
0x23: {  	s9 =	sor.u32 $0xD0000000, s2;
	s6 =	simm.s32 $0x108;
	_ =	swait.ge @!p0 [sflag:s8], $0x0  }
0x24: {  	s3 =	sadd.s32 $0x88, s3;
	s6 =	simm.s32 @!p1 $0x1082;
	[sflag:s4] =	ssyncset.s32 $0xFFFFF086  }
0x25: {  	[simem:s6], [sflag:s4] =	dma.local [hbm:s3], $0xF7A  }
0x26: {  	[smem:$0x3F9F] =	sst s1;
	(tag) =	ssettag s2;
	_ =	strace s9  }
0x27: {  	s1 =	sld [smem:$0x3FAF]  }
0x28: {  	s2 =	sld [smem:$0x3FB0]  }
0x29: {  	s4 =	sld [smem:$0x3FB2]  }
0x2a: {  	p0 =	seq.s32 s5, $0x0;
	s5 =	sld [smem:$0x3FB3]  }
0x2b: {  	s6 =	sld [smem:$0x3FB4]  }
0x2c: {  	s7 =	sld [smem:$0x3FB5]  }
0x2d: {  	s3 =	simm.s32 $0x108;
	s8 =	sld [smem:$0x3FB6]  }
0x2e: {  	s3 =	simm.s32 @!p0 $0x1082;
	s9 =	sld [smem:$0x3FB7]  }
0x2f: {  	lr =	sadd.s32 s0, s3;
	s0 =	sld [smem:$0x3FAE]  }
0x30: {  	s3 =	sld [smem:$0x3FB1]  }
0x31: {  	[smem:$0x3FBA] =	sst s10  }
0x32: {  	s10 =	sld [smem:$0x3FB8];
	_ =	sdelay $0x3  }
0x33: {  	p0 =	seq.s32 s10, $0x1;
	s10 =	sld [smem:$0x3FBA];
	_ =	sdelay $0x3  }
0x34: {  	[smem:$0x3FBA] =	sst s10  }
0x35: {  	s10 =	sld [smem:$0x3FB9];
	_ =	sdelay $0x3  }
0x36: {  	p1 =	seq.s32 s10, $0x1;
	s10 =	sld [smem:$0x3FBA];
	_ =	sdelay $0x3  }
0x37: {  	[smem:$0x3FBA] =	sst s10  }
0x38: {  	s10 =	sld [smem:$0x3FBB]  }
0x39: {  	_ = 	snop;
	(pc) =	sbr.ind lr, $3  }
0x3a: {  	_ = 	snop  }
0x3b: {  	_ = 	snop  }
0x3c: {  	p2 =	seq.s32 s10, $0x1;
	s10 =	sld [smem:$0x3FBA]  }
0x3d: {  	_ =	shalt  }
0x3e: {  	_ =	shalt  }
0x3f: {  	_ =	shalt  }
0x40: {  	_ =	shalt  }
0x41: {  	_ =	shalt  }
0x42: {  	_ =	shalt  }
0x43: {  	_ =	shalt  }
0x44: {  	_ =	shalt  }
0x45: {  	_ =	shalt  }
0x46: {  	_ =	shalt  }
0x47: {  	_ =	shalt  }
0x48: {  	_ =	shalt  }
0x49: {  	_ =	shalt  }
0x4a: {  	_ =	shalt  }
0x4b: {  	_ =	shalt  }
0x4c: {  	_ =	shalt  }
0x4d: {  	_ =	shalt  }
0x4e: {  	_ =	shalt  }
0x4f: {  	_ =	shalt  }
0x50: {  	_ =	shalt  }
0x51: {  	_ =	shalt  }
0x52: {  	_ =	shalt  }
0x53: {  	_ =	shalt  }
0x54: {  	_ =	shalt  }
0x55: {  	_ =	shalt  }
0x56: {  	_ =	shalt  }
0x57: {  	_ =	shalt  }
0x58: {  	_ =	shalt  }
0x59: {  	_ =	shalt  }
0x5a: {  	_ =	shalt  }
0x5b: {  	_ =	shalt  }
0x5c: {  	_ =	shalt  }
0x5d: {  	_ =	shalt  }
0x5e: {  	_ =	shalt  }
0x5f: {  	_ =	shalt  }
0x60: {  	_ =	shalt  }
0x61: {  	_ =	shalt  }
0x62: {  	_ =	shalt  }
0x63: {  	_ =	shalt  }
0x64: {  	_ =	shalt  }
0x65: {  	_ =	shalt  }
0x66: {  	_ =	shalt  }
0x67: {  	_ =	shalt  }
0x68: {  	_ =	shalt  }
0x69: {  	_ =	shalt  }
0x6a: {  	_ =	shalt  }
0x6b: {  	_ =	shalt  }
0x6c: {  	_ =	shalt  }
0x6d: {  	_ =	shalt  }
0x6e: {  	_ =	shalt  }
0x6f: {  	_ =	shalt  }
0x70: {  	_ =	shalt  }
0x71: {  	_ =	shalt  }
0x72: {  	_ =	shalt  }
0x73: {  	_ =	shalt  }
0x74: {  	_ =	shalt  }
0x75: {  	_ =	shalt  }
0x76: {  	_ =	shalt  }
0x77: {  	_ =	shalt  }
0x78: {  	_ =	shalt  }
0x79: {  	_ =	shalt  }
0x7a: {  	_ =	shalt  }
0x7b: {  	_ =	shalt  }
0x7c: {  	_ =	shalt  }
0x7d: {  	_ =	shalt  }
0x7e: {  	_ =	shalt  }
0x7f: {  	_ =	shalt  }
0x80: {  	_ =	shalt  }
0x81: {  	_ =	shalt  }
0x82: {  	_ =	shalt  }
0x83: {  	_ =	shalt  }
0x84: {  	_ =	shalt  }
0x85: {  	_ =	shalt  }
0x86: {  	_ =	shalt  }
0x87: {  	_ =	shalt  }
.Lfunc_end0:
.L_simem_size_0:
called_computation_lowered:
.L_overlay_start_0:
0x88: {  	s2 =	sld [smem:$0x3FD9]  }
0x89: {  	s3 =	sld [smem:$0x3FFE];
	_ =	sdelay $0x1  }
0x8a: {  	s1 =	srdreg.scid  }
0x8b: {  	s0 =	sand.u32 $0x1, s1  }
0x8c: {  	s17 =	sshll.u32 s0, $0xA;
	s2 =	sadd.s32 s3, s2  }
0x8d: {  	s2 =	sadd.s32 s2, s17  }
0x8e: {  	[smem:$0x3FC6] =	sst s2  }
0x8f: {  	_ = 	snop  }
0x90: {  	s2 =	sld [smem:$0x3FD0];
	(tm) =	ssettm $0x1  }
0x91: {  	s18 =	sld [smem:$0x3FFB];
	_ =	sdelay $0x3  }
0x92: {  	_ =	strace s18  }
0x93: {  	s3 =	sld [smem:$0x3FFC];
	_ =	sdelay $0x3  }
0x94: {  	_ =	strace s3  }
0x95: {  	s3 =	sld [smem:$0x3FFD];
	_ =	sdelay $0x3  }
0x96: {  	_ =	strace s3  }
0x97: {  	_ =	strace $0x8FFFFFFF  }
0x98: {  	s19 =	sld [smem:$0x3FDB];
	_ =	sdelay $0x1  }
0x99: {  	s4 =	simm.s32 $_scs_section_size  }
0x9a: {  	s5 =	simm.s32 $_size__tile_overlayer_lowered;
	s6 =	simm.s32 $_tile_overlayer_lowered  }
0x9b: {  	s22 =	simm.s32 $0x1BFF;
	s21 =	sshll.u32 s6, $0x1;
	s3 =	sadd.s32 s4, s19  }
0x9c: {  	s7 =	simm.s32 $0x0;
	s20 =	sshll.u32 s5, $0x1;
	s5 =	sadd.s32 s21, s3  }
0x9d: {  	[timem:s7], [sflag:s22] =	dma.local [hbm:s5], s20  }
0x9e: {  	_ =	swait.ge [sflag:s22], s20  }
0x9f: {  	s4 =	ssub.s32 $0x0, s20;
	[sflag:s22] =	ssyncset.done $0x0  }
0xa0: {  	[sflag:s22] =	ssyncadd.s32 s4;
	_ =	sdelay $0x1  }
0xa1: {  	s23 =	simm.s32 $0x1B8B  }
0xa2: {  	_ =	swait.ge [sflag:s23], $0x1  }
0xa3: {  	[sflag:s23] =	ssyncset.done $0x0  }
0xa4: {  	s25 =	simm.s32 $0x1B8E;
	s24 =	sld [smem:$0x3FFE];
	[sflag:s23] =	ssyncadd.s32 $0xFFFFFFFF  }
0xa5: {  	s26 =	simm.s32 $execute0_lowered;
	[smem:$0x3FD2] =	sst s25  }
0xa6: {  	s5 =	sshll.u32 s26, $0x1;
	_ =	strace $0x80000046;
	[dreg:$0x1] =	wrdreg $0xFFFFFFFF  }
0xa7: {  	s28 =	simm.s32 $_size_execute0_lowered;
	s3 =	sadd.s32 s3, s5;
	[dreg:$0x0] =	wrdreg $0x0  }
0xa8: {  	s5 =	sshll.u32 s28, $0x1;
	[dreg:$0x2] =	wrdreg s3  }
0xa9: {  	[dreg:$0x3] =	wrdreg s5  }
0xaa: {  	[dreg:$0x4] =	wrdreg $0xC0  }
0xab: {  	_ =	task [dreg:s7], $0x5FFFF  }
0xac: {  	[dreg:$0x1] =	wrdreg $0xFFFFFFFF  }
0xad: {  	[dreg:$0x0] =	wrdreg $0x60  }
0xae: {  	[dreg:$0x2] =	wrdreg s24  }
0xaf: {  	[dreg:$0x3] =	wrdreg s2  }
0xb0: {  	[dreg:$0x4] =	wrdreg $0xCB800  }
0xb1: {  	[dreg:$0x5] =	wrdreg $0x9  }
0xb2: {  	_ =	task.clear_ibuf [dreg:s7], $0x6FFFF;
	_ =	strace $0x90000046  }
0xb3: {  	s29 =	simm.s32 $0x9;
	_ =	strace $0x80000048  }
0xb4: {  	_ =	swait.ge [sflag:s29], $0x1  }
0xb5: {  	[sflag:s29] =	ssyncadd.s32 $0xFFFFFFFF  }
0xb6: {  	_ =	strace $0x90000048  }
0xb7: {  	_ =	sfence  }
0xb8: {  	s30 =	sld [smem:$0x0];
	_ =	sdelay $0x2  }
0xb9: {  	s31 =	sshll.u32 s1, $0xD;
	s1 =	sshrl.u32 s1, $0x2  }
0xba: {  	s3 =	sand.u32 $0x4000, s31;
	s1 =	sadd.s32 s1, s30  }
0xbb: {  	s0 =	sor.u32 s3, s0;
	s1 =	sshll.u32 s1, $0x11  }
0xbc: {  	s0 =	sor.u32 s1, s0  }
0xbd: {  	s0 =	sadd.s32 $0x8F2B, s0  }
0xbe: {  	[sflag:s0] =	ssyncadd.remote.s32 $0x1  }
0xbf: {  	_ =	sfence.sel $0xFFFF  }
0xc0: {  	[dreg:$0x0] =	wrdreg $0xFFFFFFFF;
	(pc) =	sbr.abs _section_cstart, $3  }
0xc1: {  	[dreg:$0x1] =	wrdreg $0xFFFFFFFF  }
0xc2: {  	_ =	task.clear_ibuf [dreg:s7], $0x2FFFF;
	_ =	strace $0x9FFFFFFF  }
0xc3: {  	(tm) =	ssettm $0x7FFFFFFF  }
tec
execute0_lowered:
.L_overlay_start_1:
0x0: {  	(tag) =	ssettag $0x1  }
0x1: {  	s0 =	rddreg [dreg:$0x0]  }
0x2: {  	s2 =	rddreg [dreg:$0x1]  }
0x3: {  	s1 =	rddreg [dreg:$0x2]  }
0x4: {  	s3 =	simm.s32 $0x0;
	s11 =	stileid.u32;
	s14 =	srdreg.scid  }
0x5: {  	[smem:$0x7FF] =	sst s3;
	s4 =	sadd.s32 $0x29E00, s0;
	s12 =	smul.u32 $0xA500, s11  }
0x6: {  	s5 =	sadd.s32 $0x15400, s0;
	s15 =	smul.u32 $0x3F780, s11;
	s6 =	sadd.s32 $0xA00, s0  }
0x7: {  	s13 =	sadd.s32 $0xA8E800, s0;
	_ =	strace $0x80000047;
	[dreg:$0x4] =	wrdreg s4  }
0x8: {  	s10 =	smul.u32 $0xFD20, s11;
	s9 =	sadd.s32 $0x3E800, s0;
	[dreg:$0x6] =	wrdreg s5  }
0x9: {  	s19 =	smul.u32 $0x294000, s11;
	s4 =	sand.u32 $0x1, s14;
	[dreg:$0x7] =	wrdreg s6  }
0xa: {  	[dreg:$0x8] =	wrdreg s13;
	s16 =	ssub.s32 $0x2, s4;
	s7 =	smul.u32 $0xFD200, s4  }
0xb: {  	s17 =	smul.u32 $0xA5000, s4;
	[dreg:$0x5] =	wrdreg s12;
	s24 =	sadd.s32 s10, s1  }
0xc: {  	s5 =	sshrl.u32 s15, $0x2;
	s8 =	sshrl.u32 s16, $0x1;
	[dreg:$0xc] =	wrdreg s24  }
0xd: {  	s20 =	sadd.s32 s5, s1;
	s0 =	ssub.s32 s16, s8;
	[dreg:$0x9] =	wrdreg s17  }
0xe: {  	s18 =	sadd.s32 s10, s7;
	s29 =	sadd.s32 $0x5800, s20;
	[dreg:$0xa] =	wrdreg s20  }
0xf: {  	s23 =	sadd.s32 s12, s17;
	s30 =	sadd.s32 $0xB000, s20;
	[dreg:$0x1a] =	wrdreg s29  }
0x10: {  	s21 =	sshrl.u32 s18, $0x3;
	s0 =	smax.u32 s0, $0x1;
	[dreg:$0x1b] =	wrdreg s30  }
0x11: {  	s25 =	sshrl.u32 s23, $0x3;
	s14 =	sadd.s32 s2, s21;
	[dreg:$0x14] =	wrdreg s0  }
0x12: {  	s22 =	sshrl.u32 s19, $0x3;
	s7 =	sadd.s32 s9, s25;
	[dreg:$0xb] =	wrdreg s14  }
0x13: {  	s2 =	sadd.s32 s13, s22;
	s22 =	sadd.s32 $0xB00, s23;
	[dreg:$0xe] =	wrdreg s7  }
0x14: {  	s26 =	sadd.s32 $0x2, s2;
	[dreg:$0x15] =	wrdreg s22  }
0x15: {  	s31 =	sadd.s32 $0x2C02, s2;
	[dreg:$0xd] =	wrdreg s26  }
0x16: {  	s28 =	simm.s32 $0x3;
	s8 =	sadd.s32 $0x4, s2;
	[dreg:$0xf] =	wrdreg s31  }
0x17: {  	s12 =	smul.u32 $0x52800, s11;
	s10 =	sadd.s32 $0x2C04, s2;
	[dreg:$0x10] =	wrdreg s8  }
0x18: {  	s4 =	smul.u32 $0xFFFF02E0, s4;
	s15 =	sadd.s32 $0x6, s2;
	[dreg:$0x11] =	wrdreg s10  }
0x19: {  	v0 =	vimm.f32 $3.000000120e-01;
	s17 =	sadd.s32 s12, s13;
	s2 =	sadd.s32 $0x2C06, s2;
	[dreg:$0x12] =	wrdreg s15  }
0x1a: {  	(erf) = vrcp.f32 v0;
	v0 =	vimm.f32 $2.000000000e+01;
	s5 =	simm.s32 $0x0;
	s18 =	sadd.s32 $0x5802, s17;
	[dreg:$0x13] =	wrdreg s2  }
0x1b: {  	(erf) = vrcp.f32 v0;
	s16 =	sadd.s32 $0x1080, s23;
	s19 =	sadd.s32 $0x5804, s17;
	[dreg:$0x16] =	wrdreg s18  }
0x1c: {  	s21 =	smul.u32 $0x14A, s11;
	s0 =	sadd.s32 $0x5806, s17;
	[dreg:$0x17] =	wrdreg s19  }
0x1d: {  	s13 =	simm.s32 $0x5800;
	s24 =	sadd.s32 $0x3F480, s14;
	[dreg:$0x18] =	wrdreg s0  }
0x1e: {  	s25 =	sadd.s32 $0x7E900, s14;
	s17 =	simm.s32 $0x40;
	[dreg:$0x19] =	wrdreg s21  }
0x1f: {  	s2 =	sshrl.u32 s16, $0x3;
	s26 =	sadd.s32 $0xB0, s7;
	[dreg:$0x1d] =	wrdreg s24  }
.Ltmp0:
0x20: {  	[dreg:$0x1e] =	wrdreg s25;
	s31 =	sadd.s32 $0xBDD80, s14;
	(pc) =	sbr.rel .LBB2_1-.Ltmp0, $4  }
0x21: {  	s14 =	simm.s32 $0x4;
	s16 =	simm.s32 $0x10;
	s21 =	simm.s32 $0xB000  }
0x22: {  	s0 =	simm.s32 $0x1;
	s8 =	simm.s32 $0xB500;
	s10 =	simm.s32 $0x5000  }
0x23: {  	s24 =	simm.s32 $0xB580;
	s25 =	simm.s32 $0x2;
	[dreg:$0x1f] =	wrdreg s31;
	v0 =	vpop (erf)  }
0x24: {  	v3 =	vimm.f32 $0.0e+00;
	v4 =	vlaneseq.u32;
	v1 =	vmov s4;
	s23 =	sadd.s32 s2, s9;
	s2 =	simm.s32 $0x80;
	[dreg:$0x1c] =	wrdreg s26;
	v2 =	vpop (erf)  }
.LBB2_22:
0x25: {  	[bflag:$0x0] =	sbarrier.arrive $0xFFFF  }
0x26: {  	s4 =	rddreg [dreg:$0x1f]  }
0x27: {  	[hbm:s4], [sflag:s12] =	dma.local [spmem:s15], $0x1FA4  }
0x28: {  	_ =	swait.ge [sflag:s14], $0x1FA4  }
0x29: {  	s5 =	sld [smem:$0x7FD];
	_ =	sdelay $0x2  }
0x2a: {  	s31 =	rddreg [dreg:$0x14];
	s5 =	sadd.s32 $0x1, s5  }
0x2b: {  	p0 =	sne.s32 s5, s31  }
.Ltmp1:
0x2c: {  	_ = 	snop;
	(pc) =	sbr.rel @!p0 .LBB2_23-.Ltmp1, $3  }
0x2d: {  	_ =	sdelay $0x1  }
0x2e: {  	[sflag:s14] =	ssyncset.done $0x0  }
0x2f: {  	[sflag:s14] =	ssyncadd.s32 $0xFFFFE05C  }
.LBB2_1:
0x30: {  	[smem:$0x7FD] =	sst s5  }
0x31: {  	s4 =	simm.s32 $0x40;
	s6 =	simm.s32 $0x0;
	[bflag:$0x0] =	sbarrier.arrive $0xFFFF  }
.LBB2_2:
0x32: {  	p0 =	sne.s32 s4, $0x15FC0;
	[tilespmem:s6+$0x0] =	vst v3;
	s6 =	smov.u32 s4;
	s4 =	sadd.s32 $0x40, s4  }
.Ltmp2:
0x33: {  	(pc) =	sbr.rel @p0 .LBB2_2-.Ltmp2, $2  }
0x34: {  	_ =	sdelay $0x2  }
0x35: {  	s6 =	sshra.s32 s6, $0x2  }
0x36: {  	[tilespmem:s6+$0x0] =	vst v3;
	s26 =	simm.s32 $0x0  }
0x37: {  	[spmem:s20] =	stream.linear.scatter [tilespmem:s26], [sflag:$0x4], $0x5800, $0x38;
	[tilespmem:$0x1C960] =	vst v63  }
0x38: {  	_ =	swait.ge [sflag:s14], $0x5800  }
0x39: {  	[sflag:s14] =	ssyncset.done $0x0  }
0x3a: {  	[sflag:s14] =	ssyncadd.s32 $0xFFFFA800  }
0x3b: {  	[spmem:s29] =	stream.linear.scatter [tilespmem:s26], [sflag:$0x4], $0x5800, $0x38;
	[tilespmem:$0x1C960] =	vst v63  }
0x3c: {  	_ =	swait.ge [sflag:s14], $0x5800  }
0x3d: {  	[sflag:s14] =	ssyncset.done $0x0  }
0x3e: {  	[sflag:s14] =	ssyncadd.s32 $0xFFFFA800  }
0x3f: {  	[spmem:s30] =	stream.linear.scatter [tilespmem:s26], [sflag:$0x4], $0x4DE0, $0x38;
	[tilespmem:$0x1C960] =	vst v63  }
0x40: {  	_ =	swait.ge [sflag:s14], $0x4DE0  }
0x41: {  	[sflag:s14] =	ssyncset.done $0x0  }
0x42: {  	[sflag:s14] =	ssyncadd.s32 $0xFFFFB220  }
0x43: {  	s12 =	simm.s32 $0x0;
	[bflag:$0x0] =	sbarrier.arrive $0xFFFF  }
.LBB2_4:
0x44: {  	s4 =	smul.u32 $0x580, s12  }
0x45: {  	s5 =	rddreg [dreg:$0x5]  }
0x46: {  	s4 =	sadd.s32 s5, s4  }
0x47: {  	s22 =	rddreg [dreg:$0x8];
	s6 =	sshll.u32 s4, $0x3  }
0x48: {  	s30 =	rddreg [dreg:$0x4];
	s4 =	sshrl.u32 s4, $0x3;
	s6 =	sadd.s32 s22, s6  }
0x49: {  	[tilespmem:s26], [sflag:$0x1] =	stream.strided.gather [hbm4b:s6+s16], $0x5800, s17, s16, $0x38;
	[tilespmem:$0x1C960] =	vst v63  }
0x4a: {  	s7 =	simm.s32 $0xBB00;
	s5 =	sadd.s32 s30, s4  }
0x4b: {  	[tilespmem:s7], [sflag:$0x4] =	stream.linear.gather [hbm4b:s5+s26], $0x580, $0x38;
	[tilespmem:$0x1C960] =	vst v63  }
0x4c: {  	_ =	swait.ge [sflag:s14], $0x580  }
0x4d: {  	[sflag:s14] =	ssyncset.done $0x0;
	s11 =	rddreg [dreg:$0x6]  }
0x4e: {  	s18 =	simm.s32 $0xC080;
	[sflag:s14] =	ssyncadd.s32 $0xFFFFFA80;
	s15 =	sadd.s32 s11, s4  }
0x4f: {  	[tilespmem:s18], [sflag:$0x4] =	stream.linear.gather [hbm4b:s15+s26], $0x580, $0x38;
	[tilespmem:$0x1C960] =	vst v63  }
0x50: {  	_ =	swait.ge [sflag:s14], $0x580  }
0x51: {  	[sflag:s14] =	ssyncset.done $0x0;
	s19 =	rddreg [dreg:$0x7]  }
0x52: {  	s20 =	simm.s32 $0xC600;
	[sflag:s14] =	ssyncadd.s32 $0xFFFFFA80;
	s4 =	sadd.s32 s19, s4  }
0x53: {  	[tilespmem:s20], [sflag:$0x4] =	stream.linear.gather [hbm4b:s4+s26], $0x580, $0x38;
	[tilespmem:$0x1C960] =	vst v63  }
0x54: {  	_ =	swait.ge [sflag:s14], $0x580  }
0x55: {  	[sflag:s14] =	ssyncset.done $0x0  }
0x56: {  	s11 =	simm.s32 $0xBB40;
	[sflag:s14] =	ssyncadd.s32 $0xFFFFFA80  }
0x57: {  	s15 =	simm.s32 $0xC0C0;
	v5 =	vld [tilespmem:s11+$0xFFFFFFC0]  }
0x58: {  	s31 =	simm.s32 $0xC640;
	v6 =	vld [tilespmem:s15+$0xFFFFFFC0]  }
0x59: {  	v7 =	vld [tilespmem:s31+$0xFFFFFFC0];
	_ =	sdelay $0x2  }
0x5a: {  	v5 =	vadd.f32 $5.400000000e+01, v5  }
0x5b: {  	v6 =	vadd.f32 $5.400000000e+01, v6  }
0x5c: {  	s22 =	sand.u32 $0xFFFF, s26;
	v7 =	vadd.f32 $1.000000000e+01, v7;
	v5 =	vmul.f32 v5, v0  }
0x5d: {  	s4 =	smul.u32 $0xBA2F, s22;
	v6 =	vmul.f32 v6, v0  }
0x5e: {  	v7 =	vmul.f32 v7, v2;
	v5 =	vtrunc.f32 v5  }
0x5f: {  	s4 =	sshrl.u32 s4, $0x17;
	v6 =	vtrunc.f32 v6;
	v5 =	vcvt.f32.s32 v5  }
0x60: {  	s4 =	smul.u32 $0xB0, s4;
	v7 =	vtrunc.f32 v7;
	v6 =	vcvt.f32.s32 v6  }
0x61: {  	v7 =	vcvt.f32.s32 v7;
	v8 =	vmul.u32 $0x168, v5  }
0x62: {  	s4 =	ssub.s32 $0x0, s4;
	vm0 =	vlt.u32 v5, $0x168;
	vm1 =	vlt.u32 v6, $0x168;
	v5 =	vadd.s32 v6, v1  }
0x63: {  	s4 =	sadd.s32 $0xFFFFFD20, s4;
	vm10 =	veq.s32 v7, $0x0;
	vm0 =	vmand vm0, vm1;
	v5 =	vadd.s32 v8, v5  }
0x64: {  	s4 =	sand.u32 $0xFFFF, s4;
	vm0 =	vmand vm0, vm10;
	vm11 =	vlt.u32 v5, $0xFD20  }
0x65: {  	v6 =	vor.u32 s4, v4;
	vm0 =	vmand vm0, vm11  }
0x66: {  	s22 =	simm.s32 $0xB040;
	v5 =	vsel vm0, v5, v6  }
0x67: {  	[tilespmem:s22+$0xFFFFFFC0] =	vst v5  }
0x68: {  	v5 =	vld [tilespmem:s11+$0xFFFFFFD0]  }
0x69: {  	v6 =	vld [tilespmem:s15+$0xFFFFFFD0]  }
0x6a: {  	v7 =	vld [tilespmem:s31+$0xFFFFFFD0];
	_ =	sdelay $0x2  }
0x6b: {  	v5 =	vadd.f32 $5.400000000e+01, v5  }
0x6c: {  	v6 =	vadd.f32 $5.400000000e+01, v6  }
0x6d: {  	s18 =	smul.u32 $0xBA2F, s26;
	v7 =	vadd.f32 $1.000000000e+01, v7;
	v5 =	vmul.f32 v5, v0  }
0x6e: {  	v6 =	vmul.f32 v6, v0  }
0x6f: {  	s30 =	sadd.s32 $0xBA2F0, s18;
	v7 =	vmul.f32 v7, v2;
	v5 =	vtrunc.f32 v5  }
0x70: {  	s4 =	sshrl.u32 s30, $0x17;
	v6 =	vtrunc.f32 v6;
	v5 =	vcvt.f32.s32 v5  }
0x71: {  	s4 =	smul.u32 $0xB0, s4;
	v7 =	vtrunc.f32 v7;
	v6 =	vcvt.f32.s32 v6  }
0x72: {  	v7 =	vcvt.f32.s32 v7;
	v57 =	vmul.u32 $0x168, v5  }
0x73: {  	s4 =	ssub.s32 $0x0, s4;
	vm12 =	vlt.u32 v5, $0x168;
	vm13 =	vlt.u32 v6, $0x168;
	v5 =	vadd.s32 v6, v1  }
0x74: {  	s4 =	sadd.s32 $0xFFFFFD30, s4;
	vm14 =	veq.s32 v7, $0x0;
	vm0 =	vmand vm12, vm13;
	v5 =	vadd.s32 v57, v5  }
0x75: {  	s4 =	sand.u32 $0xFFFF, s4;
	vm0 =	vmand vm0, vm14;
	vm15 =	vlt.u32 v5, $0xFD20  }
0x76: {  	v6 =	vor.u32 s4, v4;
	vm0 =	vmand vm0, vm15  }
0x77: {  	v5 =	vsel vm0, v5, v6  }
0x78: {  	[tilespmem:s22+$0xFFFFFFD0] =	vst v5  }
0x79: {  	v5 =	vld [tilespmem:s11+$0xFFFFFFE0]  }
0x7a: {  	v6 =	vld [tilespmem:s15+$0xFFFFFFE0]  }
0x7b: {  	v7 =	vld [tilespmem:s31+$0xFFFFFFE0];
	_ =	sdelay $0x2  }
0x7c: {  	v5 =	vadd.f32 $5.400000000e+01, v5  }
0x7d: {  	v6 =	vadd.f32 $5.400000000e+01, v6  }
0x7e: {  	v7 =	vadd.f32 $1.000000000e+01, v7;
	v5 =	vmul.f32 v5, v0  }
0x7f: {  	v6 =	vmul.f32 v6, v0  }
0x80: {  	s5 =	sadd.s32 $0x1745E0, s18;
	v7 =	vmul.f32 v7, v2;
	v5 =	vtrunc.f32 v5  }
0x81: {  	s4 =	sshrl.u32 s5, $0x17;
	v6 =	vtrunc.f32 v6;
	v5 =	vcvt.f32.s32 v5  }
0x82: {  	s4 =	smul.u32 $0xB0, s4;
	v7 =	vtrunc.f32 v7;
	v6 =	vcvt.f32.s32 v6  }
0x83: {  	v7 =	vcvt.f32.s32 v7;
	v58 =	vmul.u32 $0x168, v5  }
0x84: {  	s4 =	ssub.s32 $0x0, s4;
	vm4 =	vlt.u32 v5, $0x168;
	vm5 =	vlt.u32 v6, $0x168;
	v5 =	vadd.s32 v6, v1  }
0x85: {  	s4 =	sadd.s32 $0xFFFFFD40, s4;
	vm6 =	veq.s32 v7, $0x0;
	vm0 =	vmand vm4, vm5;
	v5 =	vadd.s32 v58, v5  }
0x86: {  	s4 =	sand.u32 $0xFFFF, s4;
	vm0 =	vmand vm0, vm6;
	vm7 =	vlt.u32 v5, $0xFD20  }
0x87: {  	v6 =	vor.u32 s4, v4;
	vm0 =	vmand vm0, vm7  }
0x88: {  	v5 =	vsel vm0, v5, v6  }
0x89: {  	[tilespmem:s22+$0xFFFFFFE0] =	vst v5  }
0x8a: {  	v5 =	vld [tilespmem:s11+$0xFFFFFFF0]  }
0x8b: {  	v6 =	vld [tilespmem:s15+$0xFFFFFFF0]  }
0x8c: {  	v7 =	vld [tilespmem:s31+$0xFFFFFFF0];
	_ =	sdelay $0x2  }
0x8d: {  	v5 =	vadd.f32 $5.400000000e+01, v5  }
0x8e: {  	v6 =	vadd.f32 $5.400000000e+01, v6  }
0x8f: {  	v7 =	vadd.f32 $1.000000000e+01, v7;
	v5 =	vmul.f32 v5, v0  }
0x90: {  	v6 =	vmul.f32 v6, v0  }
0x91: {  	s6 =	sadd.s32 $0x22E8D0, s18;
	v7 =	vmul.f32 v7, v2;
	v5 =	vtrunc.f32 v5  }
0x92: {  	s4 =	sshrl.u32 s6, $0x17;
	v6 =	vtrunc.f32 v6;
	v5 =	vcvt.f32.s32 v5  }
0x93: {  	s4 =	smul.u32 $0xB0, s4;
	v7 =	vtrunc.f32 v7;
	v6 =	vcvt.f32.s32 v6  }
0x94: {  	v7 =	vcvt.f32.s32 v7;
	v59 =	vmul.u32 $0x168, v5  }
0x95: {  	s4 =	ssub.s32 $0x0, s4;
	vm8 =	vlt.u32 v5, $0x168;
	vm9 =	vlt.u32 v6, $0x168;
	v5 =	vadd.s32 v6, v1  }
0x96: {  	s4 =	sadd.s32 $0xFFFFFD50, s4;
	vm10 =	veq.s32 v7, $0x0;
	vm0 =	vmand vm8, vm9;
	v5 =	vadd.s32 v59, v5  }
0x97: {  	s4 =	sand.u32 $0xFFFF, s4;
	vm0 =	vmand vm0, vm10;
	vm11 =	vlt.u32 v5, $0xFD20  }
0x98: {  	v6 =	vor.u32 s4, v4;
	vm0 =	vmand vm0, vm11  }
0x99: {  	v5 =	vsel vm0, v5, v6  }
0x9a: {  	[tilespmem:s22+$0xFFFFFFF0] =	vst v5  }
0x9b: {  	v5 =	vld [tilespmem:s11+$0x0]  }
0x9c: {  	v6 =	vld [tilespmem:s15+$0x0]  }
0x9d: {  	v7 =	vld [tilespmem:s31+$0x0];
	_ =	sdelay $0x2  }
0x9e: {  	v5 =	vadd.f32 $5.400000000e+01, v5  }
0x9f: {  	v6 =	vadd.f32 $5.400000000e+01, v6  }
0xa0: {  	v7 =	vadd.f32 $1.000000000e+01, v7;
	v5 =	vmul.f32 v5, v0  }
0xa1: {  	v6 =	vmul.f32 v6, v0  }
0xa2: {  	s7 =	sadd.s32 $0x2E8BC0, s18;
	v7 =	vmul.f32 v7, v2;
	v5 =	vtrunc.f32 v5  }
0xa3: {  	s4 =	sshrl.u32 s7, $0x17;
	v6 =	vtrunc.f32 v6;
	v5 =	vcvt.f32.s32 v5  }
0xa4: {  	s4 =	smul.u32 $0xB0, s4;
	v7 =	vtrunc.f32 v7;
	v6 =	vcvt.f32.s32 v6  }
0xa5: {  	v7 =	vcvt.f32.s32 v7;
	v60 =	vmul.u32 $0x168, v5  }
0xa6: {  	s4 =	ssub.s32 $0x0, s4;
	vm12 =	vlt.u32 v5, $0x168;
	vm13 =	vlt.u32 v6, $0x168;
	v5 =	vadd.s32 v6, v1  }
0xa7: {  	s4 =	sadd.s32 $0xFFFFFD60, s4;
	vm14 =	veq.s32 v7, $0x0;
	vm0 =	vmand vm12, vm13;
	v5 =	vadd.s32 v60, v5  }
0xa8: {  	s4 =	sand.u32 $0xFFFF, s4;
	vm0 =	vmand vm0, vm14;
	vm15 =	vlt.u32 v5, $0xFD20  }
0xa9: {  	v6 =	vor.u32 s4, v4;
	vm0 =	vmand vm0, vm15  }
0xaa: {  	v5 =	vsel vm0, v5, v6  }
0xab: {  	[tilespmem:s22+$0x0] =	vst v5  }
0xac: {  	v5 =	vld [tilespmem:s11+$0x10]  }
0xad: {  	v6 =	vld [tilespmem:s15+$0x10]  }
0xae: {  	v7 =	vld [tilespmem:s31+$0x10];
	_ =	sdelay $0x2  }
0xaf: {  	v5 =	vadd.f32 $5.400000000e+01, v5  }
0xb0: {  	v6 =	vadd.f32 $5.400000000e+01, v6  }
0xb1: {  	v7 =	vadd.f32 $1.000000000e+01, v7;
	v5 =	vmul.f32 v5, v0  }
0xb2: {  	v6 =	vmul.f32 v6, v0  }
0xb3: {  	s19 =	sadd.s32 $0x3A2EB0, s18;
	v7 =	vmul.f32 v7, v2;
	v5 =	vtrunc.f32 v5  }
0xb4: {  	s4 =	sshrl.u32 s19, $0x17;
	v6 =	vtrunc.f32 v6;
	v5 =	vcvt.f32.s32 v5  }
0xb5: {  	s4 =	smul.u32 $0xB0, s4;
	v7 =	vtrunc.f32 v7;
	v6 =	vcvt.f32.s32 v6  }
0xb6: {  	v7 =	vcvt.f32.s32 v7;
	v61 =	vmul.u32 $0x168, v5  }
0xb7: {  	s4 =	ssub.s32 $0x0, s4;
	vm4 =	vlt.u32 v5, $0x168;
	vm5 =	vlt.u32 v6, $0x168;
	v5 =	vadd.s32 v6, v1  }
0xb8: {  	s4 =	sadd.s32 $0xFFFFFD70, s4;
	vm6 =	veq.s32 v7, $0x0;
	vm0 =	vmand vm4, vm5;
	v5 =	vadd.s32 v61, v5  }
0xb9: {  	s4 =	sand.u32 $0xFFFF, s4;
	vm0 =	vmand vm0, vm6;
	vm7 =	vlt.u32 v5, $0xFD20  }
0xba: {  	v6 =	vor.u32 s4, v4;
	vm0 =	vmand vm0, vm7  }
0xbb: {  	v5 =	vsel vm0, v5, v6  }
0xbc: {  	[tilespmem:s22+$0x10] =	vst v5  }
0xbd: {  	v5 =	vld [tilespmem:s11+$0x20]  }
0xbe: {  	v6 =	vld [tilespmem:s15+$0x20]  }
0xbf: {  	v7 =	vld [tilespmem:s31+$0x20];
	_ =	sdelay $0x2  }
0xc0: {  	v5 =	vadd.f32 $5.400000000e+01, v5  }
0xc1: {  	v6 =	vadd.f32 $5.400000000e+01, v6  }
0xc2: {  	v7 =	vadd.f32 $1.000000000e+01, v7;
	v5 =	vmul.f32 v5, v0  }
0xc3: {  	v6 =	vmul.f32 v6, v0  }
0xc4: {  	s20 =	sadd.s32 $0x45D1A0, s18;
	v7 =	vmul.f32 v7, v2;
	v5 =	vtrunc.f32 v5  }
0xc5: {  	s4 =	sshrl.u32 s20, $0x17;
	v6 =	vtrunc.f32 v6;
	v5 =	vcvt.f32.s32 v5  }
0xc6: {  	s4 =	smul.u32 $0xB0, s4;
	v7 =	vtrunc.f32 v7;
	v6 =	vcvt.f32.s32 v6  }
0xc7: {  	v7 =	vcvt.f32.s32 v7;
	v62 =	vmul.u32 $0x168, v5  }
0xc8: {  	s4 =	ssub.s32 $0x0, s4;
	vm8 =	vlt.u32 v5, $0x168;
	vm9 =	vlt.u32 v6, $0x168;
	v5 =	vadd.s32 v6, v1  }
0xc9: {  	s4 =	sadd.s32 $0xFFFFFD80, s4;
	vm10 =	veq.s32 v7, $0x0;
	vm0 =	vmand vm8, vm9;
	v5 =	vadd.s32 v62, v5  }
0xca: {  	s4 =	sand.u32 $0xFFFF, s4;
	vm0 =	vmand vm0, vm10;
	vm11 =	vlt.u32 v5, $0xFD20  }
0xcb: {  	v6 =	vor.u32 s4, v4;
	vm0 =	vmand vm0, vm11  }
0xcc: {  	v5 =	vsel vm0, v5, v6  }
0xcd: {  	[tilespmem:s22+$0x20] =	vst v5  }
0xce: {  	v5 =	vld [tilespmem:s11+$0x30]  }
0xcf: {  	v6 =	vld [tilespmem:s15+$0x30]  }
0xd0: {  	v7 =	vld [tilespmem:s31+$0x30];
	_ =	sdelay $0x2  }
0xd1: {  	v5 =	vadd.f32 $5.400000000e+01, v5  }
0xd2: {  	v6 =	vadd.f32 $5.400000000e+01, v6  }
0xd3: {  	v7 =	vadd.f32 $1.000000000e+01, v7;
	v5 =	vmul.f32 v5, v0  }
0xd4: {  	v6 =	vmul.f32 v6, v0  }
0xd5: {  	s30 =	sadd.s32 $0x517490, s18;
	v7 =	vmul.f32 v7, v2;
	v5 =	vtrunc.f32 v5  }
0xd6: {  	s4 =	sshrl.u32 s30, $0x17;
	v6 =	vtrunc.f32 v6;
	v5 =	vcvt.f32.s32 v5  }
0xd7: {  	s4 =	smul.u32 $0xB0, s4;
	v7 =	vtrunc.f32 v7;
	v6 =	vcvt.f32.s32 v6  }
0xd8: {  	v7 =	vcvt.f32.s32 v7;
	v63 =	vmul.u32 $0x168, v5  }
0xd9: {  	s4 =	ssub.s32 $0x0, s4;
	vm12 =	vlt.u32 v5, $0x168;
	vm13 =	vlt.u32 v6, $0x168;
	v5 =	vadd.s32 v6, v1  }
0xda: {  	s4 =	sadd.s32 $0xFFFFFD90, s4;
	vm14 =	veq.s32 v7, $0x0;
	vm0 =	vmand vm12, vm13;
	v5 =	vadd.s32 v63, v5  }
0xdb: {  	s4 =	sand.u32 $0xFFFF, s4;
	vm0 =	vmand vm0, vm14;
	vm15 =	vlt.u32 v5, $0xFD20  }
0xdc: {  	v6 =	vor.u32 s4, v4;
	vm0 =	vmand vm0, vm15  }
0xdd: {  	s29 =	simm.s32 $0xBBC0;
	s11 =	simm.s32 $0x80;
	v5 =	vsel vm0, v5, v6  }
.LBB2_5:
0xde: {  	[tilespmem:s22+$0x30] =	vst v5;
	s22 =	sadd.s32 $0x80, s22;
	s31 =	sadd.s32 $0x80, s31;
	s15 =	sadd.s32 $0x80, s15  }
0xdf: {  	p0 =	sne.s32 s11, $0x500;
	s18 =	smov.u32 s11;
	s11 =	sadd.s32 $0x80, s11;
	v5 =	vld [tilespmem:s29+$0xFFFFFFC0]  }
0xe0: {  	v6 =	vld [tilespmem:s15+$0xFFFFFFC0]  }
0xe1: {  	v7 =	vld [tilespmem:s31+$0xFFFFFFC0];
	_ =	sdelay $0x2  }
0xe2: {  	v5 =	vadd.f32 $5.400000000e+01, v5  }
0xe3: {  	v6 =	vadd.f32 $5.400000000e+01, v6  }
0xe4: {  	s4 =	sand.u32 $0xFFFF, s18;
	v5 =	vmul.f32 v5, v0;
	v7 =	vadd.f32 $1.000000000e+01, v7  }
0xe5: {  	s4 =	smul.u32 $0xBA2F, s4;
	v6 =	vmul.f32 v6, v0  }
0xe6: {  	v5 =	vtrunc.f32 v5;
	v7 =	vmul.f32 v7, v2  }
0xe7: {  	s4 =	sshrl.u32 s4, $0x17;
	v5 =	vcvt.f32.s32 v5;
	v6 =	vtrunc.f32 v6  }
0xe8: {  	s4 =	smul.u32 $0xB0, s4;
	v6 =	vcvt.f32.s32 v6;
	v7 =	vtrunc.f32 v7  }
0xe9: {  	v7 =	vcvt.f32.s32 v7;
	v8 =	vmul.u32 $0x168, v5  }
0xea: {  	s4 =	ssub.s32 s18, s4;
	vm0 =	vlt.u32 v5, $0x168;
	vm1 =	vlt.u32 v6, $0x168;
	v5 =	vadd.s32 v6, v1  }
0xeb: {  	s4 =	sadd.s32 $0xFFFFFD20, s4;
	vm0 =	vmand vm0, vm1;
	vm1 =	veq.s32 v7, $0x0;
	v5 =	vadd.s32 v8, v5  }
0xec: {  	s4 =	sand.u32 $0xFFFF, s4;
	vm0 =	vmand vm0, vm1;
	vm1 =	vlt.u32 v5, $0xFD20  }
0xed: {  	v6 =	vor.u32 s4, v4;
	vm0 =	vmand vm0, vm1  }
0xee: {  	v5 =	vsel vm0, v5, v6  }
0xef: {  	[tilespmem:s22+$0xFFFFFFC0] =	vst v5  }
0xf0: {  	v5 =	vld [tilespmem:s29+$0xFFFFFFD0]  }
0xf1: {  	v6 =	vld [tilespmem:s15+$0xFFFFFFD0]  }
0xf2: {  	v7 =	vld [tilespmem:s31+$0xFFFFFFD0];
	_ =	sdelay $0x2  }
0xf3: {  	v5 =	vadd.f32 $5.400000000e+01, v5  }
0xf4: {  	v6 =	vadd.f32 $5.400000000e+01, v6  }
0xf5: {  	s19 =	smul.u32 $0xBA2F, s18;
	v5 =	vmul.f32 v5, v0;
	v7 =	vadd.f32 $1.000000000e+01, v7  }
0xf6: {  	v6 =	vmul.f32 v6, v0  }
0xf7: {  	s6 =	sadd.s32 $0x1745E0, s19;
	s4 =	sadd.s32 $0xBA2F0, s19;
	v5 =	vtrunc.f32 v5;
	v7 =	vmul.f32 v7, v2  }
0xf8: {  	s20 =	sadd.s32 $0x22E8D0, s19;
	s6 =	sshrl.u32 s6, $0x17;
	s4 =	sshrl.u32 s4, $0x17;
	v5 =	vcvt.f32.s32 v5;
	v6 =	vtrunc.f32 v6  }
0xf9: {  	s30 =	sadd.s32 $0x2E8BC0, s19;
	s20 =	sshrl.u32 s20, $0x17;
	s4 =	smul.u32 $0xB0, s4;
	v6 =	vcvt.f32.s32 v6;
	v7 =	vtrunc.f32 v7  }
0xfa: {  	s5 =	sadd.s32 $0x3A2EB0, s19;
	s30 =	sshrl.u32 s30, $0x17;
	s6 =	smul.u32 $0xB0, s6;
	v7 =	vcvt.f32.s32 v7;
	vm0 =	vlt.u32 v5, $0x168;
	v5 =	vmul.u32 $0x168, v5  }
0xfb: {  	s5 =	sshrl.u32 s5, $0x17;
	s20 =	smul.u32 $0xB0, s20;
	s4 =	ssub.s32 s18, s4;
	vm1 =	vlt.u32 v6, $0x168;
	v6 =	vadd.s32 v6, v1  }
0xfc: {  	s30 =	smul.u32 $0xB0, s30;
	s6 =	ssub.s32 s18, s6;
	s4 =	sadd.s32 $0xFFFFFD30, s4;
	vm0 =	vmand vm0, vm1;
	vm1 =	veq.s32 v7, $0x0;
	v5 =	vadd.s32 v5, v6  }
0xfd: {  	s20 =	ssub.s32 s18, s20;
	s6 =	sadd.s32 $0xFFFFFD40, s6;
	s4 =	sand.u32 $0xFFFF, s4;
	vm0 =	vmand vm0, vm1;
	vm1 =	vlt.u32 v5, $0xFD20  }
0xfe: {  	s6 =	sand.u32 $0xFFFF, s6;
	v6 =	vor.u32 s4, v4;
	s4 =	sadd.s32 $0xFFFFFD50, s20;
	s20 =	ssub.s32 s18, s30;
	vm0 =	vmand vm0, vm1  }
0xff: {  	s5 =	smul.u32 $0xB0, s5;
	s4 =	sand.u32 $0xFFFF, s4;
	s20 =	sadd.s32 $0xFFFFFD60, s20;
	v5 =	vsel vm0, v5, v6  }
0x100: {  	s30 =	sadd.s32 $0x45D1A0, s19;
	s20 =	sand.u32 $0xFFFF, s20;
	[tilespmem:s22+$0xFFFFFFD0] =	vst v5  }
0x101: {  	s5 =	ssub.s32 s18, s5;
	s19 =	sadd.s32 $0x517490, s19;
	s30 =	sshrl.u32 s30, $0x17;
	v5 =	vld [tilespmem:s29+$0xFFFFFFE0]  }
0x102: {  	s5 =	sadd.s32 $0xFFFFFD70, s5;
	s7 =	sshrl.u32 s19, $0x17;
	s30 =	smul.u32 $0xB0, s30;
	v6 =	vld [tilespmem:s15+$0xFFFFFFE0]  }
0x103: {  	s19 =	sand.u32 $0xFFFF, s5;
	s5 =	smul.u32 $0xB0, s7;
	v7 =	vld [tilespmem:s31+$0xFFFFFFE0]  }
0x104: {  	s7 =	ssub.s32 s18, s30  }
0x105: {  	s5 =	ssub.s32 s18, s5;
	s7 =	sadd.s32 $0xFFFFFD80, s7  }
0x106: {  	s5 =	sadd.s32 $0xFFFFFD90, s5;
	s18 =	sand.u32 $0xFFFF, s7;
	v5 =	vadd.f32 $5.400000000e+01, v5  }
0x107: {  	s30 =	sand.u32 $0xFFFF, s5;
	v6 =	vadd.f32 $5.400000000e+01, v6  }
0x108: {  	v5 =	vmul.f32 v5, v0;
	v7 =	vadd.f32 $1.000000000e+01, v7  }
0x109: {  	v6 =	vmul.f32 v6, v0  }
0x10a: {  	v5 =	vtrunc.f32 v5;
	v7 =	vmul.f32 v7, v2  }
0x10b: {  	v5 =	vcvt.f32.s32 v5;
	v6 =	vtrunc.f32 v6  }
0x10c: {  	v6 =	vcvt.f32.s32 v6;
	v7 =	vtrunc.f32 v7  }
0x10d: {  	v7 =	vcvt.f32.s32 v7;
	v8 =	vmul.u32 $0x168, v5  }
0x10e: {  	vm0 =	vlt.u32 v5, $0x168;
	vm1 =	vlt.u32 v6, $0x168;
	v5 =	vadd.s32 v6, v1  }
0x10f: {  	vm0 =	vmand vm0, vm1;
	vm1 =	veq.s32 v7, $0x0;
	v5 =	vadd.s32 v8, v5  }
0x110: {  	vm0 =	vmand vm0, vm1;
	vm1 =	vlt.u32 v5, $0xFD20  }
0x111: {  	v6 =	vor.u32 s6, v4;
	vm0 =	vmand vm0, vm1  }
0x112: {  	v5 =	vsel vm0, v5, v6  }
0x113: {  	[tilespmem:s22+$0xFFFFFFE0] =	vst v5  }
0x114: {  	v5 =	vld [tilespmem:s29+$0xFFFFFFF0]  }
0x115: {  	v6 =	vld [tilespmem:s15+$0xFFFFFFF0]  }
0x116: {  	v7 =	vld [tilespmem:s31+$0xFFFFFFF0];
	_ =	sdelay $0x2  }
0x117: {  	v5 =	vadd.f32 $5.400000000e+01, v5  }
0x118: {  	v6 =	vadd.f32 $5.400000000e+01, v6  }
0x119: {  	v5 =	vmul.f32 v5, v0;
	v7 =	vadd.f32 $1.000000000e+01, v7  }
0x11a: {  	v6 =	vmul.f32 v6, v0  }
0x11b: {  	v5 =	vtrunc.f32 v5;
	v7 =	vmul.f32 v7, v2  }
0x11c: {  	v5 =	vcvt.f32.s32 v5;
	v6 =	vtrunc.f32 v6  }
0x11d: {  	v6 =	vcvt.f32.s32 v6;
	v7 =	vtrunc.f32 v7  }
0x11e: {  	v7 =	vcvt.f32.s32 v7;
	v8 =	vmul.u32 $0x168, v5  }
0x11f: {  	vm0 =	vlt.u32 v5, $0x168;
	vm1 =	vlt.u32 v6, $0x168;
	v5 =	vadd.s32 v6, v1  }
0x120: {  	vm0 =	vmand vm0, vm1;
	vm1 =	veq.s32 v7, $0x0;
	v5 =	vadd.s32 v8, v5  }
0x121: {  	vm0 =	vmand vm0, vm1;
	vm1 =	vlt.u32 v5, $0xFD20  }
0x122: {  	v6 =	vor.u32 s4, v4;
	vm0 =	vmand vm0, vm1  }
0x123: {  	v5 =	vsel vm0, v5, v6  }
0x124: {  	[tilespmem:s22+$0xFFFFFFF0] =	vst v5  }
0x125: {  	v5 =	vld [tilespmem:s29+$0x0]  }
0x126: {  	v6 =	vld [tilespmem:s15+$0x0]  }
0x127: {  	v7 =	vld [tilespmem:s31+$0x0];
	_ =	sdelay $0x2  }
0x128: {  	v5 =	vadd.f32 $5.400000000e+01, v5  }
0x129: {  	v6 =	vadd.f32 $5.400000000e+01, v6  }
0x12a: {  	v5 =	vmul.f32 v5, v0;
	v7 =	vadd.f32 $1.000000000e+01, v7  }
0x12b: {  	v6 =	vmul.f32 v6, v0  }
0x12c: {  	v5 =	vtrunc.f32 v5;
	v7 =	vmul.f32 v7, v2  }
0x12d: {  	v5 =	vcvt.f32.s32 v5;
	v6 =	vtrunc.f32 v6  }
0x12e: {  	v6 =	vcvt.f32.s32 v6;
	v7 =	vtrunc.f32 v7  }
0x12f: {  	v7 =	vcvt.f32.s32 v7;
	vm0 =	vlt.u32 v5, $0x168;
	v5 =	vmul.u32 $0x168, v5  }
0x130: {  	vm1 =	vlt.u32 v6, $0x168;
	v6 =	vadd.s32 v6, v1  }
0x131: {  	vm0 =	vmand vm0, vm1;
	vm1 =	veq.s32 v7, $0x0;
	v5 =	vadd.s32 v5, v6  }
0x132: {  	vm0 =	vmand vm0, vm1;
	vm1 =	vlt.u32 v5, $0xFD20  }
0x133: {  	v6 =	vor.u32 s20, v4;
	vm0 =	vmand vm0, vm1  }
0x134: {  	v5 =	vsel vm0, v5, v6  }
0x135: {  	[tilespmem:s22+$0x0] =	vst v5  }
0x136: {  	v5 =	vld [tilespmem:s29+$0x10]  }
0x137: {  	v6 =	vld [tilespmem:s15+$0x10]  }
0x138: {  	v7 =	vld [tilespmem:s31+$0x10];
	_ =	sdelay $0x2  }
0x139: {  	v5 =	vadd.f32 $5.400000000e+01, v5  }
0x13a: {  	v6 =	vadd.f32 $5.400000000e+01, v6  }
0x13b: {  	v5 =	vmul.f32 v5, v0;
	v7 =	vadd.f32 $1.000000000e+01, v7  }
0x13c: {  	v6 =	vmul.f32 v6, v0  }
0x13d: {  	v5 =	vtrunc.f32 v5;
	v7 =	vmul.f32 v7, v2  }
0x13e: {  	v5 =	vcvt.f32.s32 v5;
	v6 =	vtrunc.f32 v6  }
0x13f: {  	v6 =	vcvt.f32.s32 v6;
	v7 =	vtrunc.f32 v7  }
0x140: {  	v7 =	vcvt.f32.s32 v7;
	vm0 =	vlt.u32 v5, $0x168;
	v5 =	vmul.u32 $0x168, v5  }
0x141: {  	vm1 =	vlt.u32 v6, $0x168;
	v6 =	vadd.s32 v6, v1  }
0x142: {  	vm0 =	vmand vm0, vm1;
	vm1 =	veq.s32 v7, $0x0;
	v5 =	vadd.s32 v5, v6  }
0x143: {  	vm0 =	vmand vm0, vm1;
	vm1 =	vlt.u32 v5, $0xFD20  }
0x144: {  	v6 =	vor.u32 s19, v4;
	vm0 =	vmand vm0, vm1  }
0x145: {  	v5 =	vsel vm0, v5, v6  }
0x146: {  	[tilespmem:s22+$0x10] =	vst v5  }
0x147: {  	v5 =	vld [tilespmem:s29+$0x20]  }
0x148: {  	v6 =	vld [tilespmem:s15+$0x20]  }
0x149: {  	v7 =	vld [tilespmem:s31+$0x20];
	_ =	sdelay $0x2  }
0x14a: {  	v5 =	vadd.f32 $5.400000000e+01, v5  }
0x14b: {  	v6 =	vadd.f32 $5.400000000e+01, v6  }
0x14c: {  	v5 =	vmul.f32 v5, v0;
	v7 =	vadd.f32 $1.000000000e+01, v7  }
0x14d: {  	v6 =	vmul.f32 v6, v0  }
0x14e: {  	v5 =	vtrunc.f32 v5;
	v7 =	vmul.f32 v7, v2  }
0x14f: {  	v5 =	vcvt.f32.s32 v5;
	v6 =	vtrunc.f32 v6  }
0x150: {  	v6 =	vcvt.f32.s32 v6;
	v7 =	vtrunc.f32 v7  }
0x151: {  	v7 =	vcvt.f32.s32 v7;
	v8 =	vmul.u32 $0x168, v5  }
0x152: {  	vm0 =	vlt.u32 v5, $0x168;
	vm1 =	vlt.u32 v6, $0x168;
	v5 =	vadd.s32 v6, v1  }
0x153: {  	vm0 =	vmand vm0, vm1;
	vm1 =	veq.s32 v7, $0x0;
	v5 =	vadd.s32 v8, v5  }
0x154: {  	vm0 =	vmand vm0, vm1;
	vm1 =	vlt.u32 v5, $0xFD20  }
0x155: {  	v6 =	vor.u32 s18, v4;
	vm0 =	vmand vm0, vm1  }
0x156: {  	v5 =	vsel vm0, v5, v6  }
0x157: {  	[tilespmem:s22+$0x20] =	vst v5  }
0x158: {  	v5 =	vld [tilespmem:s29+$0x30]  }
0x159: {  	v6 =	vld [tilespmem:s15+$0x30]  }
0x15a: {  	v7 =	vld [tilespmem:s31+$0x30];
	_ =	sdelay $0x2  }
0x15b: {  	v5 =	vadd.f32 $5.400000000e+01, v5  }
0x15c: {  	v6 =	vadd.f32 $5.400000000e+01, v6  }
0x15d: {  	v5 =	vmul.f32 v5, v0;
	v7 =	vadd.f32 $1.000000000e+01, v7  }
0x15e: {  	v6 =	vmul.f32 v6, v0  }
0x15f: {  	v5 =	vtrunc.f32 v5;
	v7 =	vmul.f32 v7, v2  }
0x160: {  	v5 =	vcvt.f32.s32 v5;
	v6 =	vtrunc.f32 v6  }
0x161: {  	v6 =	vcvt.f32.s32 v6;
	v7 =	vtrunc.f32 v7  }
0x162: {  	v7 =	vcvt.f32.s32 v7;
	vm0 =	vlt.u32 v5, $0x168;
	v5 =	vmul.u32 $0x168, v5  }
.Ltmp3:
0x163: {  	vm1 =	vlt.u32 v6, $0x168;
	v6 =	vadd.s32 v6, v1;
	(pc) =	sbr.rel @p0 .LBB2_5-.Ltmp3, $4  }
0x164: {  	vm0 =	vmand vm0, vm1;
	vm1 =	veq.s32 v7, $0x0;
	v5 =	vadd.s32 v5, v6  }
0x165: {  	vm0 =	vmand vm0, vm1;
	vm1 =	vlt.u32 v5, $0xFD20  }
0x166: {  	v6 =	vor.u32 s30, v4;
	vm0 =	vmand vm0, vm1  }
0x167: {  	s29 =	sadd.s32 $0x80, s29;
	v5 =	vsel vm0, v5, v6  }
0x168: {  	s4 =	smul.u32 $0xB, s12  }
0x169: {  	s5 =	rddreg [dreg:$0x19]  }
0x16a: {  	s4 =	sadd.s32 s5, s4  }
0x16b: {  	s11 =	rddreg [dreg:$0x9];
	s4 =	sshll.u32 s4, $0x7  }
0x16c: {  	s4 =	sadd.s32 s11, s4  }
0x16d: {  	s4 =	sshrl.u32 s4, $0x3  }
0x16e: {  	[tilespmem:s22+$0x30] =	vst v5;
	s4 =	sadd.s32 s9, s4  }
0x16f: {  	[hbm4b:s4+s3] =	stream.linear.scatter [tilespmem:s21], [sflag:$0x4], $0x580, $0x38;
	[tilespmem:$0x1C960] =	vst v63  }
0x170: {  	_ =	swait.ge [sflag:s14], $0x580  }
0x171: {  	[sflag:s14] =	ssyncset.done $0x0  }
0x172: {  	[sflag:s14] =	ssyncadd.s32 $0xFFFFFA80  }
0x173: {  	_ =	swait.ge [sflag:s0], $0x5800  }
0x174: {  	[sflag:s0] =	ssyncset.done $0x0  }
0x175: {  	[sflag:s0] =	ssyncadd.s32 $0xFFFFA800  }
0x176: {  	[spmem:s1] =	stream.indirect.scatter.add.f32 [tilespmem:s3], [sflag:$0x3], $0x10, s21, s2, $0xb8;
	[tilespmem:$0x1C960] =	vst v63  }
0x177: {  	s31 =	simm.s32 $0xB080;
	s15 =	simm.s32 $0x800  }
0x178: {  	[spmem:s1] =	stream.indirect.scatter.add.f32 [tilespmem:s15], [sflag:$0x3], $0x10, s31, s2, $0xb8;
	[tilespmem:$0x1C960] =	vst v63  }
0x179: {  	s18 =	simm.s32 $0xB100;
	s19 =	simm.s32 $0x1000  }
0x17a: {  	[spmem:s1] =	stream.indirect.scatter.add.f32 [tilespmem:s19], [sflag:$0x3], $0x10, s18, s2, $0xb8;
	[tilespmem:$0x1C960] =	vst v63  }
0x17b: {  	s20 =	simm.s32 $0xB180;
	s22 =	simm.s32 $0x1800  }
0x17c: {  	[spmem:s1] =	stream.indirect.scatter.add.f32 [tilespmem:s22], [sflag:$0x3], $0x10, s20, s2, $0xb8;
	[tilespmem:$0x1C960] =	vst v63  }
0x17d: {  	s29 =	simm.s32 $0xB200;
	s30 =	simm.s32 $0x2000  }
0x17e: {  	[spmem:s1] =	stream.indirect.scatter.add.f32 [tilespmem:s30], [sflag:$0x3], $0x10, s29, s2, $0xb8;
	[tilespmem:$0x1C960] =	vst v63  }
0x17f: {  	s6 =	simm.s32 $0xB280;
	s7 =	simm.s32 $0x2800  }
0x180: {  	[spmem:s1] =	stream.indirect.scatter.add.f32 [tilespmem:s7], [sflag:$0x3], $0x10, s6, s2, $0xb8;
	[tilespmem:$0x1C960] =	vst v63  }
0x181: {  	s11 =	simm.s32 $0xB300;
	s15 =	simm.s32 $0x3000  }
0x182: {  	[spmem:s1] =	stream.indirect.scatter.add.f32 [tilespmem:s15], [sflag:$0x3], $0x10, s11, s2, $0xb8;
	[tilespmem:$0x1C960] =	vst v63  }
0x183: {  	s18 =	simm.s32 $0xB380;
	s19 =	simm.s32 $0x3800  }
0x184: {  	[spmem:s1] =	stream.indirect.scatter.add.f32 [tilespmem:s19], [sflag:$0x3], $0x10, s18, s2, $0xb8;
	[tilespmem:$0x1C960] =	vst v63  }
0x185: {  	s20 =	simm.s32 $0xB400;
	s22 =	simm.s32 $0x4000  }
0x186: {  	[spmem:s1] =	stream.indirect.scatter.add.f32 [tilespmem:s22], [sflag:$0x3], $0x10, s20, s2, $0xb8;
	[tilespmem:$0x1C960] =	vst v63  }
0x187: {  	s29 =	simm.s32 $0xB480;
	s30 =	simm.s32 $0x4800  }
0x188: {  	[spmem:s1] =	stream.indirect.scatter.add.f32 [tilespmem:s30], [sflag:$0x3], $0x10, s29, s2, $0xb8;
	[tilespmem:$0x1C960] =	vst v63  }
0x189: {  	_ = 	snop  }
0x18a: {  	[spmem:s1] =	stream.indirect.scatter.add.f32 [tilespmem:s10], [sflag:$0x3], $0x10, s8, s2, $0xb8;
	[tilespmem:$0x1C960] =	vst v63  }
0x18b: {  	_ =	swait.ge [sflag:s28], $0x800  }
0x18c: {  	[sflag:s28] =	ssyncset.done $0x0  }
0x18d: {  	[sflag:s28] =	ssyncadd.s32 $0xFFFFF800  }
0x18e: {  	_ =	swait.ge [sflag:s28], $0x800  }
0x18f: {  	[sflag:s28] =	ssyncset.done $0x0  }
0x190: {  	[sflag:s28] =	ssyncadd.s32 $0xFFFFF800  }
0x191: {  	_ =	swait.ge [sflag:s28], $0x800  }
0x192: {  	[sflag:s28] =	ssyncset.done $0x0  }
0x193: {  	[sflag:s28] =	ssyncadd.s32 $0xFFFFF800  }
0x194: {  	_ =	swait.ge [sflag:s28], $0x800  }
0x195: {  	[sflag:s28] =	ssyncset.done $0x0  }
0x196: {  	[sflag:s28] =	ssyncadd.s32 $0xFFFFF800  }
0x197: {  	_ =	swait.ge [sflag:s28], $0x800  }
0x198: {  	[sflag:s28] =	ssyncset.done $0x0  }
0x199: {  	[sflag:s28] =	ssyncadd.s32 $0xFFFFF800  }
0x19a: {  	_ =	swait.ge [sflag:s28], $0x800  }
0x19b: {  	[sflag:s28] =	ssyncset.done $0x0  }
0x19c: {  	[sflag:s28] =	ssyncadd.s32 $0xFFFFF800  }
0x19d: {  	_ =	swait.ge [sflag:s28], $0x800  }
0x19e: {  	[sflag:s28] =	ssyncset.done $0x0  }
0x19f: {  	[sflag:s28] =	ssyncadd.s32 $0xFFFFF800  }
0x1a0: {  	_ =	swait.ge [sflag:s28], $0x800  }
0x1a1: {  	[sflag:s28] =	ssyncset.done $0x0  }
0x1a2: {  	[sflag:s28] =	ssyncadd.s32 $0xFFFFF800  }
0x1a3: {  	_ =	swait.ge [sflag:s28], $0x800  }
0x1a4: {  	[sflag:s28] =	ssyncset.done $0x0  }
0x1a5: {  	s12 =	sadd.s32 $0x1, s12;
	[sflag:s28] =	ssyncadd.s32 $0xFFFFF800  }
0x1a6: {  	p0 =	sne.s32 s12, $0x1E;
	_ =	swait.ge [sflag:s28], $0x800  }
.Ltmp4:
0x1a7: {  	[sflag:s28] =	ssyncset.done $0x0;
	(pc) =	sbr.rel @p0 .LBB2_4-.Ltmp4, $4  }
0x1a8: {  	[sflag:s28] =	ssyncadd.s32 $0xFFFFF800  }
0x1a9: {  	_ =	swait.ge [sflag:s28], $0x800  }
0x1aa: {  	[sflag:s28] =	ssyncset.done $0x0  }
0x1ab: {  	[sflag:s28] =	ssyncadd.s32 $0xFFFFF800  }
0x1ac: {  	s4 =	stileid.u32;
	[bflag:$0x0] =	sbarrier.arrive $0xFFFF  }
0x1ad: {  	s4 =	sshll.u32 s4, $0x6;
	s29 =	rddreg [dreg:$0xc]  }
0x1ae: {  	s30 =	rddreg [dreg:$0xb];
	s12 =	sor.u32 $0x1C04, s4;
	s15 =	sshrl.u32 s29, $0x3  }
0x1af: {  	[hbm:s30], [sflag:s12] =	dma.local [spmem:s15], $0x1FA4  }
0x1b0: {  	_ =	swait.ge [sflag:s14], $0x1FA4  }
0x1b1: {  	[sflag:s14] =	ssyncset.done $0x0  }
0x1b2: {  	[sflag:s14] =	ssyncadd.s32 $0xFFFFE05C  }
0x1b3: {  	s6 =	simm.s32 $0x0;
	s4 =	simm.s32 $0x40;
	[bflag:$0x0] =	sbarrier.arrive $0xFFFF  }
.LBB2_8:
0x1b4: {  	p0 =	sne.s32 s4, $0x15FC0;
	[tilespmem:s6+$0x0] =	vst v3;
	s5 =	smov.u32 s4;
	s4 =	sadd.s32 $0x40, s4  }
.Ltmp5:
0x1b5: {  	(pc) =	sbr.rel @p0 .LBB2_8-.Ltmp5, $2  }
0x1b6: {  	_ =	sdelay $0x2  }
0x1b7: {  	s6 =	sshra.s32 s5, $0x2  }
0x1b8: {  	[tilespmem:s6+$0x0] =	vst v3;
	s11 =	simm.s32 $0x0;
	s20 =	rddreg [dreg:$0xa]  }
0x1b9: {  	[spmem:s20] =	stream.linear.scatter [tilespmem:s11], [sflag:$0x4], $0x5800, $0x38;
	[tilespmem:$0x1C960] =	vst v63  }
0x1ba: {  	_ =	swait.ge [sflag:s14], $0x5800  }
0x1bb: {  	[sflag:s14] =	ssyncset.done $0x0  }
0x1bc: {  	s29 =	rddreg [dreg:$0x1a];
	[sflag:s14] =	ssyncadd.s32 $0xFFFFA800  }
0x1bd: {  	[spmem:s29] =	stream.linear.scatter [tilespmem:s11], [sflag:$0x4], $0x5800, $0x38;
	[tilespmem:$0x1C960] =	vst v63  }
0x1be: {  	_ =	swait.ge [sflag:s14], $0x5800  }
0x1bf: {  	[sflag:s14] =	ssyncset.done $0x0  }
0x1c0: {  	s30 =	rddreg [dreg:$0x1b];
	[sflag:s14] =	ssyncadd.s32 $0xFFFFA800  }
0x1c1: {  	[spmem:s30] =	stream.linear.scatter [tilespmem:s11], [sflag:$0x4], $0x4DE0, $0x38;
	[tilespmem:$0x1C960] =	vst v63  }
0x1c2: {  	_ =	swait.ge [sflag:s14], $0x4DE0  }
0x1c3: {  	[sflag:s14] =	ssyncset.done $0x0  }
0x1c4: {  	[sflag:s14] =	ssyncadd.s32 $0xFFFFB220  }
0x1c5: {  	[bflag:$0x0] =	sbarrier.arrive $0xFFFF  }
0x1c6: {  	s4 =	rddreg [dreg:$0xd]  }
0x1c7: {  	s7 =	rddreg [dreg:$0xe]  }
0x1c8: {  	s26 =	rddreg [dreg:$0xf]  }
0x1c9: {  	[tilespmem:s11], [sflag:$0x1] =	stream.strided.gather [hbm4b:s4+s16], $0x5800, s17, s16, $0x38;
	[tilespmem:$0x1C960] =	vst v63  }
0x1ca: {  	s22 =	rddreg [dreg:$0x15]  }
0x1cb: {  	[tilespmem:s21], [sflag:$0x1] =	stream.linear.gather [hbm4b:s7+s11], $0x580, $0x38;
	[tilespmem:$0x1C960] =	vst v63  }
0x1cc: {  	s19 =	rddreg [dreg:$0x16]  }
0x1cd: {  	[tilespmem:s13], [sflag:$0x2] =	stream.strided.gather [hbm4b:s26+s16], $0x5800, s17, s16, $0x38;
	[tilespmem:$0x1C960] =	vst v63  }
0x1ce: {  	s18 =	smov.u32 s22;
	s26 =	rddreg [dreg:$0x1c]  }
0x1cf: {  	[tilespmem:s24], [sflag:$0x2] =	stream.linear.gather [hbm4b:s26+s11], $0x580, $0x38;
	[tilespmem:$0x1C960] =	vst v63  }
.LBB2_10:
0x1d0: {  	_ =	swait.ge [sflag:s0], $0x5800  }
0x1d1: {  	[sflag:s0] =	ssyncset.done $0x0  }
0x1d2: {  	[sflag:s0] =	ssyncadd.s32 $0xFFFFA800  }
0x1d3: {  	_ =	swait.ge [sflag:s0], $0x580  }
0x1d4: {  	[sflag:s0] =	ssyncset.done $0x0  }
0x1d5: {  	[sflag:s0] =	ssyncadd.s32 $0xFFFFFA80  }
0x1d6: {  	[spmem:s1] =	stream.indirect.scatter.add.f32 [tilespmem:s3], [sflag:$0x3], $0x10, s21, s2, $0xb8;
	[tilespmem:$0x1C960] =	vst v63  }
0x1d7: {  	s4 =	simm.s32 $0x800  }
0x1d8: {  	[spmem:s1] =	stream.indirect.scatter.add.f32 [tilespmem:s4], [sflag:$0x3], $0x10, s31, s2, $0xb8;
	[tilespmem:$0x1C960] =	vst v63  }
0x1d9: {  	s6 =	simm.s32 $0xB100;
	s5 =	simm.s32 $0x1000  }
0x1da: {  	[spmem:s1] =	stream.indirect.scatter.add.f32 [tilespmem:s5], [sflag:$0x3], $0x10, s6, s2, $0xb8;
	[tilespmem:$0x1C960] =	vst v63  }
0x1db: {  	s5 =	simm.s32 $0xB180;
	s6 =	simm.s32 $0x1800  }
0x1dc: {  	[spmem:s1] =	stream.indirect.scatter.add.f32 [tilespmem:s6], [sflag:$0x3], $0x10, s5, s2, $0xb8;
	[tilespmem:$0x1C960] =	vst v63  }
0x1dd: {  	s5 =	simm.s32 $0xB200;
	s6 =	simm.s32 $0x2000  }
0x1de: {  	[spmem:s1] =	stream.indirect.scatter.add.f32 [tilespmem:s6], [sflag:$0x3], $0x10, s5, s2, $0xb8;
	[tilespmem:$0x1C960] =	vst v63  }
0x1df: {  	s5 =	simm.s32 $0xB280;
	s6 =	simm.s32 $0x2800  }
0x1e0: {  	[spmem:s1] =	stream.indirect.scatter.add.f32 [tilespmem:s6], [sflag:$0x3], $0x10, s5, s2, $0xb8;
	[tilespmem:$0x1C960] =	vst v63  }
0x1e1: {  	s5 =	simm.s32 $0xB300;
	s6 =	simm.s32 $0x3000  }
0x1e2: {  	[spmem:s1] =	stream.indirect.scatter.add.f32 [tilespmem:s6], [sflag:$0x3], $0x10, s5, s2, $0xb8;
	[tilespmem:$0x1C960] =	vst v63  }
0x1e3: {  	s5 =	simm.s32 $0xB380;
	s6 =	simm.s32 $0x3800  }
0x1e4: {  	[spmem:s1] =	stream.indirect.scatter.add.f32 [tilespmem:s6], [sflag:$0x3], $0x10, s5, s2, $0xb8;
	[tilespmem:$0x1C960] =	vst v63  }
0x1e5: {  	s5 =	simm.s32 $0xB400;
	s6 =	simm.s32 $0x4000  }
0x1e6: {  	[spmem:s1] =	stream.indirect.scatter.add.f32 [tilespmem:s6], [sflag:$0x3], $0x10, s5, s2, $0xb8;
	[tilespmem:$0x1C960] =	vst v63  }
0x1e7: {  	s5 =	simm.s32 $0xB480;
	s6 =	simm.s32 $0x4800  }
0x1e8: {  	[spmem:s1] =	stream.indirect.scatter.add.f32 [tilespmem:s6], [sflag:$0x3], $0x10, s5, s2, $0xb8;
	[tilespmem:$0x1C960] =	vst v63  }
0x1e9: {  	_ = 	snop  }
0x1ea: {  	[spmem:s1] =	stream.indirect.scatter.add.f32 [tilespmem:s10], [sflag:$0x3], $0x10, s8, s2, $0xb8;
	[tilespmem:$0x1C960] =	vst v63  }
0x1eb: {  	_ =	swait.ge [sflag:s28], $0x800  }
0x1ec: {  	[sflag:s28] =	ssyncset.done $0x0  }
0x1ed: {  	[sflag:s28] =	ssyncadd.s32 $0xFFFFF800  }
0x1ee: {  	_ =	swait.ge [sflag:s28], $0x800  }
0x1ef: {  	[sflag:s28] =	ssyncset.done $0x0  }
0x1f0: {  	[sflag:s28] =	ssyncadd.s32 $0xFFFFF800  }
0x1f1: {  	_ =	swait.ge [sflag:s28], $0x800  }
0x1f2: {  	[sflag:s28] =	ssyncset.done $0x0  }
0x1f3: {  	[sflag:s28] =	ssyncadd.s32 $0xFFFFF800  }
0x1f4: {  	_ =	swait.ge [sflag:s28], $0x800  }
0x1f5: {  	[sflag:s28] =	ssyncset.done $0x0  }
0x1f6: {  	[sflag:s28] =	ssyncadd.s32 $0xFFFFF800  }
0x1f7: {  	_ =	swait.ge [sflag:s28], $0x800  }
0x1f8: {  	[sflag:s28] =	ssyncset.done $0x0  }
0x1f9: {  	[sflag:s28] =	ssyncadd.s32 $0xFFFFF800  }
0x1fa: {  	_ =	swait.ge [sflag:s28], $0x800  }
0x1fb: {  	[sflag:s28] =	ssyncset.done $0x0  }
0x1fc: {  	[sflag:s28] =	ssyncadd.s32 $0xFFFFF800  }
0x1fd: {  	_ =	swait.ge [sflag:s28], $0x800  }
0x1fe: {  	[sflag:s28] =	ssyncset.done $0x0  }
0x1ff: {  	[sflag:s28] =	ssyncadd.s32 $0xFFFFF800  }
0x200: {  	_ =	swait.ge [sflag:s28], $0x800  }
0x201: {  	[sflag:s28] =	ssyncset.done $0x0  }
0x202: {  	[sflag:s28] =	ssyncadd.s32 $0xFFFFF800  }
0x203: {  	_ =	swait.ge [sflag:s28], $0x800  }
0x204: {  	[sflag:s28] =	ssyncset.done $0x0  }
0x205: {  	[sflag:s28] =	ssyncadd.s32 $0xFFFFF800  }
0x206: {  	_ =	swait.ge [sflag:s28], $0x800  }
0x207: {  	[sflag:s28] =	ssyncset.done $0x0  }
0x208: {  	[sflag:s28] =	ssyncadd.s32 $0xFFFFF800  }
0x209: {  	p0 =	seq.s32 s11, $0x1340;
	_ =	swait.ge [sflag:s28], $0x800  }
0x20a: {  	s4 =	simm.s32 @!p0 $0x10;
	[sflag:s28] =	ssyncset.done $0x0  }
0x20b: {  	s5 =	simm.s32 @!p0 $0x40;
	s6 =	simm.s32 @!p0 $0x0;
	[sflag:s28] =	ssyncadd.s32 $0xFFFFF800  }
0x20c: {  	[tilespmem:s6], [sflag:$0x1] =	stream.strided.gather @!p0 [hbm4b:s19+s4], $0x5800, s5, s4, $0x38;
	[tilespmem:$0x1C960] =	vst v63  }
0x20d: {  	s4 =	sshrl.u32 @!p0 s18, $0x3  }
0x20e: {  	s5 =	simm.s32 @!p0 $0xB000;
	s4 =	sadd.s32 @!p0 s9, s4  }
0x20f: {  	[tilespmem:s5], [sflag:$0x1] =	stream.linear.gather @!p0 [hbm4b:s4+s6], $0x580, $0x38;
	[tilespmem:$0x1C960] =	vst v63  }
0x210: {  	_ =	swait.ge [sflag:s25], $0x5800  }
0x211: {  	[sflag:s25] =	ssyncset.done $0x0  }
0x212: {  	[sflag:s25] =	ssyncadd.s32 $0xFFFFA800  }
0x213: {  	_ =	swait.ge [sflag:s25], $0x580  }
0x214: {  	[sflag:s25] =	ssyncset.done $0x0  }
0x215: {  	[sflag:s25] =	ssyncadd.s32 $0xFFFFFA80  }
0x216: {  	[spmem:s1] =	stream.indirect.scatter.add.f32 [tilespmem:s13], [sflag:$0x3], $0x10, s24, s2, $0xb8;
	[tilespmem:$0x1C960] =	vst v63  }
0x217: {  	s5 =	simm.s32 $0xB600;
	s6 =	simm.s32 $0x6000  }
0x218: {  	[spmem:s1] =	stream.indirect.scatter.add.f32 [tilespmem:s6], [sflag:$0x3], $0x10, s5, s2, $0xb8;
	[tilespmem:$0x1C960] =	vst v63  }
0x219: {  	s5 =	simm.s32 $0xB680;
	s6 =	simm.s32 $0x6800  }
0x21a: {  	[spmem:s1] =	stream.indirect.scatter.add.f32 [tilespmem:s6], [sflag:$0x3], $0x10, s5, s2, $0xb8;
	[tilespmem:$0x1C960] =	vst v63  }
0x21b: {  	s5 =	simm.s32 $0xB700;
	s6 =	simm.s32 $0x7000  }
0x21c: {  	[spmem:s1] =	stream.indirect.scatter.add.f32 [tilespmem:s6], [sflag:$0x3], $0x10, s5, s2, $0xb8;
	[tilespmem:$0x1C960] =	vst v63  }
0x21d: {  	s5 =	simm.s32 $0xB780;
	s6 =	simm.s32 $0x7800  }
0x21e: {  	[spmem:s1] =	stream.indirect.scatter.add.f32 [tilespmem:s6], [sflag:$0x3], $0x10, s5, s2, $0xb8;
	[tilespmem:$0x1C960] =	vst v63  }
0x21f: {  	s5 =	simm.s32 $0xB800;
	s6 =	simm.s32 $0x8000  }
0x220: {  	[spmem:s1] =	stream.indirect.scatter.add.f32 [tilespmem:s6], [sflag:$0x3], $0x10, s5, s2, $0xb8;
	[tilespmem:$0x1C960] =	vst v63  }
0x221: {  	s5 =	simm.s32 $0xB880;
	s6 =	simm.s32 $0x8800  }
0x222: {  	[spmem:s1] =	stream.indirect.scatter.add.f32 [tilespmem:s6], [sflag:$0x3], $0x10, s5, s2, $0xb8;
	[tilespmem:$0x1C960] =	vst v63  }
0x223: {  	s5 =	simm.s32 $0xB900;
	s6 =	simm.s32 $0x9000  }
0x224: {  	[spmem:s1] =	stream.indirect.scatter.add.f32 [tilespmem:s6], [sflag:$0x3], $0x10, s5, s2, $0xb8;
	[tilespmem:$0x1C960] =	vst v63  }
0x225: {  	s5 =	simm.s32 $0xB980;
	s6 =	simm.s32 $0x9800  }
0x226: {  	[spmem:s1] =	stream.indirect.scatter.add.f32 [tilespmem:s6], [sflag:$0x3], $0x10, s5, s2, $0xb8;
	[tilespmem:$0x1C960] =	vst v63  }
0x227: {  	s5 =	simm.s32 $0xBA00;
	s6 =	simm.s32 $0xA000  }
0x228: {  	[spmem:s1] =	stream.indirect.scatter.add.f32 [tilespmem:s6], [sflag:$0x3], $0x10, s5, s2, $0xb8;
	[tilespmem:$0x1C960] =	vst v63  }
0x229: {  	s5 =	simm.s32 $0xBA80;
	s6 =	simm.s32 $0xA800  }
0x22a: {  	[spmem:s1] =	stream.indirect.scatter.add.f32 [tilespmem:s6], [sflag:$0x3], $0x10, s5, s2, $0xb8;
	[tilespmem:$0x1C960] =	vst v63  }
0x22b: {  	_ =	swait.ge [sflag:s28], $0x800  }
0x22c: {  	[sflag:s28] =	ssyncset.done $0x0  }
0x22d: {  	[sflag:s28] =	ssyncadd.s32 $0xFFFFF800  }
0x22e: {  	_ =	swait.ge [sflag:s28], $0x800  }
0x22f: {  	[sflag:s28] =	ssyncset.done $0x0  }
0x230: {  	[sflag:s28] =	ssyncadd.s32 $0xFFFFF800  }
0x231: {  	_ =	swait.ge [sflag:s28], $0x800  }
0x232: {  	[sflag:s28] =	ssyncset.done $0x0  }
0x233: {  	[sflag:s28] =	ssyncadd.s32 $0xFFFFF800  }
0x234: {  	_ =	swait.ge [sflag:s28], $0x800  }
0x235: {  	[sflag:s28] =	ssyncset.done $0x0  }
0x236: {  	[sflag:s28] =	ssyncadd.s32 $0xFFFFF800  }
0x237: {  	_ =	swait.ge [sflag:s28], $0x800  }
0x238: {  	[sflag:s28] =	ssyncset.done $0x0  }
0x239: {  	[sflag:s28] =	ssyncadd.s32 $0xFFFFF800  }
0x23a: {  	_ =	swait.ge [sflag:s28], $0x800  }
0x23b: {  	[sflag:s28] =	ssyncset.done $0x0  }
0x23c: {  	[sflag:s28] =	ssyncadd.s32 $0xFFFFF800  }
0x23d: {  	_ =	swait.ge [sflag:s28], $0x800  }
0x23e: {  	[sflag:s28] =	ssyncset.done $0x0  }
0x23f: {  	[sflag:s28] =	ssyncadd.s32 $0xFFFFF800  }
0x240: {  	_ =	swait.ge [sflag:s28], $0x800  }
0x241: {  	[sflag:s28] =	ssyncset.done $0x0  }
0x242: {  	[sflag:s28] =	ssyncadd.s32 $0xFFFFF800  }
0x243: {  	_ =	swait.ge [sflag:s28], $0x800  }
0x244: {  	[sflag:s28] =	ssyncset.done $0x0  }
0x245: {  	[sflag:s28] =	ssyncadd.s32 $0xFFFFF800  }
0x246: {  	_ =	swait.ge [sflag:s28], $0x800  }
.Ltmp6:
0x247: {  	[sflag:s28] =	ssyncset.done $0x0;
	(pc) =	sbr.rel @p0 .LBB2_12-.Ltmp6, $4  }
0x248: {  	[sflag:s28] =	ssyncadd.s32 $0xFFFFF800  }
0x249: {  	_ =	swait.ge [sflag:s28], $0x800  }
0x24a: {  	[sflag:s28] =	ssyncset.done $0x0  }
0x24b: {  	[sflag:s28] =	ssyncadd.s32 $0xFFFFF800  }
.Ltmp7:
0x24c: {  	(pc) =	sbr.rel .LBB2_10-.Ltmp7, $4  }
0x24d: {  	s4 =	sadd.s32 $0x2C00, s19;
	s6 =	sadd.s32 s11, s23  }
0x24e: {  	[tilespmem:s13], [sflag:$0x2] =	stream.strided.gather [hbm4b:s4+s16], $0x5800, s17, s16, $0x38;
	[tilespmem:$0x1C960] =	vst v63  }
0x24f: {  	s19 =	sadd.s32 $0x5800, s19;
	s18 =	sadd.s32 $0xB00, s18;
	s11 =	sadd.s32 $0x160, s11  }
0x250: {  	[tilespmem:s24], [sflag:$0x2] =	stream.linear.gather [hbm4b:s6+s3], $0x580, $0x38;
	[tilespmem:$0x1C960] =	vst v63  }
.LBB2_12:
0x251: {  	[bflag:$0x0] =	sbarrier.arrive $0xFFFF  }
0x252: {  	s4 =	rddreg [dreg:$0x1d]  }
0x253: {  	[hbm:s4], [sflag:s12] =	dma.local [spmem:s15], $0x1FA4  }
0x254: {  	_ =	swait.ge [sflag:s14], $0x1FA4  }
0x255: {  	[sflag:s14] =	ssyncset.done $0x0  }
0x256: {  	[sflag:s14] =	ssyncadd.s32 $0xFFFFE05C  }
0x257: {  	s6 =	simm.s32 $0x0;
	s4 =	simm.s32 $0x40;
	[bflag:$0x0] =	sbarrier.arrive $0xFFFF  }
.LBB2_13:
0x258: {  	p0 =	sne.s32 s4, $0x15FC0;
	[tilespmem:s6+$0x0] =	vst v3;
	s5 =	smov.u32 s4;
	s4 =	sadd.s32 $0x40, s4  }
.Ltmp8:
0x259: {  	(pc) =	sbr.rel @p0 .LBB2_13-.Ltmp8, $2  }
0x25a: {  	_ =	sdelay $0x2  }
0x25b: {  	s6 =	sshra.s32 s5, $0x2  }
0x25c: {  	[tilespmem:s6+$0x0] =	vst v3;
	s11 =	simm.s32 $0x0  }
0x25d: {  	[spmem:s20] =	stream.linear.scatter [tilespmem:s11], [sflag:$0x4], $0x5800, $0x38;
	[tilespmem:$0x1C960] =	vst v63  }
0x25e: {  	_ =	swait.ge [sflag:s14], $0x5800  }
0x25f: {  	[sflag:s14] =	ssyncset.done $0x0  }
0x260: {  	[sflag:s14] =	ssyncadd.s32 $0xFFFFA800  }
0x261: {  	[spmem:s29] =	stream.linear.scatter [tilespmem:s11], [sflag:$0x4], $0x5800, $0x38;
	[tilespmem:$0x1C960] =	vst v63  }
0x262: {  	_ =	swait.ge [sflag:s14], $0x5800  }
0x263: {  	[sflag:s14] =	ssyncset.done $0x0  }
0x264: {  	[sflag:s14] =	ssyncadd.s32 $0xFFFFA800  }
0x265: {  	[spmem:s30] =	stream.linear.scatter [tilespmem:s11], [sflag:$0x4], $0x4DE0, $0x38;
	[tilespmem:$0x1C960] =	vst v63  }
0x266: {  	_ =	swait.ge [sflag:s14], $0x4DE0  }
0x267: {  	[sflag:s14] =	ssyncset.done $0x0  }
0x268: {  	[sflag:s14] =	ssyncadd.s32 $0xFFFFB220  }
0x269: {  	[bflag:$0x0] =	sbarrier.arrive $0xFFFF  }
0x26a: {  	s4 =	rddreg [dreg:$0x10]  }
0x26b: {  	[tilespmem:s11], [sflag:$0x1] =	stream.strided.gather [hbm4b:s4+s16], $0x5800, s17, s16, $0x38;
	[tilespmem:$0x1C960] =	vst v63  }
0x26c: {  	_ = 	snop  }
0x26d: {  	[tilespmem:s21], [sflag:$0x1] =	stream.linear.gather [hbm4b:s7+s11], $0x580, $0x38;
	[tilespmem:$0x1C960] =	vst v63  }
0x26e: {  	s19 =	rddreg [dreg:$0x11]  }
0x26f: {  	[tilespmem:s13], [sflag:$0x2] =	stream.strided.gather [hbm4b:s19+s16], $0x5800, s17, s16, $0x38;
	[tilespmem:$0x1C960] =	vst v63  }
0x270: {  	s18 =	smov.u32 s22;
	s19 =	rddreg [dreg:$0x17]  }
0x271: {  	[tilespmem:s24], [sflag:$0x2] =	stream.linear.gather [hbm4b:s26+s11], $0x580, $0x38;
	[tilespmem:$0x1C960] =	vst v63  }
.LBB2_15:
0x272: {  	_ =	swait.ge [sflag:s0], $0x5800  }
0x273: {  	[sflag:s0] =	ssyncset.done $0x0  }
0x274: {  	[sflag:s0] =	ssyncadd.s32 $0xFFFFA800  }
0x275: {  	_ =	swait.ge [sflag:s0], $0x580  }
0x276: {  	[sflag:s0] =	ssyncset.done $0x0  }
0x277: {  	[sflag:s0] =	ssyncadd.s32 $0xFFFFFA80  }
0x278: {  	[spmem:s1] =	stream.indirect.scatter.add.f32 [tilespmem:s3], [sflag:$0x3], $0x10, s21, s2, $0xb8;
	[tilespmem:$0x1C960] =	vst v63  }
0x279: {  	s4 =	simm.s32 $0x800  }
0x27a: {  	[spmem:s1] =	stream.indirect.scatter.add.f32 [tilespmem:s4], [sflag:$0x3], $0x10, s31, s2, $0xb8;
	[tilespmem:$0x1C960] =	vst v63  }
0x27b: {  	s6 =	simm.s32 $0xB100;
	s5 =	simm.s32 $0x1000  }
0x27c: {  	[spmem:s1] =	stream.indirect.scatter.add.f32 [tilespmem:s5], [sflag:$0x3], $0x10, s6, s2, $0xb8;
	[tilespmem:$0x1C960] =	vst v63  }
0x27d: {  	s5 =	simm.s32 $0xB180;
	s6 =	simm.s32 $0x1800  }
0x27e: {  	[spmem:s1] =	stream.indirect.scatter.add.f32 [tilespmem:s6], [sflag:$0x3], $0x10, s5, s2, $0xb8;
	[tilespmem:$0x1C960] =	vst v63  }
0x27f: {  	s5 =	simm.s32 $0xB200;
	s6 =	simm.s32 $0x2000  }
0x280: {  	[spmem:s1] =	stream.indirect.scatter.add.f32 [tilespmem:s6], [sflag:$0x3], $0x10, s5, s2, $0xb8;
	[tilespmem:$0x1C960] =	vst v63  }
0x281: {  	s5 =	simm.s32 $0xB280;
	s6 =	simm.s32 $0x2800  }
0x282: {  	[spmem:s1] =	stream.indirect.scatter.add.f32 [tilespmem:s6], [sflag:$0x3], $0x10, s5, s2, $0xb8;
	[tilespmem:$0x1C960] =	vst v63  }
0x283: {  	s5 =	simm.s32 $0xB300;
	s6 =	simm.s32 $0x3000  }
0x284: {  	[spmem:s1] =	stream.indirect.scatter.add.f32 [tilespmem:s6], [sflag:$0x3], $0x10, s5, s2, $0xb8;
	[tilespmem:$0x1C960] =	vst v63  }
0x285: {  	s5 =	simm.s32 $0xB380;
	s6 =	simm.s32 $0x3800  }
0x286: {  	[spmem:s1] =	stream.indirect.scatter.add.f32 [tilespmem:s6], [sflag:$0x3], $0x10, s5, s2, $0xb8;
	[tilespmem:$0x1C960] =	vst v63  }
0x287: {  	s5 =	simm.s32 $0xB400;
	s6 =	simm.s32 $0x4000  }
0x288: {  	[spmem:s1] =	stream.indirect.scatter.add.f32 [tilespmem:s6], [sflag:$0x3], $0x10, s5, s2, $0xb8;
	[tilespmem:$0x1C960] =	vst v63  }
0x289: {  	s5 =	simm.s32 $0xB480;
	s6 =	simm.s32 $0x4800  }
0x28a: {  	[spmem:s1] =	stream.indirect.scatter.add.f32 [tilespmem:s6], [sflag:$0x3], $0x10, s5, s2, $0xb8;
	[tilespmem:$0x1C960] =	vst v63  }
0x28b: {  	_ = 	snop  }
0x28c: {  	[spmem:s1] =	stream.indirect.scatter.add.f32 [tilespmem:s10], [sflag:$0x3], $0x10, s8, s2, $0xb8;
	[tilespmem:$0x1C960] =	vst v63  }
0x28d: {  	_ =	swait.ge [sflag:s28], $0x800  }
0x28e: {  	[sflag:s28] =	ssyncset.done $0x0  }
0x28f: {  	[sflag:s28] =	ssyncadd.s32 $0xFFFFF800  }
0x290: {  	_ =	swait.ge [sflag:s28], $0x800  }
0x291: {  	[sflag:s28] =	ssyncset.done $0x0  }
0x292: {  	[sflag:s28] =	ssyncadd.s32 $0xFFFFF800  }
0x293: {  	_ =	swait.ge [sflag:s28], $0x800  }
0x294: {  	[sflag:s28] =	ssyncset.done $0x0  }
0x295: {  	[sflag:s28] =	ssyncadd.s32 $0xFFFFF800  }
0x296: {  	_ =	swait.ge [sflag:s28], $0x800  }
0x297: {  	[sflag:s28] =	ssyncset.done $0x0  }
0x298: {  	[sflag:s28] =	ssyncadd.s32 $0xFFFFF800  }
0x299: {  	_ =	swait.ge [sflag:s28], $0x800  }
0x29a: {  	[sflag:s28] =	ssyncset.done $0x0  }
0x29b: {  	[sflag:s28] =	ssyncadd.s32 $0xFFFFF800  }
0x29c: {  	_ =	swait.ge [sflag:s28], $0x800  }
0x29d: {  	[sflag:s28] =	ssyncset.done $0x0  }
0x29e: {  	[sflag:s28] =	ssyncadd.s32 $0xFFFFF800  }
0x29f: {  	_ =	swait.ge [sflag:s28], $0x800  }
0x2a0: {  	[sflag:s28] =	ssyncset.done $0x0  }
0x2a1: {  	[sflag:s28] =	ssyncadd.s32 $0xFFFFF800  }
0x2a2: {  	_ =	swait.ge [sflag:s28], $0x800  }
0x2a3: {  	[sflag:s28] =	ssyncset.done $0x0  }
0x2a4: {  	[sflag:s28] =	ssyncadd.s32 $0xFFFFF800  }
0x2a5: {  	_ =	swait.ge [sflag:s28], $0x800  }
0x2a6: {  	[sflag:s28] =	ssyncset.done $0x0  }
0x2a7: {  	[sflag:s28] =	ssyncadd.s32 $0xFFFFF800  }
0x2a8: {  	_ =	swait.ge [sflag:s28], $0x800  }
0x2a9: {  	[sflag:s28] =	ssyncset.done $0x0  }
0x2aa: {  	[sflag:s28] =	ssyncadd.s32 $0xFFFFF800  }
0x2ab: {  	p0 =	seq.s32 s11, $0x1340;
	_ =	swait.ge [sflag:s28], $0x800  }
0x2ac: {  	s4 =	simm.s32 @!p0 $0x10;
	[sflag:s28] =	ssyncset.done $0x0  }
0x2ad: {  	s5 =	simm.s32 @!p0 $0x40;
	s6 =	simm.s32 @!p0 $0x0;
	[sflag:s28] =	ssyncadd.s32 $0xFFFFF800  }
0x2ae: {  	[tilespmem:s6], [sflag:$0x1] =	stream.strided.gather @!p0 [hbm4b:s19+s4], $0x5800, s5, s4, $0x38;
	[tilespmem:$0x1C960] =	vst v63  }
0x2af: {  	s4 =	sshrl.u32 @!p0 s18, $0x3  }
0x2b0: {  	s5 =	simm.s32 @!p0 $0xB000;
	s4 =	sadd.s32 @!p0 s9, s4  }
0x2b1: {  	[tilespmem:s5], [sflag:$0x1] =	stream.linear.gather @!p0 [hbm4b:s4+s6], $0x580, $0x38;
	[tilespmem:$0x1C960] =	vst v63  }
0x2b2: {  	_ =	swait.ge [sflag:s25], $0x5800  }
0x2b3: {  	[sflag:s25] =	ssyncset.done $0x0  }
0x2b4: {  	[sflag:s25] =	ssyncadd.s32 $0xFFFFA800  }
0x2b5: {  	_ =	swait.ge [sflag:s25], $0x580  }
0x2b6: {  	[sflag:s25] =	ssyncset.done $0x0  }
0x2b7: {  	[sflag:s25] =	ssyncadd.s32 $0xFFFFFA80  }
0x2b8: {  	[spmem:s1] =	stream.indirect.scatter.add.f32 [tilespmem:s13], [sflag:$0x3], $0x10, s24, s2, $0xb8;
	[tilespmem:$0x1C960] =	vst v63  }
0x2b9: {  	s5 =	simm.s32 $0xB600;
	s6 =	simm.s32 $0x6000  }
0x2ba: {  	[spmem:s1] =	stream.indirect.scatter.add.f32 [tilespmem:s6], [sflag:$0x3], $0x10, s5, s2, $0xb8;
	[tilespmem:$0x1C960] =	vst v63  }
0x2bb: {  	s5 =	simm.s32 $0xB680;
	s6 =	simm.s32 $0x6800  }
0x2bc: {  	[spmem:s1] =	stream.indirect.scatter.add.f32 [tilespmem:s6], [sflag:$0x3], $0x10, s5, s2, $0xb8;
	[tilespmem:$0x1C960] =	vst v63  }
0x2bd: {  	s5 =	simm.s32 $0xB700;
	s6 =	simm.s32 $0x7000  }
0x2be: {  	[spmem:s1] =	stream.indirect.scatter.add.f32 [tilespmem:s6], [sflag:$0x3], $0x10, s5, s2, $0xb8;
	[tilespmem:$0x1C960] =	vst v63  }
0x2bf: {  	s5 =	simm.s32 $0xB780;
	s6 =	simm.s32 $0x7800  }
0x2c0: {  	[spmem:s1] =	stream.indirect.scatter.add.f32 [tilespmem:s6], [sflag:$0x3], $0x10, s5, s2, $0xb8;
	[tilespmem:$0x1C960] =	vst v63  }
0x2c1: {  	s5 =	simm.s32 $0xB800;
	s6 =	simm.s32 $0x8000  }
0x2c2: {  	[spmem:s1] =	stream.indirect.scatter.add.f32 [tilespmem:s6], [sflag:$0x3], $0x10, s5, s2, $0xb8;
	[tilespmem:$0x1C960] =	vst v63  }
0x2c3: {  	s5 =	simm.s32 $0xB880;
	s6 =	simm.s32 $0x8800  }
0x2c4: {  	[spmem:s1] =	stream.indirect.scatter.add.f32 [tilespmem:s6], [sflag:$0x3], $0x10, s5, s2, $0xb8;
	[tilespmem:$0x1C960] =	vst v63  }
0x2c5: {  	s5 =	simm.s32 $0xB900;
	s6 =	simm.s32 $0x9000  }
0x2c6: {  	[spmem:s1] =	stream.indirect.scatter.add.f32 [tilespmem:s6], [sflag:$0x3], $0x10, s5, s2, $0xb8;
	[tilespmem:$0x1C960] =	vst v63  }
0x2c7: {  	s5 =	simm.s32 $0xB980;
	s6 =	simm.s32 $0x9800  }
0x2c8: {  	[spmem:s1] =	stream.indirect.scatter.add.f32 [tilespmem:s6], [sflag:$0x3], $0x10, s5, s2, $0xb8;
	[tilespmem:$0x1C960] =	vst v63  }
0x2c9: {  	s5 =	simm.s32 $0xBA00;
	s6 =	simm.s32 $0xA000  }
0x2ca: {  	[spmem:s1] =	stream.indirect.scatter.add.f32 [tilespmem:s6], [sflag:$0x3], $0x10, s5, s2, $0xb8;
	[tilespmem:$0x1C960] =	vst v63  }
0x2cb: {  	s5 =	simm.s32 $0xBA80;
	s6 =	simm.s32 $0xA800  }
0x2cc: {  	[spmem:s1] =	stream.indirect.scatter.add.f32 [tilespmem:s6], [sflag:$0x3], $0x10, s5, s2, $0xb8;
	[tilespmem:$0x1C960] =	vst v63  }
0x2cd: {  	_ =	swait.ge [sflag:s28], $0x800  }
0x2ce: {  	[sflag:s28] =	ssyncset.done $0x0  }
0x2cf: {  	[sflag:s28] =	ssyncadd.s32 $0xFFFFF800  }
0x2d0: {  	_ =	swait.ge [sflag:s28], $0x800  }
0x2d1: {  	[sflag:s28] =	ssyncset.done $0x0  }
0x2d2: {  	[sflag:s28] =	ssyncadd.s32 $0xFFFFF800  }
0x2d3: {  	_ =	swait.ge [sflag:s28], $0x800  }
0x2d4: {  	[sflag:s28] =	ssyncset.done $0x0  }
0x2d5: {  	[sflag:s28] =	ssyncadd.s32 $0xFFFFF800  }
0x2d6: {  	_ =	swait.ge [sflag:s28], $0x800  }
0x2d7: {  	[sflag:s28] =	ssyncset.done $0x0  }
0x2d8: {  	[sflag:s28] =	ssyncadd.s32 $0xFFFFF800  }
0x2d9: {  	_ =	swait.ge [sflag:s28], $0x800  }
0x2da: {  	[sflag:s28] =	ssyncset.done $0x0  }
0x2db: {  	[sflag:s28] =	ssyncadd.s32 $0xFFFFF800  }
0x2dc: {  	_ =	swait.ge [sflag:s28], $0x800  }
0x2dd: {  	[sflag:s28] =	ssyncset.done $0x0  }
0x2de: {  	[sflag:s28] =	ssyncadd.s32 $0xFFFFF800  }
0x2df: {  	_ =	swait.ge [sflag:s28], $0x800  }
0x2e0: {  	[sflag:s28] =	ssyncset.done $0x0  }
0x2e1: {  	[sflag:s28] =	ssyncadd.s32 $0xFFFFF800  }
0x2e2: {  	_ =	swait.ge [sflag:s28], $0x800  }
0x2e3: {  	[sflag:s28] =	ssyncset.done $0x0  }
0x2e4: {  	[sflag:s28] =	ssyncadd.s32 $0xFFFFF800  }
0x2e5: {  	_ =	swait.ge [sflag:s28], $0x800  }
0x2e6: {  	[sflag:s28] =	ssyncset.done $0x0  }
0x2e7: {  	[sflag:s28] =	ssyncadd.s32 $0xFFFFF800  }
0x2e8: {  	_ =	swait.ge [sflag:s28], $0x800  }
.Ltmp9:
0x2e9: {  	[sflag:s28] =	ssyncset.done $0x0;
	(pc) =	sbr.rel @p0 .LBB2_17-.Ltmp9, $4  }
0x2ea: {  	[sflag:s28] =	ssyncadd.s32 $0xFFFFF800  }
0x2eb: {  	_ =	swait.ge [sflag:s28], $0x800  }
0x2ec: {  	[sflag:s28] =	ssyncset.done $0x0  }
0x2ed: {  	[sflag:s28] =	ssyncadd.s32 $0xFFFFF800  }
.Ltmp10:
0x2ee: {  	(pc) =	sbr.rel .LBB2_15-.Ltmp10, $4  }
0x2ef: {  	s4 =	sadd.s32 $0x2C00, s19;
	s6 =	sadd.s32 s11, s23  }
0x2f0: {  	[tilespmem:s13], [sflag:$0x2] =	stream.strided.gather [hbm4b:s4+s16], $0x5800, s17, s16, $0x38;
	[tilespmem:$0x1C960] =	vst v63  }
0x2f1: {  	s19 =	sadd.s32 $0x5800, s19;
	s18 =	sadd.s32 $0xB00, s18;
	s11 =	sadd.s32 $0x160, s11  }
0x2f2: {  	[tilespmem:s24], [sflag:$0x2] =	stream.linear.gather [hbm4b:s6+s3], $0x580, $0x38;
	[tilespmem:$0x1C960] =	vst v63  }
.LBB2_17:
0x2f3: {  	[bflag:$0x0] =	sbarrier.arrive $0xFFFF  }
0x2f4: {  	s4 =	rddreg [dreg:$0x1e]  }
0x2f5: {  	[hbm:s4], [sflag:s12] =	dma.local [spmem:s15], $0x1FA4  }
0x2f6: {  	_ =	swait.ge [sflag:s14], $0x1FA4  }
0x2f7: {  	[sflag:s14] =	ssyncset.done $0x0  }
0x2f8: {  	[sflag:s14] =	ssyncadd.s32 $0xFFFFE05C  }
0x2f9: {  	s6 =	simm.s32 $0x0;
	s4 =	simm.s32 $0x40;
	[bflag:$0x0] =	sbarrier.arrive $0xFFFF  }
.LBB2_18:
0x2fa: {  	p0 =	sne.s32 s4, $0x15FC0;
	[tilespmem:s6+$0x0] =	vst v3;
	s5 =	smov.u32 s4;
	s4 =	sadd.s32 $0x40, s4  }
.Ltmp11:
0x2fb: {  	(pc) =	sbr.rel @p0 .LBB2_18-.Ltmp11, $2  }
0x2fc: {  	_ =	sdelay $0x2  }
0x2fd: {  	s6 =	sshra.s32 s5, $0x2  }
0x2fe: {  	[tilespmem:s6+$0x0] =	vst v3;
	s11 =	simm.s32 $0x0  }
0x2ff: {  	[spmem:s20] =	stream.linear.scatter [tilespmem:s11], [sflag:$0x4], $0x5800, $0x38;
	[tilespmem:$0x1C960] =	vst v63  }
0x300: {  	_ =	swait.ge [sflag:s14], $0x5800  }
0x301: {  	[sflag:s14] =	ssyncset.done $0x0  }
0x302: {  	[sflag:s14] =	ssyncadd.s32 $0xFFFFA800  }
0x303: {  	[spmem:s29] =	stream.linear.scatter [tilespmem:s11], [sflag:$0x4], $0x5800, $0x38;
	[tilespmem:$0x1C960] =	vst v63  }
0x304: {  	_ =	swait.ge [sflag:s14], $0x5800  }
0x305: {  	[sflag:s14] =	ssyncset.done $0x0  }
0x306: {  	[sflag:s14] =	ssyncadd.s32 $0xFFFFA800  }
0x307: {  	[spmem:s30] =	stream.linear.scatter [tilespmem:s11], [sflag:$0x4], $0x4DE0, $0x38;
	[tilespmem:$0x1C960] =	vst v63  }
0x308: {  	_ =	swait.ge [sflag:s14], $0x4DE0  }
0x309: {  	[sflag:s14] =	ssyncset.done $0x0  }
0x30a: {  	[sflag:s14] =	ssyncadd.s32 $0xFFFFB220  }
0x30b: {  	[bflag:$0x0] =	sbarrier.arrive $0xFFFF  }
0x30c: {  	s4 =	rddreg [dreg:$0x12]  }
0x30d: {  	[tilespmem:s11], [sflag:$0x1] =	stream.strided.gather [hbm4b:s4+s16], $0x5800, s17, s16, $0x38;
	[tilespmem:$0x1C960] =	vst v63  }
0x30e: {  	_ = 	snop  }
0x30f: {  	[tilespmem:s21], [sflag:$0x1] =	stream.linear.gather [hbm4b:s7+s11], $0x580, $0x38;
	[tilespmem:$0x1C960] =	vst v63  }
0x310: {  	s19 =	rddreg [dreg:$0x13]  }
0x311: {  	[tilespmem:s13], [sflag:$0x2] =	stream.strided.gather [hbm4b:s19+s16], $0x5800, s17, s16, $0x38;
	[tilespmem:$0x1C960] =	vst v63  }
0x312: {  	s18 =	smov.u32 s22;
	s19 =	rddreg [dreg:$0x18]  }
0x313: {  	[tilespmem:s24], [sflag:$0x2] =	stream.linear.gather [hbm4b:s26+s11], $0x580, $0x38;
	[tilespmem:$0x1C960] =	vst v63  }
.LBB2_20:
0x314: {  	_ =	swait.ge [sflag:s0], $0x5800  }
0x315: {  	[sflag:s0] =	ssyncset.done $0x0  }
0x316: {  	[sflag:s0] =	ssyncadd.s32 $0xFFFFA800  }
0x317: {  	_ =	swait.ge [sflag:s0], $0x580  }
0x318: {  	[sflag:s0] =	ssyncset.done $0x0  }
0x319: {  	[sflag:s0] =	ssyncadd.s32 $0xFFFFFA80  }
0x31a: {  	[spmem:s1] =	stream.indirect.scatter.add.f32 [tilespmem:s3], [sflag:$0x3], $0x10, s21, s2, $0xb8;
	[tilespmem:$0x1C960] =	vst v63  }
0x31b: {  	s4 =	simm.s32 $0x800  }
0x31c: {  	[spmem:s1] =	stream.indirect.scatter.add.f32 [tilespmem:s4], [sflag:$0x3], $0x10, s31, s2, $0xb8;
	[tilespmem:$0x1C960] =	vst v63  }
0x31d: {  	s7 =	simm.s32 $0xB100;
	s5 =	simm.s32 $0x1000  }
0x31e: {  	[spmem:s1] =	stream.indirect.scatter.add.f32 [tilespmem:s5], [sflag:$0x3], $0x10, s7, s2, $0xb8;
	[tilespmem:$0x1C960] =	vst v63  }
0x31f: {  	s22 =	simm.s32 $0xB180;
	s26 =	simm.s32 $0x1800  }
0x320: {  	[spmem:s1] =	stream.indirect.scatter.add.f32 [tilespmem:s26], [sflag:$0x3], $0x10, s22, s2, $0xb8;
	[tilespmem:$0x1C960] =	vst v63  }
0x321: {  	s6 =	simm.s32 $0xB200;
	s7 =	simm.s32 $0x2000  }
0x322: {  	[spmem:s1] =	stream.indirect.scatter.add.f32 [tilespmem:s7], [sflag:$0x3], $0x10, s6, s2, $0xb8;
	[tilespmem:$0x1C960] =	vst v63  }
0x323: {  	s22 =	simm.s32 $0xB280;
	s26 =	simm.s32 $0x2800  }
0x324: {  	[spmem:s1] =	stream.indirect.scatter.add.f32 [tilespmem:s26], [sflag:$0x3], $0x10, s22, s2, $0xb8;
	[tilespmem:$0x1C960] =	vst v63  }
0x325: {  	s6 =	simm.s32 $0xB300;
	s7 =	simm.s32 $0x3000  }
0x326: {  	[spmem:s1] =	stream.indirect.scatter.add.f32 [tilespmem:s7], [sflag:$0x3], $0x10, s6, s2, $0xb8;
	[tilespmem:$0x1C960] =	vst v63  }
0x327: {  	s22 =	simm.s32 $0xB380;
	s26 =	simm.s32 $0x3800  }
0x328: {  	[spmem:s1] =	stream.indirect.scatter.add.f32 [tilespmem:s26], [sflag:$0x3], $0x10, s22, s2, $0xb8;
	[tilespmem:$0x1C960] =	vst v63  }
0x329: {  	s6 =	simm.s32 $0xB400;
	s7 =	simm.s32 $0x4000  }
0x32a: {  	[spmem:s1] =	stream.indirect.scatter.add.f32 [tilespmem:s7], [sflag:$0x3], $0x10, s6, s2, $0xb8;
	[tilespmem:$0x1C960] =	vst v63  }
0x32b: {  	s22 =	simm.s32 $0xB480;
	s26 =	simm.s32 $0x4800  }
0x32c: {  	[spmem:s1] =	stream.indirect.scatter.add.f32 [tilespmem:s26], [sflag:$0x3], $0x10, s22, s2, $0xb8;
	[tilespmem:$0x1C960] =	vst v63  }
0x32d: {  	_ = 	snop  }
0x32e: {  	[spmem:s1] =	stream.indirect.scatter.add.f32 [tilespmem:s10], [sflag:$0x3], $0x10, s8, s2, $0xb8;
	[tilespmem:$0x1C960] =	vst v63  }
0x32f: {  	_ =	swait.ge [sflag:s28], $0x800  }
0x330: {  	[sflag:s28] =	ssyncset.done $0x0  }
0x331: {  	[sflag:s28] =	ssyncadd.s32 $0xFFFFF800  }
0x332: {  	_ =	swait.ge [sflag:s28], $0x800  }
0x333: {  	[sflag:s28] =	ssyncset.done $0x0  }
0x334: {  	[sflag:s28] =	ssyncadd.s32 $0xFFFFF800  }
0x335: {  	_ =	swait.ge [sflag:s28], $0x800  }
0x336: {  	[sflag:s28] =	ssyncset.done $0x0  }
0x337: {  	[sflag:s28] =	ssyncadd.s32 $0xFFFFF800  }
0x338: {  	_ =	swait.ge [sflag:s28], $0x800  }
0x339: {  	[sflag:s28] =	ssyncset.done $0x0  }
0x33a: {  	[sflag:s28] =	ssyncadd.s32 $0xFFFFF800  }
0x33b: {  	_ =	swait.ge [sflag:s28], $0x800  }
0x33c: {  	[sflag:s28] =	ssyncset.done $0x0  }
0x33d: {  	[sflag:s28] =	ssyncadd.s32 $0xFFFFF800  }
0x33e: {  	_ =	swait.ge [sflag:s28], $0x800  }
0x33f: {  	[sflag:s28] =	ssyncset.done $0x0  }
0x340: {  	[sflag:s28] =	ssyncadd.s32 $0xFFFFF800  }
0x341: {  	_ =	swait.ge [sflag:s28], $0x800  }
0x342: {  	[sflag:s28] =	ssyncset.done $0x0  }
0x343: {  	[sflag:s28] =	ssyncadd.s32 $0xFFFFF800  }
0x344: {  	_ =	swait.ge [sflag:s28], $0x800  }
0x345: {  	[sflag:s28] =	ssyncset.done $0x0  }
0x346: {  	[sflag:s28] =	ssyncadd.s32 $0xFFFFF800  }
0x347: {  	_ =	swait.ge [sflag:s28], $0x800  }
0x348: {  	[sflag:s28] =	ssyncset.done $0x0  }
0x349: {  	[sflag:s28] =	ssyncadd.s32 $0xFFFFF800  }
0x34a: {  	_ =	swait.ge [sflag:s28], $0x800  }
0x34b: {  	[sflag:s28] =	ssyncset.done $0x0  }
0x34c: {  	[sflag:s28] =	ssyncadd.s32 $0xFFFFF800  }
0x34d: {  	p0 =	seq.s32 s11, $0x1340;
	_ =	swait.ge [sflag:s28], $0x800  }
0x34e: {  	s4 =	simm.s32 @!p0 $0x10;
	[sflag:s28] =	ssyncset.done $0x0  }
0x34f: {  	s5 =	simm.s32 @!p0 $0x40;
	s6 =	simm.s32 @!p0 $0x0;
	[sflag:s28] =	ssyncadd.s32 $0xFFFFF800  }
0x350: {  	[tilespmem:s6], [sflag:$0x1] =	stream.strided.gather @!p0 [hbm4b:s19+s4], $0x5800, s5, s4, $0x38;
	[tilespmem:$0x1C960] =	vst v63  }
0x351: {  	s4 =	sshrl.u32 @!p0 s18, $0x3  }
0x352: {  	s5 =	simm.s32 @!p0 $0xB000;
	s4 =	sadd.s32 @!p0 s9, s4  }
0x353: {  	[tilespmem:s5], [sflag:$0x1] =	stream.linear.gather @!p0 [hbm4b:s4+s6], $0x580, $0x38;
	[tilespmem:$0x1C960] =	vst v63  }
0x354: {  	_ =	swait.ge [sflag:s25], $0x5800  }
0x355: {  	[sflag:s25] =	ssyncset.done $0x0  }
0x356: {  	[sflag:s25] =	ssyncadd.s32 $0xFFFFA800  }
0x357: {  	_ =	swait.ge [sflag:s25], $0x580  }
0x358: {  	[sflag:s25] =	ssyncset.done $0x0  }
0x359: {  	[sflag:s25] =	ssyncadd.s32 $0xFFFFFA80  }
0x35a: {  	[spmem:s1] =	stream.indirect.scatter.add.f32 [tilespmem:s13], [sflag:$0x3], $0x10, s24, s2, $0xb8;
	[tilespmem:$0x1C960] =	vst v63  }
0x35b: {  	s7 =	simm.s32 $0x6000;
	s6 =	simm.s32 $0xB600  }
0x35c: {  	[spmem:s1] =	stream.indirect.scatter.add.f32 [tilespmem:s7], [sflag:$0x3], $0x10, s6, s2, $0xb8;
	[tilespmem:$0x1C960] =	vst v63  }
0x35d: {  	s22 =	simm.s32 $0xB680;
	s26 =	simm.s32 $0x6800  }
0x35e: {  	[spmem:s1] =	stream.indirect.scatter.add.f32 [tilespmem:s26], [sflag:$0x3], $0x10, s22, s2, $0xb8;
	[tilespmem:$0x1C960] =	vst v63  }
0x35f: {  	s6 =	simm.s32 $0xB700;
	s7 =	simm.s32 $0x7000  }
0x360: {  	[spmem:s1] =	stream.indirect.scatter.add.f32 [tilespmem:s7], [sflag:$0x3], $0x10, s6, s2, $0xb8;
	[tilespmem:$0x1C960] =	vst v63  }
0x361: {  	s22 =	simm.s32 $0xB780;
	s26 =	simm.s32 $0x7800  }
0x362: {  	[spmem:s1] =	stream.indirect.scatter.add.f32 [tilespmem:s26], [sflag:$0x3], $0x10, s22, s2, $0xb8;
	[tilespmem:$0x1C960] =	vst v63  }
0x363: {  	s6 =	simm.s32 $0xB800;
	s7 =	simm.s32 $0x8000  }
0x364: {  	[spmem:s1] =	stream.indirect.scatter.add.f32 [tilespmem:s7], [sflag:$0x3], $0x10, s6, s2, $0xb8;
	[tilespmem:$0x1C960] =	vst v63  }
0x365: {  	s22 =	simm.s32 $0xB880;
	s26 =	simm.s32 $0x8800  }
0x366: {  	[spmem:s1] =	stream.indirect.scatter.add.f32 [tilespmem:s26], [sflag:$0x3], $0x10, s22, s2, $0xb8;
	[tilespmem:$0x1C960] =	vst v63  }
0x367: {  	s6 =	simm.s32 $0xB900;
	s7 =	simm.s32 $0x9000  }
0x368: {  	[spmem:s1] =	stream.indirect.scatter.add.f32 [tilespmem:s7], [sflag:$0x3], $0x10, s6, s2, $0xb8;
	[tilespmem:$0x1C960] =	vst v63  }
0x369: {  	s22 =	simm.s32 $0xB980;
	s26 =	simm.s32 $0x9800  }
0x36a: {  	[spmem:s1] =	stream.indirect.scatter.add.f32 [tilespmem:s26], [sflag:$0x3], $0x10, s22, s2, $0xb8;
	[tilespmem:$0x1C960] =	vst v63  }
0x36b: {  	s6 =	simm.s32 $0xBA00;
	s7 =	simm.s32 $0xA000  }
0x36c: {  	[spmem:s1] =	stream.indirect.scatter.add.f32 [tilespmem:s7], [sflag:$0x3], $0x10, s6, s2, $0xb8;
	[tilespmem:$0x1C960] =	vst v63  }
0x36d: {  	s22 =	simm.s32 $0xBA80;
	s26 =	simm.s32 $0xA800  }
0x36e: {  	[spmem:s1] =	stream.indirect.scatter.add.f32 [tilespmem:s26], [sflag:$0x3], $0x10, s22, s2, $0xb8;
	[tilespmem:$0x1C960] =	vst v63  }
0x36f: {  	_ =	swait.ge [sflag:s28], $0x800  }
0x370: {  	[sflag:s28] =	ssyncset.done $0x0  }
0x371: {  	[sflag:s28] =	ssyncadd.s32 $0xFFFFF800  }
0x372: {  	_ =	swait.ge [sflag:s28], $0x800  }
0x373: {  	[sflag:s28] =	ssyncset.done $0x0  }
0x374: {  	[sflag:s28] =	ssyncadd.s32 $0xFFFFF800  }
0x375: {  	_ =	swait.ge [sflag:s28], $0x800  }
0x376: {  	[sflag:s28] =	ssyncset.done $0x0  }
0x377: {  	[sflag:s28] =	ssyncadd.s32 $0xFFFFF800  }
0x378: {  	_ =	swait.ge [sflag:s28], $0x800  }
0x379: {  	[sflag:s28] =	ssyncset.done $0x0  }
0x37a: {  	[sflag:s28] =	ssyncadd.s32 $0xFFFFF800  }
0x37b: {  	_ =	swait.ge [sflag:s28], $0x800  }
0x37c: {  	[sflag:s28] =	ssyncset.done $0x0  }
0x37d: {  	[sflag:s28] =	ssyncadd.s32 $0xFFFFF800  }
0x37e: {  	_ =	swait.ge [sflag:s28], $0x800  }
0x37f: {  	[sflag:s28] =	ssyncset.done $0x0  }
0x380: {  	[sflag:s28] =	ssyncadd.s32 $0xFFFFF800  }
0x381: {  	_ =	swait.ge [sflag:s28], $0x800  }
0x382: {  	[sflag:s28] =	ssyncset.done $0x0  }
0x383: {  	[sflag:s28] =	ssyncadd.s32 $0xFFFFF800  }
0x384: {  	_ =	swait.ge [sflag:s28], $0x800  }
0x385: {  	[sflag:s28] =	ssyncset.done $0x0  }
0x386: {  	[sflag:s28] =	ssyncadd.s32 $0xFFFFF800  }
0x387: {  	_ =	swait.ge [sflag:s28], $0x800  }
0x388: {  	[sflag:s28] =	ssyncset.done $0x0  }
0x389: {  	[sflag:s28] =	ssyncadd.s32 $0xFFFFF800  }
0x38a: {  	_ =	swait.ge [sflag:s28], $0x800  }
.Ltmp12:
0x38b: {  	[sflag:s28] =	ssyncset.done $0x0;
	(pc) =	sbr.rel @p0 .LBB2_22-.Ltmp12, $4  }
0x38c: {  	[sflag:s28] =	ssyncadd.s32 $0xFFFFF800  }
0x38d: {  	_ =	swait.ge [sflag:s28], $0x800  }
0x38e: {  	[sflag:s28] =	ssyncset.done $0x0  }
0x38f: {  	[sflag:s28] =	ssyncadd.s32 $0xFFFFF800  }
.Ltmp13:
0x390: {  	(pc) =	sbr.rel .LBB2_20-.Ltmp13, $4  }
0x391: {  	s4 =	sadd.s32 $0x2C00, s19;
	s26 =	sadd.s32 s11, s23  }
0x392: {  	[tilespmem:s13], [sflag:$0x2] =	stream.strided.gather [hbm4b:s4+s16], $0x5800, s17, s16, $0x38;
	[tilespmem:$0x1C960] =	vst v63  }
0x393: {  	s19 =	sadd.s32 $0x5800, s19;
	s18 =	sadd.s32 $0xB00, s18;
	s11 =	sadd.s32 $0x160, s11  }
0x394: {  	[tilespmem:s24], [sflag:$0x2] =	stream.linear.gather [hbm4b:s26+s3], $0x580, $0x38;
	[tilespmem:$0x1C960] =	vst v63  }
.LBB2_23:
0x395: {  	_ =	sfence.sel $0x180000  }
0x396: {  	[bflag:$0x0] =	sbarrier.arrive $0xFFFF  }
0x397: {  	_ =	strace $0x90000047  }
0x398: {  	s0 =	stileid.u32;
	[bflag:$0x2] =	sbarrier.arrive $0xFFFF  }
0x399: {  	p0 =	sne.s32 s0, $0x0;
	s0 =	rddreg [dreg:$0x3]  }
0x39a: {  	s0 =	sadd.s32 @!p0 $0x100000, s0  }
0x39b: {  	[sflag:s0] =	ssyncadd.tile.s32 @!p0 $0x1;
	_ =	shalt  }
.Lfunc_end2:
_tile_overlayer_lowered:
.L_overlay_start_2:
0x39c: {  	(tag) =	ssettag $0x2  }
0x39d: {  	s0 =	rddreg [dreg:$0x0];
	s2 =	stileid.u32  }
0x39e: {  	s1 =	rddreg [dreg:$0x1];
	p0 =	sne.s32 s2, $0x0  }
0x39f: {  	s3 =	rddreg [dreg:$0x2];
	[bflag:$0x3] =	sbarrier.arrive $0xFFFF;
	s2 =	simm.s32 @!p0 $0x1C04  }
0x3a0: {  	[timem:s3], [sflag:s2] =	dma.local @!p0 [hbm:s0], s1  }
0x3a1: {  	s0 =	simm.s32 @!p0 $0x4  }
0x3a2: {  	_ =	swait.ge @!p0 [sflag:s0], s1  }
0x3a3: {  	s1 =	ssub.s32 @!p0 $0x0, s1;
	[sflag:s0] =	ssyncset.done @!p0 $0x0  }
0x3a4: {  	[sflag:s0] =	ssyncadd.s32 @!p0 s1  }
0x3a5: {  	[bflag:$0x3] =	sbarrier.arrive $0xFFFF  }
0x3a6: {  	_ =	shalt  }

</sc_bundles>
